<compile_context>
chip_gen: v7x
topology: tpu7x:2x2x1
jax: 0.10.2.dev20260603
libtpu: 0.0.44.dev20260713+nightly
codegen_flags: <defaults>
</compile_context>

<pallas_src>
import functools

import jax
import jax.numpy as jnp
from jax import lax
from jax.experimental import pallas as pl
from jax.experimental.pallas import tpu as pltpu
from jax.experimental.pallas import tpu_sc as plsc

N = 10000
E = 320000
D = 128
DG = 16

NC = 2
NS = 16
NW = NC * NS

CH = 96
NCH = 108
E_PW = NCH * CH
E_PAD = NW * E_PW
NTRASH = 8
ROWS_PER_TILE = N // NS
ND = N + 240


def _sc_body(x_hbm, ei_hbm, zeros_hbm, feat_hbm, deg_hbm,
             idxA, idxB, idxC, keepA, keepB, keepC,
             rowsA, rowsB, rowsC, ones_v, zer16_v,
             facc, dacc,
             diA, diB, diC, gsA, gsB, gsC, ssA, ssB, ssC, dsA, dsB, dsC):
  c = lax.axis_index("c")
  s = lax.axis_index("s")
  wid = c * NS + s
  ebase = wid * E_PW

  def idx_dma(j, idx_b, di):
    pltpu.async_copy(ei_hbm.at[0, pl.ds(ebase + j * CH, CH)],
                     idx_b.at[0], di)
    pltpu.async_copy(ei_hbm.at[1, pl.ds(ebase + j * CH, CH)],
                     idx_b.at[1], di)

  def idx_wait(idx_b, di):
    pltpu.make_async_copy(ei_hbm.at[0, pl.ds(0, CH)], idx_b.at[0], di).wait()
    pltpu.make_async_copy(ei_hbm.at[1, pl.ds(0, CH)], idx_b.at[1], di).wait()

  idx_dma(0, idxA, diA)
  idx_dma(1, idxB, diB)
  idx_dma(2, idxC, diC)
  for r in range(CH):
    ones_v[r, :] = jnp.ones((DG,), jnp.float32)
    zer16_v[r, :] = jnp.zeros((DG,), jnp.float32)
  pltpu.sync_copy(zeros_hbm, rowsA)
  base = s * ROWS_PER_TILE
  nfull = ROWS_PER_TILE // CH
  rem = ROWS_PER_TILE - nfull * CH
  for k in range(nfull):
    pltpu.sync_copy(rowsA, facc.at[pl.ds(base + k * CH, CH)])
    pltpu.sync_copy(zer16_v, dacc.at[pl.ds(base + k * CH, CH)])
  pltpu.sync_copy(rowsA.at[pl.ds(0, rem)],
                  facc.at[pl.ds(base + nfull * CH, rem)])
  pltpu.sync_copy(zer16_v.at[pl.ds(0, rem)],
                  dacc.at[pl.ds(base + nfull * CH, rem)])
  plsc.subcore_barrier()

  idx_wait(idxA, diA)
  pltpu.async_copy(x_hbm.at[idxA.at[0]], rowsA, gsA)
  idx_wait(idxB, diB)
  pltpu.async_copy(x_hbm.at[idxB.at[0]], rowsB, gsB)
  idx_wait(idxC, diC)
  pltpu.async_copy(x_hbm.at[idxC.at[0]], rowsC, gsC)

  def step(rows, idx_b, keep, gs, ss, ds, di, jpre):
    pltpu.make_async_copy(x_hbm.at[idx_b.at[0]], rows, gs).wait()
    for k in range(CH // 16):
      keep[pl.ds(k * 16, 16)] = idx_b[1, pl.ds(k * 16, 16)]
    idx_dma(jpre, idx_b, di)
    pltpu.async_copy(rows, facc.at[keep], ss, add=True)
    pltpu.async_copy(ones_v, dacc.at[keep], ds, add=True)

  def refill(rows, idx_b, keep, gs, ss, ds, di):
    pltpu.make_async_copy(rows, facc.at[keep], ss).wait()
    pltpu.make_async_copy(ones_v, dacc.at[keep], ds).wait()
    idx_wait(idx_b, di)
    pltpu.async_copy(x_hbm.at[idx_b.at[0]], rows, gs)

  def body(jj, carry):
    j = jj * 3
    step(rowsA, idxA, keepA, gsA, ssA, dsA, diA, jnp.minimum(j + 3, NCH - 1))
    step(rowsB, idxB, keepB, gsB, ssB, dsB, diB, jnp.minimum(j + 4, NCH - 1))
    refill(rowsA, idxA, keepA, gsA, ssA, dsA, diA)
    step(rowsC, idxC, keepC, gsC, ssC, dsC, diC, jnp.minimum(j + 5, NCH - 1))
    refill(rowsB, idxB, keepB, gsB, ssB, dsB, diB)
    refill(rowsC, idxC, keepC, gsC, ssC, dsC, diC)
    return carry

  lax.fori_loop(0, NCH // 3, body, 0)
  pltpu.make_async_copy(x_hbm.at[idxA.at[0]], rowsA, gsA).wait()
  pltpu.make_async_copy(x_hbm.at[idxB.at[0]], rowsB, gsB).wait()
  pltpu.make_async_copy(x_hbm.at[idxC.at[0]], rowsC, gsC).wait()
  plsc.subcore_barrier()
  pltpu.sync_copy(facc.at[pl.ds(base, ROWS_PER_TILE)],
                  feat_hbm.at[c, pl.ds(base, ROWS_PER_TILE)])
  pltpu.sync_copy(dacc.at[pl.ds(base, ROWS_PER_TILE)],
                  deg_hbm.at[c, pl.ds(base, ROWS_PER_TILE)])


_sc_gather_scatter = functools.partial(
    pl.kernel,
    out_type=(jax.ShapeDtypeStruct((NC, N, D), jnp.float32),
              jax.ShapeDtypeStruct((NC, ND, DG), jnp.float32)),
    mesh=plsc.VectorSubcoreMesh(
        core_axis_name="c", subcore_axis_name="s", num_cores=NC,
        num_subcores=NS),
    scratch_types=[
        pltpu.VMEM((2, CH), jnp.int32),
        pltpu.VMEM((2, CH), jnp.int32),
        pltpu.VMEM((2, CH), jnp.int32),
        pltpu.VMEM((CH,), jnp.int32),
        pltpu.VMEM((CH,), jnp.int32),
        pltpu.VMEM((CH,), jnp.int32),
        pltpu.VMEM((CH, D), jnp.float32),
        pltpu.VMEM((CH, D), jnp.float32),
        pltpu.VMEM((CH, D), jnp.float32),
        pltpu.VMEM((CH, DG), jnp.float32),
        pltpu.VMEM((CH, DG), jnp.float32),
        pltpu.VMEM_SHARED((N + NTRASH, D), jnp.float32),
        pltpu.VMEM_SHARED((N + NTRASH, DG), jnp.float32),
        pltpu.SemaphoreType.DMA,
        pltpu.SemaphoreType.DMA,
        pltpu.SemaphoreType.DMA,
        pltpu.SemaphoreType.DMA,
        pltpu.SemaphoreType.DMA,
        pltpu.SemaphoreType.DMA,
        pltpu.SemaphoreType.DMA,
        pltpu.SemaphoreType.DMA,
        pltpu.SemaphoreType.DMA,
        pltpu.SemaphoreType.DMA,
        pltpu.SemaphoreType.DMA,
        pltpu.SemaphoreType.DMA,
    ],
    compiler_params=pltpu.CompilerParams(use_tc_tiling_on_sc=False),
)(_sc_body)

NDROW = ND * DG // 128


def _tc_body(pf_ref, df_ref, x_ref, wm_ref, ws_ref, b_ref, o_ref):
  lanes = lax.broadcasted_iota(jnp.int32, (128, 8), 0)
  picks = lax.broadcasted_iota(jnp.int32, (128, 8), 1) * DG
  sel = (lanes == picks).astype(jnp.float32)
  dd = df_ref[0] + df_ref[1]
  deg8 = jnp.dot(dd, sel, preferred_element_type=jnp.float32)
  rdeg = 1.0 / jnp.maximum(deg8, 1.0)
  rdeg = jnp.broadcast_to(rdeg[:, :, None], (NDROW, 8, 128))
  rdeg = rdeg.reshape(NDROW * 8, 128)[:N]
  agg = (pf_ref[0] + pf_ref[1]) * rdeg
  h = jnp.dot(agg, wm_ref[...], preferred_element_type=jnp.float32)
  h = h + jnp.dot(x_ref[...], ws_ref[...], preferred_element_type=jnp.float32)
  h = h + b_ref[...]
  o_ref[...] = jnp.maximum(h, 0.0)


def kernel(x, edge_index, W_msg, W_self, b):
  pad = E_PAD - E
  spread = jnp.arange(pad, dtype=jnp.int32)
  pad_pairs = jnp.stack([spread % 128, N + spread % NTRASH])
  ei = jnp.concatenate([edge_index.astype(jnp.int32), pad_pairs], axis=1)
  zeros_blk = jnp.zeros((CH, D), jnp.float32)

  feat, deg = _sc_gather_scatter(x, ei, zeros_blk)
  degr = deg.reshape(NC, NDROW, 128)

  out = pl.pallas_call(
      _tc_body,
      grid=(1,),
      in_specs=[
          pl.BlockSpec((NC, N, D), lambda i: (0, 0, 0)),
          pl.BlockSpec((NC, NDROW, 128), lambda i: (0, 0, 0)),
          pl.BlockSpec((N, D), lambda i: (0, 0)),
          pl.BlockSpec((D, D), lambda i: (0, 0)),
          pl.BlockSpec((D, D), lambda i: (0, 0)),
          pl.BlockSpec((1, D), lambda i: (0, 0)),
      ],
      out_specs=pl.BlockSpec((N, D), lambda i: (0, 0)),
      out_shape=jax.ShapeDtypeStruct((N, D), jnp.float32),
  )(feat, degr, x, W_msg, W_self, b.reshape(1, D))
  return out

# --- scband reference (transcript-rebuilt; emitter-appended) ---
"""Pipeline reference for scband-hybrid-policy-net-update-selected-70978629534097 (READ-ONLY COPY).

The authoritative reference and input builder live on the scoring server;
editing this copy changes nothing except your own understanding.
"""

import jax, jax.numpy as jnp
import numpy as np

N_NODES = 10000
N_EDGES = 320000
D_FEAT = 128
D_OUT = 128

def setup_inputs(seed: int = 0) -> dict:
    key = jax.random.key(seed)
    k1, k2, k3, k4 = jax.random.split(key, 4)
    x = jax.random.normal(k1, (N_NODES, D_FEAT), dtype=jnp.float32)
    edge_index = jax.random.randint(k2, (2, N_EDGES), 0, N_NODES)
    W_msg = jax.random.normal(k3, (D_FEAT, D_OUT), dtype=jnp.float32) * 0.05
    W_self = jax.random.normal(k4, (D_FEAT, D_OUT), dtype=jnp.float32) * 0.05
    b = jnp.zeros((D_OUT,), dtype=jnp.float32)
    return {"x": x, "edge_index": edge_index, "W_msg": W_msg, "W_self": W_self, "b": b}

def reference(x, edge_index, W_msg, W_self, b):
    # Core message-passing layer of the scheduling GNN (HybridScheduleNet):
    # gather source node features over edges, mean-aggregate into destination
    # nodes (scatter-add + degree normalization), then linear transform with
    # a self-loop term and ReLU, matching a relational GraphConv update.
    src = edge_index[0]
    dst = edge_index[1]
    messages = jnp.take(x, src, axis=0)                      # gather [E, D]
    agg = jax.ops.segment_sum(messages, dst, num_segments=x.shape[0])  # scatter-add
    deg = jax.ops.segment_sum(jnp.ones_like(dst, dtype=x.dtype), dst,
                              num_segments=x.shape[0])
    agg = agg / jnp.clip(deg, 1.0)[:, None]                   # mean aggregation
    out = jax.nn.relu(agg @ W_msg + x @ W_self + b)
    return out

if __name__ == "__main__":
    import jax
    _d = setup_inputs()
    print(jax.jit(kernel)(*tuple(_d.values())))

</pallas_src>

<mosaic_0001>
#map = affine_map<(d0, d1) -> (0, 0)>
#map1 = affine_map<(d0, d1) -> (0, 0, 0)>
module attributes {stable_mosaic.version = 14 : i64} {
  func.func @_sc_body(%arg0: i32, %arg1: i32, %arg2: memref<10000x128xf32, #tpu.memory_space<hbm>>, %arg3: memref<2x331776xi32, #tpu.memory_space<hbm>>, %arg4: memref<96x128xf32, #tpu.memory_space<hbm>>, %arg5: memref<2x10000x128xf32, #tpu.memory_space<hbm>>, %arg6: memref<2x10240x16xf32, #tpu.memory_space<hbm>>, %arg7: memref<2x96xi32, #tpu.memory_space<vmem>>, %arg8: memref<2x96xi32, #tpu.memory_space<vmem>>, %arg9: memref<2x96xi32, #tpu.memory_space<vmem>>, %arg10: memref<96xi32, #tpu.memory_space<vmem>>, %arg11: memref<96xi32, #tpu.memory_space<vmem>>, %arg12: memref<96xi32, #tpu.memory_space<vmem>>, %arg13: memref<96x128xf32, #tpu.memory_space<vmem>>, %arg14: memref<96x128xf32, #tpu.memory_space<vmem>>, %arg15: memref<96x128xf32, #tpu.memory_space<vmem>>, %arg16: memref<96x16xf32, #tpu.memory_space<vmem>>, %arg17: memref<96x16xf32, #tpu.memory_space<vmem>>, %arg18: memref<10008x128xf32, #tpu.memory_space<vmem_shared>>, %arg19: memref<10008x16xf32, #tpu.memory_space<vmem_shared>>, %arg20: memref<!tpu.dma_semaphore, #tpu.memory_space<semaphore_mem>>, %arg21: memref<!tpu.dma_semaphore, #tpu.memory_space<semaphore_mem>>, %arg22: memref<!tpu.dma_semaphore, #tpu.memory_space<semaphore_mem>>, %arg23: memref<!tpu.dma_semaphore, #tpu.memory_space<semaphore_mem>>, %arg24: memref<!tpu.dma_semaphore, #tpu.memory_space<semaphore_mem>>, %arg25: memref<!tpu.dma_semaphore, #tpu.memory_space<semaphore_mem>>, %arg26: memref<!tpu.dma_semaphore, #tpu.memory_space<semaphore_mem>>, %arg27: memref<!tpu.dma_semaphore, #tpu.memory_space<semaphore_mem>>, %arg28: memref<!tpu.dma_semaphore, #tpu.memory_space<semaphore_mem>>, %arg29: memref<!tpu.dma_semaphore, #tpu.memory_space<semaphore_mem>>, %arg30: memref<!tpu.dma_semaphore, #tpu.memory_space<semaphore_mem>>, %arg31: memref<!tpu.dma_semaphore, #tpu.memory_space<semaphore_mem>>) attributes {dimension_semantics = [#tpu.dimension_semantics<core_parallel>, #tpu.dimension_semantics<subcore_parallel>], iteration_bounds = array<i64: 2, 16>, scalar_prefetch = 0 : i64, scratch_operands = 25 : i64, tpu.core_type = #tpu.core_type<sc_vector_subcore>, window_params = [{transform_indices = #map}, {transform_indices = #map}, {transform_indices = #map}, {transform_indices = #map1}, {transform_indices = #map1}]} {
    %mul3A = arith.constant 16 : i32
    %mul3A_0 = arith.muli %arg0, %mul3A : i32
    %add3A = arith.addi %mul3A_0, %arg1 : i32
    %mul3A_1 = arith.constant 10368 : i32
    %mul3A_2 = arith.muli %add3A, %mul3A_1 : i32
    %add3A_3 = arith.constant 0 : i32
    %add3A_4 = arith.addi %mul3A_2, %add3A_3 : i32
    %dma_start3A = arith.constant 0 : i32
    %dma_start3A_5 = arith.constant 0 : i32
    %dma_start3A_6 = arith.constant 0 : i32
    %dma_start3A_7 = tpu.memref_slice %arg7[%dma_start3A_5, %dma_start3A_6] : memref<2x96xi32, #tpu.memory_space<vmem>> -> memref<1x96xi32, #tpu.memory_space<vmem>>
    %dma_start3A_8 = tpu.memref_squeeze %dma_start3A_7 : memref<1x96xi32, #tpu.memory_space<vmem>> -> memref<96xi32, #tpu.memory_space<vmem>>
    %dma_start3A_9 = tpu.memref_slice %arg3[%dma_start3A, %add3A_4] : memref<2x331776xi32, #tpu.memory_space<hbm>> -> memref<1x96xi32, #tpu.memory_space<hbm>>
    %dma_start3A_10 = tpu.memref_squeeze %dma_start3A_9 : memref<1x96xi32, #tpu.memory_space<hbm>> -> memref<96xi32, #tpu.memory_space<hbm>>
    %dma_start3A_11 = arith.constant 0 : i32
    %dma_start3A_12 = tpu.memref_slice %arg7[%dma_start3A_5, %dma_start3A_11] : memref<2x96xi32, #tpu.memory_space<vmem>> -> memref<1x96xi32, #tpu.memory_space<vmem>>
    %dma_start3A_13 = tpu.memref_squeeze %dma_start3A_12 : memref<1x96xi32, #tpu.memory_space<vmem>> -> memref<96xi32, #tpu.memory_space<vmem>>
    %dma_start3A_14 = tpu.memref_slice %arg3[%dma_start3A, %add3A_4] : memref<2x331776xi32, #tpu.memory_space<hbm>> -> memref<1x96xi32, #tpu.memory_space<hbm>>
    %dma_start3A_15 = tpu.memref_squeeze %dma_start3A_14 : memref<1x96xi32, #tpu.memory_space<hbm>> -> memref<96xi32, #tpu.memory_space<hbm>>
    tpu.enqueue_dma source(%dma_start3A_15 : memref<96xi32, #tpu.memory_space<hbm>>) target(%dma_start3A_13 : memref<96xi32, #tpu.memory_space<vmem>>) target_semaphore(%arg20 : memref<!tpu.dma_semaphore, #tpu.memory_space<semaphore_mem>>)
    %add3A_16 = arith.constant 0 : i32
    %add3A_17 = arith.addi %mul3A_2, %add3A_16 : i32
    %dma_start3A_18 = arith.constant 1 : i32
    %dma_start3A_19 = arith.constant 1 : i32
    %dma_start3A_20 = arith.constant 0 : i32
    %dma_start3A_21 = tpu.memref_slice %arg7[%dma_start3A_19, %dma_start3A_20] : memref<2x96xi32, #tpu.memory_space<vmem>> -> memref<1x96xi32, #tpu.memory_space<vmem>>
    %dma_start3A_22 = tpu.memref_squeeze %dma_start3A_21 : memref<1x96xi32, #tpu.memory_space<vmem>> -> memref<96xi32, #tpu.memory_space<vmem>>
    %dma_start3A_23 = tpu.memref_slice %arg3[%dma_start3A_18, %add3A_17] : memref<2x331776xi32, #tpu.memory_space<hbm>> -> memref<1x96xi32, #tpu.memory_space<hbm>>
    %dma_start3A_24 = tpu.memref_squeeze %dma_start3A_23 : memref<1x96xi32, #tpu.memory_space<hbm>> -> memref<96xi32, #tpu.memory_space<hbm>>
    %dma_start3A_25 = arith.constant 0 : i32
    %dma_start3A_26 = tpu.memref_slice %arg7[%dma_start3A_19, %dma_start3A_25] : memref<2x96xi32, #tpu.memory_space<vmem>> -> memref<1x96xi32, #tpu.memory_space<vmem>>
    %dma_start3A_27 = tpu.memref_squeeze %dma_start3A_26 : memref<1x96xi32, #tpu.memory_space<vmem>> -> memref<96xi32, #tpu.memory_space<vmem>>
    %dma_start3A_28 = tpu.memref_slice %arg3[%dma_start3A_18, %add3A_17] : memref<2x331776xi32, #tpu.memory_space<hbm>> -> memref<1x96xi32, #tpu.memory_space<hbm>>
    %dma_start3A_29 = tpu.memref_squeeze %dma_start3A_28 : memref<1x96xi32, #tpu.memory_space<hbm>> -> memref<96xi32, #tpu.memory_space<hbm>>
    tpu.enqueue_dma source(%dma_start3A_29 : memref<96xi32, #tpu.memory_space<hbm>>) target(%dma_start3A_27 : memref<96xi32, #tpu.memory_space<vmem>>) target_semaphore(%arg20 : memref<!tpu.dma_semaphore, #tpu.memory_space<semaphore_mem>>)
    %add3A_30 = arith.constant 96 : i32
    %add3A_31 = arith.addi %mul3A_2, %add3A_30 : i32
    %dma_start3A_32 = arith.constant 0 : i32
    %dma_start3A_33 = arith.constant 0 : i32
    %dma_start3A_34 = arith.constant 0 : i32
    %dma_start3A_35 = tpu.memref_slice %arg8[%dma_start3A_33, %dma_start3A_34] : memref<2x96xi32, #tpu.memory_space<vmem>> -> memref<1x96xi32, #tpu.memory_space<vmem>>
    %dma_start3A_36 = tpu.memref_squeeze %dma_start3A_35 : memref<1x96xi32, #tpu.memory_space<vmem>> -> memref<96xi32, #tpu.memory_space<vmem>>
    %dma_start3A_37 = tpu.memref_slice %arg3[%dma_start3A_32, %add3A_31] : memref<2x331776xi32, #tpu.memory_space<hbm>> -> memref<1x96xi32, #tpu.memory_space<hbm>>
    %dma_start3A_38 = tpu.memref_squeeze %dma_start3A_37 : memref<1x96xi32, #tpu.memory_space<hbm>> -> memref<96xi32, #tpu.memory_space<hbm>>
    %dma_start3A_39 = arith.constant 0 : i32
    %dma_start3A_40 = tpu.memref_slice %arg8[%dma_start3A_33, %dma_start3A_39] : memref<2x96xi32, #tpu.memory_space<vmem>> -> memref<1x96xi32, #tpu.memory_space<vmem>>
    %dma_start3A_41 = tpu.memref_squeeze %dma_start3A_40 : memref<1x96xi32, #tpu.memory_space<vmem>> -> memref<96xi32, #tpu.memory_space<vmem>>
    %dma_start3A_42 = tpu.memref_slice %arg3[%dma_start3A_32, %add3A_31] : memref<2x331776xi32, #tpu.memory_space<hbm>> -> memref<1x96xi32, #tpu.memory_space<hbm>>
    %dma_start3A_43 = tpu.memref_squeeze %dma_start3A_42 : memref<1x96xi32, #tpu.memory_space<hbm>> -> memref<96xi32, #tpu.memory_space<hbm>>
    tpu.enqueue_dma source(%dma_start3A_43 : memref<96xi32, #tpu.memory_space<hbm>>) target(%dma_start3A_41 : memref<96xi32, #tpu.memory_space<vmem>>) target_semaphore(%arg21 : memref<!tpu.dma_semaphore, #tpu.memory_space<semaphore_mem>>)
    %add3A_44 = arith.constant 96 : i32
    %add3A_45 = arith.addi %mul3A_2, %add3A_44 : i32
    %dma_start3A_46 = arith.constant 1 : i32
    %dma_start3A_47 = arith.constant 1 : i32
    %dma_start3A_48 = arith.constant 0 : i32
    %dma_start3A_49 = tpu.memref_slice %arg8[%dma_start3A_47, %dma_start3A_48] : memref<2x96xi32, #tpu.memory_space<vmem>> -> memref<1x96xi32, #tpu.memory_space<vmem>>
    %dma_start3A_50 = tpu.memref_squeeze %dma_start3A_49 : memref<1x96xi32, #tpu.memory_space<vmem>> -> memref<96xi32, #tpu.memory_space<vmem>>
    %dma_start3A_51 = tpu.memref_slice %arg3[%dma_start3A_46, %add3A_45] : memref<2x331776xi32, #tpu.memory_space<hbm>> -> memref<1x96xi32, #tpu.memory_space<hbm>>
    %dma_start3A_52 = tpu.memref_squeeze %dma_start3A_51 : memref<1x96xi32, #tpu.memory_space<hbm>> -> memref<96xi32, #tpu.memory_space<hbm>>
    %dma_start3A_53 = arith.constant 0 : i32
    %dma_start3A_54 = tpu.memref_slice %arg8[%dma_start3A_47, %dma_start3A_53] : memref<2x96xi32, #tpu.memory_space<vmem>> -> memref<1x96xi32, #tpu.memory_space<vmem>>
    %dma_start3A_55 = tpu.memref_squeeze %dma_start3A_54 : memref<1x96xi32, #tpu.memory_space<vmem>> -> memref<96xi32, #tpu.memory_space<vmem>>
    %dma_start3A_56 = tpu.memref_slice %arg3[%dma_start3A_46, %add3A_45] : memref<2x331776xi32, #tpu.memory_space<hbm>> -> memref<1x96xi32, #tpu.memory_space<hbm>>
    %dma_start3A_57 = tpu.memref_squeeze %dma_start3A_56 : memref<1x96xi32, #tpu.memory_space<hbm>> -> memref<96xi32, #tpu.memory_space<hbm>>
    tpu.enqueue_dma source(%dma_start3A_57 : memref<96xi32, #tpu.memory_space<hbm>>) target(%dma_start3A_55 : memref<96xi32, #tpu.memory_space<vmem>>) target_semaphore(%arg21 : memref<!tpu.dma_semaphore, #tpu.memory_space<semaphore_mem>>)
    %add3A_58 = arith.constant 192 : i32
    %add3A_59 = arith.addi %mul3A_2, %add3A_58 : i32
    %dma_start3A_60 = arith.constant 0 : i32
    %dma_start3A_61 = arith.constant 0 : i32
    %dma_start3A_62 = arith.constant 0 : i32
    %dma_start3A_63 = tpu.memref_slice %arg9[%dma_start3A_61, %dma_start3A_62] : memref<2x96xi32, #tpu.memory_space<vmem>> -> memref<1x96xi32, #tpu.memory_space<vmem>>
    %dma_start3A_64 = tpu.memref_squeeze %dma_start3A_63 : memref<1x96xi32, #tpu.memory_space<vmem>> -> memref<96xi32, #tpu.memory_space<vmem>>
    %dma_start3A_65 = tpu.memref_slice %arg3[%dma_start3A_60, %add3A_59] : memref<2x331776xi32, #tpu.memory_space<hbm>> -> memref<1x96xi32, #tpu.memory_space<hbm>>
    %dma_start3A_66 = tpu.memref_squeeze %dma_start3A_65 : memref<1x96xi32, #tpu.memory_space<hbm>> -> memref<96xi32, #tpu.memory_space<hbm>>
    %dma_start3A_67 = arith.constant 0 : i32
    %dma_start3A_68 = tpu.memref_slice %arg9[%dma_start3A_61, %dma_start3A_67] : memref<2x96xi32, #tpu.memory_space<vmem>> -> memref<1x96xi32, #tpu.memory_space<vmem>>
    %dma_start3A_69 = tpu.memref_squeeze %dma_start3A_68 : memref<1x96xi32, #tpu.memory_space<vmem>> -> memref<96xi32, #tpu.memory_space<vmem>>
    %dma_start3A_70 = tpu.memref_slice %arg3[%dma_start3A_60, %add3A_59] : memref<2x331776xi32, #tpu.memory_space<hbm>> -> memref<1x96xi32, #tpu.memory_space<hbm>>
    %dma_start3A_71 = tpu.memref_squeeze %dma_start3A_70 : memref<1x96xi32, #tpu.memory_space<hbm>> -> memref<96xi32, #tpu.memory_space<hbm>>
    tpu.enqueue_dma source(%dma_start3A_71 : memref<96xi32, #tpu.memory_space<hbm>>) target(%dma_start3A_69 : memref<96xi32, #tpu.memory_space<vmem>>) target_semaphore(%arg22 : memref<!tpu.dma_semaphore, #tpu.memory_space<semaphore_mem>>)
    %add3A_72 = arith.constant 192 : i32
    %add3A_73 = arith.addi %mul3A_2, %add3A_72 : i32
    %dma_start3A_74 = arith.constant 1 : i32
    %dma_start3A_75 = arith.constant 1 : i32
    %dma_start3A_76 = arith.constant 0 : i32
    %dma_start3A_77 = tpu.memref_slice %arg9[%dma_start3A_75, %dma_start3A_76] : memref<2x96xi32, #tpu.memory_space<vmem>> -> memref<1x96xi32, #tpu.memory_space<vmem>>
    %dma_start3A_78 = tpu.memref_squeeze %dma_start3A_77 : memref<1x96xi32, #tpu.memory_space<vmem>> -> memref<96xi32, #tpu.memory_space<vmem>>
    %dma_start3A_79 = tpu.memref_slice %arg3[%dma_start3A_74, %add3A_73] : memref<2x331776xi32, #tpu.memory_space<hbm>> -> memref<1x96xi32, #tpu.memory_space<hbm>>
    %dma_start3A_80 = tpu.memref_squeeze %dma_start3A_79 : memref<1x96xi32, #tpu.memory_space<hbm>> -> memref<96xi32, #tpu.memory_space<hbm>>
    %dma_start3A_81 = arith.constant 0 : i32
    %dma_start3A_82 = tpu.memref_slice %arg9[%dma_start3A_75, %dma_start3A_81] : memref<2x96xi32, #tpu.memory_space<vmem>> -> memref<1x96xi32, #tpu.memory_space<vmem>>
    %dma_start3A_83 = tpu.memref_squeeze %dma_start3A_82 : memref<1x96xi32, #tpu.memory_space<vmem>> -> memref<96xi32, #tpu.memory_space<vmem>>
    %dma_start3A_84 = tpu.memref_slice %arg3[%dma_start3A_74, %add3A_73] : memref<2x331776xi32, #tpu.memory_space<hbm>> -> memref<1x96xi32, #tpu.memory_space<hbm>>
    %dma_start3A_85 = tpu.memref_squeeze %dma_start3A_84 : memref<1x96xi32, #tpu.memory_space<hbm>> -> memref<96xi32, #tpu.memory_space<hbm>>
    tpu.enqueue_dma source(%dma_start3A_85 : memref<96xi32, #tpu.memory_space<hbm>>) target(%dma_start3A_83 : memref<96xi32, #tpu.memory_space<vmem>>) target_semaphore(%arg22 : memref<!tpu.dma_semaphore, #tpu.memory_space<semaphore_mem>>)
    %broadcast_in_dim3A = arith.constant 1.000000e+00 : f32
    %broadcast_in_dim3A_86 = vector.broadcast %broadcast_in_dim3A : f32 to vector<16xf32>
    %swap3A = arith.constant 0 : i32
    %swap3A_87 = arith.index_cast %swap3A : i32 to index
    %swap3A_88 = arith.constant 0 : index
    %swap3A_89 = tpu.vector_load %arg16[%swap3A_87, %swap3A_88] {strides = array<i32>} : memref<96x16xf32, #tpu.memory_space<vmem>>, vector<1x16xf32>,
    %swap3A_90 = vector.shape_cast %swap3A_89 : vector<1x16xf32> to vector<16xf32>
    %swap3A_91 = vector.shape_cast %broadcast_in_dim3A_86 : vector<16xf32> to vector<1x16xf32>
    tpu.vector_store %arg16[%swap3A_87, %swap3A_88], %swap3A_91 {strides = array<i32>} : memref<96x16xf32, #tpu.memory_space<vmem>>, vector<1x16xf32>,
    %broadcast_in_dim3A_92 = arith.constant 0.000000e+00 : f32
    %broadcast_in_dim3A_93 = vector.broadcast %broadcast_in_dim3A_92 : f32 to vector<16xf32>
    %swap3A_94 = arith.constant 0 : i32
    %swap3A_95 = arith.index_cast %swap3A_94 : i32 to index
    %swap3A_96 = arith.constant 0 : index
    %swap3A_97 = tpu.vector_load %arg17[%swap3A_95, %swap3A_96] {strides = array<i32>} : memref<96x16xf32, #tpu.memory_space<vmem>>, vector<1x16xf32>,
    %swap3A_98 = vector.shape_cast %swap3A_97 : vector<1x16xf32> to vector<16xf32>
    %swap3A_99 = vector.shape_cast %broadcast_in_dim3A_93 : vector<16xf32> to vector<1x16xf32>
    tpu.vector_store %arg17[%swap3A_95, %swap3A_96], %swap3A_99 {strides = array<i32>} : memref<96x16xf32, #tpu.memory_space<vmem>>, vector<1x16xf32>,
    %broadcast_in_dim3A_100 = arith.constant 1.000000e+00 : f32
    %broadcast_in_dim3A_101 = vector.broadcast %broadcast_in_dim3A_100 : f32 to vector<16xf32>
    %swap3A_102 = arith.constant 1 : i32
    %swap3A_103 = arith.index_cast %swap3A_102 : i32 to index
    %swap3A_104 = arith.constant 0 : index
    %swap3A_105 = tpu.vector_load %arg16[%swap3A_103, %swap3A_104] {strides = array<i32>} : memref<96x16xf32, #tpu.memory_space<vmem>>, vector<1x16xf32>,
    %swap3A_106 = vector.shape_cast %swap3A_105 : vector<1x16xf32> to vector<16xf32>
    %swap3A_107 = vector.shape_cast %broadcast_in_dim3A_101 : vector<16xf32> to vector<1x16xf32>
    tpu.vector_store %arg16[%swap3A_103, %swap3A_104], %swap3A_107 {strides = array<i32>} : memref<96x16xf32, #tpu.memory_space<vmem>>, vector<1x16xf32>,
    %broadcast_in_dim3A_108 = arith.constant 0.000000e+00 : f32
    %broadcast_in_dim3A_109 = vector.broadcast %broadcast_in_dim3A_108 : f32 to vector<16xf32>
    %swap3A_110 = arith.constant 1 : i32
    %swap3A_111 = arith.index_cast %swap3A_110 : i32 to index
    %swap3A_112 = arith.constant 0 : index
    %swap3A_113 = tpu.vector_load %arg17[%swap3A_111, %swap3A_112] {strides = array<i32>} : memref<96x16xf32, #tpu.memory_space<vmem>>, vector<1x16xf32>,
    %swap3A_114 = vector.shape_cast %swap3A_113 : vector<1x16xf32> to vector<16xf32>
    %swap3A_115 = vector.shape_cast %broadcast_in_dim3A_109 : vector<16xf32> to vector<1x16xf32>
    tpu.vector_store %arg17[%swap3A_111, %swap3A_112], %swap3A_115 {strides = array<i32>} : memref<96x16xf32, #tpu.memory_space<vmem>>, vector<1x16xf32>,
    %broadcast_in_dim3A_116 = arith.constant 1.000000e+00 : f32
    %broadcast_in_dim3A_117 = vector.broadcast %broadcast_in_dim3A_116 : f32 to vector<16xf32>
    %swap3A_118 = arith.constant 2 : i32
    %swap3A_119 = arith.index_cast %swap3A_118 : i32 to index
    %swap3A_120 = arith.constant 0 : index
    %swap3A_121 = tpu.vector_load %arg16[%swap3A_119, %swap3A_120] {strides = array<i32>} : memref<96x16xf32, #tpu.memory_space<vmem>>, vector<1x16xf32>,
    %swap3A_122 = vector.shape_cast %swap3A_121 : vector<1x16xf32> to vector<16xf32>
    %swap3A_123 = vector.shape_cast %broadcast_in_dim3A_117 : vector<16xf32> to vector<1x16xf32>
    tpu.vector_store %arg16[%swap3A_119, %swap3A_120], %swap3A_123 {strides = array<i32>} : memref<96x16xf32, #tpu.memory_space<vmem>>, vector<1x16xf32>,
    %broadcast_in_dim3A_124 = arith.constant 0.000000e+00 : f32
    %broadcast_in_dim3A_125 = vector.broadcast %broadcast_in_dim3A_124 : f32 to vector<16xf32>
    %swap3A_126 = arith.constant 2 : i32
    %swap3A_127 = arith.index_cast %swap3A_126 : i32 to index
    %swap3A_128 = arith.constant 0 : index
    %swap3A_129 = tpu.vector_load %arg17[%swap3A_127, %swap3A_128] {strides = array<i32>} : memref<96x16xf32, #tpu.memory_space<vmem>>, vector<1x16xf32>,
    %swap3A_130 = vector.shape_cast %swap3A_129 : vector<1x16xf32> to vector<16xf32>
    %swap3A_131 = vector.shape_cast %broadcast_in_dim3A_125 : vector<16xf32> to vector<1x16xf32>
    tpu.vector_store %arg17[%swap3A_127, %swap3A_128], %swap3A_131 {strides = array<i32>} : memref<96x16xf32, #tpu.memory_space<vmem>>, vector<1x16xf32>,
    %broadcast_in_dim3A_132 = arith.constant 1.000000e+00 : f32
    %broadcast_in_dim3A_133 = vector.broadcast %broadcast_in_dim3A_132 : f32 to vector<16xf32>
    %swap3A_134 = arith.constant 3 : i32
    %swap3A_135 = arith.index_cast %swap3A_134 : i32 to index
    %swap3A_136 = arith.constant 0 : index
    %swap3A_137 = tpu.vector_load %arg16[%swap3A_135, %swap3A_136] {strides = array<i32>} : memref<96x16xf32, #tpu.memory_space<vmem>>, vector<1x16xf32>,
    %swap3A_138 = vector.shape_cast %swap3A_137 : vector<1x16xf32> to vector<16xf32>
    %swap3A_139 = vector.shape_cast %broadcast_in_dim3A_133 : vector<16xf32> to vector<1x16xf32>
    tpu.vector_store %arg16[%swap3A_135, %swap3A_136], %swap3A_139 {strides = array<i32>} : memref<96x16xf32, #tpu.memory_space<vmem>>, vector<1x16xf32>,
    %broadcast_in_dim3A_140 = arith.constant 0.000000e+00 : f32
    %broadcast_in_dim3A_141 = vector.broadcast %broadcast_in_dim3A_140 : f32 to vector<16xf32>
    %swap3A_142 = arith.constant 3 : i32
    %swap3A_143 = arith.index_cast %swap3A_142 : i32 to index
    %swap3A_144 = arith.constant 0 : index
    %swap3A_145 = tpu.vector_load %arg17[%swap3A_143, %swap3A_144] {strides = array<i32>} : memref<96x16xf32, #tpu.memory_space<vmem>>, vector<1x16xf32>,
    %swap3A_146 = vector.shape_cast %swap3A_145 : vector<1x16xf32> to vector<16xf32>
    %swap3A_147 = vector.shape_cast %broadcast_in_dim3A_141 : vector<16xf32> to vector<1x16xf32>
    tpu.vector_store %arg17[%swap3A_143, %swap3A_144], %swap3A_147 {strides = array<i32>} : memref<96x16xf32, #tpu.memory_space<vmem>>, vector<1x16xf32>,
    %broadcast_in_dim3A_148 = arith.constant 1.000000e+00 : f32
    %broadcast_in_dim3A_149 = vector.broadcast %broadcast_in_dim3A_148 : f32 to vector<16xf32>
    %swap3A_150 = arith.constant 4 : i32
    %swap3A_151 = arith.index_cast %swap3A_150 : i32 to index
    %swap3A_152 = arith.constant 0 : index
    %swap3A_153 = tpu.vector_load %arg16[%swap3A_151, %swap3A_152] {strides = array<i32>} : memref<96x16xf32, #tpu.memory_space<vmem>>, vector<1x16xf32>,
    %swap3A_154 = vector.shape_cast %swap3A_153 : vector<1x16xf32> to vector<16xf32>
    %swap3A_155 = vector.shape_cast %broadcast_in_dim3A_149 : vector<16xf32> to vector<1x16xf32>
    tpu.vector_store %arg16[%swap3A_151, %swap3A_152], %swap3A_155 {strides = array<i32>} : memref<96x16xf32, #tpu.memory_space<vmem>>, vector<1x16xf32>,
    %broadcast_in_dim3A_156 = arith.constant 0.000000e+00 : f32
    %broadcast_in_dim3A_157 = vector.broadcast %broadcast_in_dim3A_156 : f32 to vector<16xf32>
    %swap3A_158 = arith.constant 4 : i32
    %swap3A_159 = arith.index_cast %swap3A_158 : i32 to index
    %swap3A_160 = arith.constant 0 : index
    %swap3A_161 = tpu.vector_load %arg17[%swap3A_159, %swap3A_160] {strides = array<i32>} : memref<96x16xf32, #tpu.memory_space<vmem>>, vector<1x16xf32>,
    %swap3A_162 = vector.shape_cast %swap3A_161 : vector<1x16xf32> to vector<16xf32>
    %swap3A_163 = vector.shape_cast %broadcast_in_dim3A_157 : vector<16xf32> to vector<1x16xf32>
    tpu.vector_store %arg17[%swap3A_159, %swap3A_160], %swap3A_163 {strides = array<i32>} : memref<96x16xf32, #tpu.memory_space<vmem>>, vector<1x16xf32>,
    %broadcast_in_dim3A_164 = arith.constant 1.000000e+00 : f32
    %broadcast_in_dim3A_165 = vector.broadcast %broadcast_in_dim3A_164 : f32 to vector<16xf32>
    %swap3A_166 = arith.constant 5 : i32
    %swap3A_167 = arith.index_cast %swap3A_166 : i32 to index
    %swap3A_168 = arith.constant 0 : index
    %swap3A_169 = tpu.vector_load %arg16[%swap3A_167, %swap3A_168] {strides = array<i32>} : memref<96x16xf32, #tpu.memory_space<vmem>>, vector<1x16xf32>,
    %swap3A_170 = vector.shape_cast %swap3A_169 : vector<1x16xf32> to vector<16xf32>
    %swap3A_171 = vector.shape_cast %broadcast_in_dim3A_165 : vector<16xf32> to vector<1x16xf32>
    tpu.vector_store %arg16[%swap3A_167, %swap3A_168], %swap3A_171 {strides = array<i32>} : memref<96x16xf32, #tpu.memory_space<vmem>>, vector<1x16xf32>,
    %broadcast_in_dim3A_172 = arith.constant 0.000000e+00 : f32
    %broadcast_in_dim3A_173 = vector.broadcast %broadcast_in_dim3A_172 : f32 to vector<16xf32>
    %swap3A_174 = arith.constant 5 : i32
    %swap3A_175 = arith.index_cast %swap3A_174 : i32 to index
    %swap3A_176 = arith.constant 0 : index
    %swap3A_177 = tpu.vector_load %arg17[%swap3A_175, %swap3A_176] {strides = array<i32>} : memref<96x16xf32, #tpu.memory_space<vmem>>, vector<1x16xf32>,
    %swap3A_178 = vector.shape_cast %swap3A_177 : vector<1x16xf32> to vector<16xf32>
    %swap3A_179 = vector.shape_cast %broadcast_in_dim3A_173 : vector<16xf32> to vector<1x16xf32>
    tpu.vector_store %arg17[%swap3A_175, %swap3A_176], %swap3A_179 {strides = array<i32>} : memref<96x16xf32, #tpu.memory_space<vmem>>, vector<1x16xf32>,
    %broadcast_in_dim3A_180 = arith.constant 1.000000e+00 : f32
    %broadcast_in_dim3A_181 = vector.broadcast %broadcast_in_dim3A_180 : f32 to vector<16xf32>
    %swap3A_182 = arith.constant 6 : i32
    %swap3A_183 = arith.index_cast %swap3A_182 : i32 to index
    %swap3A_184 = arith.constant 0 : index
    %swap3A_185 = tpu.vector_load %arg16[%swap3A_183, %swap3A_184] {strides = array<i32>} : memref<96x16xf32, #tpu.memory_space<vmem>>, vector<1x16xf32>,
    %swap3A_186 = vector.shape_cast %swap3A_185 : vector<1x16xf32> to vector<16xf32>
    %swap3A_187 = vector.shape_cast %broadcast_in_dim3A_181 : vector<16xf32> to vector<1x16xf32>
    tpu.vector_store %arg16[%swap3A_183, %swap3A_184], %swap3A_187 {strides = array<i32>} : memref<96x16xf32, #tpu.memory_space<vmem>>, vector<1x16xf32>,
    %broadcast_in_dim3A_188 = arith.constant 0.000000e+00 : f32
    %broadcast_in_dim3A_189 = vector.broadcast %broadcast_in_dim3A_188 : f32 to vector<16xf32>
    %swap3A_190 = arith.constant 6 : i32
    %swap3A_191 = arith.index_cast %swap3A_190 : i32 to index
    %swap3A_192 = arith.constant 0 : index
    %swap3A_193 = tpu.vector_load %arg17[%swap3A_191, %swap3A_192] {strides = array<i32>} : memref<96x16xf32, #tpu.memory_space<vmem>>, vector<1x16xf32>,
    %swap3A_194 = vector.shape_cast %swap3A_193 : vector<1x16xf32> to vector<16xf32>
    %swap3A_195 = vector.shape_cast %broadcast_in_dim3A_189 : vector<16xf32> to vector<1x16xf32>
    tpu.vector_store %arg17[%swap3A_191, %swap3A_192], %swap3A_195 {strides = array<i32>} : memref<96x16xf32, #tpu.memory_space<vmem>>, vector<1x16xf32>,
    %broadcast_in_dim3A_196 = arith.constant 1.000000e+00 : f32
    %broadcast_in_dim3A_197 = vector.broadcast %broadcast_in_dim3A_196 : f32 to vector<16xf32>
    %swap3A_198 = arith.constant 7 : i32
    %swap3A_199 = arith.index_cast %swap3A_198 : i32 to index
    %swap3A_200 = arith.constant 0 : index
    %swap3A_201 = tpu.vector_load %arg16[%swap3A_199, %swap3A_200] {strides = array<i32>} : memref<96x16xf32, #tpu.memory_space<vmem>>, vector<1x16xf32>,
    %swap3A_202 = vector.shape_cast %swap3A_201 : vector<1x16xf32> to vector<16xf32>
    %swap3A_203 = vector.shape_cast %broadcast_in_dim3A_197 : vector<16xf32> to vector<1x16xf32>
    tpu.vector_store %arg16[%swap3A_199, %swap3A_200], %swap3A_203 {strides = array<i32>} : memref<96x16xf32, #tpu.memory_space<vmem>>, vector<1x16xf32>,
    %broadcast_in_dim3A_204 = arith.constant 0.000000e+00 : f32
    %broadcast_in_dim3A_205 = vector.broadcast %broadcast_in_dim3A_204 : f32 to vector<16xf32>
    %swap3A_206 = arith.constant 7 : i32
    %swap3A_207 = arith.index_cast %swap3A_206 : i32 to index
    %swap3A_208 = arith.constant 0 : index
    %swap3A_209 = tpu.vector_load %arg17[%swap3A_207, %swap3A_208] {strides = array<i32>} : memref<96x16xf32, #tpu.memory_space<vmem>>, vector<1x16xf32>,
    %swap3A_210 = vector.shape_cast %swap3A_209 : vector<1x16xf32> to vector<16xf32>
    %swap3A_211 = vector.shape_cast %broadcast_in_dim3A_205 : vector<16xf32> to vector<1x16xf32>
    tpu.vector_store %arg17[%swap3A_207, %swap3A_208], %swap3A_211 {strides = array<i32>} : memref<96x16xf32, #tpu.memory_space<vmem>>, vector<1x16xf32>,
    %broadcast_in_dim3A_212 = arith.constant 1.000000e+00 : f32
    %broadcast_in_dim3A_213 = vector.broadcast %broadcast_in_dim3A_212 : f32 to vector<16xf32>
    %swap3A_214 = arith.constant 8 : i32
    %swap3A_215 = arith.index_cast %swap3A_214 : i32 to index
    %swap3A_216 = arith.constant 0 : index
    %swap3A_217 = tpu.vector_load %arg16[%swap3A_215, %swap3A_216] {strides = array<i32>} : memref<96x16xf32, #tpu.memory_space<vmem>>, vector<1x16xf32>,
    %swap3A_218 = vector.shape_cast %swap3A_217 : vector<1x16xf32> to vector<16xf32>
    %swap3A_219 = vector.shape_cast %broadcast_in_dim3A_213 : vector<16xf32> to vector<1x16xf32>
    tpu.vector_store %arg16[%swap3A_215, %swap3A_216], %swap3A_219 {strides = array<i32>} : memref<96x16xf32, #tpu.memory_space<vmem>>, vector<1x16xf32>,
    %broadcast_in_dim3A_220 = arith.constant 0.000000e+00 : f32
    %broadcast_in_dim3A_221 = vector.broadcast %broadcast_in_dim3A_220 : f32 to vector<16xf32>
    %swap3A_222 = arith.constant 8 : i32
    %swap3A_223 = arith.index_cast %swap3A_222 : i32 to index
    %swap3A_224 = arith.constant 0 : index
    %swap3A_225 = tpu.vector_load %arg17[%swap3A_223, %swap3A_224] {strides = array<i32>} : memref<96x16xf32, #tpu.memory_space<vmem>>, vector<1x16xf32>,
    %swap3A_226 = vector.shape_cast %swap3A_225 : vector<1x16xf32> to vector<16xf32>
    %swap3A_227 = vector.shape_cast %broadcast_in_dim3A_221 : vector<16xf32> to vector<1x16xf32>
    tpu.vector_store %arg17[%swap3A_223, %swap3A_224], %swap3A_227 {strides = array<i32>} : memref<96x16xf32, #tpu.memory_space<vmem>>, vector<1x16xf32>,
    %broadcast_in_dim3A_228 = arith.constant 1.000000e+00 : f32
    %broadcast_in_dim3A_229 = vector.broadcast %broadcast_in_dim3A_228 : f32 to vector<16xf32>
    %swap3A_230 = arith.constant 9 : i32
    %swap3A_231 = arith.index_cast %swap3A_230 : i32 to index
    %swap3A_232 = arith.constant 0 : index
    %swap3A_233 = tpu.vector_load %arg16[%swap3A_231, %swap3A_232] {strides = array<i32>} : memref<96x16xf32, #tpu.memory_space<vmem>>, vector<1x16xf32>,
    %swap3A_234 = vector.shape_cast %swap3A_233 : vector<1x16xf32> to vector<16xf32>
    %swap3A_235 = vector.shape_cast %broadcast_in_dim3A_229 : vector<16xf32> to vector<1x16xf32>
    tpu.vector_store %arg16[%swap3A_231, %swap3A_232], %swap3A_235 {strides = array<i32>} : memref<96x16xf32, #tpu.memory_space<vmem>>, vector<1x16xf32>,
    %broadcast_in_dim3A_236 = arith.constant 0.000000e+00 : f32
    %broadcast_in_dim3A_237 = vector.broadcast %broadcast_in_dim3A_236 : f32 to vector<16xf32>
    %swap3A_238 = arith.constant 9 : i32
    %swap3A_239 = arith.index_cast %swap3A_238 : i32 to index
    %swap3A_240 = arith.constant 0 : index
    %swap3A_241 = tpu.vector_load %arg17[%swap3A_239, %swap3A_240] {strides = array<i32>} : memref<96x16xf32, #tpu.memory_space<vmem>>, vector<1x16xf32>,
    %swap3A_242 = vector.shape_cast %swap3A_241 : vector<1x16xf32> to vector<16xf32>
    %swap3A_243 = vector.shape_cast %broadcast_in_dim3A_237 : vector<16xf32> to vector<1x16xf32>
    tpu.vector_store %arg17[%swap3A_239, %swap3A_240], %swap3A_243 {strides = array<i32>} : memref<96x16xf32, #tpu.memory_space<vmem>>, vector<1x16xf32>,
    %broadcast_in_dim3A_244 = arith.constant 1.000000e+00 : f32
    %broadcast_in_dim3A_245 = vector.broadcast %broadcast_in_dim3A_244 : f32 to vector<16xf32>
    %swap3A_246 = arith.constant 10 : i32
    %swap3A_247 = arith.index_cast %swap3A_246 : i32 to index
    %swap3A_248 = arith.constant 0 : index
    %swap3A_249 = tpu.vector_load %arg16[%swap3A_247, %swap3A_248] {strides = array<i32>} : memref<96x16xf32, #tpu.memory_space<vmem>>, vector<1x16xf32>,
    %swap3A_250 = vector.shape_cast %swap3A_249 : vector<1x16xf32> to vector<16xf32>
    %swap3A_251 = vector.shape_cast %broadcast_in_dim3A_245 : vector<16xf32> to vector<1x16xf32>
    tpu.vector_store %arg16[%swap3A_247, %swap3A_248], %swap3A_251 {strides = array<i32>} : memref<96x16xf32, #tpu.memory_space<vmem>>, vector<1x16xf32>,
    %broadcast_in_dim3A_252 = arith.constant 0.000000e+00 : f32
    %broadcast_in_dim3A_253 = vector.broadcast %broadcast_in_dim3A_252 : f32 to vector<16xf32>
    %swap3A_254 = arith.constant 10 : i32
    %swap3A_255 = arith.index_cast %swap3A_254 : i32 to index
    %swap3A_256 = arith.constant 0 : index
    %swap3A_257 = tpu.vector_load %arg17[%swap3A_255, %swap3A_256] {strides = array<i32>} : memref<96x16xf32, #tpu.memory_space<vmem>>, vector<1x16xf32>,
    %swap3A_258 = vector.shape_cast %swap3A_257 : vector<1x16xf32> to vector<16xf32>
    %swap3A_259 = vector.shape_cast %broadcast_in_dim3A_253 : vector<16xf32> to vector<1x16xf32>
    tpu.vector_store %arg17[%swap3A_255, %swap3A_256], %swap3A_259 {strides = array<i32>} : memref<96x16xf32, #tpu.memory_space<vmem>>, vector<1x16xf32>,
    %broadcast_in_dim3A_260 = arith.constant 1.000000e+00 : f32
    %broadcast_in_dim3A_261 = vector.broadcast %broadcast_in_dim3A_260 : f32 to vector<16xf32>
    %swap3A_262 = arith.constant 11 : i32
    %swap3A_263 = arith.index_cast %swap3A_262 : i32 to index
    %swap3A_264 = arith.constant 0 : index
    %swap3A_265 = tpu.vector_load %arg16[%swap3A_263, %swap3A_264] {strides = array<i32>} : memref<96x16xf32, #tpu.memory_space<vmem>>, vector<1x16xf32>,
    %swap3A_266 = vector.shape_cast %swap3A_265 : vector<1x16xf32> to vector<16xf32>
    %swap3A_267 = vector.shape_cast %broadcast_in_dim3A_261 : vector<16xf32> to vector<1x16xf32>
    tpu.vector_store %arg16[%swap3A_263, %swap3A_264], %swap3A_267 {strides = array<i32>} : memref<96x16xf32, #tpu.memory_space<vmem>>, vector<1x16xf32>,
    %broadcast_in_dim3A_268 = arith.constant 0.000000e+00 : f32
    %broadcast_in_dim3A_269 = vector.broadcast %broadcast_in_dim3A_268 : f32 to vector<16xf32>
    %swap3A_270 = arith.constant 11 : i32
    %swap3A_271 = arith.index_cast %swap3A_270 : i32 to index
    %swap3A_272 = arith.constant 0 : index
    %swap3A_273 = tpu.vector_load %arg17[%swap3A_271, %swap3A_272] {strides = array<i32>} : memref<96x16xf32, #tpu.memory_space<vmem>>, vector<1x16xf32>,
    %swap3A_274 = vector.shape_cast %swap3A_273 : vector<1x16xf32> to vector<16xf32>
    %swap3A_275 = vector.shape_cast %broadcast_in_dim3A_269 : vector<16xf32> to vector<1x16xf32>
    tpu.vector_store %arg17[%swap3A_271, %swap3A_272], %swap3A_275 {strides = array<i32>} : memref<96x16xf32, #tpu.memory_space<vmem>>, vector<1x16xf32>,
    %broadcast_in_dim3A_276 = arith.constant 1.000000e+00 : f32
    %broadcast_in_dim3A_277 = vector.broadcast %broadcast_in_dim3A_276 : f32 to vector<16xf32>
    %swap3A_278 = arith.constant 12 : i32
    %swap3A_279 = arith.index_cast %swap3A_278 : i32 to index
    %swap3A_280 = arith.constant 0 : index
    %swap3A_281 = tpu.vector_load %arg16[%swap3A_279, %swap3A_280] {strides = array<i32>} : memref<96x16xf32, #tpu.memory_space<vmem>>, vector<1x16xf32>,
    %swap3A_282 = vector.shape_cast %swap3A_281 : vector<1x16xf32> to vector<16xf32>
    %swap3A_283 = vector.shape_cast %broadcast_in_dim3A_277 : vector<16xf32> to vector<1x16xf32>
    tpu.vector_store %arg16[%swap3A_279, %swap3A_280], %swap3A_283 {strides = array<i32>} : memref<96x16xf32, #tpu.memory_space<vmem>>, vector<1x16xf32>,
    %broadcast_in_dim3A_284 = arith.constant 0.000000e+00 : f32
    %broadcast_in_dim3A_285 = vector.broadcast %broadcast_in_dim3A_284 : f32 to vector<16xf32>
    %swap3A_286 = arith.constant 12 : i32
    %swap3A_287 = arith.index_cast %swap3A_286 : i32 to index
    %swap3A_288 = arith.constant 0 : index
    %swap3A_289 = tpu.vector_load %arg17[%swap3A_287, %swap3A_288] {strides = array<i32>} : memref<96x16xf32, #tpu.memory_space<vmem>>, vector<1x16xf32>,
    %swap3A_290 = vector.shape_cast %swap3A_289 : vector<1x16xf32> to vector<16xf32>
    %swap3A_291 = vector.shape_cast %broadcast_in_dim3A_285 : vector<16xf32> to vector<1x16xf32>
    tpu.vector_store %arg17[%swap3A_287, %swap3A_288], %swap3A_291 {strides = array<i32>} : memref<96x16xf32, #tpu.memory_space<vmem>>, vector<1x16xf32>,
    %broadcast_in_dim3A_292 = arith.constant 1.000000e+00 : f32
    %broadcast_in_dim3A_293 = vector.broadcast %broadcast_in_dim3A_292 : f32 to vector<16xf32>
    %swap3A_294 = arith.constant 13 : i32
    %swap3A_295 = arith.index_cast %swap3A_294 : i32 to index
    %swap3A_296 = arith.constant 0 : index
    %swap3A_297 = tpu.vector_load %arg16[%swap3A_295, %swap3A_296] {strides = array<i32>} : memref<96x16xf32, #tpu.memory_space<vmem>>, vector<1x16xf32>,
    %swap3A_298 = vector.shape_cast %swap3A_297 : vector<1x16xf32> to vector<16xf32>
    %swap3A_299 = vector.shape_cast %broadcast_in_dim3A_293 : vector<16xf32> to vector<1x16xf32>
    tpu.vector_store %arg16[%swap3A_295, %swap3A_296], %swap3A_299 {strides = array<i32>} : memref<96x16xf32, #tpu.memory_space<vmem>>, vector<1x16xf32>,
    %broadcast_in_dim3A_300 = arith.constant 0.000000e+00 : f32
    %broadcast_in_dim3A_301 = vector.broadcast %broadcast_in_dim3A_300 : f32 to vector<16xf32>
    %swap3A_302 = arith.constant 13 : i32
    %swap3A_303 = arith.index_cast %swap3A_302 : i32 to index
    %swap3A_304 = arith.constant 0 : index
    %swap3A_305 = tpu.vector_load %arg17[%swap3A_303, %swap3A_304] {strides = array<i32>} : memref<96x16xf32, #tpu.memory_space<vmem>>, vector<1x16xf32>,
    %swap3A_306 = vector.shape_cast %swap3A_305 : vector<1x16xf32> to vector<16xf32>
    %swap3A_307 = vector.shape_cast %broadcast_in_dim3A_301 : vector<16xf32> to vector<1x16xf32>
    tpu.vector_store %arg17[%swap3A_303, %swap3A_304], %swap3A_307 {strides = array<i32>} : memref<96x16xf32, #tpu.memory_space<vmem>>, vector<1x16xf32>,
    %broadcast_in_dim3A_308 = arith.constant 1.000000e+00 : f32
    %broadcast_in_dim3A_309 = vector.broadcast %broadcast_in_dim3A_308 : f32 to vector<16xf32>
    %swap3A_310 = arith.constant 14 : i32
    %swap3A_311 = arith.index_cast %swap3A_310 : i32 to index
    %swap3A_312 = arith.constant 0 : index
    %swap3A_313 = tpu.vector_load %arg16[%swap3A_311, %swap3A_312] {strides = array<i32>} : memref<96x16xf32, #tpu.memory_space<vmem>>, vector<1x16xf32>,
    %swap3A_314 = vector.shape_cast %swap3A_313 : vector<1x16xf32> to vector<16xf32>
    %swap3A_315 = vector.shape_cast %broadcast_in_dim3A_309 : vector<16xf32> to vector<1x16xf32>
    tpu.vector_store %arg16[%swap3A_311, %swap3A_312], %swap3A_315 {strides = array<i32>} : memref<96x16xf32, #tpu.memory_space<vmem>>, vector<1x16xf32>,
    %broadcast_in_dim3A_316 = arith.constant 0.000000e+00 : f32
    %broadcast_in_dim3A_317 = vector.broadcast %broadcast_in_dim3A_316 : f32 to vector<16xf32>
    %swap3A_318 = arith.constant 14 : i32
    %swap3A_319 = arith.index_cast %swap3A_318 : i32 to index
    %swap3A_320 = arith.constant 0 : index
    %swap3A_321 = tpu.vector_load %arg17[%swap3A_319, %swap3A_320] {strides = array<i32>} : memref<96x16xf32, #tpu.memory_space<vmem>>, vector<1x16xf32>,
    %swap3A_322 = vector.shape_cast %swap3A_321 : vector<1x16xf32> to vector<16xf32>
    %swap3A_323 = vector.shape_cast %broadcast_in_dim3A_317 : vector<16xf32> to vector<1x16xf32>
    tpu.vector_store %arg17[%swap3A_319, %swap3A_320], %swap3A_323 {strides = array<i32>} : memref<96x16xf32, #tpu.memory_space<vmem>>, vector<1x16xf32>,
    %broadcast_in_dim3A_324 = arith.constant 1.000000e+00 : f32
    %broadcast_in_dim3A_325 = vector.broadcast %broadcast_in_dim3A_324 : f32 to vector<16xf32>
    %swap3A_326 = arith.constant 15 : i32
    %swap3A_327 = arith.index_cast %swap3A_326 : i32 to index
    %swap3A_328 = arith.constant 0 : index
    %swap3A_329 = tpu.vector_load %arg16[%swap3A_327, %swap3A_328] {strides = array<i32>} : memref<96x16xf32, #tpu.memory_space<vmem>>, vector<1x16xf32>,
    %swap3A_330 = vector.shape_cast %swap3A_329 : vector<1x16xf32> to vector<16xf32>
    %swap3A_331 = vector.shape_cast %broadcast_in_dim3A_325 : vector<16xf32> to vector<1x16xf32>
    tpu.vector_store %arg16[%swap3A_327, %swap3A_328], %swap3A_331 {strides = array<i32>} : memref<96x16xf32, #tpu.memory_space<vmem>>, vector<1x16xf32>,
    %broadcast_in_dim3A_332 = arith.constant 0.000000e+00 : f32
    %broadcast_in_dim3A_333 = vector.broadcast %broadcast_in_dim3A_332 : f32 to vector<16xf32>
    %swap3A_334 = arith.constant 15 : i32
    %swap3A_335 = arith.index_cast %swap3A_334 : i32 to index
    %swap3A_336 = arith.constant 0 : index
    %swap3A_337 = tpu.vector_load %arg17[%swap3A_335, %swap3A_336] {strides = array<i32>} : memref<96x16xf32, #tpu.memory_space<vmem>>, vector<1x16xf32>,
    %swap3A_338 = vector.shape_cast %swap3A_337 : vector<1x16xf32> to vector<16xf32>
    %swap3A_339 = vector.shape_cast %broadcast_in_dim3A_333 : vector<16xf32> to vector<1x16xf32>
    tpu.vector_store %arg17[%swap3A_335, %swap3A_336], %swap3A_339 {strides = array<i32>} : memref<96x16xf32, #tpu.memory_space<vmem>>, vector<1x16xf32>,
    %broadcast_in_dim3A_340 = arith.constant 1.000000e+00 : f32
    %broadcast_in_dim3A_341 = vector.broadcast %broadcast_in_dim3A_340 : f32 to vector<16xf32>
    %swap3A_342 = arith.constant 16 : i32
    %swap3A_343 = arith.index_cast %swap3A_342 : i32 to index
    %swap3A_344 = arith.constant 0 : index
    %swap3A_345 = tpu.vector_load %arg16[%swap3A_343, %swap3A_344] {strides = array<i32>} : memref<96x16xf32, #tpu.memory_space<vmem>>, vector<1x16xf32>,
    %swap3A_346 = vector.shape_cast %swap3A_345 : vector<1x16xf32> to vector<16xf32>
    %swap3A_347 = vector.shape_cast %broadcast_in_dim3A_341 : vector<16xf32> to vector<1x16xf32>
    tpu.vector_store %arg16[%swap3A_343, %swap3A_344], %swap3A_347 {strides = array<i32>} : memref<96x16xf32, #tpu.memory_space<vmem>>, vector<1x16xf32>,
    %broadcast_in_dim3A_348 = arith.constant 0.000000e+00 : f32
    %broadcast_in_dim3A_349 = vector.broadcast %broadcast_in_dim3A_348 : f32 to vector<16xf32>
    %swap3A_350 = arith.constant 16 : i32
    %swap3A_351 = arith.index_cast %swap3A_350 : i32 to index
    %swap3A_352 = arith.constant 0 : index
    %swap3A_353 = tpu.vector_load %arg17[%swap3A_351, %swap3A_352] {strides = array<i32>} : memref<96x16xf32, #tpu.memory_space<vmem>>, vector<1x16xf32>,
    %swap3A_354 = vector.shape_cast %swap3A_353 : vector<1x16xf32> to vector<16xf32>
    %swap3A_355 = vector.shape_cast %broadcast_in_dim3A_349 : vector<16xf32> to vector<1x16xf32>
    tpu.vector_store %arg17[%swap3A_351, %swap3A_352], %swap3A_355 {strides = array<i32>} : memref<96x16xf32, #tpu.memory_space<vmem>>, vector<1x16xf32>,
    %broadcast_in_dim3A_356 = arith.constant 1.000000e+00 : f32
    %broadcast_in_dim3A_357 = vector.broadcast %broadcast_in_dim3A_356 : f32 to vector<16xf32>
    %swap3A_358 = arith.constant 17 : i32
    %swap3A_359 = arith.index_cast %swap3A_358 : i32 to index
    %swap3A_360 = arith.constant 0 : index
    %swap3A_361 = tpu.vector_load %arg16[%swap3A_359, %swap3A_360] {strides = array<i32>} : memref<96x16xf32, #tpu.memory_space<vmem>>, vector<1x16xf32>,
    %swap3A_362 = vector.shape_cast %swap3A_361 : vector<1x16xf32> to vector<16xf32>
    %swap3A_363 = vector.shape_cast %broadcast_in_dim3A_357 : vector<16xf32> to vector<1x16xf32>
    tpu.vector_store %arg16[%swap3A_359, %swap3A_360], %swap3A_363 {strides = array<i32>} : memref<96x16xf32, #tpu.memory_space<vmem>>, vector<1x16xf32>,
    %broadcast_in_dim3A_364 = arith.constant 0.000000e+00 : f32
    %broadcast_in_dim3A_365 = vector.broadcast %broadcast_in_dim3A_364 : f32 to vector<16xf32>
    %swap3A_366 = arith.constant 17 : i32
    %swap3A_367 = arith.index_cast %swap3A_366 : i32 to index
    %swap3A_368 = arith.constant 0 : index
    %swap3A_369 = tpu.vector_load %arg17[%swap3A_367, %swap3A_368] {strides = array<i32>} : memref<96x16xf32, #tpu.memory_space<vmem>>, vector<1x16xf32>,
    %swap3A_370 = vector.shape_cast %swap3A_369 : vector<1x16xf32> to vector<16xf32>
    %swap3A_371 = vector.shape_cast %broadcast_in_dim3A_365 : vector<16xf32> to vector<1x16xf32>
    tpu.vector_store %arg17[%swap3A_367, %swap3A_368], %swap3A_371 {strides = array<i32>} : memref<96x16xf32, #tpu.memory_space<vmem>>, vector<1x16xf32>,
    %broadcast_in_dim3A_372 = arith.constant 1.000000e+00 : f32
    %broadcast_in_dim3A_373 = vector.broadcast %broadcast_in_dim3A_372 : f32 to vector<16xf32>
    %swap3A_374 = arith.constant 18 : i32
    %swap3A_375 = arith.index_cast %swap3A_374 : i32 to index
    %swap3A_376 = arith.constant 0 : index
    %swap3A_377 = tpu.vector_load %arg16[%swap3A_375, %swap3A_376] {strides = array<i32>} : memref<96x16xf32, #tpu.memory_space<vmem>>, vector<1x16xf32>,
    %swap3A_378 = vector.shape_cast %swap3A_377 : vector<1x16xf32> to vector<16xf32>
    %swap3A_379 = vector.shape_cast %broadcast_in_dim3A_373 : vector<16xf32> to vector<1x16xf32>
    tpu.vector_store %arg16[%swap3A_375, %swap3A_376], %swap3A_379 {strides = array<i32>} : memref<96x16xf32, #tpu.memory_space<vmem>>, vector<1x16xf32>,
    %broadcast_in_dim3A_380 = arith.constant 0.000000e+00 : f32
    %broadcast_in_dim3A_381 = vector.broadcast %broadcast_in_dim3A_380 : f32 to vector<16xf32>
    %swap3A_382 = arith.constant 18 : i32
    %swap3A_383 = arith.index_cast %swap3A_382 : i32 to index
    %swap3A_384 = arith.constant 0 : index
    %swap3A_385 = tpu.vector_load %arg17[%swap3A_383, %swap3A_384] {strides = array<i32>} : memref<96x16xf32, #tpu.memory_space<vmem>>, vector<1x16xf32>,
    %swap3A_386 = vector.shape_cast %swap3A_385 : vector<1x16xf32> to vector<16xf32>
    %swap3A_387 = vector.shape_cast %broadcast_in_dim3A_381 : vector<16xf32> to vector<1x16xf32>
    tpu.vector_store %arg17[%swap3A_383, %swap3A_384], %swap3A_387 {strides = array<i32>} : memref<96x16xf32, #tpu.memory_space<vmem>>, vector<1x16xf32>,
    %broadcast_in_dim3A_388 = arith.constant 1.000000e+00 : f32
    %broadcast_in_dim3A_389 = vector.broadcast %broadcast_in_dim3A_388 : f32 to vector<16xf32>
    %swap3A_390 = arith.constant 19 : i32
    %swap3A_391 = arith.index_cast %swap3A_390 : i32 to index
    %swap3A_392 = arith.constant 0 : index
    %swap3A_393 = tpu.vector_load %arg16[%swap3A_391, %swap3A_392] {strides = array<i32>} : memref<96x16xf32, #tpu.memory_space<vmem>>, vector<1x16xf32>,
    %swap3A_394 = vector.shape_cast %swap3A_393 : vector<1x16xf32> to vector<16xf32>
    %swap3A_395 = vector.shape_cast %broadcast_in_dim3A_389 : vector<16xf32> to vector<1x16xf32>
    tpu.vector_store %arg16[%swap3A_391, %swap3A_392], %swap3A_395 {strides = array<i32>} : memref<96x16xf32, #tpu.memory_space<vmem>>, vector<1x16xf32>,
    %broadcast_in_dim3A_396 = arith.constant 0.000000e+00 : f32
    %broadcast_in_dim3A_397 = vector.broadcast %broadcast_in_dim3A_396 : f32 to vector<16xf32>
    %swap3A_398 = arith.constant 19 : i32
    %swap3A_399 = arith.index_cast %swap3A_398 : i32 to index
    %swap3A_400 = arith.constant 0 : index
    %swap3A_401 = tpu.vector_load %arg17[%swap3A_399, %swap3A_400] {strides = array<i32>} : memref<96x16xf32, #tpu.memory_space<vmem>>, vector<1x16xf32>,
    %swap3A_402 = vector.shape_cast %swap3A_401 : vector<1x16xf32> to vector<16xf32>
    %swap3A_403 = vector.shape_cast %broadcast_in_dim3A_397 : vector<16xf32> to vector<1x16xf32>
    tpu.vector_store %arg17[%swap3A_399, %swap3A_400], %swap3A_403 {strides = array<i32>} : memref<96x16xf32, #tpu.memory_space<vmem>>, vector<1x16xf32>,
    %broadcast_in_dim3A_404 = arith.constant 1.000000e+00 : f32
    %broadcast_in_dim3A_405 = vector.broadcast %broadcast_in_dim3A_404 : f32 to vector<16xf32>
    %swap3A_406 = arith.constant 20 : i32
    %swap3A_407 = arith.index_cast %swap3A_406 : i32 to index
    %swap3A_408 = arith.constant 0 : index
    %swap3A_409 = tpu.vector_load %arg16[%swap3A_407, %swap3A_408] {strides = array<i32>} : memref<96x16xf32, #tpu.memory_space<vmem>>, vector<1x16xf32>,
    %swap3A_410 = vector.shape_cast %swap3A_409 : vector<1x16xf32> to vector<16xf32>
    %swap3A_411 = vector.shape_cast %broadcast_in_dim3A_405 : vector<16xf32> to vector<1x16xf32>
    tpu.vector_store %arg16[%swap3A_407, %swap3A_408], %swap3A_411 {strides = array<i32>} : memref<96x16xf32, #tpu.memory_space<vmem>>, vector<1x16xf32>,
    %broadcast_in_dim3A_412 = arith.constant 0.000000e+00 : f32
    %broadcast_in_dim3A_413 = vector.broadcast %broadcast_in_dim3A_412 : f32 to vector<16xf32>
    %swap3A_414 = arith.constant 20 : i32
    %swap3A_415 = arith.index_cast %swap3A_414 : i32 to index
    %swap3A_416 = arith.constant 0 : index
    %swap3A_417 = tpu.vector_load %arg17[%swap3A_415, %swap3A_416] {strides = array<i32>} : memref<96x16xf32, #tpu.memory_space<vmem>>, vector<1x16xf32>,
    %swap3A_418 = vector.shape_cast %swap3A_417 : vector<1x16xf32> to vector<16xf32>
    %swap3A_419 = vector.shape_cast %broadcast_in_dim3A_413 : vector<16xf32> to vector<1x16xf32>
    tpu.vector_store %arg17[%swap3A_415, %swap3A_416], %swap3A_419 {strides = array<i32>} : memref<96x16xf32, #tpu.memory_space<vmem>>, vector<1x16xf32>,
    %broadcast_in_dim3A_420 = arith.constant 1.000000e+00 : f32
    %broadcast_in_dim3A_421 = vector.broadcast %broadcast_in_dim3A_420 : f32 to vector<16xf32>
    %swap3A_422 = arith.constant 21 : i32
    %swap3A_423 = arith.index_cast %swap3A_422 : i32 to index
    %swap3A_424 = arith.constant 0 : index
    %swap3A_425 = tpu.vector_load %arg16[%swap3A_423, %swap3A_424] {strides = array<i32>} : memref<96x16xf32, #tpu.memory_space<vmem>>, vector<1x16xf32>,
    %swap3A_426 = vector.shape_cast %swap3A_425 : vector<1x16xf32> to vector<16xf32>
    %swap3A_427 = vector.shape_cast %broadcast_in_dim3A_421 : vector<16xf32> to vector<1x16xf32>
    tpu.vector_store %arg16[%swap3A_423, %swap3A_424], %swap3A_427 {strides = array<i32>} : memref<96x16xf32, #tpu.memory_space<vmem>>, vector<1x16xf32>,
    %broadcast_in_dim3A_428 = arith.constant 0.000000e+00 : f32
    %broadcast_in_dim3A_429 = vector.broadcast %broadcast_in_dim3A_428 : f32 to vector<16xf32>
    %swap3A_430 = arith.constant 21 : i32
    %swap3A_431 = arith.index_cast %swap3A_430 : i32 to index
    %swap3A_432 = arith.constant 0 : index
    %swap3A_433 = tpu.vector_load %arg17[%swap3A_431, %swap3A_432] {strides = array<i32>} : memref<96x16xf32, #tpu.memory_space<vmem>>, vector<1x16xf32>,
    %swap3A_434 = vector.shape_cast %swap3A_433 : vector<1x16xf32> to vector<16xf32>
    %swap3A_435 = vector.shape_cast %broadcast_in_dim3A_429 : vector<16xf32> to vector<1x16xf32>
    tpu.vector_store %arg17[%swap3A_431, %swap3A_432], %swap3A_435 {strides = array<i32>} : memref<96x16xf32, #tpu.memory_space<vmem>>, vector<1x16xf32>,
    %broadcast_in_dim3A_436 = arith.constant 1.000000e+00 : f32
    %broadcast_in_dim3A_437 = vector.broadcast %broadcast_in_dim3A_436 : f32 to vector<16xf32>
    %swap3A_438 = arith.constant 22 : i32
    %swap3A_439 = arith.index_cast %swap3A_438 : i32 to index
    %swap3A_440 = arith.constant 0 : index
    %swap3A_441 = tpu.vector_load %arg16[%swap3A_439, %swap3A_440] {strides = array<i32>} : memref<96x16xf32, #tpu.memory_space<vmem>>, vector<1x16xf32>,
    %swap3A_442 = vector.shape_cast %swap3A_441 : vector<1x16xf32> to vector<16xf32>
    %swap3A_443 = vector.shape_cast %broadcast_in_dim3A_437 : vector<16xf32> to vector<1x16xf32>
    tpu.vector_store %arg16[%swap3A_439, %swap3A_440], %swap3A_443 {strides = array<i32>} : memref<96x16xf32, #tpu.memory_space<vmem>>, vector<1x16xf32>,
    %broadcast_in_dim3A_444 = arith.constant 0.000000e+00 : f32
    %broadcast_in_dim3A_445 = vector.broadcast %broadcast_in_dim3A_444 : f32 to vector<16xf32>
    %swap3A_446 = arith.constant 22 : i32
    %swap3A_447 = arith.index_cast %swap3A_446 : i32 to index
    %swap3A_448 = arith.constant 0 : index
    %swap3A_449 = tpu.vector_load %arg17[%swap3A_447, %swap3A_448] {strides = array<i32>} : memref<96x16xf32, #tpu.memory_space<vmem>>, vector<1x16xf32>,
    %swap3A_450 = vector.shape_cast %swap3A_449 : vector<1x16xf32> to vector<16xf32>
    %swap3A_451 = vector.shape_cast %broadcast_in_dim3A_445 : vector<16xf32> to vector<1x16xf32>
    tpu.vector_store %arg17[%swap3A_447, %swap3A_448], %swap3A_451 {strides = array<i32>} : memref<96x16xf32, #tpu.memory_space<vmem>>, vector<1x16xf32>,
    %broadcast_in_dim3A_452 = arith.constant 1.000000e+00 : f32
    %broadcast_in_dim3A_453 = vector.broadcast %broadcast_in_dim3A_452 : f32 to vector<16xf32>
    %swap3A_454 = arith.constant 23 : i32
    %swap3A_455 = arith.index_cast %swap3A_454 : i32 to index
    %swap3A_456 = arith.constant 0 : index
    %swap3A_457 = tpu.vector_load %arg16[%swap3A_455, %swap3A_456] {strides = array<i32>} : memref<96x16xf32, #tpu.memory_space<vmem>>, vector<1x16xf32>,
    %swap3A_458 = vector.shape_cast %swap3A_457 : vector<1x16xf32> to vector<16xf32>
    %swap3A_459 = vector.shape_cast %broadcast_in_dim3A_453 : vector<16xf32> to vector<1x16xf32>
    tpu.vector_store %arg16[%swap3A_455, %swap3A_456], %swap3A_459 {strides = array<i32>} : memref<96x16xf32, #tpu.memory_space<vmem>>, vector<1x16xf32>,
    %broadcast_in_dim3A_460 = arith.constant 0.000000e+00 : f32
    %broadcast_in_dim3A_461 = vector.broadcast %broadcast_in_dim3A_460 : f32 to vector<16xf32>
    %swap3A_462 = arith.constant 23 : i32
    %swap3A_463 = arith.index_cast %swap3A_462 : i32 to index
    %swap3A_464 = arith.constant 0 : index
    %swap3A_465 = tpu.vector_load %arg17[%swap3A_463, %swap3A_464] {strides = array<i32>} : memref<96x16xf32, #tpu.memory_space<vmem>>, vector<1x16xf32>,
    %swap3A_466 = vector.shape_cast %swap3A_465 : vector<1x16xf32> to vector<16xf32>
    %swap3A_467 = vector.shape_cast %broadcast_in_dim3A_461 : vector<16xf32> to vector<1x16xf32>
    tpu.vector_store %arg17[%swap3A_463, %swap3A_464], %swap3A_467 {strides = array<i32>} : memref<96x16xf32, #tpu.memory_space<vmem>>, vector<1x16xf32>,
    %broadcast_in_dim3A_468 = arith.constant 1.000000e+00 : f32
    %broadcast_in_dim3A_469 = vector.broadcast %broadcast_in_dim3A_468 : f32 to vector<16xf32>
    %swap3A_470 = arith.constant 24 : i32
    %swap3A_471 = arith.index_cast %swap3A_470 : i32 to index
    %swap3A_472 = arith.constant 0 : index
    %swap3A_473 = tpu.vector_load %arg16[%swap3A_471, %swap3A_472] {strides = array<i32>} : memref<96x16xf32, #tpu.memory_space<vmem>>, vector<1x16xf32>,
    %swap3A_474 = vector.shape_cast %swap3A_473 : vector<1x16xf32> to vector<16xf32>
    %swap3A_475 = vector.shape_cast %broadcast_in_dim3A_469 : vector<16xf32> to vector<1x16xf32>
    tpu.vector_store %arg16[%swap3A_471, %swap3A_472], %swap3A_475 {strides = array<i32>} : memref<96x16xf32, #tpu.memory_space<vmem>>, vector<1x16xf32>,
    %broadcast_in_dim3A_476 = arith.constant 0.000000e+00 : f32
    %broadcast_in_dim3A_477 = vector.broadcast %broadcast_in_dim3A_476 : f32 to vector<16xf32>
    %swap3A_478 = arith.constant 24 : i32
    %swap3A_479 = arith.index_cast %swap3A_478 : i32 to index
    %swap3A_480 = arith.constant 0 : index
    %swap3A_481 = tpu.vector_load %arg17[%swap3A_479, %swap3A_480] {strides = array<i32>} : memref<96x16xf32, #tpu.memory_space<vmem>>, vector<1x16xf32>,
    %swap3A_482 = vector.shape_cast %swap3A_481 : vector<1x16xf32> to vector<16xf32>
    %swap3A_483 = vector.shape_cast %broadcast_in_dim3A_477 : vector<16xf32> to vector<1x16xf32>
    tpu.vector_store %arg17[%swap3A_479, %swap3A_480], %swap3A_483 {strides = array<i32>} : memref<96x16xf32, #tpu.memory_space<vmem>>, vector<1x16xf32>,
    %broadcast_in_dim3A_484 = arith.constant 1.000000e+00 : f32
    %broadcast_in_dim3A_485 = vector.broadcast %broadcast_in_dim3A_484 : f32 to vector<16xf32>
    %swap3A_486 = arith.constant 25 : i32
    %swap3A_487 = arith.index_cast %swap3A_486 : i32 to index
    %swap3A_488 = arith.constant 0 : index
    %swap3A_489 = tpu.vector_load %arg16[%swap3A_487, %swap3A_488] {strides = array<i32>} : memref<96x16xf32, #tpu.memory_space<vmem>>, vector<1x16xf32>,
    %swap3A_490 = vector.shape_cast %swap3A_489 : vector<1x16xf32> to vector<16xf32>
    %swap3A_491 = vector.shape_cast %broadcast_in_dim3A_485 : vector<16xf32> to vector<1x16xf32>
    tpu.vector_store %arg16[%swap3A_487, %swap3A_488], %swap3A_491 {strides = array<i32>} : memref<96x16xf32, #tpu.memory_space<vmem>>, vector<1x16xf32>,
    %broadcast_in_dim3A_492 = arith.constant 0.000000e+00 : f32
    %broadcast_in_dim3A_493 = vector.broadcast %broadcast_in_dim3A_492 : f32 to vector<16xf32>
    %swap3A_494 = arith.constant 25 : i32
    %swap3A_495 = arith.index_cast %swap3A_494 : i32 to index
    %swap3A_496 = arith.constant 0 : index
    %swap3A_497 = tpu.vector_load %arg17[%swap3A_495, %swap3A_496] {strides = array<i32>} : memref<96x16xf32, #tpu.memory_space<vmem>>, vector<1x16xf32>,
    %swap3A_498 = vector.shape_cast %swap3A_497 : vector<1x16xf32> to vector<16xf32>
    %swap3A_499 = vector.shape_cast %broadcast_in_dim3A_493 : vector<16xf32> to vector<1x16xf32>
    tpu.vector_store %arg17[%swap3A_495, %swap3A_496], %swap3A_499 {strides = array<i32>} : memref<96x16xf32, #tpu.memory_space<vmem>>, vector<1x16xf32>,
    %broadcast_in_dim3A_500 = arith.constant 1.000000e+00 : f32
    %broadcast_in_dim3A_501 = vector.broadcast %broadcast_in_dim3A_500 : f32 to vector<16xf32>
    %swap3A_502 = arith.constant 26 : i32
    %swap3A_503 = arith.index_cast %swap3A_502 : i32 to index
    %swap3A_504 = arith.constant 0 : index
    %swap3A_505 = tpu.vector_load %arg16[%swap3A_503, %swap3A_504] {strides = array<i32>} : memref<96x16xf32, #tpu.memory_space<vmem>>, vector<1x16xf32>,
    %swap3A_506 = vector.shape_cast %swap3A_505 : vector<1x16xf32> to vector<16xf32>
    %swap3A_507 = vector.shape_cast %broadcast_in_dim3A_501 : vector<16xf32> to vector<1x16xf32>
    tpu.vector_store %arg16[%swap3A_503, %swap3A_504], %swap3A_507 {strides = array<i32>} : memref<96x16xf32, #tpu.memory_space<vmem>>, vector<1x16xf32>,
    %broadcast_in_dim3A_508 = arith.constant 0.000000e+00 : f32
    %broadcast_in_dim3A_509 = vector.broadcast %broadcast_in_dim3A_508 : f32 to vector<16xf32>
    %swap3A_510 = arith.constant 26 : i32
    %swap3A_511 = arith.index_cast %swap3A_510 : i32 to index
    %swap3A_512 = arith.constant 0 : index
    %swap3A_513 = tpu.vector_load %arg17[%swap3A_511, %swap3A_512] {strides = array<i32>} : memref<96x16xf32, #tpu.memory_space<vmem>>, vector<1x16xf32>,
    %swap3A_514 = vector.shape_cast %swap3A_513 : vector<1x16xf32> to vector<16xf32>
    %swap3A_515 = vector.shape_cast %broadcast_in_dim3A_509 : vector<16xf32> to vector<1x16xf32>
    tpu.vector_store %arg17[%swap3A_511, %swap3A_512], %swap3A_515 {strides = array<i32>} : memref<96x16xf32, #tpu.memory_space<vmem>>, vector<1x16xf32>,
    %broadcast_in_dim3A_516 = arith.constant 1.000000e+00 : f32
    %broadcast_in_dim3A_517 = vector.broadcast %broadcast_in_dim3A_516 : f32 to vector<16xf32>
    %swap3A_518 = arith.constant 27 : i32
    %swap3A_519 = arith.index_cast %swap3A_518 : i32 to index
    %swap3A_520 = arith.constant 0 : index
    %swap3A_521 = tpu.vector_load %arg16[%swap3A_519, %swap3A_520] {strides = array<i32>} : memref<96x16xf32, #tpu.memory_space<vmem>>, vector<1x16xf32>,
    %swap3A_522 = vector.shape_cast %swap3A_521 : vector<1x16xf32> to vector<16xf32>
    %swap3A_523 = vector.shape_cast %broadcast_in_dim3A_517 : vector<16xf32> to vector<1x16xf32>
    tpu.vector_store %arg16[%swap3A_519, %swap3A_520], %swap3A_523 {strides = array<i32>} : memref<96x16xf32, #tpu.memory_space<vmem>>, vector<1x16xf32>,
    %broadcast_in_dim3A_524 = arith.constant 0.000000e+00 : f32
    %broadcast_in_dim3A_525 = vector.broadcast %broadcast_in_dim3A_524 : f32 to vector<16xf32>
    %swap3A_526 = arith.constant 27 : i32
    %swap3A_527 = arith.index_cast %swap3A_526 : i32 to index
    %swap3A_528 = arith.constant 0 : index
    %swap3A_529 = tpu.vector_load %arg17[%swap3A_527, %swap3A_528] {strides = array<i32>} : memref<96x16xf32, #tpu.memory_space<vmem>>, vector<1x16xf32>,
    %swap3A_530 = vector.shape_cast %swap3A_529 : vector<1x16xf32> to vector<16xf32>
    %swap3A_531 = vector.shape_cast %broadcast_in_dim3A_525 : vector<16xf32> to vector<1x16xf32>
    tpu.vector_store %arg17[%swap3A_527, %swap3A_528], %swap3A_531 {strides = array<i32>} : memref<96x16xf32, #tpu.memory_space<vmem>>, vector<1x16xf32>,
    %broadcast_in_dim3A_532 = arith.constant 1.000000e+00 : f32
    %broadcast_in_dim3A_533 = vector.broadcast %broadcast_in_dim3A_532 : f32 to vector<16xf32>
    %swap3A_534 = arith.constant 28 : i32
    %swap3A_535 = arith.index_cast %swap3A_534 : i32 to index
    %swap3A_536 = arith.constant 0 : index
    %swap3A_537 = tpu.vector_load %arg16[%swap3A_535, %swap3A_536] {strides = array<i32>} : memref<96x16xf32, #tpu.memory_space<vmem>>, vector<1x16xf32>,
    %swap3A_538 = vector.shape_cast %swap3A_537 : vector<1x16xf32> to vector<16xf32>
    %swap3A_539 = vector.shape_cast %broadcast_in_dim3A_533 : vector<16xf32> to vector<1x16xf32>
    tpu.vector_store %arg16[%swap3A_535, %swap3A_536], %swap3A_539 {strides = array<i32>} : memref<96x16xf32, #tpu.memory_space<vmem>>, vector<1x16xf32>,
    %broadcast_in_dim3A_540 = arith.constant 0.000000e+00 : f32
    %broadcast_in_dim3A_541 = vector.broadcast %broadcast_in_dim3A_540 : f32 to vector<16xf32>
    %swap3A_542 = arith.constant 28 : i32
    %swap3A_543 = arith.index_cast %swap3A_542 : i32 to index
    %swap3A_544 = arith.constant 0 : index
    %swap3A_545 = tpu.vector_load %arg17[%swap3A_543, %swap3A_544] {strides = array<i32>} : memref<96x16xf32, #tpu.memory_space<vmem>>, vector<1x16xf32>,
    %swap3A_546 = vector.shape_cast %swap3A_545 : vector<1x16xf32> to vector<16xf32>
    %swap3A_547 = vector.shape_cast %broadcast_in_dim3A_541 : vector<16xf32> to vector<1x16xf32>
    tpu.vector_store %arg17[%swap3A_543, %swap3A_544], %swap3A_547 {strides = array<i32>} : memref<96x16xf32, #tpu.memory_space<vmem>>, vector<1x16xf32>,
    %broadcast_in_dim3A_548 = arith.constant 1.000000e+00 : f32
    %broadcast_in_dim3A_549 = vector.broadcast %broadcast_in_dim3A_548 : f32 to vector<16xf32>
    %swap3A_550 = arith.constant 29 : i32
    %swap3A_551 = arith.index_cast %swap3A_550 : i32 to index
    %swap3A_552 = arith.constant 0 : index
    %swap3A_553 = tpu.vector_load %arg16[%swap3A_551, %swap3A_552] {strides = array<i32>} : memref<96x16xf32, #tpu.memory_space<vmem>>, vector<1x16xf32>,
    %swap3A_554 = vector.shape_cast %swap3A_553 : vector<1x16xf32> to vector<16xf32>
    %swap3A_555 = vector.shape_cast %broadcast_in_dim3A_549 : vector<16xf32> to vector<1x16xf32>
    tpu.vector_store %arg16[%swap3A_551, %swap3A_552], %swap3A_555 {strides = array<i32>} : memref<96x16xf32, #tpu.memory_space<vmem>>, vector<1x16xf32>,
    %broadcast_in_dim3A_556 = arith.constant 0.000000e+00 : f32
    %broadcast_in_dim3A_557 = vector.broadcast %broadcast_in_dim3A_556 : f32 to vector<16xf32>
    %swap3A_558 = arith.constant 29 : i32
    %swap3A_559 = arith.index_cast %swap3A_558 : i32 to index
    %swap3A_560 = arith.constant 0 : index
    %swap3A_561 = tpu.vector_load %arg17[%swap3A_559, %swap3A_560] {strides = array<i32>} : memref<96x16xf32, #tpu.memory_space<vmem>>, vector<1x16xf32>,
    %swap3A_562 = vector.shape_cast %swap3A_561 : vector<1x16xf32> to vector<16xf32>
    %swap3A_563 = vector.shape_cast %broadcast_in_dim3A_557 : vector<16xf32> to vector<1x16xf32>
    tpu.vector_store %arg17[%swap3A_559, %swap3A_560], %swap3A_563 {strides = array<i32>} : memref<96x16xf32, #tpu.memory_space<vmem>>, vector<1x16xf32>,
    %broadcast_in_dim3A_564 = arith.constant 1.000000e+00 : f32
    %broadcast_in_dim3A_565 = vector.broadcast %broadcast_in_dim3A_564 : f32 to vector<16xf32>
    %swap3A_566 = arith.constant 30 : i32
    %swap3A_567 = arith.index_cast %swap3A_566 : i32 to index
    %swap3A_568 = arith.constant 0 : index
    %swap3A_569 = tpu.vector_load %arg16[%swap3A_567, %swap3A_568] {strides = array<i32>} : memref<96x16xf32, #tpu.memory_space<vmem>>, vector<1x16xf32>,
    %swap3A_570 = vector.shape_cast %swap3A_569 : vector<1x16xf32> to vector<16xf32>
    %swap3A_571 = vector.shape_cast %broadcast_in_dim3A_565 : vector<16xf32> to vector<1x16xf32>
    tpu.vector_store %arg16[%swap3A_567, %swap3A_568], %swap3A_571 {strides = array<i32>} : memref<96x16xf32, #tpu.memory_space<vmem>>, vector<1x16xf32>,
    %broadcast_in_dim3A_572 = arith.constant 0.000000e+00 : f32
    %broadcast_in_dim3A_573 = vector.broadcast %broadcast_in_dim3A_572 : f32 to vector<16xf32>
    %swap3A_574 = arith.constant 30 : i32
    %swap3A_575 = arith.index_cast %swap3A_574 : i32 to index
    %swap3A_576 = arith.constant 0 : index
    %swap3A_577 = tpu.vector_load %arg17[%swap3A_575, %swap3A_576] {strides = array<i32>} : memref<96x16xf32, #tpu.memory_space<vmem>>, vector<1x16xf32>,
    %swap3A_578 = vector.shape_cast %swap3A_577 : vector<1x16xf32> to vector<16xf32>
    %swap3A_579 = vector.shape_cast %broadcast_in_dim3A_573 : vector<16xf32> to vector<1x16xf32>
    tpu.vector_store %arg17[%swap3A_575, %swap3A_576], %swap3A_579 {strides = array<i32>} : memref<96x16xf32, #tpu.memory_space<vmem>>, vector<1x16xf32>,
    %broadcast_in_dim3A_580 = arith.constant 1.000000e+00 : f32
    %broadcast_in_dim3A_581 = vector.broadcast %broadcast_in_dim3A_580 : f32 to vector<16xf32>
    %swap3A_582 = arith.constant 31 : i32
    %swap3A_583 = arith.index_cast %swap3A_582 : i32 to index
    %swap3A_584 = arith.constant 0 : index
    %swap3A_585 = tpu.vector_load %arg16[%swap3A_583, %swap3A_584] {strides = array<i32>} : memref<96x16xf32, #tpu.memory_space<vmem>>, vector<1x16xf32>,
    %swap3A_586 = vector.shape_cast %swap3A_585 : vector<1x16xf32> to vector<16xf32>
    %swap3A_587 = vector.shape_cast %broadcast_in_dim3A_581 : vector<16xf32> to vector<1x16xf32>
    tpu.vector_store %arg16[%swap3A_583, %swap3A_584], %swap3A_587 {strides = array<i32>} : memref<96x16xf32, #tpu.memory_space<vmem>>, vector<1x16xf32>,
    %broadcast_in_dim3A_588 = arith.constant 0.000000e+00 : f32
    %broadcast_in_dim3A_589 = vector.broadcast %broadcast_in_dim3A_588 : f32 to vector<16xf32>
    %swap3A_590 = arith.constant 31 : i32
    %swap3A_591 = arith.index_cast %swap3A_590 : i32 to index
    %swap3A_592 = arith.constant 0 : index
    %swap3A_593 = tpu.vector_load %arg17[%swap3A_591, %swap3A_592] {strides = array<i32>} : memref<96x16xf32, #tpu.memory_space<vmem>>, vector<1x16xf32>,
    %swap3A_594 = vector.shape_cast %swap3A_593 : vector<1x16xf32> to vector<16xf32>
    %swap3A_595 = vector.shape_cast %broadcast_in_dim3A_589 : vector<16xf32> to vector<1x16xf32>
    tpu.vector_store %arg17[%swap3A_591, %swap3A_592], %swap3A_595 {strides = array<i32>} : memref<96x16xf32, #tpu.memory_space<vmem>>, vector<1x16xf32>,
    %broadcast_in_dim3A_596 = arith.constant 1.000000e+00 : f32
    %broadcast_in_dim3A_597 = vector.broadcast %broadcast_in_dim3A_596 : f32 to vector<16xf32>
    %swap3A_598 = arith.constant 32 : i32
    %swap3A_599 = arith.index_cast %swap3A_598 : i32 to index
    %swap3A_600 = arith.constant 0 : index
    %swap3A_601 = tpu.vector_load %arg16[%swap3A_599, %swap3A_600] {strides = array<i32>} : memref<96x16xf32, #tpu.memory_space<vmem>>, vector<1x16xf32>,
    %swap3A_602 = vector.shape_cast %swap3A_601 : vector<1x16xf32> to vector<16xf32>
    %swap3A_603 = vector.shape_cast %broadcast_in_dim3A_597 : vector<16xf32> to vector<1x16xf32>
    tpu.vector_store %arg16[%swap3A_599, %swap3A_600], %swap3A_603 {strides = array<i32>} : memref<96x16xf32, #tpu.memory_space<vmem>>, vector<1x16xf32>,
    %broadcast_in_dim3A_604 = arith.constant 0.000000e+00 : f32
    %broadcast_in_dim3A_605 = vector.broadcast %broadcast_in_dim3A_604 : f32 to vector<16xf32>
    %swap3A_606 = arith.constant 32 : i32
    %swap3A_607 = arith.index_cast %swap3A_606 : i32 to index
    %swap3A_608 = arith.constant 0 : index
    %swap3A_609 = tpu.vector_load %arg17[%swap3A_607, %swap3A_608] {strides = array<i32>} : memref<96x16xf32, #tpu.memory_space<vmem>>, vector<1x16xf32>,
    %swap3A_610 = vector.shape_cast %swap3A_609 : vector<1x16xf32> to vector<16xf32>
    %swap3A_611 = vector.shape_cast %broadcast_in_dim3A_605 : vector<16xf32> to vector<1x16xf32>
    tpu.vector_store %arg17[%swap3A_607, %swap3A_608], %swap3A_611 {strides = array<i32>} : memref<96x16xf32, #tpu.memory_space<vmem>>, vector<1x16xf32>,
    %broadcast_in_dim3A_612 = arith.constant 1.000000e+00 : f32
    %broadcast_in_dim3A_613 = vector.broadcast %broadcast_in_dim3A_612 : f32 to vector<16xf32>
    %swap3A_614 = arith.constant 33 : i32
    %swap3A_615 = arith.index_cast %swap3A_614 : i32 to index
    %swap3A_616 = arith.constant 0 : index
    %swap3A_617 = tpu.vector_load %arg16[%swap3A_615, %swap3A_616] {strides = array<i32>} : memref<96x16xf32, #tpu.memory_space<vmem>>, vector<1x16xf32>,
    %swap3A_618 = vector.shape_cast %swap3A_617 : vector<1x16xf32> to vector<16xf32>
    %swap3A_619 = vector.shape_cast %broadcast_in_dim3A_613 : vector<16xf32> to vector<1x16xf32>
    tpu.vector_store %arg16[%swap3A_615, %swap3A_616], %swap3A_619 {strides = array<i32>} : memref<96x16xf32, #tpu.memory_space<vmem>>, vector<1x16xf32>,
    %broadcast_in_dim3A_620 = arith.constant 0.000000e+00 : f32
    %broadcast_in_dim3A_621 = vector.broadcast %broadcast_in_dim3A_620 : f32 to vector<16xf32>
    %swap3A_622 = arith.constant 33 : i32
    %swap3A_623 = arith.index_cast %swap3A_622 : i32 to index
    %swap3A_624 = arith.constant 0 : index
    %swap3A_625 = tpu.vector_load %arg17[%swap3A_623, %swap3A_624] {strides = array<i32>} : memref<96x16xf32, #tpu.memory_space<vmem>>, vector<1x16xf32>,
    %swap3A_626 = vector.shape_cast %swap3A_625 : vector<1x16xf32> to vector<16xf32>
    %swap3A_627 = vector.shape_cast %broadcast_in_dim3A_621 : vector<16xf32> to vector<1x16xf32>
    tpu.vector_store %arg17[%swap3A_623, %swap3A_624], %swap3A_627 {strides = array<i32>} : memref<96x16xf32, #tpu.memory_space<vmem>>, vector<1x16xf32>,
    %broadcast_in_dim3A_628 = arith.constant 1.000000e+00 : f32
    %broadcast_in_dim3A_629 = vector.broadcast %broadcast_in_dim3A_628 : f32 to vector<16xf32>
    %swap3A_630 = arith.constant 34 : i32
    %swap3A_631 = arith.index_cast %swap3A_630 : i32 to index
    %swap3A_632 = arith.constant 0 : index
    %swap3A_633 = tpu.vector_load %arg16[%swap3A_631, %swap3A_632] {strides = array<i32>} : memref<96x16xf32, #tpu.memory_space<vmem>>, vector<1x16xf32>,
    %swap3A_634 = vector.shape_cast %swap3A_633 : vector<1x16xf32> to vector<16xf32>
    %swap3A_635 = vector.shape_cast %broadcast_in_dim3A_629 : vector<16xf32> to vector<1x16xf32>
    tpu.vector_store %arg16[%swap3A_631, %swap3A_632], %swap3A_635 {strides = array<i32>} : memref<96x16xf32, #tpu.memory_space<vmem>>, vector<1x16xf32>,
    %broadcast_in_dim3A_636 = arith.constant 0.000000e+00 : f32
    %broadcast_in_dim3A_637 = vector.broadcast %broadcast_in_dim3A_636 : f32 to vector<16xf32>
    %swap3A_638 = arith.constant 34 : i32
    %swap3A_639 = arith.index_cast %swap3A_638 : i32 to index
    %swap3A_640 = arith.constant 0 : index
    %swap3A_641 = tpu.vector_load %arg17[%swap3A_639, %swap3A_640] {strides = array<i32>} : memref<96x16xf32, #tpu.memory_space<vmem>>, vector<1x16xf32>,
    %swap3A_642 = vector.shape_cast %swap3A_641 : vector<1x16xf32> to vector<16xf32>
    %swap3A_643 = vector.shape_cast %broadcast_in_dim3A_637 : vector<16xf32> to vector<1x16xf32>
    tpu.vector_store %arg17[%swap3A_639, %swap3A_640], %swap3A_643 {strides = array<i32>} : memref<96x16xf32, #tpu.memory_space<vmem>>, vector<1x16xf32>,
    %broadcast_in_dim3A_644 = arith.constant 1.000000e+00 : f32
    %broadcast_in_dim3A_645 = vector.broadcast %broadcast_in_dim3A_644 : f32 to vector<16xf32>
    %swap3A_646 = arith.constant 35 : i32
    %swap3A_647 = arith.index_cast %swap3A_646 : i32 to index
    %swap3A_648 = arith.constant 0 : index
    %swap3A_649 = tpu.vector_load %arg16[%swap3A_647, %swap3A_648] {strides = array<i32>} : memref<96x16xf32, #tpu.memory_space<vmem>>, vector<1x16xf32>,
    %swap3A_650 = vector.shape_cast %swap3A_649 : vector<1x16xf32> to vector<16xf32>
    %swap3A_651 = vector.shape_cast %broadcast_in_dim3A_645 : vector<16xf32> to vector<1x16xf32>
    tpu.vector_store %arg16[%swap3A_647, %swap3A_648], %swap3A_651 {strides = array<i32>} : memref<96x16xf32, #tpu.memory_space<vmem>>, vector<1x16xf32>,
    %broadcast_in_dim3A_652 = arith.constant 0.000000e+00 : f32
    %broadcast_in_dim3A_653 = vector.broadcast %broadcast_in_dim3A_652 : f32 to vector<16xf32>
    %swap3A_654 = arith.constant 35 : i32
    %swap3A_655 = arith.index_cast %swap3A_654 : i32 to index
    %swap3A_656 = arith.constant 0 : index
    %swap3A_657 = tpu.vector_load %arg17[%swap3A_655, %swap3A_656] {strides = array<i32>} : memref<96x16xf32, #tpu.memory_space<vmem>>, vector<1x16xf32>,
    %swap3A_658 = vector.shape_cast %swap3A_657 : vector<1x16xf32> to vector<16xf32>
    %swap3A_659 = vector.shape_cast %broadcast_in_dim3A_653 : vector<16xf32> to vector<1x16xf32>
    tpu.vector_store %arg17[%swap3A_655, %swap3A_656], %swap3A_659 {strides = array<i32>} : memref<96x16xf32, #tpu.memory_space<vmem>>, vector<1x16xf32>,
    %broadcast_in_dim3A_660 = arith.constant 1.000000e+00 : f32
    %broadcast_in_dim3A_661 = vector.broadcast %broadcast_in_dim3A_660 : f32 to vector<16xf32>
    %swap3A_662 = arith.constant 36 : i32
    %swap3A_663 = arith.index_cast %swap3A_662 : i32 to index
    %swap3A_664 = arith.constant 0 : index
    %swap3A_665 = tpu.vector_load %arg16[%swap3A_663, %swap3A_664] {strides = array<i32>} : memref<96x16xf32, #tpu.memory_space<vmem>>, vector<1x16xf32>,
    %swap3A_666 = vector.shape_cast %swap3A_665 : vector<1x16xf32> to vector<16xf32>
    %swap3A_667 = vector.shape_cast %broadcast_in_dim3A_661 : vector<16xf32> to vector<1x16xf32>
    tpu.vector_store %arg16[%swap3A_663, %swap3A_664], %swap3A_667 {strides = array<i32>} : memref<96x16xf32, #tpu.memory_space<vmem>>, vector<1x16xf32>,
    %broadcast_in_dim3A_668 = arith.constant 0.000000e+00 : f32
    %broadcast_in_dim3A_669 = vector.broadcast %broadcast_in_dim3A_668 : f32 to vector<16xf32>
    %swap3A_670 = arith.constant 36 : i32
    %swap3A_671 = arith.index_cast %swap3A_670 : i32 to index
    %swap3A_672 = arith.constant 0 : index
    %swap3A_673 = tpu.vector_load %arg17[%swap3A_671, %swap3A_672] {strides = array<i32>} : memref<96x16xf32, #tpu.memory_space<vmem>>, vector<1x16xf32>,
    %swap3A_674 = vector.shape_cast %swap3A_673 : vector<1x16xf32> to vector<16xf32>
    %swap3A_675 = vector.shape_cast %broadcast_in_dim3A_669 : vector<16xf32> to vector<1x16xf32>
    tpu.vector_store %arg17[%swap3A_671, %swap3A_672], %swap3A_675 {strides = array<i32>} : memref<96x16xf32, #tpu.memory_space<vmem>>, vector<1x16xf32>,
    %broadcast_in_dim3A_676 = arith.constant 1.000000e+00 : f32
    %broadcast_in_dim3A_677 = vector.broadcast %broadcast_in_dim3A_676 : f32 to vector<16xf32>
    %swap3A_678 = arith.constant 37 : i32
    %swap3A_679 = arith.index_cast %swap3A_678 : i32 to index
    %swap3A_680 = arith.constant 0 : index
    %swap3A_681 = tpu.vector_load %arg16[%swap3A_679, %swap3A_680] {strides = array<i32>} : memref<96x16xf32, #tpu.memory_space<vmem>>, vector<1x16xf32>,
    %swap3A_682 = vector.shape_cast %swap3A_681 : vector<1x16xf32> to vector<16xf32>
    %swap3A_683 = vector.shape_cast %broadcast_in_dim3A_677 : vector<16xf32> to vector<1x16xf32>
    tpu.vector_store %arg16[%swap3A_679, %swap3A_680], %swap3A_683 {strides = array<i32>} : memref<96x16xf32, #tpu.memory_space<vmem>>, vector<1x16xf32>,
    %broadcast_in_dim3A_684 = arith.constant 0.000000e+00 : f32
    %broadcast_in_dim3A_685 = vector.broadcast %broadcast_in_dim3A_684 : f32 to vector<16xf32>
    %swap3A_686 = arith.constant 37 : i32
    %swap3A_687 = arith.index_cast %swap3A_686 : i32 to index
    %swap3A_688 = arith.constant 0 : index
    %swap3A_689 = tpu.vector_load %arg17[%swap3A_687, %swap3A_688] {strides = array<i32>} : memref<96x16xf32, #tpu.memory_space<vmem>>, vector<1x16xf32>,
    %swap3A_690 = vector.shape_cast %swap3A_689 : vector<1x16xf32> to vector<16xf32>
    %swap3A_691 = vector.shape_cast %broadcast_in_dim3A_685 : vector<16xf32> to vector<1x16xf32>
    tpu.vector_store %arg17[%swap3A_687, %swap3A_688], %swap3A_691 {strides = array<i32>} : memref<96x16xf32, #tpu.memory_space<vmem>>, vector<1x16xf32>,
    %broadcast_in_dim3A_692 = arith.constant 1.000000e+00 : f32
    %broadcast_in_dim3A_693 = vector.broadcast %broadcast_in_dim3A_692 : f32 to vector<16xf32>
    %swap3A_694 = arith.constant 38 : i32
    %swap3A_695 = arith.index_cast %swap3A_694 : i32 to index
    %swap3A_696 = arith.constant 0 : index
    %swap3A_697 = tpu.vector_load %arg16[%swap3A_695, %swap3A_696] {strides = array<i32>} : memref<96x16xf32, #tpu.memory_space<vmem>>, vector<1x16xf32>,
    %swap3A_698 = vector.shape_cast %swap3A_697 : vector<1x16xf32> to vector<16xf32>
    %swap3A_699 = vector.shape_cast %broadcast_in_dim3A_693 : vector<16xf32> to vector<1x16xf32>
    tpu.vector_store %arg16[%swap3A_695, %swap3A_696], %swap3A_699 {strides = array<i32>} : memref<96x16xf32, #tpu.memory_space<vmem>>, vector<1x16xf32>,
    %broadcast_in_dim3A_700 = arith.constant 0.000000e+00 : f32
    %broadcast_in_dim3A_701 = vector.broadcast %broadcast_in_dim3A_700 : f32 to vector<16xf32>
    %swap3A_702 = arith.constant 38 : i32
    %swap3A_703 = arith.index_cast %swap3A_702 : i32 to index
    %swap3A_704 = arith.constant 0 : index
    %swap3A_705 = tpu.vector_load %arg17[%swap3A_703, %swap3A_704] {strides = array<i32>} : memref<96x16xf32, #tpu.memory_space<vmem>>, vector<1x16xf32>,
    %swap3A_706 = vector.shape_cast %swap3A_705 : vector<1x16xf32> to vector<16xf32>
    %swap3A_707 = vector.shape_cast %broadcast_in_dim3A_701 : vector<16xf32> to vector<1x16xf32>
    tpu.vector_store %arg17[%swap3A_703, %swap3A_704], %swap3A_707 {strides = array<i32>} : memref<96x16xf32, #tpu.memory_space<vmem>>, vector<1x16xf32>,
    %broadcast_in_dim3A_708 = arith.constant 1.000000e+00 : f32
    %broadcast_in_dim3A_709 = vector.broadcast %broadcast_in_dim3A_708 : f32 to vector<16xf32>
    %swap3A_710 = arith.constant 39 : i32
    %swap3A_711 = arith.index_cast %swap3A_710 : i32 to index
    %swap3A_712 = arith.constant 0 : index
    %swap3A_713 = tpu.vector_load %arg16[%swap3A_711, %swap3A_712] {strides = array<i32>} : memref<96x16xf32, #tpu.memory_space<vmem>>, vector<1x16xf32>,
    %swap3A_714 = vector.shape_cast %swap3A_713 : vector<1x16xf32> to vector<16xf32>
    %swap3A_715 = vector.shape_cast %broadcast_in_dim3A_709 : vector<16xf32> to vector<1x16xf32>
    tpu.vector_store %arg16[%swap3A_711, %swap3A_712], %swap3A_715 {strides = array<i32>} : memref<96x16xf32, #tpu.memory_space<vmem>>, vector<1x16xf32>,
    %broadcast_in_dim3A_716 = arith.constant 0.000000e+00 : f32
    %broadcast_in_dim3A_717 = vector.broadcast %broadcast_in_dim3A_716 : f32 to vector<16xf32>
    %swap3A_718 = arith.constant 39 : i32
    %swap3A_719 = arith.index_cast %swap3A_718 : i32 to index
    %swap3A_720 = arith.constant 0 : index
    %swap3A_721 = tpu.vector_load %arg17[%swap3A_719, %swap3A_720] {strides = array<i32>} : memref<96x16xf32, #tpu.memory_space<vmem>>, vector<1x16xf32>,
    %swap3A_722 = vector.shape_cast %swap3A_721 : vector<1x16xf32> to vector<16xf32>
    %swap3A_723 = vector.shape_cast %broadcast_in_dim3A_717 : vector<16xf32> to vector<1x16xf32>
    tpu.vector_store %arg17[%swap3A_719, %swap3A_720], %swap3A_723 {strides = array<i32>} : memref<96x16xf32, #tpu.memory_space<vmem>>, vector<1x16xf32>,
    %broadcast_in_dim3A_724 = arith.constant 1.000000e+00 : f32
    %broadcast_in_dim3A_725 = vector.broadcast %broadcast_in_dim3A_724 : f32 to vector<16xf32>
    %swap3A_726 = arith.constant 40 : i32
    %swap3A_727 = arith.index_cast %swap3A_726 : i32 to index
    %swap3A_728 = arith.constant 0 : index
    %swap3A_729 = tpu.vector_load %arg16[%swap3A_727, %swap3A_728] {strides = array<i32>} : memref<96x16xf32, #tpu.memory_space<vmem>>, vector<1x16xf32>,
    %swap3A_730 = vector.shape_cast %swap3A_729 : vector<1x16xf32> to vector<16xf32>
    %swap3A_731 = vector.shape_cast %broadcast_in_dim3A_725 : vector<16xf32> to vector<1x16xf32>
    tpu.vector_store %arg16[%swap3A_727, %swap3A_728], %swap3A_731 {strides = array<i32>} : memref<96x16xf32, #tpu.memory_space<vmem>>, vector<1x16xf32>,
    %broadcast_in_dim3A_732 = arith.constant 0.000000e+00 : f32
    %broadcast_in_dim3A_733 = vector.broadcast %broadcast_in_dim3A_732 : f32 to vector<16xf32>
    %swap3A_734 = arith.constant 40 : i32
    %swap3A_735 = arith.index_cast %swap3A_734 : i32 to index
    %swap3A_736 = arith.constant 0 : index
    %swap3A_737 = tpu.vector_load %arg17[%swap3A_735, %swap3A_736] {strides = array<i32>} : memref<96x16xf32, #tpu.memory_space<vmem>>, vector<1x16xf32>,
    %swap3A_738 = vector.shape_cast %swap3A_737 : vector<1x16xf32> to vector<16xf32>
    %swap3A_739 = vector.shape_cast %broadcast_in_dim3A_733 : vector<16xf32> to vector<1x16xf32>
    tpu.vector_store %arg17[%swap3A_735, %swap3A_736], %swap3A_739 {strides = array<i32>} : memref<96x16xf32, #tpu.memory_space<vmem>>, vector<1x16xf32>,
    %broadcast_in_dim3A_740 = arith.constant 1.000000e+00 : f32
    %broadcast_in_dim3A_741 = vector.broadcast %broadcast_in_dim3A_740 : f32 to vector<16xf32>
    %swap3A_742 = arith.constant 41 : i32
    %swap3A_743 = arith.index_cast %swap3A_742 : i32 to index
    %swap3A_744 = arith.constant 0 : index
    %swap3A_745 = tpu.vector_load %arg16[%swap3A_743, %swap3A_744] {strides = array<i32>} : memref<96x16xf32, #tpu.memory_space<vmem>>, vector<1x16xf32>,
    %swap3A_746 = vector.shape_cast %swap3A_745 : vector<1x16xf32> to vector<16xf32>
    %swap3A_747 = vector.shape_cast %broadcast_in_dim3A_741 : vector<16xf32> to vector<1x16xf32>
    tpu.vector_store %arg16[%swap3A_743, %swap3A_744], %swap3A_747 {strides = array<i32>} : memref<96x16xf32, #tpu.memory_space<vmem>>, vector<1x16xf32>,
    %broadcast_in_dim3A_748 = arith.constant 0.000000e+00 : f32
    %broadcast_in_dim3A_749 = vector.broadcast %broadcast_in_dim3A_748 : f32 to vector<16xf32>
    %swap3A_750 = arith.constant 41 : i32
    %swap3A_751 = arith.index_cast %swap3A_750 : i32 to index
    %swap3A_752 = arith.constant 0 : index
    %swap3A_753 = tpu.vector_load %arg17[%swap3A_751, %swap3A_752] {strides = array<i32>} : memref<96x16xf32, #tpu.memory_space<vmem>>, vector<1x16xf32>,
    %swap3A_754 = vector.shape_cast %swap3A_753 : vector<1x16xf32> to vector<16xf32>
    %swap3A_755 = vector.shape_cast %broadcast_in_dim3A_749 : vector<16xf32> to vector<1x16xf32>
    tpu.vector_store %arg17[%swap3A_751, %swap3A_752], %swap3A_755 {strides = array<i32>} : memref<96x16xf32, #tpu.memory_space<vmem>>, vector<1x16xf32>,
    %broadcast_in_dim3A_756 = arith.constant 1.000000e+00 : f32
    %broadcast_in_dim3A_757 = vector.broadcast %broadcast_in_dim3A_756 : f32 to vector<16xf32>
    %swap3A_758 = arith.constant 42 : i32
    %swap3A_759 = arith.index_cast %swap3A_758 : i32 to index
    %swap3A_760 = arith.constant 0 : index
    %swap3A_761 = tpu.vector_load %arg16[%swap3A_759, %swap3A_760] {strides = array<i32>} : memref<96x16xf32, #tpu.memory_space<vmem>>, vector<1x16xf32>,
    %swap3A_762 = vector.shape_cast %swap3A_761 : vector<1x16xf32> to vector<16xf32>
    %swap3A_763 = vector.shape_cast %broadcast_in_dim3A_757 : vector<16xf32> to vector<1x16xf32>
    tpu.vector_store %arg16[%swap3A_759, %swap3A_760], %swap3A_763 {strides = array<i32>} : memref<96x16xf32, #tpu.memory_space<vmem>>, vector<1x16xf32>,
    %broadcast_in_dim3A_764 = arith.constant 0.000000e+00 : f32
    %broadcast_in_dim3A_765 = vector.broadcast %broadcast_in_dim3A_764 : f32 to vector<16xf32>
    %swap3A_766 = arith.constant 42 : i32
    %swap3A_767 = arith.index_cast %swap3A_766 : i32 to index
    %swap3A_768 = arith.constant 0 : index
    %swap3A_769 = tpu.vector_load %arg17[%swap3A_767, %swap3A_768] {strides = array<i32>} : memref<96x16xf32, #tpu.memory_space<vmem>>, vector<1x16xf32>,
    %swap3A_770 = vector.shape_cast %swap3A_769 : vector<1x16xf32> to vector<16xf32>
    %swap3A_771 = vector.shape_cast %broadcast_in_dim3A_765 : vector<16xf32> to vector<1x16xf32>
    tpu.vector_store %arg17[%swap3A_767, %swap3A_768], %swap3A_771 {strides = array<i32>} : memref<96x16xf32, #tpu.memory_space<vmem>>, vector<1x16xf32>,
    %broadcast_in_dim3A_772 = arith.constant 1.000000e+00 : f32
    %broadcast_in_dim3A_773 = vector.broadcast %broadcast_in_dim3A_772 : f32 to vector<16xf32>
    %swap3A_774 = arith.constant 43 : i32
    %swap3A_775 = arith.index_cast %swap3A_774 : i32 to index
    %swap3A_776 = arith.constant 0 : index
    %swap3A_777 = tpu.vector_load %arg16[%swap3A_775, %swap3A_776] {strides = array<i32>} : memref<96x16xf32, #tpu.memory_space<vmem>>, vector<1x16xf32>,
    %swap3A_778 = vector.shape_cast %swap3A_777 : vector<1x16xf32> to vector<16xf32>
    %swap3A_779 = vector.shape_cast %broadcast_in_dim3A_773 : vector<16xf32> to vector<1x16xf32>
    tpu.vector_store %arg16[%swap3A_775, %swap3A_776], %swap3A_779 {strides = array<i32>} : memref<96x16xf32, #tpu.memory_space<vmem>>, vector<1x16xf32>,
    %broadcast_in_dim3A_780 = arith.constant 0.000000e+00 : f32
    %broadcast_in_dim3A_781 = vector.broadcast %broadcast_in_dim3A_780 : f32 to vector<16xf32>
    %swap3A_782 = arith.constant 43 : i32
    %swap3A_783 = arith.index_cast %swap3A_782 : i32 to index
    %swap3A_784 = arith.constant 0 : index
    %swap3A_785 = tpu.vector_load %arg17[%swap3A_783, %swap3A_784] {strides = array<i32>} : memref<96x16xf32, #tpu.memory_space<vmem>>, vector<1x16xf32>,
    %swap3A_786 = vector.shape_cast %swap3A_785 : vector<1x16xf32> to vector<16xf32>
    %swap3A_787 = vector.shape_cast %broadcast_in_dim3A_781 : vector<16xf32> to vector<1x16xf32>
    tpu.vector_store %arg17[%swap3A_783, %swap3A_784], %swap3A_787 {strides = array<i32>} : memref<96x16xf32, #tpu.memory_space<vmem>>, vector<1x16xf32>,
    %broadcast_in_dim3A_788 = arith.constant 1.000000e+00 : f32
    %broadcast_in_dim3A_789 = vector.broadcast %broadcast_in_dim3A_788 : f32 to vector<16xf32>
    %swap3A_790 = arith.constant 44 : i32
    %swap3A_791 = arith.index_cast %swap3A_790 : i32 to index
    %swap3A_792 = arith.constant 0 : index
    %swap3A_793 = tpu.vector_load %arg16[%swap3A_791, %swap3A_792] {strides = array<i32>} : memref<96x16xf32, #tpu.memory_space<vmem>>, vector<1x16xf32>,
    %swap3A_794 = vector.shape_cast %swap3A_793 : vector<1x16xf32> to vector<16xf32>
    %swap3A_795 = vector.shape_cast %broadcast_in_dim3A_789 : vector<16xf32> to vector<1x16xf32>
    tpu.vector_store %arg16[%swap3A_791, %swap3A_792], %swap3A_795 {strides = array<i32>} : memref<96x16xf32, #tpu.memory_space<vmem>>, vector<1x16xf32>,
    %broadcast_in_dim3A_796 = arith.constant 0.000000e+00 : f32
    %broadcast_in_dim3A_797 = vector.broadcast %broadcast_in_dim3A_796 : f32 to vector<16xf32>
    %swap3A_798 = arith.constant 44 : i32
    %swap3A_799 = arith.index_cast %swap3A_798 : i32 to index
    %swap3A_800 = arith.constant 0 : index
    %swap3A_801 = tpu.vector_load %arg17[%swap3A_799, %swap3A_800] {strides = array<i32>} : memref<96x16xf32, #tpu.memory_space<vmem>>, vector<1x16xf32>,
    %swap3A_802 = vector.shape_cast %swap3A_801 : vector<1x16xf32> to vector<16xf32>
    %swap3A_803 = vector.shape_cast %broadcast_in_dim3A_797 : vector<16xf32> to vector<1x16xf32>
    tpu.vector_store %arg17[%swap3A_799, %swap3A_800], %swap3A_803 {strides = array<i32>} : memref<96x16xf32, #tpu.memory_space<vmem>>, vector<1x16xf32>,
    %broadcast_in_dim3A_804 = arith.constant 1.000000e+00 : f32
    %broadcast_in_dim3A_805 = vector.broadcast %broadcast_in_dim3A_804 : f32 to vector<16xf32>
    %swap3A_806 = arith.constant 45 : i32
    %swap3A_807 = arith.index_cast %swap3A_806 : i32 to index
    %swap3A_808 = arith.constant 0 : index
    %swap3A_809 = tpu.vector_load %arg16[%swap3A_807, %swap3A_808] {strides = array<i32>} : memref<96x16xf32, #tpu.memory_space<vmem>>, vector<1x16xf32>,
    %swap3A_810 = vector.shape_cast %swap3A_809 : vector<1x16xf32> to vector<16xf32>
    %swap3A_811 = vector.shape_cast %broadcast_in_dim3A_805 : vector<16xf32> to vector<1x16xf32>
    tpu.vector_store %arg16[%swap3A_807, %swap3A_808], %swap3A_811 {strides = array<i32>} : memref<96x16xf32, #tpu.memory_space<vmem>>, vector<1x16xf32>,
    %broadcast_in_dim3A_812 = arith.constant 0.000000e+00 : f32
    %broadcast_in_dim3A_813 = vector.broadcast %broadcast_in_dim3A_812 : f32 to vector<16xf32>
    %swap3A_814 = arith.constant 45 : i32
    %swap3A_815 = arith.index_cast %swap3A_814 : i32 to index
    %swap3A_816 = arith.constant 0 : index
    %swap3A_817 = tpu.vector_load %arg17[%swap3A_815, %swap3A_816] {strides = array<i32>} : memref<96x16xf32, #tpu.memory_space<vmem>>, vector<1x16xf32>,
    %swap3A_818 = vector.shape_cast %swap3A_817 : vector<1x16xf32> to vector<16xf32>
    %swap3A_819 = vector.shape_cast %broadcast_in_dim3A_813 : vector<16xf32> to vector<1x16xf32>
    tpu.vector_store %arg17[%swap3A_815, %swap3A_816], %swap3A_819 {strides = array<i32>} : memref<96x16xf32, #tpu.memory_space<vmem>>, vector<1x16xf32>,
    %broadcast_in_dim3A_820 = arith.constant 1.000000e+00 : f32
    %broadcast_in_dim3A_821 = vector.broadcast %broadcast_in_dim3A_820 : f32 to vector<16xf32>
    %swap3A_822 = arith.constant 46 : i32
    %swap3A_823 = arith.index_cast %swap3A_822 : i32 to index
    %swap3A_824 = arith.constant 0 : index
    %swap3A_825 = tpu.vector_load %arg16[%swap3A_823, %swap3A_824] {strides = array<i32>} : memref<96x16xf32, #tpu.memory_space<vmem>>, vector<1x16xf32>,
    %swap3A_826 = vector.shape_cast %swap3A_825 : vector<1x16xf32> to vector<16xf32>
    %swap3A_827 = vector.shape_cast %broadcast_in_dim3A_821 : vector<16xf32> to vector<1x16xf32>
    tpu.vector_store %arg16[%swap3A_823, %swap3A_824], %swap3A_827 {strides = array<i32>} : memref<96x16xf32, #tpu.memory_space<vmem>>, vector<1x16xf32>,
    %broadcast_in_dim3A_828 = arith.constant 0.000000e+00 : f32
    %broadcast_in_dim3A_829 = vector.broadcast %broadcast_in_dim3A_828 : f32 to vector<16xf32>
    %swap3A_830 = arith.constant 46 : i32
    %swap3A_831 = arith.index_cast %swap3A_830 : i32 to index
    %swap3A_832 = arith.constant 0 : index
    %swap3A_833 = tpu.vector_load %arg17[%swap3A_831, %swap3A_832] {strides = array<i32>} : memref<96x16xf32, #tpu.memory_space<vmem>>, vector<1x16xf32>,
    %swap3A_834 = vector.shape_cast %swap3A_833 : vector<1x16xf32> to vector<16xf32>
    %swap3A_835 = vector.shape_cast %broadcast_in_dim3A_829 : vector<16xf32> to vector<1x16xf32>
    tpu.vector_store %arg17[%swap3A_831, %swap3A_832], %swap3A_835 {strides = array<i32>} : memref<96x16xf32, #tpu.memory_space<vmem>>, vector<1x16xf32>,
    %broadcast_in_dim3A_836 = arith.constant 1.000000e+00 : f32
    %broadcast_in_dim3A_837 = vector.broadcast %broadcast_in_dim3A_836 : f32 to vector<16xf32>
    %swap3A_838 = arith.constant 47 : i32
    %swap3A_839 = arith.index_cast %swap3A_838 : i32 to index
    %swap3A_840 = arith.constant 0 : index
    %swap3A_841 = tpu.vector_load %arg16[%swap3A_839, %swap3A_840] {strides = array<i32>} : memref<96x16xf32, #tpu.memory_space<vmem>>, vector<1x16xf32>,
    %swap3A_842 = vector.shape_cast %swap3A_841 : vector<1x16xf32> to vector<16xf32>
    %swap3A_843 = vector.shape_cast %broadcast_in_dim3A_837 : vector<16xf32> to vector<1x16xf32>
    tpu.vector_store %arg16[%swap3A_839, %swap3A_840], %swap3A_843 {strides = array<i32>} : memref<96x16xf32, #tpu.memory_space<vmem>>, vector<1x16xf32>,
    %broadcast_in_dim3A_844 = arith.constant 0.000000e+00 : f32
    %broadcast_in_dim3A_845 = vector.broadcast %broadcast_in_dim3A_844 : f32 to vector<16xf32>
    %swap3A_846 = arith.constant 47 : i32
    %swap3A_847 = arith.index_cast %swap3A_846 : i32 to index
    %swap3A_848 = arith.constant 0 : index
    %swap3A_849 = tpu.vector_load %arg17[%swap3A_847, %swap3A_848] {strides = array<i32>} : memref<96x16xf32, #tpu.memory_space<vmem>>, vector<1x16xf32>,
    %swap3A_850 = vector.shape_cast %swap3A_849 : vector<1x16xf32> to vector<16xf32>
    %swap3A_851 = vector.shape_cast %broadcast_in_dim3A_845 : vector<16xf32> to vector<1x16xf32>
    tpu.vector_store %arg17[%swap3A_847, %swap3A_848], %swap3A_851 {strides = array<i32>} : memref<96x16xf32, #tpu.memory_space<vmem>>, vector<1x16xf32>,
    %broadcast_in_dim3A_852 = arith.constant 1.000000e+00 : f32
    %broadcast_in_dim3A_853 = vector.broadcast %broadcast_in_dim3A_852 : f32 to vector<16xf32>
    %swap3A_854 = arith.constant 48 : i32
    %swap3A_855 = arith.index_cast %swap3A_854 : i32 to index
    %swap3A_856 = arith.constant 0 : index
    %swap3A_857 = tpu.vector_load %arg16[%swap3A_855, %swap3A_856] {strides = array<i32>} : memref<96x16xf32, #tpu.memory_space<vmem>>, vector<1x16xf32>,
    %swap3A_858 = vector.shape_cast %swap3A_857 : vector<1x16xf32> to vector<16xf32>
    %swap3A_859 = vector.shape_cast %broadcast_in_dim3A_853 : vector<16xf32> to vector<1x16xf32>
    tpu.vector_store %arg16[%swap3A_855, %swap3A_856], %swap3A_859 {strides = array<i32>} : memref<96x16xf32, #tpu.memory_space<vmem>>, vector<1x16xf32>,
    %broadcast_in_dim3A_860 = arith.constant 0.000000e+00 : f32
    %broadcast_in_dim3A_861 = vector.broadcast %broadcast_in_dim3A_860 : f32 to vector<16xf32>
    %swap3A_862 = arith.constant 48 : i32
    %swap3A_863 = arith.index_cast %swap3A_862 : i32 to index
    %swap3A_864 = arith.constant 0 : index
    %swap3A_865 = tpu.vector_load %arg17[%swap3A_863, %swap3A_864] {strides = array<i32>} : memref<96x16xf32, #tpu.memory_space<vmem>>, vector<1x16xf32>,
    %swap3A_866 = vector.shape_cast %swap3A_865 : vector<1x16xf32> to vector<16xf32>
    %swap3A_867 = vector.shape_cast %broadcast_in_dim3A_861 : vector<16xf32> to vector<1x16xf32>
    tpu.vector_store %arg17[%swap3A_863, %swap3A_864], %swap3A_867 {strides = array<i32>} : memref<96x16xf32, #tpu.memory_space<vmem>>, vector<1x16xf32>,
    %broadcast_in_dim3A_868 = arith.constant 1.000000e+00 : f32
    %broadcast_in_dim3A_869 = vector.broadcast %broadcast_in_dim3A_868 : f32 to vector<16xf32>
    %swap3A_870 = arith.constant 49 : i32
    %swap3A_871 = arith.index_cast %swap3A_870 : i32 to index
    %swap3A_872 = arith.constant 0 : index
    %swap3A_873 = tpu.vector_load %arg16[%swap3A_871, %swap3A_872] {strides = array<i32>} : memref<96x16xf32, #tpu.memory_space<vmem>>, vector<1x16xf32>,
    %swap3A_874 = vector.shape_cast %swap3A_873 : vector<1x16xf32> to vector<16xf32>
    %swap3A_875 = vector.shape_cast %broadcast_in_dim3A_869 : vector<16xf32> to vector<1x16xf32>
    tpu.vector_store %arg16[%swap3A_871, %swap3A_872], %swap3A_875 {strides = array<i32>} : memref<96x16xf32, #tpu.memory_space<vmem>>, vector<1x16xf32>,
    %broadcast_in_dim3A_876 = arith.constant 0.000000e+00 : f32
    %broadcast_in_dim3A_877 = vector.broadcast %broadcast_in_dim3A_876 : f32 to vector<16xf32>
    %swap3A_878 = arith.constant 49 : i32
    %swap3A_879 = arith.index_cast %swap3A_878 : i32 to index
    %swap3A_880 = arith.constant 0 : index
    %swap3A_881 = tpu.vector_load %arg17[%swap3A_879, %swap3A_880] {strides = array<i32>} : memref<96x16xf32, #tpu.memory_space<vmem>>, vector<1x16xf32>,
    %swap3A_882 = vector.shape_cast %swap3A_881 : vector<1x16xf32> to vector<16xf32>
    %swap3A_883 = vector.shape_cast %broadcast_in_dim3A_877 : vector<16xf32> to vector<1x16xf32>
    tpu.vector_store %arg17[%swap3A_879, %swap3A_880], %swap3A_883 {strides = array<i32>} : memref<96x16xf32, #tpu.memory_space<vmem>>, vector<1x16xf32>,
    %broadcast_in_dim3A_884 = arith.constant 1.000000e+00 : f32
    %broadcast_in_dim3A_885 = vector.broadcast %broadcast_in_dim3A_884 : f32 to vector<16xf32>
    %swap3A_886 = arith.constant 50 : i32
    %swap3A_887 = arith.index_cast %swap3A_886 : i32 to index
    %swap3A_888 = arith.constant 0 : index
    %swap3A_889 = tpu.vector_load %arg16[%swap3A_887, %swap3A_888] {strides = array<i32>} : memref<96x16xf32, #tpu.memory_space<vmem>>, vector<1x16xf32>,
    %swap3A_890 = vector.shape_cast %swap3A_889 : vector<1x16xf32> to vector<16xf32>
    %swap3A_891 = vector.shape_cast %broadcast_in_dim3A_885 : vector<16xf32> to vector<1x16xf32>
    tpu.vector_store %arg16[%swap3A_887, %swap3A_888], %swap3A_891 {strides = array<i32>} : memref<96x16xf32, #tpu.memory_space<vmem>>, vector<1x16xf32>,
    %broadcast_in_dim3A_892 = arith.constant 0.000000e+00 : f32
    %broadcast_in_dim3A_893 = vector.broadcast %broadcast_in_dim3A_892 : f32 to vector<16xf32>
    %swap3A_894 = arith.constant 50 : i32
    %swap3A_895 = arith.index_cast %swap3A_894 : i32 to index
    %swap3A_896 = arith.constant 0 : index
    %swap3A_897 = tpu.vector_load %arg17[%swap3A_895, %swap3A_896] {strides = array<i32>} : memref<96x16xf32, #tpu.memory_space<vmem>>, vector<1x16xf32>,
    %swap3A_898 = vector.shape_cast %swap3A_897 : vector<1x16xf32> to vector<16xf32>
    %swap3A_899 = vector.shape_cast %broadcast_in_dim3A_893 : vector<16xf32> to vector<1x16xf32>
    tpu.vector_store %arg17[%swap3A_895, %swap3A_896], %swap3A_899 {strides = array<i32>} : memref<96x16xf32, #tpu.memory_space<vmem>>, vector<1x16xf32>,
    %broadcast_in_dim3A_900 = arith.constant 1.000000e+00 : f32
    %broadcast_in_dim3A_901 = vector.broadcast %broadcast_in_dim3A_900 : f32 to vector<16xf32>
    %swap3A_902 = arith.constant 51 : i32
    %swap3A_903 = arith.index_cast %swap3A_902 : i32 to index
    %swap3A_904 = arith.constant 0 : index
    %swap3A_905 = tpu.vector_load %arg16[%swap3A_903, %swap3A_904] {strides = array<i32>} : memref<96x16xf32, #tpu.memory_space<vmem>>, vector<1x16xf32>,
    %swap3A_906 = vector.shape_cast %swap3A_905 : vector<1x16xf32> to vector<16xf32>
    %swap3A_907 = vector.shape_cast %broadcast_in_dim3A_901 : vector<16xf32> to vector<1x16xf32>
    tpu.vector_store %arg16[%swap3A_903, %swap3A_904], %swap3A_907 {strides = array<i32>} : memref<96x16xf32, #tpu.memory_space<vmem>>, vector<1x16xf32>,
    %broadcast_in_dim3A_908 = arith.constant 0.000000e+00 : f32
    %broadcast_in_dim3A_909 = vector.broadcast %broadcast_in_dim3A_908 : f32 to vector<16xf32>
    %swap3A_910 = arith.constant 51 : i32
    %swap3A_911 = arith.index_cast %swap3A_910 : i32 to index
    %swap3A_912 = arith.constant 0 : index
    %swap3A_913 = tpu.vector_load %arg17[%swap3A_911, %swap3A_912] {strides = array<i32>} : memref<96x16xf32, #tpu.memory_space<vmem>>, vector<1x16xf32>,
    %swap3A_914 = vector.shape_cast %swap3A_913 : vector<1x16xf32> to vector<16xf32>
    %swap3A_915 = vector.shape_cast %broadcast_in_dim3A_909 : vector<16xf32> to vector<1x16xf32>
    tpu.vector_store %arg17[%swap3A_911, %swap3A_912], %swap3A_915 {strides = array<i32>} : memref<96x16xf32, #tpu.memory_space<vmem>>, vector<1x16xf32>,
    %broadcast_in_dim3A_916 = arith.constant 1.000000e+00 : f32
    %broadcast_in_dim3A_917 = vector.broadcast %broadcast_in_dim3A_916 : f32 to vector<16xf32>
    %swap3A_918 = arith.constant 52 : i32
    %swap3A_919 = arith.index_cast %swap3A_918 : i32 to index
    %swap3A_920 = arith.constant 0 : index
    %swap3A_921 = tpu.vector_load %arg16[%swap3A_919, %swap3A_920] {strides = array<i32>} : memref<96x16xf32, #tpu.memory_space<vmem>>, vector<1x16xf32>,
    %swap3A_922 = vector.shape_cast %swap3A_921 : vector<1x16xf32> to vector<16xf32>
    %swap3A_923 = vector.shape_cast %broadcast_in_dim3A_917 : vector<16xf32> to vector<1x16xf32>
    tpu.vector_store %arg16[%swap3A_919, %swap3A_920], %swap3A_923 {strides = array<i32>} : memref<96x16xf32, #tpu.memory_space<vmem>>, vector<1x16xf32>,
    %broadcast_in_dim3A_924 = arith.constant 0.000000e+00 : f32
    %broadcast_in_dim3A_925 = vector.broadcast %broadcast_in_dim3A_924 : f32 to vector<16xf32>
    %swap3A_926 = arith.constant 52 : i32
    %swap3A_927 = arith.index_cast %swap3A_926 : i32 to index
    %swap3A_928 = arith.constant 0 : index
    %swap3A_929 = tpu.vector_load %arg17[%swap3A_927, %swap3A_928] {strides = array<i32>} : memref<96x16xf32, #tpu.memory_space<vmem>>, vector<1x16xf32>,
    %swap3A_930 = vector.shape_cast %swap3A_929 : vector<1x16xf32> to vector<16xf32>
    %swap3A_931 = vector.shape_cast %broadcast_in_dim3A_925 : vector<16xf32> to vector<1x16xf32>
    tpu.vector_store %arg17[%swap3A_927, %swap3A_928], %swap3A_931 {strides = array<i32>} : memref<96x16xf32, #tpu.memory_space<vmem>>, vector<1x16xf32>,
    %broadcast_in_dim3A_932 = arith.constant 1.000000e+00 : f32
    %broadcast_in_dim3A_933 = vector.broadcast %broadcast_in_dim3A_932 : f32 to vector<16xf32>
    %swap3A_934 = arith.constant 53 : i32
    %swap3A_935 = arith.index_cast %swap3A_934 : i32 to index
    %swap3A_936 = arith.constant 0 : index
    %swap3A_937 = tpu.vector_load %arg16[%swap3A_935, %swap3A_936] {strides = array<i32>} : memref<96x16xf32, #tpu.memory_space<vmem>>, vector<1x16xf32>,
    %swap3A_938 = vector.shape_cast %swap3A_937 : vector<1x16xf32> to vector<16xf32>
    %swap3A_939 = vector.shape_cast %broadcast_in_dim3A_933 : vector<16xf32> to vector<1x16xf32>
    tpu.vector_store %arg16[%swap3A_935, %swap3A_936], %swap3A_939 {strides = array<i32>} : memref<96x16xf32, #tpu.memory_space<vmem>>, vector<1x16xf32>,
    %broadcast_in_dim3A_940 = arith.constant 0.000000e+00 : f32
    %broadcast_in_dim3A_941 = vector.broadcast %broadcast_in_dim3A_940 : f32 to vector<16xf32>
    %swap3A_942 = arith.constant 53 : i32
    %swap3A_943 = arith.index_cast %swap3A_942 : i32 to index
    %swap3A_944 = arith.constant 0 : index
    %swap3A_945 = tpu.vector_load %arg17[%swap3A_943, %swap3A_944] {strides = array<i32>} : memref<96x16xf32, #tpu.memory_space<vmem>>, vector<1x16xf32>,
    %swap3A_946 = vector.shape_cast %swap3A_945 : vector<1x16xf32> to vector<16xf32>
    %swap3A_947 = vector.shape_cast %broadcast_in_dim3A_941 : vector<16xf32> to vector<1x16xf32>
    tpu.vector_store %arg17[%swap3A_943, %swap3A_944], %swap3A_947 {strides = array<i32>} : memref<96x16xf32, #tpu.memory_space<vmem>>, vector<1x16xf32>,
    %broadcast_in_dim3A_948 = arith.constant 1.000000e+00 : f32
    %broadcast_in_dim3A_949 = vector.broadcast %broadcast_in_dim3A_948 : f32 to vector<16xf32>
    %swap3A_950 = arith.constant 54 : i32
    %swap3A_951 = arith.index_cast %swap3A_950 : i32 to index
    %swap3A_952 = arith.constant 0 : index
    %swap3A_953 = tpu.vector_load %arg16[%swap3A_951, %swap3A_952] {strides = array<i32>} : memref<96x16xf32, #tpu.memory_space<vmem>>, vector<1x16xf32>,
    %swap3A_954 = vector.shape_cast %swap3A_953 : vector<1x16xf32> to vector<16xf32>
    %swap3A_955 = vector.shape_cast %broadcast_in_dim3A_949 : vector<16xf32> to vector<1x16xf32>
    tpu.vector_store %arg16[%swap3A_951, %swap3A_952], %swap3A_955 {strides = array<i32>} : memref<96x16xf32, #tpu.memory_space<vmem>>, vector<1x16xf32>,
    %broadcast_in_dim3A_956 = arith.constant 0.000000e+00 : f32
    %broadcast_in_dim3A_957 = vector.broadcast %broadcast_in_dim3A_956 : f32 to vector<16xf32>
    %swap3A_958 = arith.constant 54 : i32
    %swap3A_959 = arith.index_cast %swap3A_958 : i32 to index
    %swap3A_960 = arith.constant 0 : index
    %swap3A_961 = tpu.vector_load %arg17[%swap3A_959, %swap3A_960] {strides = array<i32>} : memref<96x16xf32, #tpu.memory_space<vmem>>, vector<1x16xf32>,
    %swap3A_962 = vector.shape_cast %swap3A_961 : vector<1x16xf32> to vector<16xf32>
    %swap3A_963 = vector.shape_cast %broadcast_in_dim3A_957 : vector<16xf32> to vector<1x16xf32>
    tpu.vector_store %arg17[%swap3A_959, %swap3A_960], %swap3A_963 {strides = array<i32>} : memref<96x16xf32, #tpu.memory_space<vmem>>, vector<1x16xf32>,
    %broadcast_in_dim3A_964 = arith.constant 1.000000e+00 : f32
    %broadcast_in_dim3A_965 = vector.broadcast %broadcast_in_dim3A_964 : f32 to vector<16xf32>
    %swap3A_966 = arith.constant 55 : i32
    %swap3A_967 = arith.index_cast %swap3A_966 : i32 to index
    %swap3A_968 = arith.constant 0 : index
    %swap3A_969 = tpu.vector_load %arg16[%swap3A_967, %swap3A_968] {strides = array<i32>} : memref<96x16xf32, #tpu.memory_space<vmem>>, vector<1x16xf32>,
    %swap3A_970 = vector.shape_cast %swap3A_969 : vector<1x16xf32> to vector<16xf32>
    %swap3A_971 = vector.shape_cast %broadcast_in_dim3A_965 : vector<16xf32> to vector<1x16xf32>
    tpu.vector_store %arg16[%swap3A_967, %swap3A_968], %swap3A_971 {strides = array<i32>} : memref<96x16xf32, #tpu.memory_space<vmem>>, vector<1x16xf32>,
    %broadcast_in_dim3A_972 = arith.constant 0.000000e+00 : f32
    %broadcast_in_dim3A_973 = vector.broadcast %broadcast_in_dim3A_972 : f32 to vector<16xf32>
    %swap3A_974 = arith.constant 55 : i32
    %swap3A_975 = arith.index_cast %swap3A_974 : i32 to index
    %swap3A_976 = arith.constant 0 : index
    %swap3A_977 = tpu.vector_load %arg17[%swap3A_975, %swap3A_976] {strides = array<i32>} : memref<96x16xf32, #tpu.memory_space<vmem>>, vector<1x16xf32>,
    %swap3A_978 = vector.shape_cast %swap3A_977 : vector<1x16xf32> to vector<16xf32>
    %swap3A_979 = vector.shape_cast %broadcast_in_dim3A_973 : vector<16xf32> to vector<1x16xf32>
    tpu.vector_store %arg17[%swap3A_975, %swap3A_976], %swap3A_979 {strides = array<i32>} : memref<96x16xf32, #tpu.memory_space<vmem>>, vector<1x16xf32>,
    %broadcast_in_dim3A_980 = arith.constant 1.000000e+00 : f32
    %broadcast_in_dim3A_981 = vector.broadcast %broadcast_in_dim3A_980 : f32 to vector<16xf32>
    %swap3A_982 = arith.constant 56 : i32
    %swap3A_983 = arith.index_cast %swap3A_982 : i32 to index
    %swap3A_984 = arith.constant 0 : index
    %swap3A_985 = tpu.vector_load %arg16[%swap3A_983, %swap3A_984] {strides = array<i32>} : memref<96x16xf32, #tpu.memory_space<vmem>>, vector<1x16xf32>,
    %swap3A_986 = vector.shape_cast %swap3A_985 : vector<1x16xf32> to vector<16xf32>
    %swap3A_987 = vector.shape_cast %broadcast_in_dim3A_981 : vector<16xf32> to vector<1x16xf32>
    tpu.vector_store %arg16[%swap3A_983, %swap3A_984], %swap3A_987 {strides = array<i32>} : memref<96x16xf32, #tpu.memory_space<vmem>>, vector<1x16xf32>,
    %broadcast_in_dim3A_988 = arith.constant 0.000000e+00 : f32
    %broadcast_in_dim3A_989 = vector.broadcast %broadcast_in_dim3A_988 : f32 to vector<16xf32>
    %swap3A_990 = arith.constant 56 : i32
    %swap3A_991 = arith.index_cast %swap3A_990 : i32 to index
    %swap3A_992 = arith.constant 0 : index
    %swap3A_993 = tpu.vector_load %arg17[%swap3A_991, %swap3A_992] {strides = array<i32>} : memref<96x16xf32, #tpu.memory_space<vmem>>, vector<1x16xf32>,
    %swap3A_994 = vector.shape_cast %swap3A_993 : vector<1x16xf32> to vector<16xf32>
    %swap3A_995 = vector.shape_cast %broadcast_in_dim3A_989 : vector<16xf32> to vector<1x16xf32>
    tpu.vector_store %arg17[%swap3A_991, %swap3A_992], %swap3A_995 {strides = array<i32>} : memref<96x16xf32, #tpu.memory_space<vmem>>, vector<1x16xf32>,
    %broadcast_in_dim3A_996 = arith.constant 1.000000e+00 : f32
    %broadcast_in_dim3A_997 = vector.broadcast %broadcast_in_dim3A_996 : f32 to vector<16xf32>
    %swap3A_998 = arith.constant 57 : i32
    %swap3A_999 = arith.index_cast %swap3A_998 : i32 to index
    %swap3A_1000 = arith.constant 0 : index
    %swap3A_1001 = tpu.vector_load %arg16[%swap3A_999, %swap3A_1000] {strides = array<i32>} : memref<96x16xf32, #tpu.memory_space<vmem>>, vector<1x16xf32>,
    %swap3A_1002 = vector.shape_cast %swap3A_1001 : vector<1x16xf32> to vector<16xf32>
    %swap3A_1003 = vector.shape_cast %broadcast_in_dim3A_997 : vector<16xf32> to vector<1x16xf32>
    tpu.vector_store %arg16[%swap3A_999, %swap3A_1000], %swap3A_1003 {strides = array<i32>} : memref<96x16xf32, #tpu.memory_space<vmem>>, vector<1x16xf32>,
    %broadcast_in_dim3A_1004 = arith.constant 0.000000e+00 : f32
    %broadcast_in_dim3A_1005 = vector.broadcast %broadcast_in_dim3A_1004 : f32 to vector<16xf32>
    %swap3A_1006 = arith.constant 57 : i32
    %swap3A_1007 = arith.index_cast %swap3A_1006 : i32 to index
    %swap3A_1008 = arith.constant 0 : index
    %swap3A_1009 = tpu.vector_load %arg17[%swap3A_1007, %swap3A_1008] {strides = array<i32>} : memref<96x16xf32, #tpu.memory_space<vmem>>, vector<1x16xf32>,
    %swap3A_1010 = vector.shape_cast %swap3A_1009 : vector<1x16xf32> to vector<16xf32>
    %swap3A_1011 = vector.shape_cast %broadcast_in_dim3A_1005 : vector<16xf32> to vector<1x16xf32>
    tpu.vector_store %arg17[%swap3A_1007, %swap3A_1008], %swap3A_1011 {strides = array<i32>} : memref<96x16xf32, #tpu.memory_space<vmem>>, vector<1x16xf32>,
    %broadcast_in_dim3A_1012 = arith.constant 1.000000e+00 : f32
    %broadcast_in_dim3A_1013 = vector.broadcast %broadcast_in_dim3A_1012 : f32 to vector<16xf32>
    %swap3A_1014 = arith.constant 58 : i32
    %swap3A_1015 = arith.index_cast %swap3A_1014 : i32 to index
    %swap3A_1016 = arith.constant 0 : index
    %swap3A_1017 = tpu.vector_load %arg16[%swap3A_1015, %swap3A_1016] {strides = array<i32>} : memref<96x16xf32, #tpu.memory_space<vmem>>, vector<1x16xf32>,
    %swap3A_1018 = vector.shape_cast %swap3A_1017 : vector<1x16xf32> to vector<16xf32>
    %swap3A_1019 = vector.shape_cast %broadcast_in_dim3A_1013 : vector<16xf32> to vector<1x16xf32>
    tpu.vector_store %arg16[%swap3A_1015, %swap3A_1016], %swap3A_1019 {strides = array<i32>} : memref<96x16xf32, #tpu.memory_space<vmem>>, vector<1x16xf32>,
    %broadcast_in_dim3A_1020 = arith.constant 0.000000e+00 : f32
    %broadcast_in_dim3A_1021 = vector.broadcast %broadcast_in_dim3A_1020 : f32 to vector<16xf32>
    %swap3A_1022 = arith.constant 58 : i32
    %swap3A_1023 = arith.index_cast %swap3A_1022 : i32 to index
    %swap3A_1024 = arith.constant 0 : index
    %swap3A_1025 = tpu.vector_load %arg17[%swap3A_1023, %swap3A_1024] {strides = array<i32>} : memref<96x16xf32, #tpu.memory_space<vmem>>, vector<1x16xf32>,
    %swap3A_1026 = vector.shape_cast %swap3A_1025 : vector<1x16xf32> to vector<16xf32>
    %swap3A_1027 = vector.shape_cast %broadcast_in_dim3A_1021 : vector<16xf32> to vector<1x16xf32>
    tpu.vector_store %arg17[%swap3A_1023, %swap3A_1024], %swap3A_1027 {strides = array<i32>} : memref<96x16xf32, #tpu.memory_space<vmem>>, vector<1x16xf32>,
    %broadcast_in_dim3A_1028 = arith.constant 1.000000e+00 : f32
    %broadcast_in_dim3A_1029 = vector.broadcast %broadcast_in_dim3A_1028 : f32 to vector<16xf32>
    %swap3A_1030 = arith.constant 59 : i32
    %swap3A_1031 = arith.index_cast %swap3A_1030 : i32 to index
    %swap3A_1032 = arith.constant 0 : index
    %swap3A_1033 = tpu.vector_load %arg16[%swap3A_1031, %swap3A_1032] {strides = array<i32>} : memref<96x16xf32, #tpu.memory_space<vmem>>, vector<1x16xf32>,
    %swap3A_1034 = vector.shape_cast %swap3A_1033 : vector<1x16xf32> to vector<16xf32>
    %swap3A_1035 = vector.shape_cast %broadcast_in_dim3A_1029 : vector<16xf32> to vector<1x16xf32>
    tpu.vector_store %arg16[%swap3A_1031, %swap3A_1032], %swap3A_1035 {strides = array<i32>} : memref<96x16xf32, #tpu.memory_space<vmem>>, vector<1x16xf32>,
    %broadcast_in_dim3A_1036 = arith.constant 0.000000e+00 : f32
    %broadcast_in_dim3A_1037 = vector.broadcast %broadcast_in_dim3A_1036 : f32 to vector<16xf32>
    %swap3A_1038 = arith.constant 59 : i32
    %swap3A_1039 = arith.index_cast %swap3A_1038 : i32 to index
    %swap3A_1040 = arith.constant 0 : index
    %swap3A_1041 = tpu.vector_load %arg17[%swap3A_1039, %swap3A_1040] {strides = array<i32>} : memref<96x16xf32, #tpu.memory_space<vmem>>, vector<1x16xf32>,
    %swap3A_1042 = vector.shape_cast %swap3A_1041 : vector<1x16xf32> to vector<16xf32>
    %swap3A_1043 = vector.shape_cast %broadcast_in_dim3A_1037 : vector<16xf32> to vector<1x16xf32>
    tpu.vector_store %arg17[%swap3A_1039, %swap3A_1040], %swap3A_1043 {strides = array<i32>} : memref<96x16xf32, #tpu.memory_space<vmem>>, vector<1x16xf32>,
    %broadcast_in_dim3A_1044 = arith.constant 1.000000e+00 : f32
    %broadcast_in_dim3A_1045 = vector.broadcast %broadcast_in_dim3A_1044 : f32 to vector<16xf32>
    %swap3A_1046 = arith.constant 60 : i32
    %swap3A_1047 = arith.index_cast %swap3A_1046 : i32 to index
    %swap3A_1048 = arith.constant 0 : index
    %swap3A_1049 = tpu.vector_load %arg16[%swap3A_1047, %swap3A_1048] {strides = array<i32>} : memref<96x16xf32, #tpu.memory_space<vmem>>, vector<1x16xf32>,
    %swap3A_1050 = vector.shape_cast %swap3A_1049 : vector<1x16xf32> to vector<16xf32>
    %swap3A_1051 = vector.shape_cast %broadcast_in_dim3A_1045 : vector<16xf32> to vector<1x16xf32>
    tpu.vector_store %arg16[%swap3A_1047, %swap3A_1048], %swap3A_1051 {strides = array<i32>} : memref<96x16xf32, #tpu.memory_space<vmem>>, vector<1x16xf32>,
    %broadcast_in_dim3A_1052 = arith.constant 0.000000e+00 : f32
    %broadcast_in_dim3A_1053 = vector.broadcast %broadcast_in_dim3A_1052 : f32 to vector<16xf32>
    %swap3A_1054 = arith.constant 60 : i32
    %swap3A_1055 = arith.index_cast %swap3A_1054 : i32 to index
    %swap3A_1056 = arith.constant 0 : index
    %swap3A_1057 = tpu.vector_load %arg17[%swap3A_1055, %swap3A_1056] {strides = array<i32>} : memref<96x16xf32, #tpu.memory_space<vmem>>, vector<1x16xf32>,
    %swap3A_1058 = vector.shape_cast %swap3A_1057 : vector<1x16xf32> to vector<16xf32>
    %swap3A_1059 = vector.shape_cast %broadcast_in_dim3A_1053 : vector<16xf32> to vector<1x16xf32>
    tpu.vector_store %arg17[%swap3A_1055, %swap3A_1056], %swap3A_1059 {strides = array<i32>} : memref<96x16xf32, #tpu.memory_space<vmem>>, vector<1x16xf32>,
    %broadcast_in_dim3A_1060 = arith.constant 1.000000e+00 : f32
    %broadcast_in_dim3A_1061 = vector.broadcast %broadcast_in_dim3A_1060 : f32 to vector<16xf32>
    %swap3A_1062 = arith.constant 61 : i32
    %swap3A_1063 = arith.index_cast %swap3A_1062 : i32 to index
    %swap3A_1064 = arith.constant 0 : index
    %swap3A_1065 = tpu.vector_load %arg16[%swap3A_1063, %swap3A_1064] {strides = array<i32>} : memref<96x16xf32, #tpu.memory_space<vmem>>, vector<1x16xf32>,
    %swap3A_1066 = vector.shape_cast %swap3A_1065 : vector<1x16xf32> to vector<16xf32>
    %swap3A_1067 = vector.shape_cast %broadcast_in_dim3A_1061 : vector<16xf32> to vector<1x16xf32>
    tpu.vector_store %arg16[%swap3A_1063, %swap3A_1064], %swap3A_1067 {strides = array<i32>} : memref<96x16xf32, #tpu.memory_space<vmem>>, vector<1x16xf32>,
    %broadcast_in_dim3A_1068 = arith.constant 0.000000e+00 : f32
    %broadcast_in_dim3A_1069 = vector.broadcast %broadcast_in_dim3A_1068 : f32 to vector<16xf32>
    %swap3A_1070 = arith.constant 61 : i32
    %swap3A_1071 = arith.index_cast %swap3A_1070 : i32 to index
    %swap3A_1072 = arith.constant 0 : index
    %swap3A_1073 = tpu.vector_load %arg17[%swap3A_1071, %swap3A_1072] {strides = array<i32>} : memref<96x16xf32, #tpu.memory_space<vmem>>, vector<1x16xf32>,
    %swap3A_1074 = vector.shape_cast %swap3A_1073 : vector<1x16xf32> to vector<16xf32>
    %swap3A_1075 = vector.shape_cast %broadcast_in_dim3A_1069 : vector<16xf32> to vector<1x16xf32>
    tpu.vector_store %arg17[%swap3A_1071, %swap3A_1072], %swap3A_1075 {strides = array<i32>} : memref<96x16xf32, #tpu.memory_space<vmem>>, vector<1x16xf32>,
    %broadcast_in_dim3A_1076 = arith.constant 1.000000e+00 : f32
    %broadcast_in_dim3A_1077 = vector.broadcast %broadcast_in_dim3A_1076 : f32 to vector<16xf32>
    %swap3A_1078 = arith.constant 62 : i32
    %swap3A_1079 = arith.index_cast %swap3A_1078 : i32 to index
    %swap3A_1080 = arith.constant 0 : index
    %swap3A_1081 = tpu.vector_load %arg16[%swap3A_1079, %swap3A_1080] {strides = array<i32>} : memref<96x16xf32, #tpu.memory_space<vmem>>, vector<1x16xf32>,
    %swap3A_1082 = vector.shape_cast %swap3A_1081 : vector<1x16xf32> to vector<16xf32>
    %swap3A_1083 = vector.shape_cast %broadcast_in_dim3A_1077 : vector<16xf32> to vector<1x16xf32>
    tpu.vector_store %arg16[%swap3A_1079, %swap3A_1080], %swap3A_1083 {strides = array<i32>} : memref<96x16xf32, #tpu.memory_space<vmem>>, vector<1x16xf32>,
    %broadcast_in_dim3A_1084 = arith.constant 0.000000e+00 : f32
    %broadcast_in_dim3A_1085 = vector.broadcast %broadcast_in_dim3A_1084 : f32 to vector<16xf32>
    %swap3A_1086 = arith.constant 62 : i32
    %swap3A_1087 = arith.index_cast %swap3A_1086 : i32 to index
    %swap3A_1088 = arith.constant 0 : index
    %swap3A_1089 = tpu.vector_load %arg17[%swap3A_1087, %swap3A_1088] {strides = array<i32>} : memref<96x16xf32, #tpu.memory_space<vmem>>, vector<1x16xf32>,
    %swap3A_1090 = vector.shape_cast %swap3A_1089 : vector<1x16xf32> to vector<16xf32>
    %swap3A_1091 = vector.shape_cast %broadcast_in_dim3A_1085 : vector<16xf32> to vector<1x16xf32>
    tpu.vector_store %arg17[%swap3A_1087, %swap3A_1088], %swap3A_1091 {strides = array<i32>} : memref<96x16xf32, #tpu.memory_space<vmem>>, vector<1x16xf32>,
    %broadcast_in_dim3A_1092 = arith.constant 1.000000e+00 : f32
    %broadcast_in_dim3A_1093 = vector.broadcast %broadcast_in_dim3A_1092 : f32 to vector<16xf32>
    %swap3A_1094 = arith.constant 63 : i32
    %swap3A_1095 = arith.index_cast %swap3A_1094 : i32 to index
    %swap3A_1096 = arith.constant 0 : index
    %swap3A_1097 = tpu.vector_load %arg16[%swap3A_1095, %swap3A_1096] {strides = array<i32>} : memref<96x16xf32, #tpu.memory_space<vmem>>, vector<1x16xf32>,
    %swap3A_1098 = vector.shape_cast %swap3A_1097 : vector<1x16xf32> to vector<16xf32>
    %swap3A_1099 = vector.shape_cast %broadcast_in_dim3A_1093 : vector<16xf32> to vector<1x16xf32>
    tpu.vector_store %arg16[%swap3A_1095, %swap3A_1096], %swap3A_1099 {strides = array<i32>} : memref<96x16xf32, #tpu.memory_space<vmem>>, vector<1x16xf32>,
    %broadcast_in_dim3A_1100 = arith.constant 0.000000e+00 : f32
    %broadcast_in_dim3A_1101 = vector.broadcast %broadcast_in_dim3A_1100 : f32 to vector<16xf32>
    %swap3A_1102 = arith.constant 63 : i32
    %swap3A_1103 = arith.index_cast %swap3A_1102 : i32 to index
    %swap3A_1104 = arith.constant 0 : index
    %swap3A_1105 = tpu.vector_load %arg17[%swap3A_1103, %swap3A_1104] {strides = array<i32>} : memref<96x16xf32, #tpu.memory_space<vmem>>, vector<1x16xf32>,
    %swap3A_1106 = vector.shape_cast %swap3A_1105 : vector<1x16xf32> to vector<16xf32>
    %swap3A_1107 = vector.shape_cast %broadcast_in_dim3A_1101 : vector<16xf32> to vector<1x16xf32>
    tpu.vector_store %arg17[%swap3A_1103, %swap3A_1104], %swap3A_1107 {strides = array<i32>} : memref<96x16xf32, #tpu.memory_space<vmem>>, vector<1x16xf32>,
    %broadcast_in_dim3A_1108 = arith.constant 1.000000e+00 : f32
    %broadcast_in_dim3A_1109 = vector.broadcast %broadcast_in_dim3A_1108 : f32 to vector<16xf32>
    %swap3A_1110 = arith.constant 64 : i32
    %swap3A_1111 = arith.index_cast %swap3A_1110 : i32 to index
    %swap3A_1112 = arith.constant 0 : index
    %swap3A_1113 = tpu.vector_load %arg16[%swap3A_1111, %swap3A_1112] {strides = array<i32>} : memref<96x16xf32, #tpu.memory_space<vmem>>, vector<1x16xf32>,
    %swap3A_1114 = vector.shape_cast %swap3A_1113 : vector<1x16xf32> to vector<16xf32>
    %swap3A_1115 = vector.shape_cast %broadcast_in_dim3A_1109 : vector<16xf32> to vector<1x16xf32>
    tpu.vector_store %arg16[%swap3A_1111, %swap3A_1112], %swap3A_1115 {strides = array<i32>} : memref<96x16xf32, #tpu.memory_space<vmem>>, vector<1x16xf32>,
    %broadcast_in_dim3A_1116 = arith.constant 0.000000e+00 : f32
    %broadcast_in_dim3A_1117 = vector.broadcast %broadcast_in_dim3A_1116 : f32 to vector<16xf32>
    %swap3A_1118 = arith.constant 64 : i32
    %swap3A_1119 = arith.index_cast %swap3A_1118 : i32 to index
    %swap3A_1120 = arith.constant 0 : index
    %swap3A_1121 = tpu.vector_load %arg17[%swap3A_1119, %swap3A_1120] {strides = array<i32>} : memref<96x16xf32, #tpu.memory_space<vmem>>, vector<1x16xf32>,
    %swap3A_1122 = vector.shape_cast %swap3A_1121 : vector<1x16xf32> to vector<16xf32>
    %swap3A_1123 = vector.shape_cast %broadcast_in_dim3A_1117 : vector<16xf32> to vector<1x16xf32>
    tpu.vector_store %arg17[%swap3A_1119, %swap3A_1120], %swap3A_1123 {strides = array<i32>} : memref<96x16xf32, #tpu.memory_space<vmem>>, vector<1x16xf32>,
    %broadcast_in_dim3A_1124 = arith.constant 1.000000e+00 : f32
    %broadcast_in_dim3A_1125 = vector.broadcast %broadcast_in_dim3A_1124 : f32 to vector<16xf32>
    %swap3A_1126 = arith.constant 65 : i32
    %swap3A_1127 = arith.index_cast %swap3A_1126 : i32 to index
    %swap3A_1128 = arith.constant 0 : index
    %swap3A_1129 = tpu.vector_load %arg16[%swap3A_1127, %swap3A_1128] {strides = array<i32>} : memref<96x16xf32, #tpu.memory_space<vmem>>, vector<1x16xf32>,
    %swap3A_1130 = vector.shape_cast %swap3A_1129 : vector<1x16xf32> to vector<16xf32>
    %swap3A_1131 = vector.shape_cast %broadcast_in_dim3A_1125 : vector<16xf32> to vector<1x16xf32>
    tpu.vector_store %arg16[%swap3A_1127, %swap3A_1128], %swap3A_1131 {strides = array<i32>} : memref<96x16xf32, #tpu.memory_space<vmem>>, vector<1x16xf32>,
    %broadcast_in_dim3A_1132 = arith.constant 0.000000e+00 : f32
    %broadcast_in_dim3A_1133 = vector.broadcast %broadcast_in_dim3A_1132 : f32 to vector<16xf32>
    %swap3A_1134 = arith.constant 65 : i32
    %swap3A_1135 = arith.index_cast %swap3A_1134 : i32 to index
    %swap3A_1136 = arith.constant 0 : index
    %swap3A_1137 = tpu.vector_load %arg17[%swap3A_1135, %swap3A_1136] {strides = array<i32>} : memref<96x16xf32, #tpu.memory_space<vmem>>, vector<1x16xf32>,
    %swap3A_1138 = vector.shape_cast %swap3A_1137 : vector<1x16xf32> to vector<16xf32>
    %swap3A_1139 = vector.shape_cast %broadcast_in_dim3A_1133 : vector<16xf32> to vector<1x16xf32>
    tpu.vector_store %arg17[%swap3A_1135, %swap3A_1136], %swap3A_1139 {strides = array<i32>} : memref<96x16xf32, #tpu.memory_space<vmem>>, vector<1x16xf32>,
    %broadcast_in_dim3A_1140 = arith.constant 1.000000e+00 : f32
    %broadcast_in_dim3A_1141 = vector.broadcast %broadcast_in_dim3A_1140 : f32 to vector<16xf32>
    %swap3A_1142 = arith.constant 66 : i32
    %swap3A_1143 = arith.index_cast %swap3A_1142 : i32 to index
    %swap3A_1144 = arith.constant 0 : index
    %swap3A_1145 = tpu.vector_load %arg16[%swap3A_1143, %swap3A_1144] {strides = array<i32>} : memref<96x16xf32, #tpu.memory_space<vmem>>, vector<1x16xf32>,
    %swap3A_1146 = vector.shape_cast %swap3A_1145 : vector<1x16xf32> to vector<16xf32>
    %swap3A_1147 = vector.shape_cast %broadcast_in_dim3A_1141 : vector<16xf32> to vector<1x16xf32>
    tpu.vector_store %arg16[%swap3A_1143, %swap3A_1144], %swap3A_1147 {strides = array<i32>} : memref<96x16xf32, #tpu.memory_space<vmem>>, vector<1x16xf32>,
    %broadcast_in_dim3A_1148 = arith.constant 0.000000e+00 : f32
    %broadcast_in_dim3A_1149 = vector.broadcast %broadcast_in_dim3A_1148 : f32 to vector<16xf32>
    %swap3A_1150 = arith.constant 66 : i32
    %swap3A_1151 = arith.index_cast %swap3A_1150 : i32 to index
    %swap3A_1152 = arith.constant 0 : index
    %swap3A_1153 = tpu.vector_load %arg17[%swap3A_1151, %swap3A_1152] {strides = array<i32>} : memref<96x16xf32, #tpu.memory_space<vmem>>, vector<1x16xf32>,
    %swap3A_1154 = vector.shape_cast %swap3A_1153 : vector<1x16xf32> to vector<16xf32>
    %swap3A_1155 = vector.shape_cast %broadcast_in_dim3A_1149 : vector<16xf32> to vector<1x16xf32>
    tpu.vector_store %arg17[%swap3A_1151, %swap3A_1152], %swap3A_1155 {strides = array<i32>} : memref<96x16xf32, #tpu.memory_space<vmem>>, vector<1x16xf32>,
    %broadcast_in_dim3A_1156 = arith.constant 1.000000e+00 : f32
    %broadcast_in_dim3A_1157 = vector.broadcast %broadcast_in_dim3A_1156 : f32 to vector<16xf32>
    %swap3A_1158 = arith.constant 67 : i32
    %swap3A_1159 = arith.index_cast %swap3A_1158 : i32 to index
    %swap3A_1160 = arith.constant 0 : index
    %swap3A_1161 = tpu.vector_load %arg16[%swap3A_1159, %swap3A_1160] {strides = array<i32>} : memref<96x16xf32, #tpu.memory_space<vmem>>, vector<1x16xf32>,
    %swap3A_1162 = vector.shape_cast %swap3A_1161 : vector<1x16xf32> to vector<16xf32>
    %swap3A_1163 = vector.shape_cast %broadcast_in_dim3A_1157 : vector<16xf32> to vector<1x16xf32>
    tpu.vector_store %arg16[%swap3A_1159, %swap3A_1160], %swap3A_1163 {strides = array<i32>} : memref<96x16xf32, #tpu.memory_space<vmem>>, vector<1x16xf32>,
    %broadcast_in_dim3A_1164 = arith.constant 0.000000e+00 : f32
    %broadcast_in_dim3A_1165 = vector.broadcast %broadcast_in_dim3A_1164 : f32 to vector<16xf32>
    %swap3A_1166 = arith.constant 67 : i32
    %swap3A_1167 = arith.index_cast %swap3A_1166 : i32 to index
    %swap3A_1168 = arith.constant 0 : index
    %swap3A_1169 = tpu.vector_load %arg17[%swap3A_1167, %swap3A_1168] {strides = array<i32>} : memref<96x16xf32, #tpu.memory_space<vmem>>, vector<1x16xf32>,
    %swap3A_1170 = vector.shape_cast %swap3A_1169 : vector<1x16xf32> to vector<16xf32>
    %swap3A_1171 = vector.shape_cast %broadcast_in_dim3A_1165 : vector<16xf32> to vector<1x16xf32>
    tpu.vector_store %arg17[%swap3A_1167, %swap3A_1168], %swap3A_1171 {strides = array<i32>} : memref<96x16xf32, #tpu.memory_space<vmem>>, vector<1x16xf32>,
    %broadcast_in_dim3A_1172 = arith.constant 1.000000e+00 : f32
    %broadcast_in_dim3A_1173 = vector.broadcast %broadcast_in_dim3A_1172 : f32 to vector<16xf32>
    %swap3A_1174 = arith.constant 68 : i32
    %swap3A_1175 = arith.index_cast %swap3A_1174 : i32 to index
    %swap3A_1176 = arith.constant 0 : index
    %swap3A_1177 = tpu.vector_load %arg16[%swap3A_1175, %swap3A_1176] {strides = array<i32>} : memref<96x16xf32, #tpu.memory_space<vmem>>, vector<1x16xf32>,
    %swap3A_1178 = vector.shape_cast %swap3A_1177 : vector<1x16xf32> to vector<16xf32>
    %swap3A_1179 = vector.shape_cast %broadcast_in_dim3A_1173 : vector<16xf32> to vector<1x16xf32>
    tpu.vector_store %arg16[%swap3A_1175, %swap3A_1176], %swap3A_1179 {strides = array<i32>} : memref<96x16xf32, #tpu.memory_space<vmem>>, vector<1x16xf32>,
    %broadcast_in_dim3A_1180 = arith.constant 0.000000e+00 : f32
    %broadcast_in_dim3A_1181 = vector.broadcast %broadcast_in_dim3A_1180 : f32 to vector<16xf32>
    %swap3A_1182 = arith.constant 68 : i32
    %swap3A_1183 = arith.index_cast %swap3A_1182 : i32 to index
    %swap3A_1184 = arith.constant 0 : index
    %swap3A_1185 = tpu.vector_load %arg17[%swap3A_1183, %swap3A_1184] {strides = array<i32>} : memref<96x16xf32, #tpu.memory_space<vmem>>, vector<1x16xf32>,
    %swap3A_1186 = vector.shape_cast %swap3A_1185 : vector<1x16xf32> to vector<16xf32>
    %swap3A_1187 = vector.shape_cast %broadcast_in_dim3A_1181 : vector<16xf32> to vector<1x16xf32>
    tpu.vector_store %arg17[%swap3A_1183, %swap3A_1184], %swap3A_1187 {strides = array<i32>} : memref<96x16xf32, #tpu.memory_space<vmem>>, vector<1x16xf32>,
    %broadcast_in_dim3A_1188 = arith.constant 1.000000e+00 : f32
    %broadcast_in_dim3A_1189 = vector.broadcast %broadcast_in_dim3A_1188 : f32 to vector<16xf32>
    %swap3A_1190 = arith.constant 69 : i32
    %swap3A_1191 = arith.index_cast %swap3A_1190 : i32 to index
    %swap3A_1192 = arith.constant 0 : index
    %swap3A_1193 = tpu.vector_load %arg16[%swap3A_1191, %swap3A_1192] {strides = array<i32>} : memref<96x16xf32, #tpu.memory_space<vmem>>, vector<1x16xf32>,
    %swap3A_1194 = vector.shape_cast %swap3A_1193 : vector<1x16xf32> to vector<16xf32>
    %swap3A_1195 = vector.shape_cast %broadcast_in_dim3A_1189 : vector<16xf32> to vector<1x16xf32>
    tpu.vector_store %arg16[%swap3A_1191, %swap3A_1192], %swap3A_1195 {strides = array<i32>} : memref<96x16xf32, #tpu.memory_space<vmem>>, vector<1x16xf32>,
    %broadcast_in_dim3A_1196 = arith.constant 0.000000e+00 : f32
    %broadcast_in_dim3A_1197 = vector.broadcast %broadcast_in_dim3A_1196 : f32 to vector<16xf32>
    %swap3A_1198 = arith.constant 69 : i32
    %swap3A_1199 = arith.index_cast %swap3A_1198 : i32 to index
    %swap3A_1200 = arith.constant 0 : index
    %swap3A_1201 = tpu.vector_load %arg17[%swap3A_1199, %swap3A_1200] {strides = array<i32>} : memref<96x16xf32, #tpu.memory_space<vmem>>, vector<1x16xf32>,
    %swap3A_1202 = vector.shape_cast %swap3A_1201 : vector<1x16xf32> to vector<16xf32>
    %swap3A_1203 = vector.shape_cast %broadcast_in_dim3A_1197 : vector<16xf32> to vector<1x16xf32>
    tpu.vector_store %arg17[%swap3A_1199, %swap3A_1200], %swap3A_1203 {strides = array<i32>} : memref<96x16xf32, #tpu.memory_space<vmem>>, vector<1x16xf32>,
    %broadcast_in_dim3A_1204 = arith.constant 1.000000e+00 : f32
    %broadcast_in_dim3A_1205 = vector.broadcast %broadcast_in_dim3A_1204 : f32 to vector<16xf32>
    %swap3A_1206 = arith.constant 70 : i32
    %swap3A_1207 = arith.index_cast %swap3A_1206 : i32 to index
    %swap3A_1208 = arith.constant 0 : index
    %swap3A_1209 = tpu.vector_load %arg16[%swap3A_1207, %swap3A_1208] {strides = array<i32>} : memref<96x16xf32, #tpu.memory_space<vmem>>, vector<1x16xf32>,
    %swap3A_1210 = vector.shape_cast %swap3A_1209 : vector<1x16xf32> to vector<16xf32>
    %swap3A_1211 = vector.shape_cast %broadcast_in_dim3A_1205 : vector<16xf32> to vector<1x16xf32>
    tpu.vector_store %arg16[%swap3A_1207, %swap3A_1208], %swap3A_1211 {strides = array<i32>} : memref<96x16xf32, #tpu.memory_space<vmem>>, vector<1x16xf32>,
    %broadcast_in_dim3A_1212 = arith.constant 0.000000e+00 : f32
    %broadcast_in_dim3A_1213 = vector.broadcast %broadcast_in_dim3A_1212 : f32 to vector<16xf32>
    %swap3A_1214 = arith.constant 70 : i32
    %swap3A_1215 = arith.index_cast %swap3A_1214 : i32 to index
    %swap3A_1216 = arith.constant 0 : index
    %swap3A_1217 = tpu.vector_load %arg17[%swap3A_1215, %swap3A_1216] {strides = array<i32>} : memref<96x16xf32, #tpu.memory_space<vmem>>, vector<1x16xf32>,
    %swap3A_1218 = vector.shape_cast %swap3A_1217 : vector<1x16xf32> to vector<16xf32>
    %swap3A_1219 = vector.shape_cast %broadcast_in_dim3A_1213 : vector<16xf32> to vector<1x16xf32>
    tpu.vector_store %arg17[%swap3A_1215, %swap3A_1216], %swap3A_1219 {strides = array<i32>} : memref<96x16xf32, #tpu.memory_space<vmem>>, vector<1x16xf32>,
    %broadcast_in_dim3A_1220 = arith.constant 1.000000e+00 : f32
    %broadcast_in_dim3A_1221 = vector.broadcast %broadcast_in_dim3A_1220 : f32 to vector<16xf32>
    %swap3A_1222 = arith.constant 71 : i32
    %swap3A_1223 = arith.index_cast %swap3A_1222 : i32 to index
    %swap3A_1224 = arith.constant 0 : index
    %swap3A_1225 = tpu.vector_load %arg16[%swap3A_1223, %swap3A_1224] {strides = array<i32>} : memref<96x16xf32, #tpu.memory_space<vmem>>, vector<1x16xf32>,
    %swap3A_1226 = vector.shape_cast %swap3A_1225 : vector<1x16xf32> to vector<16xf32>
    %swap3A_1227 = vector.shape_cast %broadcast_in_dim3A_1221 : vector<16xf32> to vector<1x16xf32>
    tpu.vector_store %arg16[%swap3A_1223, %swap3A_1224], %swap3A_1227 {strides = array<i32>} : memref<96x16xf32, #tpu.memory_space<vmem>>, vector<1x16xf32>,
    %broadcast_in_dim3A_1228 = arith.constant 0.000000e+00 : f32
    %broadcast_in_dim3A_1229 = vector.broadcast %broadcast_in_dim3A_1228 : f32 to vector<16xf32>
    %swap3A_1230 = arith.constant 71 : i32
    %swap3A_1231 = arith.index_cast %swap3A_1230 : i32 to index
    %swap3A_1232 = arith.constant 0 : index
    %swap3A_1233 = tpu.vector_load %arg17[%swap3A_1231, %swap3A_1232] {strides = array<i32>} : memref<96x16xf32, #tpu.memory_space<vmem>>, vector<1x16xf32>,
    %swap3A_1234 = vector.shape_cast %swap3A_1233 : vector<1x16xf32> to vector<16xf32>
    %swap3A_1235 = vector.shape_cast %broadcast_in_dim3A_1229 : vector<16xf32> to vector<1x16xf32>
    tpu.vector_store %arg17[%swap3A_1231, %swap3A_1232], %swap3A_1235 {strides = array<i32>} : memref<96x16xf32, #tpu.memory_space<vmem>>, vector<1x16xf32>,
    %broadcast_in_dim3A_1236 = arith.constant 1.000000e+00 : f32
    %broadcast_in_dim3A_1237 = vector.broadcast %broadcast_in_dim3A_1236 : f32 to vector<16xf32>
    %swap3A_1238 = arith.constant 72 : i32
    %swap3A_1239 = arith.index_cast %swap3A_1238 : i32 to index
    %swap3A_1240 = arith.constant 0 : index
    %swap3A_1241 = tpu.vector_load %arg16[%swap3A_1239, %swap3A_1240] {strides = array<i32>} : memref<96x16xf32, #tpu.memory_space<vmem>>, vector<1x16xf32>,
    %swap3A_1242 = vector.shape_cast %swap3A_1241 : vector<1x16xf32> to vector<16xf32>
    %swap3A_1243 = vector.shape_cast %broadcast_in_dim3A_1237 : vector<16xf32> to vector<1x16xf32>
    tpu.vector_store %arg16[%swap3A_1239, %swap3A_1240], %swap3A_1243 {strides = array<i32>} : memref<96x16xf32, #tpu.memory_space<vmem>>, vector<1x16xf32>,
    %broadcast_in_dim3A_1244 = arith.constant 0.000000e+00 : f32
    %broadcast_in_dim3A_1245 = vector.broadcast %broadcast_in_dim3A_1244 : f32 to vector<16xf32>
    %swap3A_1246 = arith.constant 72 : i32
    %swap3A_1247 = arith.index_cast %swap3A_1246 : i32 to index
    %swap3A_1248 = arith.constant 0 : index
    %swap3A_1249 = tpu.vector_load %arg17[%swap3A_1247, %swap3A_1248] {strides = array<i32>} : memref<96x16xf32, #tpu.memory_space<vmem>>, vector<1x16xf32>,
    %swap3A_1250 = vector.shape_cast %swap3A_1249 : vector<1x16xf32> to vector<16xf32>
    %swap3A_1251 = vector.shape_cast %broadcast_in_dim3A_1245 : vector<16xf32> to vector<1x16xf32>
    tpu.vector_store %arg17[%swap3A_1247, %swap3A_1248], %swap3A_1251 {strides = array<i32>} : memref<96x16xf32, #tpu.memory_space<vmem>>, vector<1x16xf32>,
    %broadcast_in_dim3A_1252 = arith.constant 1.000000e+00 : f32
    %broadcast_in_dim3A_1253 = vector.broadcast %broadcast_in_dim3A_1252 : f32 to vector<16xf32>
    %swap3A_1254 = arith.constant 73 : i32
    %swap3A_1255 = arith.index_cast %swap3A_1254 : i32 to index
    %swap3A_1256 = arith.constant 0 : index
    %swap3A_1257 = tpu.vector_load %arg16[%swap3A_1255, %swap3A_1256] {strides = array<i32>} : memref<96x16xf32, #tpu.memory_space<vmem>>, vector<1x16xf32>,
    %swap3A_1258 = vector.shape_cast %swap3A_1257 : vector<1x16xf32> to vector<16xf32>
    %swap3A_1259 = vector.shape_cast %broadcast_in_dim3A_1253 : vector<16xf32> to vector<1x16xf32>
    tpu.vector_store %arg16[%swap3A_1255, %swap3A_1256], %swap3A_1259 {strides = array<i32>} : memref<96x16xf32, #tpu.memory_space<vmem>>, vector<1x16xf32>,
    %broadcast_in_dim3A_1260 = arith.constant 0.000000e+00 : f32
    %broadcast_in_dim3A_1261 = vector.broadcast %broadcast_in_dim3A_1260 : f32 to vector<16xf32>
    %swap3A_1262 = arith.constant 73 : i32
    %swap3A_1263 = arith.index_cast %swap3A_1262 : i32 to index
    %swap3A_1264 = arith.constant 0 : index
    %swap3A_1265 = tpu.vector_load %arg17[%swap3A_1263, %swap3A_1264] {strides = array<i32>} : memref<96x16xf32, #tpu.memory_space<vmem>>, vector<1x16xf32>,
    %swap3A_1266 = vector.shape_cast %swap3A_1265 : vector<1x16xf32> to vector<16xf32>
    %swap3A_1267 = vector.shape_cast %broadcast_in_dim3A_1261 : vector<16xf32> to vector<1x16xf32>
    tpu.vector_store %arg17[%swap3A_1263, %swap3A_1264], %swap3A_1267 {strides = array<i32>} : memref<96x16xf32, #tpu.memory_space<vmem>>, vector<1x16xf32>,
    %broadcast_in_dim3A_1268 = arith.constant 1.000000e+00 : f32
    %broadcast_in_dim3A_1269 = vector.broadcast %broadcast_in_dim3A_1268 : f32 to vector<16xf32>
    %swap3A_1270 = arith.constant 74 : i32
    %swap3A_1271 = arith.index_cast %swap3A_1270 : i32 to index
    %swap3A_1272 = arith.constant 0 : index
    %swap3A_1273 = tpu.vector_load %arg16[%swap3A_1271, %swap3A_1272] {strides = array<i32>} : memref<96x16xf32, #tpu.memory_space<vmem>>, vector<1x16xf32>,
    %swap3A_1274 = vector.shape_cast %swap3A_1273 : vector<1x16xf32> to vector<16xf32>
    %swap3A_1275 = vector.shape_cast %broadcast_in_dim3A_1269 : vector<16xf32> to vector<1x16xf32>
    tpu.vector_store %arg16[%swap3A_1271, %swap3A_1272], %swap3A_1275 {strides = array<i32>} : memref<96x16xf32, #tpu.memory_space<vmem>>, vector<1x16xf32>,
    %broadcast_in_dim3A_1276 = arith.constant 0.000000e+00 : f32
    %broadcast_in_dim3A_1277 = vector.broadcast %broadcast_in_dim3A_1276 : f32 to vector<16xf32>
    %swap3A_1278 = arith.constant 74 : i32
    %swap3A_1279 = arith.index_cast %swap3A_1278 : i32 to index
    %swap3A_1280 = arith.constant 0 : index
    %swap3A_1281 = tpu.vector_load %arg17[%swap3A_1279, %swap3A_1280] {strides = array<i32>} : memref<96x16xf32, #tpu.memory_space<vmem>>, vector<1x16xf32>,
    %swap3A_1282 = vector.shape_cast %swap3A_1281 : vector<1x16xf32> to vector<16xf32>
    %swap3A_1283 = vector.shape_cast %broadcast_in_dim3A_1277 : vector<16xf32> to vector<1x16xf32>
    tpu.vector_store %arg17[%swap3A_1279, %swap3A_1280], %swap3A_1283 {strides = array<i32>} : memref<96x16xf32, #tpu.memory_space<vmem>>, vector<1x16xf32>,
    %broadcast_in_dim3A_1284 = arith.constant 1.000000e+00 : f32
    %broadcast_in_dim3A_1285 = vector.broadcast %broadcast_in_dim3A_1284 : f32 to vector<16xf32>
    %swap3A_1286 = arith.constant 75 : i32
    %swap3A_1287 = arith.index_cast %swap3A_1286 : i32 to index
    %swap3A_1288 = arith.constant 0 : index
    %swap3A_1289 = tpu.vector_load %arg16[%swap3A_1287, %swap3A_1288] {strides = array<i32>} : memref<96x16xf32, #tpu.memory_space<vmem>>, vector<1x16xf32>,
    %swap3A_1290 = vector.shape_cast %swap3A_1289 : vector<1x16xf32> to vector<16xf32>
    %swap3A_1291 = vector.shape_cast %broadcast_in_dim3A_1285 : vector<16xf32> to vector<1x16xf32>
    tpu.vector_store %arg16[%swap3A_1287, %swap3A_1288], %swap3A_1291 {strides = array<i32>} : memref<96x16xf32, #tpu.memory_space<vmem>>, vector<1x16xf32>,
    %broadcast_in_dim3A_1292 = arith.constant 0.000000e+00 : f32
    %broadcast_in_dim3A_1293 = vector.broadcast %broadcast_in_dim3A_1292 : f32 to vector<16xf32>
    %swap3A_1294 = arith.constant 75 : i32
    %swap3A_1295 = arith.index_cast %swap3A_1294 : i32 to index
    %swap3A_1296 = arith.constant 0 : index
    %swap3A_1297 = tpu.vector_load %arg17[%swap3A_1295, %swap3A_1296] {strides = array<i32>} : memref<96x16xf32, #tpu.memory_space<vmem>>, vector<1x16xf32>,
    %swap3A_1298 = vector.shape_cast %swap3A_1297 : vector<1x16xf32> to vector<16xf32>
    %swap3A_1299 = vector.shape_cast %broadcast_in_dim3A_1293 : vector<16xf32> to vector<1x16xf32>
    tpu.vector_store %arg17[%swap3A_1295, %swap3A_1296], %swap3A_1299 {strides = array<i32>} : memref<96x16xf32, #tpu.memory_space<vmem>>, vector<1x16xf32>,
    %broadcast_in_dim3A_1300 = arith.constant 1.000000e+00 : f32
    %broadcast_in_dim3A_1301 = vector.broadcast %broadcast_in_dim3A_1300 : f32 to vector<16xf32>
    %swap3A_1302 = arith.constant 76 : i32
    %swap3A_1303 = arith.index_cast %swap3A_1302 : i32 to index
    %swap3A_1304 = arith.constant 0 : index
    %swap3A_1305 = tpu.vector_load %arg16[%swap3A_1303, %swap3A_1304] {strides = array<i32>} : memref<96x16xf32, #tpu.memory_space<vmem>>, vector<1x16xf32>,
    %swap3A_1306 = vector.shape_cast %swap3A_1305 : vector<1x16xf32> to vector<16xf32>
    %swap3A_1307 = vector.shape_cast %broadcast_in_dim3A_1301 : vector<16xf32> to vector<1x16xf32>
    tpu.vector_store %arg16[%swap3A_1303, %swap3A_1304], %swap3A_1307 {strides = array<i32>} : memref<96x16xf32, #tpu.memory_space<vmem>>, vector<1x16xf32>,
    %broadcast_in_dim3A_1308 = arith.constant 0.000000e+00 : f32
    %broadcast_in_dim3A_1309 = vector.broadcast %broadcast_in_dim3A_1308 : f32 to vector<16xf32>
    %swap3A_1310 = arith.constant 76 : i32
    %swap3A_1311 = arith.index_cast %swap3A_1310 : i32 to index
    %swap3A_1312 = arith.constant 0 : index
    %swap3A_1313 = tpu.vector_load %arg17[%swap3A_1311, %swap3A_1312] {strides = array<i32>} : memref<96x16xf32, #tpu.memory_space<vmem>>, vector<1x16xf32>,
    %swap3A_1314 = vector.shape_cast %swap3A_1313 : vector<1x16xf32> to vector<16xf32>
    %swap3A_1315 = vector.shape_cast %broadcast_in_dim3A_1309 : vector<16xf32> to vector<1x16xf32>
    tpu.vector_store %arg17[%swap3A_1311, %swap3A_1312], %swap3A_1315 {strides = array<i32>} : memref<96x16xf32, #tpu.memory_space<vmem>>, vector<1x16xf32>,
    %broadcast_in_dim3A_1316 = arith.constant 1.000000e+00 : f32
    %broadcast_in_dim3A_1317 = vector.broadcast %broadcast_in_dim3A_1316 : f32 to vector<16xf32>
    %swap3A_1318 = arith.constant 77 : i32
    %swap3A_1319 = arith.index_cast %swap3A_1318 : i32 to index
    %swap3A_1320 = arith.constant 0 : index
    %swap3A_1321 = tpu.vector_load %arg16[%swap3A_1319, %swap3A_1320] {strides = array<i32>} : memref<96x16xf32, #tpu.memory_space<vmem>>, vector<1x16xf32>,
    %swap3A_1322 = vector.shape_cast %swap3A_1321 : vector<1x16xf32> to vector<16xf32>
    %swap3A_1323 = vector.shape_cast %broadcast_in_dim3A_1317 : vector<16xf32> to vector<1x16xf32>
    tpu.vector_store %arg16[%swap3A_1319, %swap3A_1320], %swap3A_1323 {strides = array<i32>} : memref<96x16xf32, #tpu.memory_space<vmem>>, vector<1x16xf32>,
    %broadcast_in_dim3A_1324 = arith.constant 0.000000e+00 : f32
    %broadcast_in_dim3A_1325 = vector.broadcast %broadcast_in_dim3A_1324 : f32 to vector<16xf32>
    %swap3A_1326 = arith.constant 77 : i32
    %swap3A_1327 = arith.index_cast %swap3A_1326 : i32 to index
    %swap3A_1328 = arith.constant 0 : index
    %swap3A_1329 = tpu.vector_load %arg17[%swap3A_1327, %swap3A_1328] {strides = array<i32>} : memref<96x16xf32, #tpu.memory_space<vmem>>, vector<1x16xf32>,
    %swap3A_1330 = vector.shape_cast %swap3A_1329 : vector<1x16xf32> to vector<16xf32>
    %swap3A_1331 = vector.shape_cast %broadcast_in_dim3A_1325 : vector<16xf32> to vector<1x16xf32>
    tpu.vector_store %arg17[%swap3A_1327, %swap3A_1328], %swap3A_1331 {strides = array<i32>} : memref<96x16xf32, #tpu.memory_space<vmem>>, vector<1x16xf32>,
    %broadcast_in_dim3A_1332 = arith.constant 1.000000e+00 : f32
    %broadcast_in_dim3A_1333 = vector.broadcast %broadcast_in_dim3A_1332 : f32 to vector<16xf32>
    %swap3A_1334 = arith.constant 78 : i32
    %swap3A_1335 = arith.index_cast %swap3A_1334 : i32 to index
    %swap3A_1336 = arith.constant 0 : index
    %swap3A_1337 = tpu.vector_load %arg16[%swap3A_1335, %swap3A_1336] {strides = array<i32>} : memref<96x16xf32, #tpu.memory_space<vmem>>, vector<1x16xf32>,
    %swap3A_1338 = vector.shape_cast %swap3A_1337 : vector<1x16xf32> to vector<16xf32>
    %swap3A_1339 = vector.shape_cast %broadcast_in_dim3A_1333 : vector<16xf32> to vector<1x16xf32>
    tpu.vector_store %arg16[%swap3A_1335, %swap3A_1336], %swap3A_1339 {strides = array<i32>} : memref<96x16xf32, #tpu.memory_space<vmem>>, vector<1x16xf32>,
    %broadcast_in_dim3A_1340 = arith.constant 0.000000e+00 : f32
    %broadcast_in_dim3A_1341 = vector.broadcast %broadcast_in_dim3A_1340 : f32 to vector<16xf32>
    %swap3A_1342 = arith.constant 78 : i32
    %swap3A_1343 = arith.index_cast %swap3A_1342 : i32 to index
    %swap3A_1344 = arith.constant 0 : index
    %swap3A_1345 = tpu.vector_load %arg17[%swap3A_1343, %swap3A_1344] {strides = array<i32>} : memref<96x16xf32, #tpu.memory_space<vmem>>, vector<1x16xf32>,
    %swap3A_1346 = vector.shape_cast %swap3A_1345 : vector<1x16xf32> to vector<16xf32>
    %swap3A_1347 = vector.shape_cast %broadcast_in_dim3A_1341 : vector<16xf32> to vector<1x16xf32>
    tpu.vector_store %arg17[%swap3A_1343, %swap3A_1344], %swap3A_1347 {strides = array<i32>} : memref<96x16xf32, #tpu.memory_space<vmem>>, vector<1x16xf32>,
    %broadcast_in_dim3A_1348 = arith.constant 1.000000e+00 : f32
    %broadcast_in_dim3A_1349 = vector.broadcast %broadcast_in_dim3A_1348 : f32 to vector<16xf32>
    %swap3A_1350 = arith.constant 79 : i32
    %swap3A_1351 = arith.index_cast %swap3A_1350 : i32 to index
    %swap3A_1352 = arith.constant 0 : index
    %swap3A_1353 = tpu.vector_load %arg16[%swap3A_1351, %swap3A_1352] {strides = array<i32>} : memref<96x16xf32, #tpu.memory_space<vmem>>, vector<1x16xf32>,
    %swap3A_1354 = vector.shape_cast %swap3A_1353 : vector<1x16xf32> to vector<16xf32>
    %swap3A_1355 = vector.shape_cast %broadcast_in_dim3A_1349 : vector<16xf32> to vector<1x16xf32>
    tpu.vector_store %arg16[%swap3A_1351, %swap3A_1352], %swap3A_1355 {strides = array<i32>} : memref<96x16xf32, #tpu.memory_space<vmem>>, vector<1x16xf32>,
    %broadcast_in_dim3A_1356 = arith.constant 0.000000e+00 : f32
    %broadcast_in_dim3A_1357 = vector.broadcast %broadcast_in_dim3A_1356 : f32 to vector<16xf32>
    %swap3A_1358 = arith.constant 79 : i32
    %swap3A_1359 = arith.index_cast %swap3A_1358 : i32 to index
    %swap3A_1360 = arith.constant 0 : index
    %swap3A_1361 = tpu.vector_load %arg17[%swap3A_1359, %swap3A_1360] {strides = array<i32>} : memref<96x16xf32, #tpu.memory_space<vmem>>, vector<1x16xf32>,
    %swap3A_1362 = vector.shape_cast %swap3A_1361 : vector<1x16xf32> to vector<16xf32>
    %swap3A_1363 = vector.shape_cast %broadcast_in_dim3A_1357 : vector<16xf32> to vector<1x16xf32>
    tpu.vector_store %arg17[%swap3A_1359, %swap3A_1360], %swap3A_1363 {strides = array<i32>} : memref<96x16xf32, #tpu.memory_space<vmem>>, vector<1x16xf32>,
    %broadcast_in_dim3A_1364 = arith.constant 1.000000e+00 : f32
    %broadcast_in_dim3A_1365 = vector.broadcast %broadcast_in_dim3A_1364 : f32 to vector<16xf32>
    %swap3A_1366 = arith.constant 80 : i32
    %swap3A_1367 = arith.index_cast %swap3A_1366 : i32 to index
    %swap3A_1368 = arith.constant 0 : index
    %swap3A_1369 = tpu.vector_load %arg16[%swap3A_1367, %swap3A_1368] {strides = array<i32>} : memref<96x16xf32, #tpu.memory_space<vmem>>, vector<1x16xf32>,
    %swap3A_1370 = vector.shape_cast %swap3A_1369 : vector<1x16xf32> to vector<16xf32>
    %swap3A_1371 = vector.shape_cast %broadcast_in_dim3A_1365 : vector<16xf32> to vector<1x16xf32>
    tpu.vector_store %arg16[%swap3A_1367, %swap3A_1368], %swap3A_1371 {strides = array<i32>} : memref<96x16xf32, #tpu.memory_space<vmem>>, vector<1x16xf32>,
    %broadcast_in_dim3A_1372 = arith.constant 0.000000e+00 : f32
    %broadcast_in_dim3A_1373 = vector.broadcast %broadcast_in_dim3A_1372 : f32 to vector<16xf32>
    %swap3A_1374 = arith.constant 80 : i32
    %swap3A_1375 = arith.index_cast %swap3A_1374 : i32 to index
    %swap3A_1376 = arith.constant 0 : index
    %swap3A_1377 = tpu.vector_load %arg17[%swap3A_1375, %swap3A_1376] {strides = array<i32>} : memref<96x16xf32, #tpu.memory_space<vmem>>, vector<1x16xf32>,
    %swap3A_1378 = vector.shape_cast %swap3A_1377 : vector<1x16xf32> to vector<16xf32>
    %swap3A_1379 = vector.shape_cast %broadcast_in_dim3A_1373 : vector<16xf32> to vector<1x16xf32>
    tpu.vector_store %arg17[%swap3A_1375, %swap3A_1376], %swap3A_1379 {strides = array<i32>} : memref<96x16xf32, #tpu.memory_space<vmem>>, vector<1x16xf32>,
    %broadcast_in_dim3A_1380 = arith.constant 1.000000e+00 : f32
    %broadcast_in_dim3A_1381 = vector.broadcast %broadcast_in_dim3A_1380 : f32 to vector<16xf32>
    %swap3A_1382 = arith.constant 81 : i32
    %swap3A_1383 = arith.index_cast %swap3A_1382 : i32 to index
    %swap3A_1384 = arith.constant 0 : index
    %swap3A_1385 = tpu.vector_load %arg16[%swap3A_1383, %swap3A_1384] {strides = array<i32>} : memref<96x16xf32, #tpu.memory_space<vmem>>, vector<1x16xf32>,
    %swap3A_1386 = vector.shape_cast %swap3A_1385 : vector<1x16xf32> to vector<16xf32>
    %swap3A_1387 = vector.shape_cast %broadcast_in_dim3A_1381 : vector<16xf32> to vector<1x16xf32>
    tpu.vector_store %arg16[%swap3A_1383, %swap3A_1384], %swap3A_1387 {strides = array<i32>} : memref<96x16xf32, #tpu.memory_space<vmem>>, vector<1x16xf32>,
    %broadcast_in_dim3A_1388 = arith.constant 0.000000e+00 : f32
    %broadcast_in_dim3A_1389 = vector.broadcast %broadcast_in_dim3A_1388 : f32 to vector<16xf32>
    %swap3A_1390 = arith.constant 81 : i32
    %swap3A_1391 = arith.index_cast %swap3A_1390 : i32 to index
    %swap3A_1392 = arith.constant 0 : index
    %swap3A_1393 = tpu.vector_load %arg17[%swap3A_1391, %swap3A_1392] {strides = array<i32>} : memref<96x16xf32, #tpu.memory_space<vmem>>, vector<1x16xf32>,
    %swap3A_1394 = vector.shape_cast %swap3A_1393 : vector<1x16xf32> to vector<16xf32>
    %swap3A_1395 = vector.shape_cast %broadcast_in_dim3A_1389 : vector<16xf32> to vector<1x16xf32>
    tpu.vector_store %arg17[%swap3A_1391, %swap3A_1392], %swap3A_1395 {strides = array<i32>} : memref<96x16xf32, #tpu.memory_space<vmem>>, vector<1x16xf32>,
    %broadcast_in_dim3A_1396 = arith.constant 1.000000e+00 : f32
    %broadcast_in_dim3A_1397 = vector.broadcast %broadcast_in_dim3A_1396 : f32 to vector<16xf32>
    %swap3A_1398 = arith.constant 82 : i32
    %swap3A_1399 = arith.index_cast %swap3A_1398 : i32 to index
    %swap3A_1400 = arith.constant 0 : index
    %swap3A_1401 = tpu.vector_load %arg16[%swap3A_1399, %swap3A_1400] {strides = array<i32>} : memref<96x16xf32, #tpu.memory_space<vmem>>, vector<1x16xf32>,
    %swap3A_1402 = vector.shape_cast %swap3A_1401 : vector<1x16xf32> to vector<16xf32>
    %swap3A_1403 = vector.shape_cast %broadcast_in_dim3A_1397 : vector<16xf32> to vector<1x16xf32>
    tpu.vector_store %arg16[%swap3A_1399, %swap3A_1400], %swap3A_1403 {strides = array<i32>} : memref<96x16xf32, #tpu.memory_space<vmem>>, vector<1x16xf32>,
    %broadcast_in_dim3A_1404 = arith.constant 0.000000e+00 : f32
    %broadcast_in_dim3A_1405 = vector.broadcast %broadcast_in_dim3A_1404 : f32 to vector<16xf32>
    %swap3A_1406 = arith.constant 82 : i32
    %swap3A_1407 = arith.index_cast %swap3A_1406 : i32 to index
    %swap3A_1408 = arith.constant 0 : index
    %swap3A_1409 = tpu.vector_load %arg17[%swap3A_1407, %swap3A_1408] {strides = array<i32>} : memref<96x16xf32, #tpu.memory_space<vmem>>, vector<1x16xf32>,
    %swap3A_1410 = vector.shape_cast %swap3A_1409 : vector<1x16xf32> to vector<16xf32>
    %swap3A_1411 = vector.shape_cast %broadcast_in_dim3A_1405 : vector<16xf32> to vector<1x16xf32>
    tpu.vector_store %arg17[%swap3A_1407, %swap3A_1408], %swap3A_1411 {strides = array<i32>} : memref<96x16xf32, #tpu.memory_space<vmem>>, vector<1x16xf32>,
    %broadcast_in_dim3A_1412 = arith.constant 1.000000e+00 : f32
    %broadcast_in_dim3A_1413 = vector.broadcast %broadcast_in_dim3A_1412 : f32 to vector<16xf32>
    %swap3A_1414 = arith.constant 83 : i32
    %swap3A_1415 = arith.index_cast %swap3A_1414 : i32 to index
    %swap3A_1416 = arith.constant 0 : index
    %swap3A_1417 = tpu.vector_load %arg16[%swap3A_1415, %swap3A_1416] {strides = array<i32>} : memref<96x16xf32, #tpu.memory_space<vmem>>, vector<1x16xf32>,
    %swap3A_1418 = vector.shape_cast %swap3A_1417 : vector<1x16xf32> to vector<16xf32>
    %swap3A_1419 = vector.shape_cast %broadcast_in_dim3A_1413 : vector<16xf32> to vector<1x16xf32>
    tpu.vector_store %arg16[%swap3A_1415, %swap3A_1416], %swap3A_1419 {strides = array<i32>} : memref<96x16xf32, #tpu.memory_space<vmem>>, vector<1x16xf32>,
    %broadcast_in_dim3A_1420 = arith.constant 0.000000e+00 : f32
    %broadcast_in_dim3A_1421 = vector.broadcast %broadcast_in_dim3A_1420 : f32 to vector<16xf32>
    %swap3A_1422 = arith.constant 83 : i32
    %swap3A_1423 = arith.index_cast %swap3A_1422 : i32 to index
    %swap3A_1424 = arith.constant 0 : index
    %swap3A_1425 = tpu.vector_load %arg17[%swap3A_1423, %swap3A_1424] {strides = array<i32>} : memref<96x16xf32, #tpu.memory_space<vmem>>, vector<1x16xf32>,
    %swap3A_1426 = vector.shape_cast %swap3A_1425 : vector<1x16xf32> to vector<16xf32>
    %swap3A_1427 = vector.shape_cast %broadcast_in_dim3A_1421 : vector<16xf32> to vector<1x16xf32>
    tpu.vector_store %arg17[%swap3A_1423, %swap3A_1424], %swap3A_1427 {strides = array<i32>} : memref<96x16xf32, #tpu.memory_space<vmem>>, vector<1x16xf32>,
    %broadcast_in_dim3A_1428 = arith.constant 1.000000e+00 : f32
    %broadcast_in_dim3A_1429 = vector.broadcast %broadcast_in_dim3A_1428 : f32 to vector<16xf32>
    %swap3A_1430 = arith.constant 84 : i32
    %swap3A_1431 = arith.index_cast %swap3A_1430 : i32 to index
    %swap3A_1432 = arith.constant 0 : index
    %swap3A_1433 = tpu.vector_load %arg16[%swap3A_1431, %swap3A_1432] {strides = array<i32>} : memref<96x16xf32, #tpu.memory_space<vmem>>, vector<1x16xf32>,
    %swap3A_1434 = vector.shape_cast %swap3A_1433 : vector<1x16xf32> to vector<16xf32>
    %swap3A_1435 = vector.shape_cast %broadcast_in_dim3A_1429 : vector<16xf32> to vector<1x16xf32>
    tpu.vector_store %arg16[%swap3A_1431, %swap3A_1432], %swap3A_1435 {strides = array<i32>} : memref<96x16xf32, #tpu.memory_space<vmem>>, vector<1x16xf32>,
    %broadcast_in_dim3A_1436 = arith.constant 0.000000e+00 : f32
    %broadcast_in_dim3A_1437 = vector.broadcast %broadcast_in_dim3A_1436 : f32 to vector<16xf32>
    %swap3A_1438 = arith.constant 84 : i32
    %swap3A_1439 = arith.index_cast %swap3A_1438 : i32 to index
    %swap3A_1440 = arith.constant 0 : index
    %swap3A_1441 = tpu.vector_load %arg17[%swap3A_1439, %swap3A_1440] {strides = array<i32>} : memref<96x16xf32, #tpu.memory_space<vmem>>, vector<1x16xf32>,
    %swap3A_1442 = vector.shape_cast %swap3A_1441 : vector<1x16xf32> to vector<16xf32>
    %swap3A_1443 = vector.shape_cast %broadcast_in_dim3A_1437 : vector<16xf32> to vector<1x16xf32>
    tpu.vector_store %arg17[%swap3A_1439, %swap3A_1440], %swap3A_1443 {strides = array<i32>} : memref<96x16xf32, #tpu.memory_space<vmem>>, vector<1x16xf32>,
    %broadcast_in_dim3A_1444 = arith.constant 1.000000e+00 : f32
    %broadcast_in_dim3A_1445 = vector.broadcast %broadcast_in_dim3A_1444 : f32 to vector<16xf32>
    %swap3A_1446 = arith.constant 85 : i32
    %swap3A_1447 = arith.index_cast %swap3A_1446 : i32 to index
    %swap3A_1448 = arith.constant 0 : index
    %swap3A_1449 = tpu.vector_load %arg16[%swap3A_1447, %swap3A_1448] {strides = array<i32>} : memref<96x16xf32, #tpu.memory_space<vmem>>, vector<1x16xf32>,
    %swap3A_1450 = vector.shape_cast %swap3A_1449 : vector<1x16xf32> to vector<16xf32>
    %swap3A_1451 = vector.shape_cast %broadcast_in_dim3A_1445 : vector<16xf32> to vector<1x16xf32>
    tpu.vector_store %arg16[%swap3A_1447, %swap3A_1448], %swap3A_1451 {strides = array<i32>} : memref<96x16xf32, #tpu.memory_space<vmem>>, vector<1x16xf32>,
    %broadcast_in_dim3A_1452 = arith.constant 0.000000e+00 : f32
    %broadcast_in_dim3A_1453 = vector.broadcast %broadcast_in_dim3A_1452 : f32 to vector<16xf32>
    %swap3A_1454 = arith.constant 85 : i32
    %swap3A_1455 = arith.index_cast %swap3A_1454 : i32 to index
    %swap3A_1456 = arith.constant 0 : index
    %swap3A_1457 = tpu.vector_load %arg17[%swap3A_1455, %swap3A_1456] {strides = array<i32>} : memref<96x16xf32, #tpu.memory_space<vmem>>, vector<1x16xf32>,
    %swap3A_1458 = vector.shape_cast %swap3A_1457 : vector<1x16xf32> to vector<16xf32>
    %swap3A_1459 = vector.shape_cast %broadcast_in_dim3A_1453 : vector<16xf32> to vector<1x16xf32>
    tpu.vector_store %arg17[%swap3A_1455, %swap3A_1456], %swap3A_1459 {strides = array<i32>} : memref<96x16xf32, #tpu.memory_space<vmem>>, vector<1x16xf32>,
    %broadcast_in_dim3A_1460 = arith.constant 1.000000e+00 : f32
    %broadcast_in_dim3A_1461 = vector.broadcast %broadcast_in_dim3A_1460 : f32 to vector<16xf32>
    %swap3A_1462 = arith.constant 86 : i32
    %swap3A_1463 = arith.index_cast %swap3A_1462 : i32 to index
    %swap3A_1464 = arith.constant 0 : index
    %swap3A_1465 = tpu.vector_load %arg16[%swap3A_1463, %swap3A_1464] {strides = array<i32>} : memref<96x16xf32, #tpu.memory_space<vmem>>, vector<1x16xf32>,
    %swap3A_1466 = vector.shape_cast %swap3A_1465 : vector<1x16xf32> to vector<16xf32>
    %swap3A_1467 = vector.shape_cast %broadcast_in_dim3A_1461 : vector<16xf32> to vector<1x16xf32>
    tpu.vector_store %arg16[%swap3A_1463, %swap3A_1464], %swap3A_1467 {strides = array<i32>} : memref<96x16xf32, #tpu.memory_space<vmem>>, vector<1x16xf32>,
    %broadcast_in_dim3A_1468 = arith.constant 0.000000e+00 : f32
    %broadcast_in_dim3A_1469 = vector.broadcast %broadcast_in_dim3A_1468 : f32 to vector<16xf32>
    %swap3A_1470 = arith.constant 86 : i32
    %swap3A_1471 = arith.index_cast %swap3A_1470 : i32 to index
    %swap3A_1472 = arith.constant 0 : index
    %swap3A_1473 = tpu.vector_load %arg17[%swap3A_1471, %swap3A_1472] {strides = array<i32>} : memref<96x16xf32, #tpu.memory_space<vmem>>, vector<1x16xf32>,
    %swap3A_1474 = vector.shape_cast %swap3A_1473 : vector<1x16xf32> to vector<16xf32>
    %swap3A_1475 = vector.shape_cast %broadcast_in_dim3A_1469 : vector<16xf32> to vector<1x16xf32>
    tpu.vector_store %arg17[%swap3A_1471, %swap3A_1472], %swap3A_1475 {strides = array<i32>} : memref<96x16xf32, #tpu.memory_space<vmem>>, vector<1x16xf32>,
    %broadcast_in_dim3A_1476 = arith.constant 1.000000e+00 : f32
    %broadcast_in_dim3A_1477 = vector.broadcast %broadcast_in_dim3A_1476 : f32 to vector<16xf32>
    %swap3A_1478 = arith.constant 87 : i32
    %swap3A_1479 = arith.index_cast %swap3A_1478 : i32 to index
    %swap3A_1480 = arith.constant 0 : index
    %swap3A_1481 = tpu.vector_load %arg16[%swap3A_1479, %swap3A_1480] {strides = array<i32>} : memref<96x16xf32, #tpu.memory_space<vmem>>, vector<1x16xf32>,
    %swap3A_1482 = vector.shape_cast %swap3A_1481 : vector<1x16xf32> to vector<16xf32>
    %swap3A_1483 = vector.shape_cast %broadcast_in_dim3A_1477 : vector<16xf32> to vector<1x16xf32>
    tpu.vector_store %arg16[%swap3A_1479, %swap3A_1480], %swap3A_1483 {strides = array<i32>} : memref<96x16xf32, #tpu.memory_space<vmem>>, vector<1x16xf32>,
    %broadcast_in_dim3A_1484 = arith.constant 0.000000e+00 : f32
    %broadcast_in_dim3A_1485 = vector.broadcast %broadcast_in_dim3A_1484 : f32 to vector<16xf32>
    %swap3A_1486 = arith.constant 87 : i32
    %swap3A_1487 = arith.index_cast %swap3A_1486 : i32 to index
    %swap3A_1488 = arith.constant 0 : index
    %swap3A_1489 = tpu.vector_load %arg17[%swap3A_1487, %swap3A_1488] {strides = array<i32>} : memref<96x16xf32, #tpu.memory_space<vmem>>, vector<1x16xf32>,
    %swap3A_1490 = vector.shape_cast %swap3A_1489 : vector<1x16xf32> to vector<16xf32>
    %swap3A_1491 = vector.shape_cast %broadcast_in_dim3A_1485 : vector<16xf32> to vector<1x16xf32>
    tpu.vector_store %arg17[%swap3A_1487, %swap3A_1488], %swap3A_1491 {strides = array<i32>} : memref<96x16xf32, #tpu.memory_space<vmem>>, vector<1x16xf32>,
    %broadcast_in_dim3A_1492 = arith.constant 1.000000e+00 : f32
    %broadcast_in_dim3A_1493 = vector.broadcast %broadcast_in_dim3A_1492 : f32 to vector<16xf32>
    %swap3A_1494 = arith.constant 88 : i32
    %swap3A_1495 = arith.index_cast %swap3A_1494 : i32 to index
    %swap3A_1496 = arith.constant 0 : index
    %swap3A_1497 = tpu.vector_load %arg16[%swap3A_1495, %swap3A_1496] {strides = array<i32>} : memref<96x16xf32, #tpu.memory_space<vmem>>, vector<1x16xf32>,
    %swap3A_1498 = vector.shape_cast %swap3A_1497 : vector<1x16xf32> to vector<16xf32>
    %swap3A_1499 = vector.shape_cast %broadcast_in_dim3A_1493 : vector<16xf32> to vector<1x16xf32>
    tpu.vector_store %arg16[%swap3A_1495, %swap3A_1496], %swap3A_1499 {strides = array<i32>} : memref<96x16xf32, #tpu.memory_space<vmem>>, vector<1x16xf32>,
    %broadcast_in_dim3A_1500 = arith.constant 0.000000e+00 : f32
    %broadcast_in_dim3A_1501 = vector.broadcast %broadcast_in_dim3A_1500 : f32 to vector<16xf32>
    %swap3A_1502 = arith.constant 88 : i32
    %swap3A_1503 = arith.index_cast %swap3A_1502 : i32 to index
    %swap3A_1504 = arith.constant 0 : index
    %swap3A_1505 = tpu.vector_load %arg17[%swap3A_1503, %swap3A_1504] {strides = array<i32>} : memref<96x16xf32, #tpu.memory_space<vmem>>, vector<1x16xf32>,
    %swap3A_1506 = vector.shape_cast %swap3A_1505 : vector<1x16xf32> to vector<16xf32>
    %swap3A_1507 = vector.shape_cast %broadcast_in_dim3A_1501 : vector<16xf32> to vector<1x16xf32>
    tpu.vector_store %arg17[%swap3A_1503, %swap3A_1504], %swap3A_1507 {strides = array<i32>} : memref<96x16xf32, #tpu.memory_space<vmem>>, vector<1x16xf32>,
    %broadcast_in_dim3A_1508 = arith.constant 1.000000e+00 : f32
    %broadcast_in_dim3A_1509 = vector.broadcast %broadcast_in_dim3A_1508 : f32 to vector<16xf32>
    %swap3A_1510 = arith.constant 89 : i32
    %swap3A_1511 = arith.index_cast %swap3A_1510 : i32 to index
    %swap3A_1512 = arith.constant 0 : index
    %swap3A_1513 = tpu.vector_load %arg16[%swap3A_1511, %swap3A_1512] {strides = array<i32>} : memref<96x16xf32, #tpu.memory_space<vmem>>, vector<1x16xf32>,
    %swap3A_1514 = vector.shape_cast %swap3A_1513 : vector<1x16xf32> to vector<16xf32>
    %swap3A_1515 = vector.shape_cast %broadcast_in_dim3A_1509 : vector<16xf32> to vector<1x16xf32>
    tpu.vector_store %arg16[%swap3A_1511, %swap3A_1512], %swap3A_1515 {strides = array<i32>} : memref<96x16xf32, #tpu.memory_space<vmem>>, vector<1x16xf32>,
    %broadcast_in_dim3A_1516 = arith.constant 0.000000e+00 : f32
    %broadcast_in_dim3A_1517 = vector.broadcast %broadcast_in_dim3A_1516 : f32 to vector<16xf32>
    %swap3A_1518 = arith.constant 89 : i32
    %swap3A_1519 = arith.index_cast %swap3A_1518 : i32 to index
    %swap3A_1520 = arith.constant 0 : index
    %swap3A_1521 = tpu.vector_load %arg17[%swap3A_1519, %swap3A_1520] {strides = array<i32>} : memref<96x16xf32, #tpu.memory_space<vmem>>, vector<1x16xf32>,
    %swap3A_1522 = vector.shape_cast %swap3A_1521 : vector<1x16xf32> to vector<16xf32>
    %swap3A_1523 = vector.shape_cast %broadcast_in_dim3A_1517 : vector<16xf32> to vector<1x16xf32>
    tpu.vector_store %arg17[%swap3A_1519, %swap3A_1520], %swap3A_1523 {strides = array<i32>} : memref<96x16xf32, #tpu.memory_space<vmem>>, vector<1x16xf32>,
    %broadcast_in_dim3A_1524 = arith.constant 1.000000e+00 : f32
    %broadcast_in_dim3A_1525 = vector.broadcast %broadcast_in_dim3A_1524 : f32 to vector<16xf32>
    %swap3A_1526 = arith.constant 90 : i32
    %swap3A_1527 = arith.index_cast %swap3A_1526 : i32 to index
    %swap3A_1528 = arith.constant 0 : index
    %swap3A_1529 = tpu.vector_load %arg16[%swap3A_1527, %swap3A_1528] {strides = array<i32>} : memref<96x16xf32, #tpu.memory_space<vmem>>, vector<1x16xf32>,
    %swap3A_1530 = vector.shape_cast %swap3A_1529 : vector<1x16xf32> to vector<16xf32>
    %swap3A_1531 = vector.shape_cast %broadcast_in_dim3A_1525 : vector<16xf32> to vector<1x16xf32>
    tpu.vector_store %arg16[%swap3A_1527, %swap3A_1528], %swap3A_1531 {strides = array<i32>} : memref<96x16xf32, #tpu.memory_space<vmem>>, vector<1x16xf32>,
    %broadcast_in_dim3A_1532 = arith.constant 0.000000e+00 : f32
    %broadcast_in_dim3A_1533 = vector.broadcast %broadcast_in_dim3A_1532 : f32 to vector<16xf32>
    %swap3A_1534 = arith.constant 90 : i32
    %swap3A_1535 = arith.index_cast %swap3A_1534 : i32 to index
    %swap3A_1536 = arith.constant 0 : index
    %swap3A_1537 = tpu.vector_load %arg17[%swap3A_1535, %swap3A_1536] {strides = array<i32>} : memref<96x16xf32, #tpu.memory_space<vmem>>, vector<1x16xf32>,
    %swap3A_1538 = vector.shape_cast %swap3A_1537 : vector<1x16xf32> to vector<16xf32>
    %swap3A_1539 = vector.shape_cast %broadcast_in_dim3A_1533 : vector<16xf32> to vector<1x16xf32>
    tpu.vector_store %arg17[%swap3A_1535, %swap3A_1536], %swap3A_1539 {strides = array<i32>} : memref<96x16xf32, #tpu.memory_space<vmem>>, vector<1x16xf32>,
    %broadcast_in_dim3A_1540 = arith.constant 1.000000e+00 : f32
    %broadcast_in_dim3A_1541 = vector.broadcast %broadcast_in_dim3A_1540 : f32 to vector<16xf32>
    %swap3A_1542 = arith.constant 91 : i32
    %swap3A_1543 = arith.index_cast %swap3A_1542 : i32 to index
    %swap3A_1544 = arith.constant 0 : index
    %swap3A_1545 = tpu.vector_load %arg16[%swap3A_1543, %swap3A_1544] {strides = array<i32>} : memref<96x16xf32, #tpu.memory_space<vmem>>, vector<1x16xf32>,
    %swap3A_1546 = vector.shape_cast %swap3A_1545 : vector<1x16xf32> to vector<16xf32>
    %swap3A_1547 = vector.shape_cast %broadcast_in_dim3A_1541 : vector<16xf32> to vector<1x16xf32>
    tpu.vector_store %arg16[%swap3A_1543, %swap3A_1544], %swap3A_1547 {strides = array<i32>} : memref<96x16xf32, #tpu.memory_space<vmem>>, vector<1x16xf32>,
    %broadcast_in_dim3A_1548 = arith.constant 0.000000e+00 : f32
    %broadcast_in_dim3A_1549 = vector.broadcast %broadcast_in_dim3A_1548 : f32 to vector<16xf32>
    %swap3A_1550 = arith.constant 91 : i32
    %swap3A_1551 = arith.index_cast %swap3A_1550 : i32 to index
    %swap3A_1552 = arith.constant 0 : index
    %swap3A_1553 = tpu.vector_load %arg17[%swap3A_1551, %swap3A_1552] {strides = array<i32>} : memref<96x16xf32, #tpu.memory_space<vmem>>, vector<1x16xf32>,
    %swap3A_1554 = vector.shape_cast %swap3A_1553 : vector<1x16xf32> to vector<16xf32>
    %swap3A_1555 = vector.shape_cast %broadcast_in_dim3A_1549 : vector<16xf32> to vector<1x16xf32>
    tpu.vector_store %arg17[%swap3A_1551, %swap3A_1552], %swap3A_1555 {strides = array<i32>} : memref<96x16xf32, #tpu.memory_space<vmem>>, vector<1x16xf32>,
    %broadcast_in_dim3A_1556 = arith.constant 1.000000e+00 : f32
    %broadcast_in_dim3A_1557 = vector.broadcast %broadcast_in_dim3A_1556 : f32 to vector<16xf32>
    %swap3A_1558 = arith.constant 92 : i32
    %swap3A_1559 = arith.index_cast %swap3A_1558 : i32 to index
    %swap3A_1560 = arith.constant 0 : index
    %swap3A_1561 = tpu.vector_load %arg16[%swap3A_1559, %swap3A_1560] {strides = array<i32>} : memref<96x16xf32, #tpu.memory_space<vmem>>, vector<1x16xf32>,
    %swap3A_1562 = vector.shape_cast %swap3A_1561 : vector<1x16xf32> to vector<16xf32>
    %swap3A_1563 = vector.shape_cast %broadcast_in_dim3A_1557 : vector<16xf32> to vector<1x16xf32>
    tpu.vector_store %arg16[%swap3A_1559, %swap3A_1560], %swap3A_1563 {strides = array<i32>} : memref<96x16xf32, #tpu.memory_space<vmem>>, vector<1x16xf32>,
    %broadcast_in_dim3A_1564 = arith.constant 0.000000e+00 : f32
    %broadcast_in_dim3A_1565 = vector.broadcast %broadcast_in_dim3A_1564 : f32 to vector<16xf32>
    %swap3A_1566 = arith.constant 92 : i32
    %swap3A_1567 = arith.index_cast %swap3A_1566 : i32 to index
    %swap3A_1568 = arith.constant 0 : index
    %swap3A_1569 = tpu.vector_load %arg17[%swap3A_1567, %swap3A_1568] {strides = array<i32>} : memref<96x16xf32, #tpu.memory_space<vmem>>, vector<1x16xf32>,
    %swap3A_1570 = vector.shape_cast %swap3A_1569 : vector<1x16xf32> to vector<16xf32>
    %swap3A_1571 = vector.shape_cast %broadcast_in_dim3A_1565 : vector<16xf32> to vector<1x16xf32>
    tpu.vector_store %arg17[%swap3A_1567, %swap3A_1568], %swap3A_1571 {strides = array<i32>} : memref<96x16xf32, #tpu.memory_space<vmem>>, vector<1x16xf32>,
    %broadcast_in_dim3A_1572 = arith.constant 1.000000e+00 : f32
    %broadcast_in_dim3A_1573 = vector.broadcast %broadcast_in_dim3A_1572 : f32 to vector<16xf32>
    %swap3A_1574 = arith.constant 93 : i32
    %swap3A_1575 = arith.index_cast %swap3A_1574 : i32 to index
    %swap3A_1576 = arith.constant 0 : index
    %swap3A_1577 = tpu.vector_load %arg16[%swap3A_1575, %swap3A_1576] {strides = array<i32>} : memref<96x16xf32, #tpu.memory_space<vmem>>, vector<1x16xf32>,
    %swap3A_1578 = vector.shape_cast %swap3A_1577 : vector<1x16xf32> to vector<16xf32>
    %swap3A_1579 = vector.shape_cast %broadcast_in_dim3A_1573 : vector<16xf32> to vector<1x16xf32>
    tpu.vector_store %arg16[%swap3A_1575, %swap3A_1576], %swap3A_1579 {strides = array<i32>} : memref<96x16xf32, #tpu.memory_space<vmem>>, vector<1x16xf32>,
    %broadcast_in_dim3A_1580 = arith.constant 0.000000e+00 : f32
    %broadcast_in_dim3A_1581 = vector.broadcast %broadcast_in_dim3A_1580 : f32 to vector<16xf32>
    %swap3A_1582 = arith.constant 93 : i32
    %swap3A_1583 = arith.index_cast %swap3A_1582 : i32 to index
    %swap3A_1584 = arith.constant 0 : index
    %swap3A_1585 = tpu.vector_load %arg17[%swap3A_1583, %swap3A_1584] {strides = array<i32>} : memref<96x16xf32, #tpu.memory_space<vmem>>, vector<1x16xf32>,
    %swap3A_1586 = vector.shape_cast %swap3A_1585 : vector<1x16xf32> to vector<16xf32>
    %swap3A_1587 = vector.shape_cast %broadcast_in_dim3A_1581 : vector<16xf32> to vector<1x16xf32>
    tpu.vector_store %arg17[%swap3A_1583, %swap3A_1584], %swap3A_1587 {strides = array<i32>} : memref<96x16xf32, #tpu.memory_space<vmem>>, vector<1x16xf32>,
    %broadcast_in_dim3A_1588 = arith.constant 1.000000e+00 : f32
    %broadcast_in_dim3A_1589 = vector.broadcast %broadcast_in_dim3A_1588 : f32 to vector<16xf32>
    %swap3A_1590 = arith.constant 94 : i32
    %swap3A_1591 = arith.index_cast %swap3A_1590 : i32 to index
    %swap3A_1592 = arith.constant 0 : index
    %swap3A_1593 = tpu.vector_load %arg16[%swap3A_1591, %swap3A_1592] {strides = array<i32>} : memref<96x16xf32, #tpu.memory_space<vmem>>, vector<1x16xf32>,
    %swap3A_1594 = vector.shape_cast %swap3A_1593 : vector<1x16xf32> to vector<16xf32>
    %swap3A_1595 = vector.shape_cast %broadcast_in_dim3A_1589 : vector<16xf32> to vector<1x16xf32>
    tpu.vector_store %arg16[%swap3A_1591, %swap3A_1592], %swap3A_1595 {strides = array<i32>} : memref<96x16xf32, #tpu.memory_space<vmem>>, vector<1x16xf32>,
    %broadcast_in_dim3A_1596 = arith.constant 0.000000e+00 : f32
    %broadcast_in_dim3A_1597 = vector.broadcast %broadcast_in_dim3A_1596 : f32 to vector<16xf32>
    %swap3A_1598 = arith.constant 94 : i32
    %swap3A_1599 = arith.index_cast %swap3A_1598 : i32 to index
    %swap3A_1600 = arith.constant 0 : index
    %swap3A_1601 = tpu.vector_load %arg17[%swap3A_1599, %swap3A_1600] {strides = array<i32>} : memref<96x16xf32, #tpu.memory_space<vmem>>, vector<1x16xf32>,
    %swap3A_1602 = vector.shape_cast %swap3A_1601 : vector<1x16xf32> to vector<16xf32>
    %swap3A_1603 = vector.shape_cast %broadcast_in_dim3A_1597 : vector<16xf32> to vector<1x16xf32>
    tpu.vector_store %arg17[%swap3A_1599, %swap3A_1600], %swap3A_1603 {strides = array<i32>} : memref<96x16xf32, #tpu.memory_space<vmem>>, vector<1x16xf32>,
    %broadcast_in_dim3A_1604 = arith.constant 1.000000e+00 : f32
    %broadcast_in_dim3A_1605 = vector.broadcast %broadcast_in_dim3A_1604 : f32 to vector<16xf32>
    %swap3A_1606 = arith.constant 95 : i32
    %swap3A_1607 = arith.index_cast %swap3A_1606 : i32 to index
    %swap3A_1608 = arith.constant 0 : index
    %swap3A_1609 = tpu.vector_load %arg16[%swap3A_1607, %swap3A_1608] {strides = array<i32>} : memref<96x16xf32, #tpu.memory_space<vmem>>, vector<1x16xf32>,
    %swap3A_1610 = vector.shape_cast %swap3A_1609 : vector<1x16xf32> to vector<16xf32>
    %swap3A_1611 = vector.shape_cast %broadcast_in_dim3A_1605 : vector<16xf32> to vector<1x16xf32>
    tpu.vector_store %arg16[%swap3A_1607, %swap3A_1608], %swap3A_1611 {strides = array<i32>} : memref<96x16xf32, #tpu.memory_space<vmem>>, vector<1x16xf32>,
    %broadcast_in_dim3A_1612 = arith.constant 0.000000e+00 : f32
    %broadcast_in_dim3A_1613 = vector.broadcast %broadcast_in_dim3A_1612 : f32 to vector<16xf32>
    %swap3A_1614 = arith.constant 95 : i32
    %swap3A_1615 = arith.index_cast %swap3A_1614 : i32 to index
    %swap3A_1616 = arith.constant 0 : index
    %swap3A_1617 = tpu.vector_load %arg17[%swap3A_1615, %swap3A_1616] {strides = array<i32>} : memref<96x16xf32, #tpu.memory_space<vmem>>, vector<1x16xf32>,
    %swap3A_1618 = vector.shape_cast %swap3A_1617 : vector<1x16xf32> to vector<16xf32>
    %swap3A_1619 = vector.shape_cast %broadcast_in_dim3A_1613 : vector<16xf32> to vector<1x16xf32>
    tpu.vector_store %arg17[%swap3A_1615, %swap3A_1616], %swap3A_1619 {strides = array<i32>} : memref<96x16xf32, #tpu.memory_space<vmem>>, vector<1x16xf32>,
    "tpu.region"() ({
      %run_scoped3A = tpu.sem_alloc : memref<!tpu.dma_semaphore, #tpu.memory_space<semaphore_mem>>
      tpu.enqueue_dma source(%arg4 : memref<96x128xf32, #tpu.memory_space<hbm>>) target(%arg13 : memref<96x128xf32, #tpu.memory_space<vmem>>) target_semaphore(%run_scoped3A : memref<!tpu.dma_semaphore, #tpu.memory_space<semaphore_mem>>)
      tpu.wait_dma2 semaphore(%run_scoped3A : memref<!tpu.dma_semaphore, #tpu.memory_space<semaphore_mem>>) src(%arg4 : memref<96x128xf32, #tpu.memory_space<hbm>>) dst(%arg13 : memref<96x128xf32, #tpu.memory_space<vmem>>)
      tpu.yield
    }) : () -> ()
    %mul3A_1620 = arith.constant 625 : i32
    %mul3A_1621 = arith.muli %arg1, %mul3A_1620 : i32
    %add3A_1622 = arith.constant 0 : i32
    %add3A_1623 = arith.addi %mul3A_1621, %add3A_1622 : i32
    "tpu.region"() ({
      %run_scoped3A = tpu.sem_alloc : memref<!tpu.dma_semaphore, #tpu.memory_space<semaphore_mem>>
      %dma_start3A_1781 = arith.constant 0 : i32
      %dma_start3A_1782 = tpu.memref_slice %arg18[%add3A_1623, %dma_start3A_1781] : memref<10008x128xf32, #tpu.memory_space<vmem_shared>> -> memref<96x128xf32, #tpu.memory_space<vmem_shared>>
      %dma_start3A_1783 = arith.constant 0 : i32
      %dma_start3A_1784 = tpu.memref_slice %arg18[%add3A_1623, %dma_start3A_1783] : memref<10008x128xf32, #tpu.memory_space<vmem_shared>> -> memref<96x128xf32, #tpu.memory_space<vmem_shared>>
      tpu.enqueue_dma source(%arg13 : memref<96x128xf32, #tpu.memory_space<vmem>>) target(%dma_start3A_1784 : memref<96x128xf32, #tpu.memory_space<vmem_shared>>) target_semaphore(%run_scoped3A : memref<!tpu.dma_semaphore, #tpu.memory_space<semaphore_mem>>)
      %dma_wait3A_1785 = arith.constant 0 : i32
      %dma_wait3A_1786 = tpu.memref_slice %arg18[%add3A_1623, %dma_wait3A_1785] : memref<10008x128xf32, #tpu.memory_space<vmem_shared>> -> memref<96x128xf32, #tpu.memory_space<vmem_shared>>
      %dma_wait3A_1787 = arith.constant 0 : i32
      %dma_wait3A_1788 = tpu.memref_slice %arg18[%add3A_1623, %dma_wait3A_1787] : memref<10008x128xf32, #tpu.memory_space<vmem_shared>> -> memref<96x128xf32, #tpu.memory_space<vmem_shared>>
      tpu.wait_dma2 semaphore(%run_scoped3A : memref<!tpu.dma_semaphore, #tpu.memory_space<semaphore_mem>>) src(%arg13 : memref<96x128xf32, #tpu.memory_space<vmem>>) dst(%dma_wait3A_1788 : memref<96x128xf32, #tpu.memory_space<vmem_shared>>)
      tpu.yield
    }) : () -> ()
    %add3A_1624 = arith.constant 0 : i32
    %add3A_1625 = arith.addi %mul3A_1621, %add3A_1624 : i32
    "tpu.region"() ({
      %run_scoped3A = tpu.sem_alloc : memref<!tpu.dma_semaphore, #tpu.memory_space<semaphore_mem>>
      %dma_start3A_1781 = arith.constant 0 : i32
      %dma_start3A_1782 = tpu.memref_slice %arg19[%add3A_1625, %dma_start3A_1781] : memref<10008x16xf32, #tpu.memory_space<vmem_shared>> -> memref<96x16xf32, #tpu.memory_space<vmem_shared>>
      %dma_start3A_1783 = arith.constant 0 : i32
      %dma_start3A_1784 = tpu.memref_slice %arg19[%add3A_1625, %dma_start3A_1783] : memref<10008x16xf32, #tpu.memory_space<vmem_shared>> -> memref<96x16xf32, #tpu.memory_space<vmem_shared>>
      tpu.enqueue_dma source(%arg17 : memref<96x16xf32, #tpu.memory_space<vmem>>) target(%dma_start3A_1784 : memref<96x16xf32, #tpu.memory_space<vmem_shared>>) target_semaphore(%run_scoped3A : memref<!tpu.dma_semaphore, #tpu.memory_space<semaphore_mem>>)
      %dma_wait3A_1785 = arith.constant 0 : i32
      %dma_wait3A_1786 = tpu.memref_slice %arg19[%add3A_1625, %dma_wait3A_1785] : memref<10008x16xf32, #tpu.memory_space<vmem_shared>> -> memref<96x16xf32, #tpu.memory_space<vmem_shared>>
      %dma_wait3A_1787 = arith.constant 0 : i32
      %dma_wait3A_1788 = tpu.memref_slice %arg19[%add3A_1625, %dma_wait3A_1787] : memref<10008x16xf32, #tpu.memory_space<vmem_shared>> -> memref<96x16xf32, #tpu.memory_space<vmem_shared>>
      tpu.wait_dma2 semaphore(%run_scoped3A : memref<!tpu.dma_semaphore, #tpu.memory_space<semaphore_mem>>) src(%arg17 : memref<96x16xf32, #tpu.memory_space<vmem>>) dst(%dma_wait3A_1788 : memref<96x16xf32, #tpu.memory_space<vmem_shared>>)
      tpu.yield
    }) : () -> ()
    %add3A_1626 = arith.constant 96 : i32
    %add3A_1627 = arith.addi %mul3A_1621, %add3A_1626 : i32
    "tpu.region"() ({
      %run_scoped3A = tpu.sem_alloc : memref<!tpu.dma_semaphore, #tpu.memory_space<semaphore_mem>>
      %dma_start3A_1781 = arith.constant 0 : i32
      %dma_start3A_1782 = tpu.memref_slice %arg18[%add3A_1627, %dma_start3A_1781] : memref<10008x128xf32, #tpu.memory_space<vmem_shared>> -> memref<96x128xf32, #tpu.memory_space<vmem_shared>>
      %dma_start3A_1783 = arith.constant 0 : i32
      %dma_start3A_1784 = tpu.memref_slice %arg18[%add3A_1627, %dma_start3A_1783] : memref<10008x128xf32, #tpu.memory_space<vmem_shared>> -> memref<96x128xf32, #tpu.memory_space<vmem_shared>>
      tpu.enqueue_dma source(%arg13 : memref<96x128xf32, #tpu.memory_space<vmem>>) target(%dma_start3A_1784 : memref<96x128xf32, #tpu.memory_space<vmem_shared>>) target_semaphore(%run_scoped3A : memref<!tpu.dma_semaphore, #tpu.memory_space<semaphore_mem>>)
      %dma_wait3A_1785 = arith.constant 0 : i32
      %dma_wait3A_1786 = tpu.memref_slice %arg18[%add3A_1627, %dma_wait3A_1785] : memref<10008x128xf32, #tpu.memory_space<vmem_shared>> -> memref<96x128xf32, #tpu.memory_space<vmem_shared>>
      %dma_wait3A_1787 = arith.constant 0 : i32
      %dma_wait3A_1788 = tpu.memref_slice %arg18[%add3A_1627, %dma_wait3A_1787] : memref<10008x128xf32, #tpu.memory_space<vmem_shared>> -> memref<96x128xf32, #tpu.memory_space<vmem_shared>>
      tpu.wait_dma2 semaphore(%run_scoped3A : memref<!tpu.dma_semaphore, #tpu.memory_space<semaphore_mem>>) src(%arg13 : memref<96x128xf32, #tpu.memory_space<vmem>>) dst(%dma_wait3A_1788 : memref<96x128xf32, #tpu.memory_space<vmem_shared>>)
      tpu.yield
    }) : () -> ()
    %add3A_1628 = arith.constant 96 : i32
    %add3A_1629 = arith.addi %mul3A_1621, %add3A_1628 : i32
    "tpu.region"() ({
      %run_scoped3A = tpu.sem_alloc : memref<!tpu.dma_semaphore, #tpu.memory_space<semaphore_mem>>
      %dma_start3A_1781 = arith.constant 0 : i32
      %dma_start3A_1782 = tpu.memref_slice %arg19[%add3A_1629, %dma_start3A_1781] : memref<10008x16xf32, #tpu.memory_space<vmem_shared>> -> memref<96x16xf32, #tpu.memory_space<vmem_shared>>
      %dma_start3A_1783 = arith.constant 0 : i32
      %dma_start3A_1784 = tpu.memref_slice %arg19[%add3A_1629, %dma_start3A_1783] : memref<10008x16xf32, #tpu.memory_space<vmem_shared>> -> memref<96x16xf32, #tpu.memory_space<vmem_shared>>
      tpu.enqueue_dma source(%arg17 : memref<96x16xf32, #tpu.memory_space<vmem>>) target(%dma_start3A_1784 : memref<96x16xf32, #tpu.memory_space<vmem_shared>>) target_semaphore(%run_scoped3A : memref<!tpu.dma_semaphore, #tpu.memory_space<semaphore_mem>>)
      %dma_wait3A_1785 = arith.constant 0 : i32
      %dma_wait3A_1786 = tpu.memref_slice %arg19[%add3A_1629, %dma_wait3A_1785] : memref<10008x16xf32, #tpu.memory_space<vmem_shared>> -> memref<96x16xf32, #tpu.memory_space<vmem_shared>>
      %dma_wait3A_1787 = arith.constant 0 : i32
      %dma_wait3A_1788 = tpu.memref_slice %arg19[%add3A_1629, %dma_wait3A_1787] : memref<10008x16xf32, #tpu.memory_space<vmem_shared>> -> memref<96x16xf32, #tpu.memory_space<vmem_shared>>
      tpu.wait_dma2 semaphore(%run_scoped3A : memref<!tpu.dma_semaphore, #tpu.memory_space<semaphore_mem>>) src(%arg17 : memref<96x16xf32, #tpu.memory_space<vmem>>) dst(%dma_wait3A_1788 : memref<96x16xf32, #tpu.memory_space<vmem_shared>>)
      tpu.yield
    }) : () -> ()
    %add3A_1630 = arith.constant 192 : i32
    %add3A_1631 = arith.addi %mul3A_1621, %add3A_1630 : i32
    "tpu.region"() ({
      %run_scoped3A = tpu.sem_alloc : memref<!tpu.dma_semaphore, #tpu.memory_space<semaphore_mem>>
      %dma_start3A_1781 = arith.constant 0 : i32
      %dma_start3A_1782 = tpu.memref_slice %arg18[%add3A_1631, %dma_start3A_1781] : memref<10008x128xf32, #tpu.memory_space<vmem_shared>> -> memref<96x128xf32, #tpu.memory_space<vmem_shared>>
      %dma_start3A_1783 = arith.constant 0 : i32
      %dma_start3A_1784 = tpu.memref_slice %arg18[%add3A_1631, %dma_start3A_1783] : memref<10008x128xf32, #tpu.memory_space<vmem_shared>> -> memref<96x128xf32, #tpu.memory_space<vmem_shared>>
      tpu.enqueue_dma source(%arg13 : memref<96x128xf32, #tpu.memory_space<vmem>>) target(%dma_start3A_1784 : memref<96x128xf32, #tpu.memory_space<vmem_shared>>) target_semaphore(%run_scoped3A : memref<!tpu.dma_semaphore, #tpu.memory_space<semaphore_mem>>)
      %dma_wait3A_1785 = arith.constant 0 : i32
      %dma_wait3A_1786 = tpu.memref_slice %arg18[%add3A_1631, %dma_wait3A_1785] : memref<10008x128xf32, #tpu.memory_space<vmem_shared>> -> memref<96x128xf32, #tpu.memory_space<vmem_shared>>
      %dma_wait3A_1787 = arith.constant 0 : i32
      %dma_wait3A_1788 = tpu.memref_slice %arg18[%add3A_1631, %dma_wait3A_1787] : memref<10008x128xf32, #tpu.memory_space<vmem_shared>> -> memref<96x128xf32, #tpu.memory_space<vmem_shared>>
      tpu.wait_dma2 semaphore(%run_scoped3A : memref<!tpu.dma_semaphore, #tpu.memory_space<semaphore_mem>>) src(%arg13 : memref<96x128xf32, #tpu.memory_space<vmem>>) dst(%dma_wait3A_1788 : memref<96x128xf32, #tpu.memory_space<vmem_shared>>)
      tpu.yield
    }) : () -> ()
    %add3A_1632 = arith.constant 192 : i32
    %add3A_1633 = arith.addi %mul3A_1621, %add3A_1632 : i32
    "tpu.region"() ({
      %run_scoped3A = tpu.sem_alloc : memref<!tpu.dma_semaphore, #tpu.memory_space<semaphore_mem>>
      %dma_start3A_1781 = arith.constant 0 : i32
      %dma_start3A_1782 = tpu.memref_slice %arg19[%add3A_1633, %dma_start3A_1781] : memref<10008x16xf32, #tpu.memory_space<vmem_shared>> -> memref<96x16xf32, #tpu.memory_space<vmem_shared>>
      %dma_start3A_1783 = arith.constant 0 : i32
      %dma_start3A_1784 = tpu.memref_slice %arg19[%add3A_1633, %dma_start3A_1783] : memref<10008x16xf32, #tpu.memory_space<vmem_shared>> -> memref<96x16xf32, #tpu.memory_space<vmem_shared>>
      tpu.enqueue_dma source(%arg17 : memref<96x16xf32, #tpu.memory_space<vmem>>) target(%dma_start3A_1784 : memref<96x16xf32, #tpu.memory_space<vmem_shared>>) target_semaphore(%run_scoped3A : memref<!tpu.dma_semaphore, #tpu.memory_space<semaphore_mem>>)
      %dma_wait3A_1785 = arith.constant 0 : i32
      %dma_wait3A_1786 = tpu.memref_slice %arg19[%add3A_1633, %dma_wait3A_1785] : memref<10008x16xf32, #tpu.memory_space<vmem_shared>> -> memref<96x16xf32, #tpu.memory_space<vmem_shared>>
      %dma_wait3A_1787 = arith.constant 0 : i32
      %dma_wait3A_1788 = tpu.memref_slice %arg19[%add3A_1633, %dma_wait3A_1787] : memref<10008x16xf32, #tpu.memory_space<vmem_shared>> -> memref<96x16xf32, #tpu.memory_space<vmem_shared>>
      tpu.wait_dma2 semaphore(%run_scoped3A : memref<!tpu.dma_semaphore, #tpu.memory_space<semaphore_mem>>) src(%arg17 : memref<96x16xf32, #tpu.memory_space<vmem>>) dst(%dma_wait3A_1788 : memref<96x16xf32, #tpu.memory_space<vmem_shared>>)
      tpu.yield
    }) : () -> ()
    %add3A_1634 = arith.constant 288 : i32
    %add3A_1635 = arith.addi %mul3A_1621, %add3A_1634 : i32
    "tpu.region"() ({
      %run_scoped3A = tpu.sem_alloc : memref<!tpu.dma_semaphore, #tpu.memory_space<semaphore_mem>>
      %dma_start3A_1781 = arith.constant 0 : i32
      %dma_start3A_1782 = tpu.memref_slice %arg18[%add3A_1635, %dma_start3A_1781] : memref<10008x128xf32, #tpu.memory_space<vmem_shared>> -> memref<96x128xf32, #tpu.memory_space<vmem_shared>>
      %dma_start3A_1783 = arith.constant 0 : i32
      %dma_start3A_1784 = tpu.memref_slice %arg18[%add3A_1635, %dma_start3A_1783] : memref<10008x128xf32, #tpu.memory_space<vmem_shared>> -> memref<96x128xf32, #tpu.memory_space<vmem_shared>>
      tpu.enqueue_dma source(%arg13 : memref<96x128xf32, #tpu.memory_space<vmem>>) target(%dma_start3A_1784 : memref<96x128xf32, #tpu.memory_space<vmem_shared>>) target_semaphore(%run_scoped3A : memref<!tpu.dma_semaphore, #tpu.memory_space<semaphore_mem>>)
      %dma_wait3A_1785 = arith.constant 0 : i32
      %dma_wait3A_1786 = tpu.memref_slice %arg18[%add3A_1635, %dma_wait3A_1785] : memref<10008x128xf32, #tpu.memory_space<vmem_shared>> -> memref<96x128xf32, #tpu.memory_space<vmem_shared>>
      %dma_wait3A_1787 = arith.constant 0 : i32
      %dma_wait3A_1788 = tpu.memref_slice %arg18[%add3A_1635, %dma_wait3A_1787] : memref<10008x128xf32, #tpu.memory_space<vmem_shared>> -> memref<96x128xf32, #tpu.memory_space<vmem_shared>>
      tpu.wait_dma2 semaphore(%run_scoped3A : memref<!tpu.dma_semaphore, #tpu.memory_space<semaphore_mem>>) src(%arg13 : memref<96x128xf32, #tpu.memory_space<vmem>>) dst(%dma_wait3A_1788 : memref<96x128xf32, #tpu.memory_space<vmem_shared>>)
      tpu.yield
    }) : () -> ()
    %add3A_1636 = arith.constant 288 : i32
    %add3A_1637 = arith.addi %mul3A_1621, %add3A_1636 : i32
    "tpu.region"() ({
      %run_scoped3A = tpu.sem_alloc : memref<!tpu.dma_semaphore, #tpu.memory_space<semaphore_mem>>
      %dma_start3A_1781 = arith.constant 0 : i32
      %dma_start3A_1782 = tpu.memref_slice %arg19[%add3A_1637, %dma_start3A_1781] : memref<10008x16xf32, #tpu.memory_space<vmem_shared>> -> memref<96x16xf32, #tpu.memory_space<vmem_shared>>
      %dma_start3A_1783 = arith.constant 0 : i32
      %dma_start3A_1784 = tpu.memref_slice %arg19[%add3A_1637, %dma_start3A_1783] : memref<10008x16xf32, #tpu.memory_space<vmem_shared>> -> memref<96x16xf32, #tpu.memory_space<vmem_shared>>
      tpu.enqueue_dma source(%arg17 : memref<96x16xf32, #tpu.memory_space<vmem>>) target(%dma_start3A_1784 : memref<96x16xf32, #tpu.memory_space<vmem_shared>>) target_semaphore(%run_scoped3A : memref<!tpu.dma_semaphore, #tpu.memory_space<semaphore_mem>>)
      %dma_wait3A_1785 = arith.constant 0 : i32
      %dma_wait3A_1786 = tpu.memref_slice %arg19[%add3A_1637, %dma_wait3A_1785] : memref<10008x16xf32, #tpu.memory_space<vmem_shared>> -> memref<96x16xf32, #tpu.memory_space<vmem_shared>>
      %dma_wait3A_1787 = arith.constant 0 : i32
      %dma_wait3A_1788 = tpu.memref_slice %arg19[%add3A_1637, %dma_wait3A_1787] : memref<10008x16xf32, #tpu.memory_space<vmem_shared>> -> memref<96x16xf32, #tpu.memory_space<vmem_shared>>
      tpu.wait_dma2 semaphore(%run_scoped3A : memref<!tpu.dma_semaphore, #tpu.memory_space<semaphore_mem>>) src(%arg17 : memref<96x16xf32, #tpu.memory_space<vmem>>) dst(%dma_wait3A_1788 : memref<96x16xf32, #tpu.memory_space<vmem_shared>>)
      tpu.yield
    }) : () -> ()
    %add3A_1638 = arith.constant 384 : i32
    %add3A_1639 = arith.addi %mul3A_1621, %add3A_1638 : i32
    "tpu.region"() ({
      %run_scoped3A = tpu.sem_alloc : memref<!tpu.dma_semaphore, #tpu.memory_space<semaphore_mem>>
      %dma_start3A_1781 = arith.constant 0 : i32
      %dma_start3A_1782 = tpu.memref_slice %arg18[%add3A_1639, %dma_start3A_1781] : memref<10008x128xf32, #tpu.memory_space<vmem_shared>> -> memref<96x128xf32, #tpu.memory_space<vmem_shared>>
      %dma_start3A_1783 = arith.constant 0 : i32
      %dma_start3A_1784 = tpu.memref_slice %arg18[%add3A_1639, %dma_start3A_1783] : memref<10008x128xf32, #tpu.memory_space<vmem_shared>> -> memref<96x128xf32, #tpu.memory_space<vmem_shared>>
      tpu.enqueue_dma source(%arg13 : memref<96x128xf32, #tpu.memory_space<vmem>>) target(%dma_start3A_1784 : memref<96x128xf32, #tpu.memory_space<vmem_shared>>) target_semaphore(%run_scoped3A : memref<!tpu.dma_semaphore, #tpu.memory_space<semaphore_mem>>)
      %dma_wait3A_1785 = arith.constant 0 : i32
      %dma_wait3A_1786 = tpu.memref_slice %arg18[%add3A_1639, %dma_wait3A_1785] : memref<10008x128xf32, #tpu.memory_space<vmem_shared>> -> memref<96x128xf32, #tpu.memory_space<vmem_shared>>
      %dma_wait3A_1787 = arith.constant 0 : i32
      %dma_wait3A_1788 = tpu.memref_slice %arg18[%add3A_1639, %dma_wait3A_1787] : memref<10008x128xf32, #tpu.memory_space<vmem_shared>> -> memref<96x128xf32, #tpu.memory_space<vmem_shared>>
      tpu.wait_dma2 semaphore(%run_scoped3A : memref<!tpu.dma_semaphore, #tpu.memory_space<semaphore_mem>>) src(%arg13 : memref<96x128xf32, #tpu.memory_space<vmem>>) dst(%dma_wait3A_1788 : memref<96x128xf32, #tpu.memory_space<vmem_shared>>)
      tpu.yield
    }) : () -> ()
    %add3A_1640 = arith.constant 384 : i32
    %add3A_1641 = arith.addi %mul3A_1621, %add3A_1640 : i32
    "tpu.region"() ({
      %run_scoped3A = tpu.sem_alloc : memref<!tpu.dma_semaphore, #tpu.memory_space<semaphore_mem>>
      %dma_start3A_1781 = arith.constant 0 : i32
      %dma_start3A_1782 = tpu.memref_slice %arg19[%add3A_1641, %dma_start3A_1781] : memref<10008x16xf32, #tpu.memory_space<vmem_shared>> -> memref<96x16xf32, #tpu.memory_space<vmem_shared>>
      %dma_start3A_1783 = arith.constant 0 : i32
      %dma_start3A_1784 = tpu.memref_slice %arg19[%add3A_1641, %dma_start3A_1783] : memref<10008x16xf32, #tpu.memory_space<vmem_shared>> -> memref<96x16xf32, #tpu.memory_space<vmem_shared>>
      tpu.enqueue_dma source(%arg17 : memref<96x16xf32, #tpu.memory_space<vmem>>) target(%dma_start3A_1784 : memref<96x16xf32, #tpu.memory_space<vmem_shared>>) target_semaphore(%run_scoped3A : memref<!tpu.dma_semaphore, #tpu.memory_space<semaphore_mem>>)
      %dma_wait3A_1785 = arith.constant 0 : i32
      %dma_wait3A_1786 = tpu.memref_slice %arg19[%add3A_1641, %dma_wait3A_1785] : memref<10008x16xf32, #tpu.memory_space<vmem_shared>> -> memref<96x16xf32, #tpu.memory_space<vmem_shared>>
      %dma_wait3A_1787 = arith.constant 0 : i32
      %dma_wait3A_1788 = tpu.memref_slice %arg19[%add3A_1641, %dma_wait3A_1787] : memref<10008x16xf32, #tpu.memory_space<vmem_shared>> -> memref<96x16xf32, #tpu.memory_space<vmem_shared>>
      tpu.wait_dma2 semaphore(%run_scoped3A : memref<!tpu.dma_semaphore, #tpu.memory_space<semaphore_mem>>) src(%arg17 : memref<96x16xf32, #tpu.memory_space<vmem>>) dst(%dma_wait3A_1788 : memref<96x16xf32, #tpu.memory_space<vmem_shared>>)
      tpu.yield
    }) : () -> ()
    %add3A_1642 = arith.constant 480 : i32
    %add3A_1643 = arith.addi %mul3A_1621, %add3A_1642 : i32
    "tpu.region"() ({
      %run_scoped3A = tpu.sem_alloc : memref<!tpu.dma_semaphore, #tpu.memory_space<semaphore_mem>>
      %dma_start3A_1781 = arith.constant 0 : i32
      %dma_start3A_1782 = tpu.memref_slice %arg18[%add3A_1643, %dma_start3A_1781] : memref<10008x128xf32, #tpu.memory_space<vmem_shared>> -> memref<96x128xf32, #tpu.memory_space<vmem_shared>>
      %dma_start3A_1783 = arith.constant 0 : i32
      %dma_start3A_1784 = tpu.memref_slice %arg18[%add3A_1643, %dma_start3A_1783] : memref<10008x128xf32, #tpu.memory_space<vmem_shared>> -> memref<96x128xf32, #tpu.memory_space<vmem_shared>>
      tpu.enqueue_dma source(%arg13 : memref<96x128xf32, #tpu.memory_space<vmem>>) target(%dma_start3A_1784 : memref<96x128xf32, #tpu.memory_space<vmem_shared>>) target_semaphore(%run_scoped3A : memref<!tpu.dma_semaphore, #tpu.memory_space<semaphore_mem>>)
      %dma_wait3A_1785 = arith.constant 0 : i32
      %dma_wait3A_1786 = tpu.memref_slice %arg18[%add3A_1643, %dma_wait3A_1785] : memref<10008x128xf32, #tpu.memory_space<vmem_shared>> -> memref<96x128xf32, #tpu.memory_space<vmem_shared>>
      %dma_wait3A_1787 = arith.constant 0 : i32
      %dma_wait3A_1788 = tpu.memref_slice %arg18[%add3A_1643, %dma_wait3A_1787] : memref<10008x128xf32, #tpu.memory_space<vmem_shared>> -> memref<96x128xf32, #tpu.memory_space<vmem_shared>>
      tpu.wait_dma2 semaphore(%run_scoped3A : memref<!tpu.dma_semaphore, #tpu.memory_space<semaphore_mem>>) src(%arg13 : memref<96x128xf32, #tpu.memory_space<vmem>>) dst(%dma_wait3A_1788 : memref<96x128xf32, #tpu.memory_space<vmem_shared>>)
      tpu.yield
    }) : () -> ()
    %add3A_1644 = arith.constant 480 : i32
    %add3A_1645 = arith.addi %mul3A_1621, %add3A_1644 : i32
    "tpu.region"() ({
      %run_scoped3A = tpu.sem_alloc : memref<!tpu.dma_semaphore, #tpu.memory_space<semaphore_mem>>
      %dma_start3A_1781 = arith.constant 0 : i32
      %dma_start3A_1782 = tpu.memref_slice %arg19[%add3A_1645, %dma_start3A_1781] : memref<10008x16xf32, #tpu.memory_space<vmem_shared>> -> memref<96x16xf32, #tpu.memory_space<vmem_shared>>
      %dma_start3A_1783 = arith.constant 0 : i32
      %dma_start3A_1784 = tpu.memref_slice %arg19[%add3A_1645, %dma_start3A_1783] : memref<10008x16xf32, #tpu.memory_space<vmem_shared>> -> memref<96x16xf32, #tpu.memory_space<vmem_shared>>
      tpu.enqueue_dma source(%arg17 : memref<96x16xf32, #tpu.memory_space<vmem>>) target(%dma_start3A_1784 : memref<96x16xf32, #tpu.memory_space<vmem_shared>>) target_semaphore(%run_scoped3A : memref<!tpu.dma_semaphore, #tpu.memory_space<semaphore_mem>>)
      %dma_wait3A_1785 = arith.constant 0 : i32
      %dma_wait3A_1786 = tpu.memref_slice %arg19[%add3A_1645, %dma_wait3A_1785] : memref<10008x16xf32, #tpu.memory_space<vmem_shared>> -> memref<96x16xf32, #tpu.memory_space<vmem_shared>>
      %dma_wait3A_1787 = arith.constant 0 : i32
      %dma_wait3A_1788 = tpu.memref_slice %arg19[%add3A_1645, %dma_wait3A_1787] : memref<10008x16xf32, #tpu.memory_space<vmem_shared>> -> memref<96x16xf32, #tpu.memory_space<vmem_shared>>
      tpu.wait_dma2 semaphore(%run_scoped3A : memref<!tpu.dma_semaphore, #tpu.memory_space<semaphore_mem>>) src(%arg17 : memref<96x16xf32, #tpu.memory_space<vmem>>) dst(%dma_wait3A_1788 : memref<96x16xf32, #tpu.memory_space<vmem_shared>>)
      tpu.yield
    }) : () -> ()
    %add3A_1646 = arith.constant 576 : i32
    %add3A_1647 = arith.addi %mul3A_1621, %add3A_1646 : i32
    "tpu.region"() ({
      %run_scoped3A = tpu.sem_alloc : memref<!tpu.dma_semaphore, #tpu.memory_space<semaphore_mem>>
      %dma_start3A_1781 = arith.constant 0 : i32
      %dma_start3A_1782 = arith.constant 0 : i32
      %dma_start3A_1783 = tpu.memref_slice %arg13[%dma_start3A_1781, %dma_start3A_1782] : memref<96x128xf32, #tpu.memory_space<vmem>> -> memref<49x128xf32, #tpu.memory_space<vmem>>
      %dma_start3A_1784 = arith.constant 0 : i32
      %dma_start3A_1785 = tpu.memref_slice %arg18[%add3A_1647, %dma_start3A_1784] : memref<10008x128xf32, #tpu.memory_space<vmem_shared>> -> memref<49x128xf32, #tpu.memory_space<vmem_shared>>
      %dma_start3A_1786 = arith.constant 0 : i32
      %dma_start3A_1787 = tpu.memref_slice %arg18[%add3A_1647, %dma_start3A_1786] : memref<10008x128xf32, #tpu.memory_space<vmem_shared>> -> memref<49x128xf32, #tpu.memory_space<vmem_shared>>
      %dma_start3A_1788 = arith.constant 0 : i32
      %dma_start3A_1789 = arith.constant 0 : i32
      %dma_start3A_1790 = tpu.memref_slice %arg13[%dma_start3A_1788, %dma_start3A_1789] : memref<96x128xf32, #tpu.memory_space<vmem>> -> memref<49x128xf32, #tpu.memory_space<vmem>>
      tpu.enqueue_dma source(%dma_start3A_1790 : memref<49x128xf32, #tpu.memory_space<vmem>>) target(%dma_start3A_1787 : memref<49x128xf32, #tpu.memory_space<vmem_shared>>) target_semaphore(%run_scoped3A : memref<!tpu.dma_semaphore, #tpu.memory_space<semaphore_mem>>)
      %dma_wait3A_1791 = arith.constant 0 : i32
      %dma_wait3A_1792 = arith.constant 0 : i32
      %dma_wait3A_1793 = tpu.memref_slice %arg13[%dma_wait3A_1791, %dma_wait3A_1792] : memref<96x128xf32, #tpu.memory_space<vmem>> -> memref<49x128xf32, #tpu.memory_space<vmem>>
      %dma_wait3A_1794 = arith.constant 0 : i32
      %dma_wait3A_1795 = tpu.memref_slice %arg18[%add3A_1647, %dma_wait3A_1794] : memref<10008x128xf32, #tpu.memory_space<vmem_shared>> -> memref<49x128xf32, #tpu.memory_space<vmem_shared>>
      %dma_wait3A_1796 = arith.constant 0 : i32
      %dma_wait3A_1797 = tpu.memref_slice %arg18[%add3A_1647, %dma_wait3A_1796] : memref<10008x128xf32, #tpu.memory_space<vmem_shared>> -> memref<49x128xf32, #tpu.memory_space<vmem_shared>>
      %dma_wait3A_1798 = arith.constant 0 : i32
      %dma_wait3A_1799 = arith.constant 0 : i32
      %dma_wait3A_1800 = tpu.memref_slice %arg13[%dma_wait3A_1798, %dma_wait3A_1799] : memref<96x128xf32, #tpu.memory_space<vmem>> -> memref<49x128xf32, #tpu.memory_space<vmem>>
      tpu.wait_dma2 semaphore(%run_scoped3A : memref<!tpu.dma_semaphore, #tpu.memory_space<semaphore_mem>>) src(%dma_wait3A_1800 : memref<49x128xf32, #tpu.memory_space<vmem>>) dst(%dma_wait3A_1797 : memref<49x128xf32, #tpu.memory_space<vmem_shared>>)
      tpu.yield
    }) : () -> ()
    %add3A_1648 = arith.constant 576 : i32
    %add3A_1649 = arith.addi %mul3A_1621, %add3A_1648 : i32
    "tpu.region"() ({
      %run_scoped3A = tpu.sem_alloc : memref<!tpu.dma_semaphore, #tpu.memory_space<semaphore_mem>>
      %dma_start3A_1781 = arith.constant 0 : i32
      %dma_start3A_1782 = arith.constant 0 : i32
      %dma_start3A_1783 = tpu.memref_slice %arg17[%dma_start3A_1781, %dma_start3A_1782] : memref<96x16xf32, #tpu.memory_space<vmem>> -> memref<49x16xf32, #tpu.memory_space<vmem>>
      %dma_start3A_1784 = arith.constant 0 : i32
      %dma_start3A_1785 = tpu.memref_slice %arg19[%add3A_1649, %dma_start3A_1784] : memref<10008x16xf32, #tpu.memory_space<vmem_shared>> -> memref<49x16xf32, #tpu.memory_space<vmem_shared>>
      %dma_start3A_1786 = arith.constant 0 : i32
      %dma_start3A_1787 = tpu.memref_slice %arg19[%add3A_1649, %dma_start3A_1786] : memref<10008x16xf32, #tpu.memory_space<vmem_shared>> -> memref<49x16xf32, #tpu.memory_space<vmem_shared>>
      %dma_start3A_1788 = arith.constant 0 : i32
      %dma_start3A_1789 = arith.constant 0 : i32
      %dma_start3A_1790 = tpu.memref_slice %arg17[%dma_start3A_1788, %dma_start3A_1789] : memref<96x16xf32, #tpu.memory_space<vmem>> -> memref<49x16xf32, #tpu.memory_space<vmem>>
      tpu.enqueue_dma source(%dma_start3A_1790 : memref<49x16xf32, #tpu.memory_space<vmem>>) target(%dma_start3A_1787 : memref<49x16xf32, #tpu.memory_space<vmem_shared>>) target_semaphore(%run_scoped3A : memref<!tpu.dma_semaphore, #tpu.memory_space<semaphore_mem>>)
      %dma_wait3A_1791 = arith.constant 0 : i32
      %dma_wait3A_1792 = arith.constant 0 : i32
      %dma_wait3A_1793 = tpu.memref_slice %arg17[%dma_wait3A_1791, %dma_wait3A_1792] : memref<96x16xf32, #tpu.memory_space<vmem>> -> memref<49x16xf32, #tpu.memory_space<vmem>>
      %dma_wait3A_1794 = arith.constant 0 : i32
      %dma_wait3A_1795 = tpu.memref_slice %arg19[%add3A_1649, %dma_wait3A_1794] : memref<10008x16xf32, #tpu.memory_space<vmem_shared>> -> memref<49x16xf32, #tpu.memory_space<vmem_shared>>
      %dma_wait3A_1796 = arith.constant 0 : i32
      %dma_wait3A_1797 = tpu.memref_slice %arg19[%add3A_1649, %dma_wait3A_1796] : memref<10008x16xf32, #tpu.memory_space<vmem_shared>> -> memref<49x16xf32, #tpu.memory_space<vmem_shared>>
      %dma_wait3A_1798 = arith.constant 0 : i32
      %dma_wait3A_1799 = arith.constant 0 : i32
      %dma_wait3A_1800 = tpu.memref_slice %arg17[%dma_wait3A_1798, %dma_wait3A_1799] : memref<96x16xf32, #tpu.memory_space<vmem>> -> memref<49x16xf32, #tpu.memory_space<vmem>>
      tpu.wait_dma2 semaphore(%run_scoped3A : memref<!tpu.dma_semaphore, #tpu.memory_space<semaphore_mem>>) src(%dma_wait3A_1800 : memref<49x16xf32, #tpu.memory_space<vmem>>) dst(%dma_wait3A_1797 : memref<49x16xf32, #tpu.memory_space<vmem_shared>>)
      tpu.yield
    }) : () -> ()
    %barrier3A = arith.constant 0 : index
    tpu.barrier barrier_id(%barrier3A)
    %dma_wait3A = arith.constant 0 : i32
    %dma_wait3A_1650 = arith.constant 0 : i32
    %dma_wait3A_1651 = arith.constant 0 : i32
    %dma_wait3A_1652 = tpu.memref_slice %arg7[%dma_wait3A_1650, %dma_wait3A_1651] : memref<2x96xi32, #tpu.memory_space<vmem>> -> memref<1x96xi32, #tpu.memory_space<vmem>>
    %dma_wait3A_1653 = tpu.memref_squeeze %dma_wait3A_1652 : memref<1x96xi32, #tpu.memory_space<vmem>> -> memref<96xi32, #tpu.memory_space<vmem>>
    %dma_wait3A_1654 = arith.constant 0 : i32
    %dma_wait3A_1655 = tpu.memref_slice %arg3[%dma_wait3A, %dma_wait3A_1654] : memref<2x331776xi32, #tpu.memory_space<hbm>> -> memref<1x96xi32, #tpu.memory_space<hbm>>
    %dma_wait3A_1656 = tpu.memref_squeeze %dma_wait3A_1655 : memref<1x96xi32, #tpu.memory_space<hbm>> -> memref<96xi32, #tpu.memory_space<hbm>>
    %dma_wait3A_1657 = arith.constant 0 : i32
    %dma_wait3A_1658 = tpu.memref_slice %arg7[%dma_wait3A_1650, %dma_wait3A_1657] : memref<2x96xi32, #tpu.memory_space<vmem>> -> memref<1x96xi32, #tpu.memory_space<vmem>>
    %dma_wait3A_1659 = tpu.memref_squeeze %dma_wait3A_1658 : memref<1x96xi32, #tpu.memory_space<vmem>> -> memref<96xi32, #tpu.memory_space<vmem>>
    %dma_wait3A_1660 = arith.constant 0 : i32
    %dma_wait3A_1661 = tpu.memref_slice %arg3[%dma_wait3A, %dma_wait3A_1660] : memref<2x331776xi32, #tpu.memory_space<hbm>> -> memref<1x96xi32, #tpu.memory_space<hbm>>
    %dma_wait3A_1662 = tpu.memref_squeeze %dma_wait3A_1661 : memref<1x96xi32, #tpu.memory_space<hbm>> -> memref<96xi32, #tpu.memory_space<hbm>>
    tpu.wait_dma2 semaphore(%arg20 : memref<!tpu.dma_semaphore, #tpu.memory_space<semaphore_mem>>) src(%dma_wait3A_1662 : memref<96xi32, #tpu.memory_space<hbm>>) dst(%dma_wait3A_1659 : memref<96xi32, #tpu.memory_space<vmem>>)
    %dma_wait3A_1663 = arith.constant 1 : i32
    %dma_wait3A_1664 = arith.constant 1 : i32
    %dma_wait3A_1665 = arith.constant 0 : i32
    %dma_wait3A_1666 = tpu.memref_slice %arg7[%dma_wait3A_1664, %dma_wait3A_1665] : memref<2x96xi32, #tpu.memory_space<vmem>> -> memref<1x96xi32, #tpu.memory_space<vmem>>
    %dma_wait3A_1667 = tpu.memref_squeeze %dma_wait3A_1666 : memref<1x96xi32, #tpu.memory_space<vmem>> -> memref<96xi32, #tpu.memory_space<vmem>>
    %dma_wait3A_1668 = arith.constant 0 : i32
    %dma_wait3A_1669 = tpu.memref_slice %arg3[%dma_wait3A_1663, %dma_wait3A_1668] : memref<2x331776xi32, #tpu.memory_space<hbm>> -> memref<1x96xi32, #tpu.memory_space<hbm>>
    %dma_wait3A_1670 = tpu.memref_squeeze %dma_wait3A_1669 : memref<1x96xi32, #tpu.memory_space<hbm>> -> memref<96xi32, #tpu.memory_space<hbm>>
    %dma_wait3A_1671 = arith.constant 0 : i32
    %dma_wait3A_1672 = tpu.memref_slice %arg7[%dma_wait3A_1664, %dma_wait3A_1671] : memref<2x96xi32, #tpu.memory_space<vmem>> -> memref<1x96xi32, #tpu.memory_space<vmem>>
    %dma_wait3A_1673 = tpu.memref_squeeze %dma_wait3A_1672 : memref<1x96xi32, #tpu.memory_space<vmem>> -> memref<96xi32, #tpu.memory_space<vmem>>
    %dma_wait3A_1674 = arith.constant 0 : i32
    %dma_wait3A_1675 = tpu.memref_slice %arg3[%dma_wait3A_1663, %dma_wait3A_1674] : memref<2x331776xi32, #tpu.memory_space<hbm>> -> memref<1x96xi32, #tpu.memory_space<hbm>>
    %dma_wait3A_1676 = tpu.memref_squeeze %dma_wait3A_1675 : memref<1x96xi32, #tpu.memory_space<hbm>> -> memref<96xi32, #tpu.memory_space<hbm>>
    tpu.wait_dma2 semaphore(%arg20 : memref<!tpu.dma_semaphore, #tpu.memory_space<semaphore_mem>>) src(%dma_wait3A_1676 : memref<96xi32, #tpu.memory_space<hbm>>) dst(%dma_wait3A_1673 : memref<96xi32, #tpu.memory_space<vmem>>)
    %dma_start3A_1677 = arith.constant 0 : i32
    %dma_start3A_1678 = arith.constant 0 : i32
    %dma_start3A_1679 = tpu.memref_slice %arg7[%dma_start3A_1677, %dma_start3A_1678] : memref<2x96xi32, #tpu.memory_space<vmem>> -> memref<1x96xi32, #tpu.memory_space<vmem>>
    %dma_start3A_1680 = tpu.memref_squeeze %dma_start3A_1679 : memref<1x96xi32, #tpu.memory_space<vmem>> -> memref<96xi32, #tpu.memory_space<vmem>>
    %dma_start3A_1681 = arith.constant 0 : i32
    %dma_start3A_1682 = arith.constant 0 : i32
    %dma_start3A_1683 = tpu.memref_slice %arg2[%dma_start3A_1681, %dma_start3A_1682] : memref<10000x128xf32, #tpu.memory_space<hbm>> -> memref<10000x128xf32, #tpu.memory_space<hbm>>
    tpu.enqueue_indirect_dma source(%dma_start3A_1683 : memref<10000x128xf32, #tpu.memory_space<hbm>>) target(%arg13 : memref<96x128xf32, #tpu.memory_space<vmem>>) offsets(%dma_start3A_1680 : memref<96xi32, #tpu.memory_space<vmem>>) semaphore(%arg23 : memref<!tpu.dma_semaphore, #tpu.memory_space<semaphore_mem>>)
    %dma_wait3A_1684 = arith.constant 0 : i32
    %dma_wait3A_1685 = arith.constant 0 : i32
    %dma_wait3A_1686 = arith.constant 0 : i32
    %dma_wait3A_1687 = tpu.memref_slice %arg8[%dma_wait3A_1685, %dma_wait3A_1686] : memref<2x96xi32, #tpu.memory_space<vmem>> -> memref<1x96xi32, #tpu.memory_space<vmem>>
    %dma_wait3A_1688 = tpu.memref_squeeze %dma_wait3A_1687 : memref<1x96xi32, #tpu.memory_space<vmem>> -> memref<96xi32, #tpu.memory_space<vmem>>
    %dma_wait3A_1689 = arith.constant 0 : i32
    %dma_wait3A_1690 = tpu.memref_slice %arg3[%dma_wait3A_1684, %dma_wait3A_1689] : memref<2x331776xi32, #tpu.memory_space<hbm>> -> memref<1x96xi32, #tpu.memory_space<hbm>>
    %dma_wait3A_1691 = tpu.memref_squeeze %dma_wait3A_1690 : memref<1x96xi32, #tpu.memory_space<hbm>> -> memref<96xi32, #tpu.memory_space<hbm>>
    %dma_wait3A_1692 = arith.constant 0 : i32
    %dma_wait3A_1693 = tpu.memref_slice %arg8[%dma_wait3A_1685, %dma_wait3A_1692] : memref<2x96xi32, #tpu.memory_space<vmem>> -> memref<1x96xi32, #tpu.memory_space<vmem>>
    %dma_wait3A_1694 = tpu.memref_squeeze %dma_wait3A_1693 : memref<1x96xi32, #tpu.memory_space<vmem>> -> memref<96xi32, #tpu.memory_space<vmem>>
    %dma_wait3A_1695 = arith.constant 0 : i32
    %dma_wait3A_1696 = tpu.memref_slice %arg3[%dma_wait3A_1684, %dma_wait3A_1695] : memref<2x331776xi32, #tpu.memory_space<hbm>> -> memref<1x96xi32, #tpu.memory_space<hbm>>
    %dma_wait3A_1697 = tpu.memref_squeeze %dma_wait3A_1696 : memref<1x96xi32, #tpu.memory_space<hbm>> -> memref<96xi32, #tpu.memory_space<hbm>>
    tpu.wait_dma2 semaphore(%arg21 : memref<!tpu.dma_semaphore, #tpu.memory_space<semaphore_mem>>) src(%dma_wait3A_1697 : memref<96xi32, #tpu.memory_space<hbm>>) dst(%dma_wait3A_1694 : memref<96xi32, #tpu.memory_space<vmem>>)
    %dma_wait3A_1698 = arith.constant 1 : i32
    %dma_wait3A_1699 = arith.constant 1 : i32
    %dma_wait3A_1700 = arith.constant 0 : i32
    %dma_wait3A_1701 = tpu.memref_slice %arg8[%dma_wait3A_1699, %dma_wait3A_1700] : memref<2x96xi32, #tpu.memory_space<vmem>> -> memref<1x96xi32, #tpu.memory_space<vmem>>
    %dma_wait3A_1702 = tpu.memref_squeeze %dma_wait3A_1701 : memref<1x96xi32, #tpu.memory_space<vmem>> -> memref<96xi32, #tpu.memory_space<vmem>>
    %dma_wait3A_1703 = arith.constant 0 : i32
    %dma_wait3A_1704 = tpu.memref_slice %arg3[%dma_wait3A_1698, %dma_wait3A_1703] : memref<2x331776xi32, #tpu.memory_space<hbm>> -> memref<1x96xi32, #tpu.memory_space<hbm>>
    %dma_wait3A_1705 = tpu.memref_squeeze %dma_wait3A_1704 : memref<1x96xi32, #tpu.memory_space<hbm>> -> memref<96xi32, #tpu.memory_space<hbm>>
    %dma_wait3A_1706 = arith.constant 0 : i32
    %dma_wait3A_1707 = tpu.memref_slice %arg8[%dma_wait3A_1699, %dma_wait3A_1706] : memref<2x96xi32, #tpu.memory_space<vmem>> -> memref<1x96xi32, #tpu.memory_space<vmem>>
    %dma_wait3A_1708 = tpu.memref_squeeze %dma_wait3A_1707 : memref<1x96xi32, #tpu.memory_space<vmem>> -> memref<96xi32, #tpu.memory_space<vmem>>
    %dma_wait3A_1709 = arith.constant 0 : i32
    %dma_wait3A_1710 = tpu.memref_slice %arg3[%dma_wait3A_1698, %dma_wait3A_1709] : memref<2x331776xi32, #tpu.memory_space<hbm>> -> memref<1x96xi32, #tpu.memory_space<hbm>>
    %dma_wait3A_1711 = tpu.memref_squeeze %dma_wait3A_1710 : memref<1x96xi32, #tpu.memory_space<hbm>> -> memref<96xi32, #tpu.memory_space<hbm>>
    tpu.wait_dma2 semaphore(%arg21 : memref<!tpu.dma_semaphore, #tpu.memory_space<semaphore_mem>>) src(%dma_wait3A_1711 : memref<96xi32, #tpu.memory_space<hbm>>) dst(%dma_wait3A_1708 : memref<96xi32, #tpu.memory_space<vmem>>)
    %dma_start3A_1712 = arith.constant 0 : i32
    %dma_start3A_1713 = arith.constant 0 : i32
    %dma_start3A_1714 = tpu.memref_slice %arg8[%dma_start3A_1712, %dma_start3A_1713] : memref<2x96xi32, #tpu.memory_space<vmem>> -> memref<1x96xi32, #tpu.memory_space<vmem>>
    %dma_start3A_1715 = tpu.memref_squeeze %dma_start3A_1714 : memref<1x96xi32, #tpu.memory_space<vmem>> -> memref<96xi32, #tpu.memory_space<vmem>>
    %dma_start3A_1716 = arith.constant 0 : i32
    %dma_start3A_1717 = arith.constant 0 : i32
    %dma_start3A_1718 = tpu.memref_slice %arg2[%dma_start3A_1716, %dma_start3A_1717] : memref<10000x128xf32, #tpu.memory_space<hbm>> -> memref<10000x128xf32, #tpu.memory_space<hbm>>
    tpu.enqueue_indirect_dma source(%dma_start3A_1718 : memref<10000x128xf32, #tpu.memory_space<hbm>>) target(%arg14 : memref<96x128xf32, #tpu.memory_space<vmem>>) offsets(%dma_start3A_1715 : memref<96xi32, #tpu.memory_space<vmem>>) semaphore(%arg24 : memref<!tpu.dma_semaphore, #tpu.memory_space<semaphore_mem>>)
    %dma_wait3A_1719 = arith.constant 0 : i32
    %dma_wait3A_1720 = arith.constant 0 : i32
    %dma_wait3A_1721 = arith.constant 0 : i32
    %dma_wait3A_1722 = tpu.memref_slice %arg9[%dma_wait3A_1720, %dma_wait3A_1721] : memref<2x96xi32, #tpu.memory_space<vmem>> -> memref<1x96xi32, #tpu.memory_space<vmem>>
    %dma_wait3A_1723 = tpu.memref_squeeze %dma_wait3A_1722 : memref<1x96xi32, #tpu.memory_space<vmem>> -> memref<96xi32, #tpu.memory_space<vmem>>
    %dma_wait3A_1724 = arith.constant 0 : i32
    %dma_wait3A_1725 = tpu.memref_slice %arg3[%dma_wait3A_1719, %dma_wait3A_1724] : memref<2x331776xi32, #tpu.memory_space<hbm>> -> memref<1x96xi32, #tpu.memory_space<hbm>>
    %dma_wait3A_1726 = tpu.memref_squeeze %dma_wait3A_1725 : memref<1x96xi32, #tpu.memory_space<hbm>> -> memref<96xi32, #tpu.memory_space<hbm>>
    %dma_wait3A_1727 = arith.constant 0 : i32
    %dma_wait3A_1728 = tpu.memref_slice %arg9[%dma_wait3A_1720, %dma_wait3A_1727] : memref<2x96xi32, #tpu.memory_space<vmem>> -> memref<1x96xi32, #tpu.memory_space<vmem>>
    %dma_wait3A_1729 = tpu.memref_squeeze %dma_wait3A_1728 : memref<1x96xi32, #tpu.memory_space<vmem>> -> memref<96xi32, #tpu.memory_space<vmem>>
    %dma_wait3A_1730 = arith.constant 0 : i32
    %dma_wait3A_1731 = tpu.memref_slice %arg3[%dma_wait3A_1719, %dma_wait3A_1730] : memref<2x331776xi32, #tpu.memory_space<hbm>> -> memref<1x96xi32, #tpu.memory_space<hbm>>
    %dma_wait3A_1732 = tpu.memref_squeeze %dma_wait3A_1731 : memref<1x96xi32, #tpu.memory_space<hbm>> -> memref<96xi32, #tpu.memory_space<hbm>>
    tpu.wait_dma2 semaphore(%arg22 : memref<!tpu.dma_semaphore, #tpu.memory_space<semaphore_mem>>) src(%dma_wait3A_1732 : memref<96xi32, #tpu.memory_space<hbm>>) dst(%dma_wait3A_1729 : memref<96xi32, #tpu.memory_space<vmem>>)
    %dma_wait3A_1733 = arith.constant 1 : i32
    %dma_wait3A_1734 = arith.constant 1 : i32
    %dma_wait3A_1735 = arith.constant 0 : i32
    %dma_wait3A_1736 = tpu.memref_slice %arg9[%dma_wait3A_1734, %dma_wait3A_1735] : memref<2x96xi32, #tpu.memory_space<vmem>> -> memref<1x96xi32, #tpu.memory_space<vmem>>
    %dma_wait3A_1737 = tpu.memref_squeeze %dma_wait3A_1736 : memref<1x96xi32, #tpu.memory_space<vmem>> -> memref<96xi32, #tpu.memory_space<vmem>>
    %dma_wait3A_1738 = arith.constant 0 : i32
    %dma_wait3A_1739 = tpu.memref_slice %arg3[%dma_wait3A_1733, %dma_wait3A_1738] : memref<2x331776xi32, #tpu.memory_space<hbm>> -> memref<1x96xi32, #tpu.memory_space<hbm>>
    %dma_wait3A_1740 = tpu.memref_squeeze %dma_wait3A_1739 : memref<1x96xi32, #tpu.memory_space<hbm>> -> memref<96xi32, #tpu.memory_space<hbm>>
    %dma_wait3A_1741 = arith.constant 0 : i32
    %dma_wait3A_1742 = tpu.memref_slice %arg9[%dma_wait3A_1734, %dma_wait3A_1741] : memref<2x96xi32, #tpu.memory_space<vmem>> -> memref<1x96xi32, #tpu.memory_space<vmem>>
    %dma_wait3A_1743 = tpu.memref_squeeze %dma_wait3A_1742 : memref<1x96xi32, #tpu.memory_space<vmem>> -> memref<96xi32, #tpu.memory_space<vmem>>
    %dma_wait3A_1744 = arith.constant 0 : i32
    %dma_wait3A_1745 = tpu.memref_slice %arg3[%dma_wait3A_1733, %dma_wait3A_1744] : memref<2x331776xi32, #tpu.memory_space<hbm>> -> memref<1x96xi32, #tpu.memory_space<hbm>>
    %dma_wait3A_1746 = tpu.memref_squeeze %dma_wait3A_1745 : memref<1x96xi32, #tpu.memory_space<hbm>> -> memref<96xi32, #tpu.memory_space<hbm>>
    tpu.wait_dma2 semaphore(%arg22 : memref<!tpu.dma_semaphore, #tpu.memory_space<semaphore_mem>>) src(%dma_wait3A_1746 : memref<96xi32, #tpu.memory_space<hbm>>) dst(%dma_wait3A_1743 : memref<96xi32, #tpu.memory_space<vmem>>)
    %dma_start3A_1747 = arith.constant 0 : i32
    %dma_start3A_1748 = arith.constant 0 : i32
    %dma_start3A_1749 = tpu.memref_slice %arg9[%dma_start3A_1747, %dma_start3A_1748] : memref<2x96xi32, #tpu.memory_space<vmem>> -> memref<1x96xi32, #tpu.memory_space<vmem>>
    %dma_start3A_1750 = tpu.memref_squeeze %dma_start3A_1749 : memref<1x96xi32, #tpu.memory_space<vmem>> -> memref<96xi32, #tpu.memory_space<vmem>>
    %dma_start3A_1751 = arith.constant 0 : i32
    %dma_start3A_1752 = arith.constant 0 : i32
    %dma_start3A_1753 = tpu.memref_slice %arg2[%dma_start3A_1751, %dma_start3A_1752] : memref<10000x128xf32, #tpu.memory_space<hbm>> -> memref<10000x128xf32, #tpu.memory_space<hbm>>
    tpu.enqueue_indirect_dma source(%dma_start3A_1753 : memref<10000x128xf32, #tpu.memory_space<hbm>>) target(%arg15 : memref<96x128xf32, #tpu.memory_space<vmem>>) offsets(%dma_start3A_1750 : memref<96xi32, #tpu.memory_space<vmem>>) semaphore(%arg25 : memref<!tpu.dma_semaphore, #tpu.memory_space<semaphore_mem>>)
    %scan3A = arith.constant 0 : i32
    %scan3A_1754 = arith.constant 0 : i32
    %scan3A_1755 = arith.constant 36 : i32
    %scan3A_1756 = arith.addi %scan3A_1754, %scan3A_1755 : i32
    %scan3A_1757 = arith.constant 1 : i32
    scf.for %scan3A_1781 = %scan3A_1754 to %scan3A_1756 step %scan3A_1757  : i32 {
      %mul3A_1782 = arith.constant 3 : i32
      %mul3A_1783 = arith.muli %scan3A_1781, %mul3A_1782 : i32
      %add3A_1784 = arith.constant 3 : i32
      %add3A_1785 = arith.addi %mul3A_1783, %add3A_1784 : i32
      %min3A = arith.constant 107 : i32
      %min3A_1786 = arith.minsi %add3A_1785, %min3A : i32
      %dma_wait3A_1787 = arith.constant 0 : i32
      %dma_wait3A_1788 = arith.constant 0 : i32
      %dma_wait3A_1789 = tpu.memref_slice %arg7[%dma_wait3A_1787, %dma_wait3A_1788] : memref<2x96xi32, #tpu.memory_space<vmem>> -> memref<1x96xi32, #tpu.memory_space<vmem>>
      %dma_wait3A_1790 = tpu.memref_squeeze %dma_wait3A_1789 : memref<1x96xi32, #tpu.memory_space<vmem>> -> memref<96xi32, #tpu.memory_space<vmem>>
      %dma_wait3A_1791 = arith.constant 0 : i32
      %dma_wait3A_1792 = arith.constant 0 : i32
      %dma_wait3A_1793 = tpu.memref_slice %arg2[%dma_wait3A_1791, %dma_wait3A_1792] : memref<10000x128xf32, #tpu.memory_space<hbm>> -> memref<10000x128xf32, #tpu.memory_space<hbm>>
      tpu.wait_indirect_dma semaphore(%arg23 : memref<!tpu.dma_semaphore, #tpu.memory_space<semaphore_mem>>) src(%dma_wait3A_1793 : memref<10000x128xf32, #tpu.memory_space<hbm>>) dst(%arg13 : memref<96x128xf32, #tpu.memory_space<vmem>>)
      %get3A = arith.constant 1 : i32
      %get3A_1794 = arith.index_cast %get3A : i32 to index
      %get3A_1795 = arith.constant 0 : index
      %get3A_1796 = tpu.vector_load %arg7[%get3A_1794, %get3A_1795] {strides = array<i32>} : memref<2x96xi32, #tpu.memory_space<vmem>>, vector<1x16xi32>,
      %get3A_1797 = vector.shape_cast %get3A_1796 : vector<1x16xi32> to vector<16xi32>
      %swap3A_1798 = arith.constant 0 : index
      %swap3A_1799 = tpu.vector_load %arg10[%swap3A_1798] {strides = array<i32>} : memref<96xi32, #tpu.memory_space<vmem>>, vector<16xi32>,
      %swap3A_1800 = vector.shape_cast %swap3A_1799 : vector<16xi32> to vector<16xi32>
      %swap3A_1801 = vector.shape_cast %get3A_1797 : vector<16xi32> to vector<16xi32>
      tpu.vector_store %arg10[%swap3A_1798], %swap3A_1801 {strides = array<i32>} : memref<96xi32, #tpu.memory_space<vmem>>, vector<16xi32>,
      %get3A_1802 = arith.constant 1 : i32
      %get3A_1803 = arith.index_cast %get3A_1802 : i32 to index
      %get3A_1804 = arith.constant 16 : index
      %get3A_1805 = tpu.vector_load %arg7[%get3A_1803, %get3A_1804] {strides = array<i32>} : memref<2x96xi32, #tpu.memory_space<vmem>>, vector<1x16xi32>,
      %get3A_1806 = vector.shape_cast %get3A_1805 : vector<1x16xi32> to vector<16xi32>
      %swap3A_1807 = arith.constant 16 : index
      %swap3A_1808 = tpu.vector_load %arg10[%swap3A_1807] {strides = array<i32>} : memref<96xi32, #tpu.memory_space<vmem>>, vector<16xi32>,
      %swap3A_1809 = vector.shape_cast %swap3A_1808 : vector<16xi32> to vector<16xi32>
      %swap3A_1810 = vector.shape_cast %get3A_1806 : vector<16xi32> to vector<16xi32>
      tpu.vector_store %arg10[%swap3A_1807], %swap3A_1810 {strides = array<i32>} : memref<96xi32, #tpu.memory_space<vmem>>, vector<16xi32>,
      %get3A_1811 = arith.constant 1 : i32
      %get3A_1812 = arith.index_cast %get3A_1811 : i32 to index
      %get3A_1813 = arith.constant 32 : index
      %get3A_1814 = tpu.vector_load %arg7[%get3A_1812, %get3A_1813] {strides = array<i32>} : memref<2x96xi32, #tpu.memory_space<vmem>>, vector<1x16xi32>,
      %get3A_1815 = vector.shape_cast %get3A_1814 : vector<1x16xi32> to vector<16xi32>
      %swap3A_1816 = arith.constant 32 : index
      %swap3A_1817 = tpu.vector_load %arg10[%swap3A_1816] {strides = array<i32>} : memref<96xi32, #tpu.memory_space<vmem>>, vector<16xi32>,
      %swap3A_1818 = vector.shape_cast %swap3A_1817 : vector<16xi32> to vector<16xi32>
      %swap3A_1819 = vector.shape_cast %get3A_1815 : vector<16xi32> to vector<16xi32>
      tpu.vector_store %arg10[%swap3A_1816], %swap3A_1819 {strides = array<i32>} : memref<96xi32, #tpu.memory_space<vmem>>, vector<16xi32>,
      %get3A_1820 = arith.constant 1 : i32
      %get3A_1821 = arith.index_cast %get3A_1820 : i32 to index
      %get3A_1822 = arith.constant 48 : index
      %get3A_1823 = tpu.vector_load %arg7[%get3A_1821, %get3A_1822] {strides = array<i32>} : memref<2x96xi32, #tpu.memory_space<vmem>>, vector<1x16xi32>,
      %get3A_1824 = vector.shape_cast %get3A_1823 : vector<1x16xi32> to vector<16xi32>
      %swap3A_1825 = arith.constant 48 : index
      %swap3A_1826 = tpu.vector_load %arg10[%swap3A_1825] {strides = array<i32>} : memref<96xi32, #tpu.memory_space<vmem>>, vector<16xi32>,
      %swap3A_1827 = vector.shape_cast %swap3A_1826 : vector<16xi32> to vector<16xi32>
      %swap3A_1828 = vector.shape_cast %get3A_1824 : vector<16xi32> to vector<16xi32>
      tpu.vector_store %arg10[%swap3A_1825], %swap3A_1828 {strides = array<i32>} : memref<96xi32, #tpu.memory_space<vmem>>, vector<16xi32>,
      %get3A_1829 = arith.constant 1 : i32
      %get3A_1830 = arith.index_cast %get3A_1829 : i32 to index
      %get3A_1831 = arith.constant 64 : index
      %get3A_1832 = tpu.vector_load %arg7[%get3A_1830, %get3A_1831] {strides = array<i32>} : memref<2x96xi32, #tpu.memory_space<vmem>>, vector<1x16xi32>,
      %get3A_1833 = vector.shape_cast %get3A_1832 : vector<1x16xi32> to vector<16xi32>
      %swap3A_1834 = arith.constant 64 : index
      %swap3A_1835 = tpu.vector_load %arg10[%swap3A_1834] {strides = array<i32>} : memref<96xi32, #tpu.memory_space<vmem>>, vector<16xi32>,
      %swap3A_1836 = vector.shape_cast %swap3A_1835 : vector<16xi32> to vector<16xi32>
      %swap3A_1837 = vector.shape_cast %get3A_1833 : vector<16xi32> to vector<16xi32>
      tpu.vector_store %arg10[%swap3A_1834], %swap3A_1837 {strides = array<i32>} : memref<96xi32, #tpu.memory_space<vmem>>, vector<16xi32>,
      %get3A_1838 = arith.constant 1 : i32
      %get3A_1839 = arith.index_cast %get3A_1838 : i32 to index
      %get3A_1840 = arith.constant 80 : index
      %get3A_1841 = tpu.vector_load %arg7[%get3A_1839, %get3A_1840] {strides = array<i32>} : memref<2x96xi32, #tpu.memory_space<vmem>>, vector<1x16xi32>,
      %get3A_1842 = vector.shape_cast %get3A_1841 : vector<1x16xi32> to vector<16xi32>
      %swap3A_1843 = arith.constant 80 : index
      %swap3A_1844 = tpu.vector_load %arg10[%swap3A_1843] {strides = array<i32>} : memref<96xi32, #tpu.memory_space<vmem>>, vector<16xi32>,
      %swap3A_1845 = vector.shape_cast %swap3A_1844 : vector<16xi32> to vector<16xi32>
      %swap3A_1846 = vector.shape_cast %get3A_1842 : vector<16xi32> to vector<16xi32>
      tpu.vector_store %arg10[%swap3A_1843], %swap3A_1846 {strides = array<i32>} : memref<96xi32, #tpu.memory_space<vmem>>, vector<16xi32>,
      %mul3A_1847 = arith.constant 96 : i32
      %mul3A_1848 = arith.muli %min3A_1786, %mul3A_1847 : i32
      %add3A_1849 = arith.addi %mul3A_2, %mul3A_1848 : i32
      %dma_start3A_1850 = arith.constant 0 : i32
      %dma_start3A_1851 = arith.constant 0 : i32
      %dma_start3A_1852 = arith.constant 0 : i32
      %dma_start3A_1853 = tpu.memref_slice %arg7[%dma_start3A_1851, %dma_start3A_1852] : memref<2x96xi32, #tpu.memory_space<vmem>> -> memref<1x96xi32, #tpu.memory_space<vmem>>
      %dma_start3A_1854 = tpu.memref_squeeze %dma_start3A_1853 : memref<1x96xi32, #tpu.memory_space<vmem>> -> memref<96xi32, #tpu.memory_space<vmem>>
      %dma_start3A_1855 = tpu.memref_slice %arg3[%dma_start3A_1850, %add3A_1849] : memref<2x331776xi32, #tpu.memory_space<hbm>> -> memref<1x96xi32, #tpu.memory_space<hbm>>
      %dma_start3A_1856 = tpu.memref_squeeze %dma_start3A_1855 : memref<1x96xi32, #tpu.memory_space<hbm>> -> memref<96xi32, #tpu.memory_space<hbm>>
      %dma_start3A_1857 = arith.constant 0 : i32
      %dma_start3A_1858 = tpu.memref_slice %arg7[%dma_start3A_1851, %dma_start3A_1857] : memref<2x96xi32, #tpu.memory_space<vmem>> -> memref<1x96xi32, #tpu.memory_space<vmem>>
      %dma_start3A_1859 = tpu.memref_squeeze %dma_start3A_1858 : memref<1x96xi32, #tpu.memory_space<vmem>> -> memref<96xi32, #tpu.memory_space<vmem>>
      %dma_start3A_1860 = tpu.memref_slice %arg3[%dma_start3A_1850, %add3A_1849] : memref<2x331776xi32, #tpu.memory_space<hbm>> -> memref<1x96xi32, #tpu.memory_space<hbm>>
      %dma_start3A_1861 = tpu.memref_squeeze %dma_start3A_1860 : memref<1x96xi32, #tpu.memory_space<hbm>> -> memref<96xi32, #tpu.memory_space<hbm>>
      tpu.enqueue_dma source(%dma_start3A_1861 : memref<96xi32, #tpu.memory_space<hbm>>) target(%dma_start3A_1859 : memref<96xi32, #tpu.memory_space<vmem>>) target_semaphore(%arg20 : memref<!tpu.dma_semaphore, #tpu.memory_space<semaphore_mem>>)
      %mul3A_1862 = arith.constant 96 : i32
      %mul3A_1863 = arith.muli %min3A_1786, %mul3A_1862 : i32
      %add3A_1864 = arith.addi %mul3A_2, %mul3A_1863 : i32
      %dma_start3A_1865 = arith.constant 1 : i32
      %dma_start3A_1866 = arith.constant 1 : i32
      %dma_start3A_1867 = arith.constant 0 : i32
      %dma_start3A_1868 = tpu.memref_slice %arg7[%dma_start3A_1866, %dma_start3A_1867] : memref<2x96xi32, #tpu.memory_space<vmem>> -> memref<1x96xi32, #tpu.memory_space<vmem>>
      %dma_start3A_1869 = tpu.memref_squeeze %dma_start3A_1868 : memref<1x96xi32, #tpu.memory_space<vmem>> -> memref<96xi32, #tpu.memory_space<vmem>>
      %dma_start3A_1870 = tpu.memref_slice %arg3[%dma_start3A_1865, %add3A_1864] : memref<2x331776xi32, #tpu.memory_space<hbm>> -> memref<1x96xi32, #tpu.memory_space<hbm>>
      %dma_start3A_1871 = tpu.memref_squeeze %dma_start3A_1870 : memref<1x96xi32, #tpu.memory_space<hbm>> -> memref<96xi32, #tpu.memory_space<hbm>>
      %dma_start3A_1872 = arith.constant 0 : i32
      %dma_start3A_1873 = tpu.memref_slice %arg7[%dma_start3A_1866, %dma_start3A_1872] : memref<2x96xi32, #tpu.memory_space<vmem>> -> memref<1x96xi32, #tpu.memory_space<vmem>>
      %dma_start3A_1874 = tpu.memref_squeeze %dma_start3A_1873 : memref<1x96xi32, #tpu.memory_space<vmem>> -> memref<96xi32, #tpu.memory_space<vmem>>
      %dma_start3A_1875 = tpu.memref_slice %arg3[%dma_start3A_1865, %add3A_1864] : memref<2x331776xi32, #tpu.memory_space<hbm>> -> memref<1x96xi32, #tpu.memory_space<hbm>>
      %dma_start3A_1876 = tpu.memref_squeeze %dma_start3A_1875 : memref<1x96xi32, #tpu.memory_space<hbm>> -> memref<96xi32, #tpu.memory_space<hbm>>
      tpu.enqueue_dma source(%dma_start3A_1876 : memref<96xi32, #tpu.memory_space<hbm>>) target(%dma_start3A_1874 : memref<96xi32, #tpu.memory_space<vmem>>) target_semaphore(%arg20 : memref<!tpu.dma_semaphore, #tpu.memory_space<semaphore_mem>>)
      %dma_start3A_1877 = arith.constant 0 : i32
      %dma_start3A_1878 = arith.constant 0 : i32
      %dma_start3A_1879 = tpu.memref_slice %arg18[%dma_start3A_1877, %dma_start3A_1878] : memref<10008x128xf32, #tpu.memory_space<vmem_shared>> -> memref<10008x128xf32, #tpu.memory_space<vmem_shared>>
      tpu.enqueue_indirect_dma source(%arg13 : memref<96x128xf32, #tpu.memory_space<vmem>>) target(%dma_start3A_1879 : memref<10008x128xf32, #tpu.memory_space<vmem_shared>>) offsets(%arg10 : memref<96xi32, #tpu.memory_space<vmem>>) semaphore(%arg26 : memref<!tpu.dma_semaphore, #tpu.memory_space<semaphore_mem>>) {add = true}
      %dma_start3A_1880 = arith.constant 0 : i32
      %dma_start3A_1881 = arith.constant 0 : i32
      %dma_start3A_1882 = tpu.memref_slice %arg19[%dma_start3A_1880, %dma_start3A_1881] : memref<10008x16xf32, #tpu.memory_space<vmem_shared>> -> memref<10008x16xf32, #tpu.memory_space<vmem_shared>>
      tpu.enqueue_indirect_dma source(%arg16 : memref<96x16xf32, #tpu.memory_space<vmem>>) target(%dma_start3A_1882 : memref<10008x16xf32, #tpu.memory_space<vmem_shared>>) offsets(%arg10 : memref<96xi32, #tpu.memory_space<vmem>>) semaphore(%arg29 : memref<!tpu.dma_semaphore, #tpu.memory_space<semaphore_mem>>) {add = true}
      %add3A_1883 = arith.constant 4 : i32
      %add3A_1884 = arith.addi %mul3A_1783, %add3A_1883 : i32
      %min3A_1885 = arith.constant 107 : i32
      %min3A_1886 = arith.minsi %add3A_1884, %min3A_1885 : i32
      %dma_wait3A_1887 = arith.constant 0 : i32
      %dma_wait3A_1888 = arith.constant 0 : i32
      %dma_wait3A_1889 = tpu.memref_slice %arg8[%dma_wait3A_1887, %dma_wait3A_1888] : memref<2x96xi32, #tpu.memory_space<vmem>> -> memref<1x96xi32, #tpu.memory_space<vmem>>
      %dma_wait3A_1890 = tpu.memref_squeeze %dma_wait3A_1889 : memref<1x96xi32, #tpu.memory_space<vmem>> -> memref<96xi32, #tpu.memory_space<vmem>>
      %dma_wait3A_1891 = arith.constant 0 : i32
      %dma_wait3A_1892 = arith.constant 0 : i32
      %dma_wait3A_1893 = tpu.memref_slice %arg2[%dma_wait3A_1891, %dma_wait3A_1892] : memref<10000x128xf32, #tpu.memory_space<hbm>> -> memref<10000x128xf32, #tpu.memory_space<hbm>>
      tpu.wait_indirect_dma semaphore(%arg24 : memref<!tpu.dma_semaphore, #tpu.memory_space<semaphore_mem>>) src(%dma_wait3A_1893 : memref<10000x128xf32, #tpu.memory_space<hbm>>) dst(%arg14 : memref<96x128xf32, #tpu.memory_space<vmem>>)
      %get3A_1894 = arith.constant 1 : i32
      %get3A_1895 = arith.index_cast %get3A_1894 : i32 to index
      %get3A_1896 = arith.constant 0 : index
      %get3A_1897 = tpu.vector_load %arg8[%get3A_1895, %get3A_1896] {strides = array<i32>} : memref<2x96xi32, #tpu.memory_space<vmem>>, vector<1x16xi32>,
      %get3A_1898 = vector.shape_cast %get3A_1897 : vector<1x16xi32> to vector<16xi32>
      %swap3A_1899 = arith.constant 0 : index
      %swap3A_1900 = tpu.vector_load %arg11[%swap3A_1899] {strides = array<i32>} : memref<96xi32, #tpu.memory_space<vmem>>, vector<16xi32>,
      %swap3A_1901 = vector.shape_cast %swap3A_1900 : vector<16xi32> to vector<16xi32>
      %swap3A_1902 = vector.shape_cast %get3A_1898 : vector<16xi32> to vector<16xi32>
      tpu.vector_store %arg11[%swap3A_1899], %swap3A_1902 {strides = array<i32>} : memref<96xi32, #tpu.memory_space<vmem>>, vector<16xi32>,
      %get3A_1903 = arith.constant 1 : i32
      %get3A_1904 = arith.index_cast %get3A_1903 : i32 to index
      %get3A_1905 = arith.constant 16 : index
      %get3A_1906 = tpu.vector_load %arg8[%get3A_1904, %get3A_1905] {strides = array<i32>} : memref<2x96xi32, #tpu.memory_space<vmem>>, vector<1x16xi32>,
      %get3A_1907 = vector.shape_cast %get3A_1906 : vector<1x16xi32> to vector<16xi32>
      %swap3A_1908 = arith.constant 16 : index
      %swap3A_1909 = tpu.vector_load %arg11[%swap3A_1908] {strides = array<i32>} : memref<96xi32, #tpu.memory_space<vmem>>, vector<16xi32>,
      %swap3A_1910 = vector.shape_cast %swap3A_1909 : vector<16xi32> to vector<16xi32>
      %swap3A_1911 = vector.shape_cast %get3A_1907 : vector<16xi32> to vector<16xi32>
      tpu.vector_store %arg11[%swap3A_1908], %swap3A_1911 {strides = array<i32>} : memref<96xi32, #tpu.memory_space<vmem>>, vector<16xi32>,
      %get3A_1912 = arith.constant 1 : i32
      %get3A_1913 = arith.index_cast %get3A_1912 : i32 to index
      %get3A_1914 = arith.constant 32 : index
      %get3A_1915 = tpu.vector_load %arg8[%get3A_1913, %get3A_1914] {strides = array<i32>} : memref<2x96xi32, #tpu.memory_space<vmem>>, vector<1x16xi32>,
      %get3A_1916 = vector.shape_cast %get3A_1915 : vector<1x16xi32> to vector<16xi32>
      %swap3A_1917 = arith.constant 32 : index
      %swap3A_1918 = tpu.vector_load %arg11[%swap3A_1917] {strides = array<i32>} : memref<96xi32, #tpu.memory_space<vmem>>, vector<16xi32>,
      %swap3A_1919 = vector.shape_cast %swap3A_1918 : vector<16xi32> to vector<16xi32>
      %swap3A_1920 = vector.shape_cast %get3A_1916 : vector<16xi32> to vector<16xi32>
      tpu.vector_store %arg11[%swap3A_1917], %swap3A_1920 {strides = array<i32>} : memref<96xi32, #tpu.memory_space<vmem>>, vector<16xi32>,
      %get3A_1921 = arith.constant 1 : i32
      %get3A_1922 = arith.index_cast %get3A_1921 : i32 to index
      %get3A_1923 = arith.constant 48 : index
      %get3A_1924 = tpu.vector_load %arg8[%get3A_1922, %get3A_1923] {strides = array<i32>} : memref<2x96xi32, #tpu.memory_space<vmem>>, vector<1x16xi32>,
      %get3A_1925 = vector.shape_cast %get3A_1924 : vector<1x16xi32> to vector<16xi32>
      %swap3A_1926 = arith.constant 48 : index
      %swap3A_1927 = tpu.vector_load %arg11[%swap3A_1926] {strides = array<i32>} : memref<96xi32, #tpu.memory_space<vmem>>, vector<16xi32>,
      %swap3A_1928 = vector.shape_cast %swap3A_1927 : vector<16xi32> to vector<16xi32>
      %swap3A_1929 = vector.shape_cast %get3A_1925 : vector<16xi32> to vector<16xi32>
      tpu.vector_store %arg11[%swap3A_1926], %swap3A_1929 {strides = array<i32>} : memref<96xi32, #tpu.memory_space<vmem>>, vector<16xi32>,
      %get3A_1930 = arith.constant 1 : i32
      %get3A_1931 = arith.index_cast %get3A_1930 : i32 to index
      %get3A_1932 = arith.constant 64 : index
      %get3A_1933 = tpu.vector_load %arg8[%get3A_1931, %get3A_1932] {strides = array<i32>} : memref<2x96xi32, #tpu.memory_space<vmem>>, vector<1x16xi32>,
      %get3A_1934 = vector.shape_cast %get3A_1933 : vector<1x16xi32> to vector<16xi32>
      %swap3A_1935 = arith.constant 64 : index
      %swap3A_1936 = tpu.vector_load %arg11[%swap3A_1935] {strides = array<i32>} : memref<96xi32, #tpu.memory_space<vmem>>, vector<16xi32>,
      %swap3A_1937 = vector.shape_cast %swap3A_1936 : vector<16xi32> to vector<16xi32>
      %swap3A_1938 = vector.shape_cast %get3A_1934 : vector<16xi32> to vector<16xi32>
      tpu.vector_store %arg11[%swap3A_1935], %swap3A_1938 {strides = array<i32>} : memref<96xi32, #tpu.memory_space<vmem>>, vector<16xi32>,
      %get3A_1939 = arith.constant 1 : i32
      %get3A_1940 = arith.index_cast %get3A_1939 : i32 to index
      %get3A_1941 = arith.constant 80 : index
      %get3A_1942 = tpu.vector_load %arg8[%get3A_1940, %get3A_1941] {strides = array<i32>} : memref<2x96xi32, #tpu.memory_space<vmem>>, vector<1x16xi32>,
      %get3A_1943 = vector.shape_cast %get3A_1942 : vector<1x16xi32> to vector<16xi32>
      %swap3A_1944 = arith.constant 80 : index
      %swap3A_1945 = tpu.vector_load %arg11[%swap3A_1944] {strides = array<i32>} : memref<96xi32, #tpu.memory_space<vmem>>, vector<16xi32>,
      %swap3A_1946 = vector.shape_cast %swap3A_1945 : vector<16xi32> to vector<16xi32>
      %swap3A_1947 = vector.shape_cast %get3A_1943 : vector<16xi32> to vector<16xi32>
      tpu.vector_store %arg11[%swap3A_1944], %swap3A_1947 {strides = array<i32>} : memref<96xi32, #tpu.memory_space<vmem>>, vector<16xi32>,
      %mul3A_1948 = arith.constant 96 : i32
      %mul3A_1949 = arith.muli %min3A_1886, %mul3A_1948 : i32
      %add3A_1950 = arith.addi %mul3A_2, %mul3A_1949 : i32
      %dma_start3A_1951 = arith.constant 0 : i32
      %dma_start3A_1952 = arith.constant 0 : i32
      %dma_start3A_1953 = arith.constant 0 : i32
      %dma_start3A_1954 = tpu.memref_slice %arg8[%dma_start3A_1952, %dma_start3A_1953] : memref<2x96xi32, #tpu.memory_space<vmem>> -> memref<1x96xi32, #tpu.memory_space<vmem>>
      %dma_start3A_1955 = tpu.memref_squeeze %dma_start3A_1954 : memref<1x96xi32, #tpu.memory_space<vmem>> -> memref<96xi32, #tpu.memory_space<vmem>>
      %dma_start3A_1956 = tpu.memref_slice %arg3[%dma_start3A_1951, %add3A_1950] : memref<2x331776xi32, #tpu.memory_space<hbm>> -> memref<1x96xi32, #tpu.memory_space<hbm>>
      %dma_start3A_1957 = tpu.memref_squeeze %dma_start3A_1956 : memref<1x96xi32, #tpu.memory_space<hbm>> -> memref<96xi32, #tpu.memory_space<hbm>>
      %dma_start3A_1958 = arith.constant 0 : i32
      %dma_start3A_1959 = tpu.memref_slice %arg8[%dma_start3A_1952, %dma_start3A_1958] : memref<2x96xi32, #tpu.memory_space<vmem>> -> memref<1x96xi32, #tpu.memory_space<vmem>>
      %dma_start3A_1960 = tpu.memref_squeeze %dma_start3A_1959 : memref<1x96xi32, #tpu.memory_space<vmem>> -> memref<96xi32, #tpu.memory_space<vmem>>
      %dma_start3A_1961 = tpu.memref_slice %arg3[%dma_start3A_1951, %add3A_1950] : memref<2x331776xi32, #tpu.memory_space<hbm>> -> memref<1x96xi32, #tpu.memory_space<hbm>>
      %dma_start3A_1962 = tpu.memref_squeeze %dma_start3A_1961 : memref<1x96xi32, #tpu.memory_space<hbm>> -> memref<96xi32, #tpu.memory_space<hbm>>
      tpu.enqueue_dma source(%dma_start3A_1962 : memref<96xi32, #tpu.memory_space<hbm>>) target(%dma_start3A_1960 : memref<96xi32, #tpu.memory_space<vmem>>) target_semaphore(%arg21 : memref<!tpu.dma_semaphore, #tpu.memory_space<semaphore_mem>>)
      %mul3A_1963 = arith.constant 96 : i32
      %mul3A_1964 = arith.muli %min3A_1886, %mul3A_1963 : i32
      %add3A_1965 = arith.addi %mul3A_2, %mul3A_1964 : i32
      %dma_start3A_1966 = arith.constant 1 : i32
      %dma_start3A_1967 = arith.constant 1 : i32
      %dma_start3A_1968 = arith.constant 0 : i32
      %dma_start3A_1969 = tpu.memref_slice %arg8[%dma_start3A_1967, %dma_start3A_1968] : memref<2x96xi32, #tpu.memory_space<vmem>> -> memref<1x96xi32, #tpu.memory_space<vmem>>
      %dma_start3A_1970 = tpu.memref_squeeze %dma_start3A_1969 : memref<1x96xi32, #tpu.memory_space<vmem>> -> memref<96xi32, #tpu.memory_space<vmem>>
      %dma_start3A_1971 = tpu.memref_slice %arg3[%dma_start3A_1966, %add3A_1965] : memref<2x331776xi32, #tpu.memory_space<hbm>> -> memref<1x96xi32, #tpu.memory_space<hbm>>
      %dma_start3A_1972 = tpu.memref_squeeze %dma_start3A_1971 : memref<1x96xi32, #tpu.memory_space<hbm>> -> memref<96xi32, #tpu.memory_space<hbm>>
      %dma_start3A_1973 = arith.constant 0 : i32
      %dma_start3A_1974 = tpu.memref_slice %arg8[%dma_start3A_1967, %dma_start3A_1973] : memref<2x96xi32, #tpu.memory_space<vmem>> -> memref<1x96xi32, #tpu.memory_space<vmem>>
      %dma_start3A_1975 = tpu.memref_squeeze %dma_start3A_1974 : memref<1x96xi32, #tpu.memory_space<vmem>> -> memref<96xi32, #tpu.memory_space<vmem>>
      %dma_start3A_1976 = tpu.memref_slice %arg3[%dma_start3A_1966, %add3A_1965] : memref<2x331776xi32, #tpu.memory_space<hbm>> -> memref<1x96xi32, #tpu.memory_space<hbm>>
      %dma_start3A_1977 = tpu.memref_squeeze %dma_start3A_1976 : memref<1x96xi32, #tpu.memory_space<hbm>> -> memref<96xi32, #tpu.memory_space<hbm>>
      tpu.enqueue_dma source(%dma_start3A_1977 : memref<96xi32, #tpu.memory_space<hbm>>) target(%dma_start3A_1975 : memref<96xi32, #tpu.memory_space<vmem>>) target_semaphore(%arg21 : memref<!tpu.dma_semaphore, #tpu.memory_space<semaphore_mem>>)
      %dma_start3A_1978 = arith.constant 0 : i32
      %dma_start3A_1979 = arith.constant 0 : i32
      %dma_start3A_1980 = tpu.memref_slice %arg18[%dma_start3A_1978, %dma_start3A_1979] : memref<10008x128xf32, #tpu.memory_space<vmem_shared>> -> memref<10008x128xf32, #tpu.memory_space<vmem_shared>>
      tpu.enqueue_indirect_dma source(%arg14 : memref<96x128xf32, #tpu.memory_space<vmem>>) target(%dma_start3A_1980 : memref<10008x128xf32, #tpu.memory_space<vmem_shared>>) offsets(%arg11 : memref<96xi32, #tpu.memory_space<vmem>>) semaphore(%arg27 : memref<!tpu.dma_semaphore, #tpu.memory_space<semaphore_mem>>) {add = true}
      %dma_start3A_1981 = arith.constant 0 : i32
      %dma_start3A_1982 = arith.constant 0 : i32
      %dma_start3A_1983 = tpu.memref_slice %arg19[%dma_start3A_1981, %dma_start3A_1982] : memref<10008x16xf32, #tpu.memory_space<vmem_shared>> -> memref<10008x16xf32, #tpu.memory_space<vmem_shared>>
      tpu.enqueue_indirect_dma source(%arg16 : memref<96x16xf32, #tpu.memory_space<vmem>>) target(%dma_start3A_1983 : memref<10008x16xf32, #tpu.memory_space<vmem_shared>>) offsets(%arg11 : memref<96xi32, #tpu.memory_space<vmem>>) semaphore(%arg30 : memref<!tpu.dma_semaphore, #tpu.memory_space<semaphore_mem>>) {add = true}
      %dma_wait3A_1984 = arith.constant 0 : i32
      %dma_wait3A_1985 = arith.constant 0 : i32
      %dma_wait3A_1986 = tpu.memref_slice %arg18[%dma_wait3A_1984, %dma_wait3A_1985] : memref<10008x128xf32, #tpu.memory_space<vmem_shared>> -> memref<10008x128xf32, #tpu.memory_space<vmem_shared>>
      tpu.wait_indirect_dma semaphore(%arg26 : memref<!tpu.dma_semaphore, #tpu.memory_space<semaphore_mem>>) src(%arg13 : memref<96x128xf32, #tpu.memory_space<vmem>>) dst(%dma_wait3A_1986 : memref<10008x128xf32, #tpu.memory_space<vmem_shared>>)
      %dma_wait3A_1987 = arith.constant 0 : i32
      %dma_wait3A_1988 = arith.constant 0 : i32
      %dma_wait3A_1989 = tpu.memref_slice %arg19[%dma_wait3A_1987, %dma_wait3A_1988] : memref<10008x16xf32, #tpu.memory_space<vmem_shared>> -> memref<10008x16xf32, #tpu.memory_space<vmem_shared>>
      tpu.wait_indirect_dma semaphore(%arg29 : memref<!tpu.dma_semaphore, #tpu.memory_space<semaphore_mem>>) src(%arg16 : memref<96x16xf32, #tpu.memory_space<vmem>>) dst(%dma_wait3A_1989 : memref<10008x16xf32, #tpu.memory_space<vmem_shared>>)
      %dma_wait3A_1990 = arith.constant 0 : i32
      %dma_wait3A_1991 = arith.constant 0 : i32
      %dma_wait3A_1992 = arith.constant 0 : i32
      %dma_wait3A_1993 = tpu.memref_slice %arg7[%dma_wait3A_1991, %dma_wait3A_1992] : memref<2x96xi32, #tpu.memory_space<vmem>> -> memref<1x96xi32, #tpu.memory_space<vmem>>
      %dma_wait3A_1994 = tpu.memref_squeeze %dma_wait3A_1993 : memref<1x96xi32, #tpu.memory_space<vmem>> -> memref<96xi32, #tpu.memory_space<vmem>>
      %dma_wait3A_1995 = arith.constant 0 : i32
      %dma_wait3A_1996 = tpu.memref_slice %arg3[%dma_wait3A_1990, %dma_wait3A_1995] : memref<2x331776xi32, #tpu.memory_space<hbm>> -> memref<1x96xi32, #tpu.memory_space<hbm>>
      %dma_wait3A_1997 = tpu.memref_squeeze %dma_wait3A_1996 : memref<1x96xi32, #tpu.memory_space<hbm>> -> memref<96xi32, #tpu.memory_space<hbm>>
      %dma_wait3A_1998 = arith.constant 0 : i32
      %dma_wait3A_1999 = tpu.memref_slice %arg7[%dma_wait3A_1991, %dma_wait3A_1998] : memref<2x96xi32, #tpu.memory_space<vmem>> -> memref<1x96xi32, #tpu.memory_space<vmem>>
      %dma_wait3A_2000 = tpu.memref_squeeze %dma_wait3A_1999 : memref<1x96xi32, #tpu.memory_space<vmem>> -> memref<96xi32, #tpu.memory_space<vmem>>
      %dma_wait3A_2001 = arith.constant 0 : i32
      %dma_wait3A_2002 = tpu.memref_slice %arg3[%dma_wait3A_1990, %dma_wait3A_2001] : memref<2x331776xi32, #tpu.memory_space<hbm>> -> memref<1x96xi32, #tpu.memory_space<hbm>>
      %dma_wait3A_2003 = tpu.memref_squeeze %dma_wait3A_2002 : memref<1x96xi32, #tpu.memory_space<hbm>> -> memref<96xi32, #tpu.memory_space<hbm>>
      tpu.wait_dma2 semaphore(%arg20 : memref<!tpu.dma_semaphore, #tpu.memory_space<semaphore_mem>>) src(%dma_wait3A_2003 : memref<96xi32, #tpu.memory_space<hbm>>) dst(%dma_wait3A_2000 : memref<96xi32, #tpu.memory_space<vmem>>)
      %dma_wait3A_2004 = arith.constant 1 : i32
      %dma_wait3A_2005 = arith.constant 1 : i32
      %dma_wait3A_2006 = arith.constant 0 : i32
      %dma_wait3A_2007 = tpu.memref_slice %arg7[%dma_wait3A_2005, %dma_wait3A_2006] : memref<2x96xi32, #tpu.memory_space<vmem>> -> memref<1x96xi32, #tpu.memory_space<vmem>>
      %dma_wait3A_2008 = tpu.memref_squeeze %dma_wait3A_2007 : memref<1x96xi32, #tpu.memory_space<vmem>> -> memref<96xi32, #tpu.memory_space<vmem>>
      %dma_wait3A_2009 = arith.constant 0 : i32
      %dma_wait3A_2010 = tpu.memref_slice %arg3[%dma_wait3A_2004, %dma_wait3A_2009] : memref<2x331776xi32, #tpu.memory_space<hbm>> -> memref<1x96xi32, #tpu.memory_space<hbm>>
      %dma_wait3A_2011 = tpu.memref_squeeze %dma_wait3A_2010 : memref<1x96xi32, #tpu.memory_space<hbm>> -> memref<96xi32, #tpu.memory_space<hbm>>
      %dma_wait3A_2012 = arith.constant 0 : i32
      %dma_wait3A_2013 = tpu.memref_slice %arg7[%dma_wait3A_2005, %dma_wait3A_2012] : memref<2x96xi32, #tpu.memory_space<vmem>> -> memref<1x96xi32, #tpu.memory_space<vmem>>
      %dma_wait3A_2014 = tpu.memref_squeeze %dma_wait3A_2013 : memref<1x96xi32, #tpu.memory_space<vmem>> -> memref<96xi32, #tpu.memory_space<vmem>>
      %dma_wait3A_2015 = arith.constant 0 : i32
      %dma_wait3A_2016 = tpu.memref_slice %arg3[%dma_wait3A_2004, %dma_wait3A_2015] : memref<2x331776xi32, #tpu.memory_space<hbm>> -> memref<1x96xi32, #tpu.memory_space<hbm>>
      %dma_wait3A_2017 = tpu.memref_squeeze %dma_wait3A_2016 : memref<1x96xi32, #tpu.memory_space<hbm>> -> memref<96xi32, #tpu.memory_space<hbm>>
      tpu.wait_dma2 semaphore(%arg20 : memref<!tpu.dma_semaphore, #tpu.memory_space<semaphore_mem>>) src(%dma_wait3A_2017 : memref<96xi32, #tpu.memory_space<hbm>>) dst(%dma_wait3A_2014 : memref<96xi32, #tpu.memory_space<vmem>>)
      %dma_start3A_2018 = arith.constant 0 : i32
      %dma_start3A_2019 = arith.constant 0 : i32
      %dma_start3A_2020 = tpu.memref_slice %arg7[%dma_start3A_2018, %dma_start3A_2019] : memref<2x96xi32, #tpu.memory_space<vmem>> -> memref<1x96xi32, #tpu.memory_space<vmem>>
      %dma_start3A_2021 = tpu.memref_squeeze %dma_start3A_2020 : memref<1x96xi32, #tpu.memory_space<vmem>> -> memref<96xi32, #tpu.memory_space<vmem>>
      %dma_start3A_2022 = arith.constant 0 : i32
      %dma_start3A_2023 = arith.constant 0 : i32
      %dma_start3A_2024 = tpu.memref_slice %arg2[%dma_start3A_2022, %dma_start3A_2023] : memref<10000x128xf32, #tpu.memory_space<hbm>> -> memref<10000x128xf32, #tpu.memory_space<hbm>>
      tpu.enqueue_indirect_dma source(%dma_start3A_2024 : memref<10000x128xf32, #tpu.memory_space<hbm>>) target(%arg13 : memref<96x128xf32, #tpu.memory_space<vmem>>) offsets(%dma_start3A_2021 : memref<96xi32, #tpu.memory_space<vmem>>) semaphore(%arg23 : memref<!tpu.dma_semaphore, #tpu.memory_space<semaphore_mem>>)
      %add3A_2025 = arith.constant 5 : i32
      %add3A_2026 = arith.addi %mul3A_1783, %add3A_2025 : i32
      %min3A_2027 = arith.constant 107 : i32
      %min3A_2028 = arith.minsi %add3A_2026, %min3A_2027 : i32
      %dma_wait3A_2029 = arith.constant 0 : i32
      %dma_wait3A_2030 = arith.constant 0 : i32
      %dma_wait3A_2031 = tpu.memref_slice %arg9[%dma_wait3A_2029, %dma_wait3A_2030] : memref<2x96xi32, #tpu.memory_space<vmem>> -> memref<1x96xi32, #tpu.memory_space<vmem>>
      %dma_wait3A_2032 = tpu.memref_squeeze %dma_wait3A_2031 : memref<1x96xi32, #tpu.memory_space<vmem>> -> memref<96xi32, #tpu.memory_space<vmem>>
      %dma_wait3A_2033 = arith.constant 0 : i32
      %dma_wait3A_2034 = arith.constant 0 : i32
      %dma_wait3A_2035 = tpu.memref_slice %arg2[%dma_wait3A_2033, %dma_wait3A_2034] : memref<10000x128xf32, #tpu.memory_space<hbm>> -> memref<10000x128xf32, #tpu.memory_space<hbm>>
      tpu.wait_indirect_dma semaphore(%arg25 : memref<!tpu.dma_semaphore, #tpu.memory_space<semaphore_mem>>) src(%dma_wait3A_2035 : memref<10000x128xf32, #tpu.memory_space<hbm>>) dst(%arg15 : memref<96x128xf32, #tpu.memory_space<vmem>>)
      %get3A_2036 = arith.constant 1 : i32
      %get3A_2037 = arith.index_cast %get3A_2036 : i32 to index
      %get3A_2038 = arith.constant 0 : index
      %get3A_2039 = tpu.vector_load %arg9[%get3A_2037, %get3A_2038] {strides = array<i32>} : memref<2x96xi32, #tpu.memory_space<vmem>>, vector<1x16xi32>,
      %get3A_2040 = vector.shape_cast %get3A_2039 : vector<1x16xi32> to vector<16xi32>
      %swap3A_2041 = arith.constant 0 : index
      %swap3A_2042 = tpu.vector_load %arg12[%swap3A_2041] {strides = array<i32>} : memref<96xi32, #tpu.memory_space<vmem>>, vector<16xi32>,
      %swap3A_2043 = vector.shape_cast %swap3A_2042 : vector<16xi32> to vector<16xi32>
      %swap3A_2044 = vector.shape_cast %get3A_2040 : vector<16xi32> to vector<16xi32>
      tpu.vector_store %arg12[%swap3A_2041], %swap3A_2044 {strides = array<i32>} : memref<96xi32, #tpu.memory_space<vmem>>, vector<16xi32>,
      %get3A_2045 = arith.constant 1 : i32
      %get3A_2046 = arith.index_cast %get3A_2045 : i32 to index
      %get3A_2047 = arith.constant 16 : index
      %get3A_2048 = tpu.vector_load %arg9[%get3A_2046, %get3A_2047] {strides = array<i32>} : memref<2x96xi32, #tpu.memory_space<vmem>>, vector<1x16xi32>,
      %get3A_2049 = vector.shape_cast %get3A_2048 : vector<1x16xi32> to vector<16xi32>
      %swap3A_2050 = arith.constant 16 : index
      %swap3A_2051 = tpu.vector_load %arg12[%swap3A_2050] {strides = array<i32>} : memref<96xi32, #tpu.memory_space<vmem>>, vector<16xi32>,
      %swap3A_2052 = vector.shape_cast %swap3A_2051 : vector<16xi32> to vector<16xi32>
      %swap3A_2053 = vector.shape_cast %get3A_2049 : vector<16xi32> to vector<16xi32>
      tpu.vector_store %arg12[%swap3A_2050], %swap3A_2053 {strides = array<i32>} : memref<96xi32, #tpu.memory_space<vmem>>, vector<16xi32>,
      %get3A_2054 = arith.constant 1 : i32
      %get3A_2055 = arith.index_cast %get3A_2054 : i32 to index
      %get3A_2056 = arith.constant 32 : index
      %get3A_2057 = tpu.vector_load %arg9[%get3A_2055, %get3A_2056] {strides = array<i32>} : memref<2x96xi32, #tpu.memory_space<vmem>>, vector<1x16xi32>,
      %get3A_2058 = vector.shape_cast %get3A_2057 : vector<1x16xi32> to vector<16xi32>
      %swap3A_2059 = arith.constant 32 : index
      %swap3A_2060 = tpu.vector_load %arg12[%swap3A_2059] {strides = array<i32>} : memref<96xi32, #tpu.memory_space<vmem>>, vector<16xi32>,
      %swap3A_2061 = vector.shape_cast %swap3A_2060 : vector<16xi32> to vector<16xi32>
      %swap3A_2062 = vector.shape_cast %get3A_2058 : vector<16xi32> to vector<16xi32>
      tpu.vector_store %arg12[%swap3A_2059], %swap3A_2062 {strides = array<i32>} : memref<96xi32, #tpu.memory_space<vmem>>, vector<16xi32>,
      %get3A_2063 = arith.constant 1 : i32
      %get3A_2064 = arith.index_cast %get3A_2063 : i32 to index
      %get3A_2065 = arith.constant 48 : index
      %get3A_2066 = tpu.vector_load %arg9[%get3A_2064, %get3A_2065] {strides = array<i32>} : memref<2x96xi32, #tpu.memory_space<vmem>>, vector<1x16xi32>,
      %get3A_2067 = vector.shape_cast %get3A_2066 : vector<1x16xi32> to vector<16xi32>
      %swap3A_2068 = arith.constant 48 : index
      %swap3A_2069 = tpu.vector_load %arg12[%swap3A_2068] {strides = array<i32>} : memref<96xi32, #tpu.memory_space<vmem>>, vector<16xi32>,
      %swap3A_2070 = vector.shape_cast %swap3A_2069 : vector<16xi32> to vector<16xi32>
      %swap3A_2071 = vector.shape_cast %get3A_2067 : vector<16xi32> to vector<16xi32>
      tpu.vector_store %arg12[%swap3A_2068], %swap3A_2071 {strides = array<i32>} : memref<96xi32, #tpu.memory_space<vmem>>, vector<16xi32>,
      %get3A_2072 = arith.constant 1 : i32
      %get3A_2073 = arith.index_cast %get3A_2072 : i32 to index
      %get3A_2074 = arith.constant 64 : index
      %get3A_2075 = tpu.vector_load %arg9[%get3A_2073, %get3A_2074] {strides = array<i32>} : memref<2x96xi32, #tpu.memory_space<vmem>>, vector<1x16xi32>,
      %get3A_2076 = vector.shape_cast %get3A_2075 : vector<1x16xi32> to vector<16xi32>
      %swap3A_2077 = arith.constant 64 : index
      %swap3A_2078 = tpu.vector_load %arg12[%swap3A_2077] {strides = array<i32>} : memref<96xi32, #tpu.memory_space<vmem>>, vector<16xi32>,
      %swap3A_2079 = vector.shape_cast %swap3A_2078 : vector<16xi32> to vector<16xi32>
      %swap3A_2080 = vector.shape_cast %get3A_2076 : vector<16xi32> to vector<16xi32>
      tpu.vector_store %arg12[%swap3A_2077], %swap3A_2080 {strides = array<i32>} : memref<96xi32, #tpu.memory_space<vmem>>, vector<16xi32>,
      %get3A_2081 = arith.constant 1 : i32
      %get3A_2082 = arith.index_cast %get3A_2081 : i32 to index
      %get3A_2083 = arith.constant 80 : index
      %get3A_2084 = tpu.vector_load %arg9[%get3A_2082, %get3A_2083] {strides = array<i32>} : memref<2x96xi32, #tpu.memory_space<vmem>>, vector<1x16xi32>,
      %get3A_2085 = vector.shape_cast %get3A_2084 : vector<1x16xi32> to vector<16xi32>
      %swap3A_2086 = arith.constant 80 : index
      %swap3A_2087 = tpu.vector_load %arg12[%swap3A_2086] {strides = array<i32>} : memref<96xi32, #tpu.memory_space<vmem>>, vector<16xi32>,
      %swap3A_2088 = vector.shape_cast %swap3A_2087 : vector<16xi32> to vector<16xi32>
      %swap3A_2089 = vector.shape_cast %get3A_2085 : vector<16xi32> to vector<16xi32>
      tpu.vector_store %arg12[%swap3A_2086], %swap3A_2089 {strides = array<i32>} : memref<96xi32, #tpu.memory_space<vmem>>, vector<16xi32>,
      %mul3A_2090 = arith.constant 96 : i32
      %mul3A_2091 = arith.muli %min3A_2028, %mul3A_2090 : i32
      %add3A_2092 = arith.addi %mul3A_2, %mul3A_2091 : i32
      %dma_start3A_2093 = arith.constant 0 : i32
      %dma_start3A_2094 = arith.constant 0 : i32
      %dma_start3A_2095 = arith.constant 0 : i32
      %dma_start3A_2096 = tpu.memref_slice %arg9[%dma_start3A_2094, %dma_start3A_2095] : memref<2x96xi32, #tpu.memory_space<vmem>> -> memref<1x96xi32, #tpu.memory_space<vmem>>
      %dma_start3A_2097 = tpu.memref_squeeze %dma_start3A_2096 : memref<1x96xi32, #tpu.memory_space<vmem>> -> memref<96xi32, #tpu.memory_space<vmem>>
      %dma_start3A_2098 = tpu.memref_slice %arg3[%dma_start3A_2093, %add3A_2092] : memref<2x331776xi32, #tpu.memory_space<hbm>> -> memref<1x96xi32, #tpu.memory_space<hbm>>
      %dma_start3A_2099 = tpu.memref_squeeze %dma_start3A_2098 : memref<1x96xi32, #tpu.memory_space<hbm>> -> memref<96xi32, #tpu.memory_space<hbm>>
      %dma_start3A_2100 = arith.constant 0 : i32
      %dma_start3A_2101 = tpu.memref_slice %arg9[%dma_start3A_2094, %dma_start3A_2100] : memref<2x96xi32, #tpu.memory_space<vmem>> -> memref<1x96xi32, #tpu.memory_space<vmem>>
      %dma_start3A_2102 = tpu.memref_squeeze %dma_start3A_2101 : memref<1x96xi32, #tpu.memory_space<vmem>> -> memref<96xi32, #tpu.memory_space<vmem>>
      %dma_start3A_2103 = tpu.memref_slice %arg3[%dma_start3A_2093, %add3A_2092] : memref<2x331776xi32, #tpu.memory_space<hbm>> -> memref<1x96xi32, #tpu.memory_space<hbm>>
      %dma_start3A_2104 = tpu.memref_squeeze %dma_start3A_2103 : memref<1x96xi32, #tpu.memory_space<hbm>> -> memref<96xi32, #tpu.memory_space<hbm>>
      tpu.enqueue_dma source(%dma_start3A_2104 : memref<96xi32, #tpu.memory_space<hbm>>) target(%dma_start3A_2102 : memref<96xi32, #tpu.memory_space<vmem>>) target_semaphore(%arg22 : memref<!tpu.dma_semaphore, #tpu.memory_space<semaphore_mem>>)
      %mul3A_2105 = arith.constant 96 : i32
      %mul3A_2106 = arith.muli %min3A_2028, %mul3A_2105 : i32
      %add3A_2107 = arith.addi %mul3A_2, %mul3A_2106 : i32
      %dma_start3A_2108 = arith.constant 1 : i32
      %dma_start3A_2109 = arith.constant 1 : i32
      %dma_start3A_2110 = arith.constant 0 : i32
      %dma_start3A_2111 = tpu.memref_slice %arg9[%dma_start3A_2109, %dma_start3A_2110] : memref<2x96xi32, #tpu.memory_space<vmem>> -> memref<1x96xi32, #tpu.memory_space<vmem>>
      %dma_start3A_2112 = tpu.memref_squeeze %dma_start3A_2111 : memref<1x96xi32, #tpu.memory_space<vmem>> -> memref<96xi32, #tpu.memory_space<vmem>>
      %dma_start3A_2113 = tpu.memref_slice %arg3[%dma_start3A_2108, %add3A_2107] : memref<2x331776xi32, #tpu.memory_space<hbm>> -> memref<1x96xi32, #tpu.memory_space<hbm>>
      %dma_start3A_2114 = tpu.memref_squeeze %dma_start3A_2113 : memref<1x96xi32, #tpu.memory_space<hbm>> -> memref<96xi32, #tpu.memory_space<hbm>>
      %dma_start3A_2115 = arith.constant 0 : i32
      %dma_start3A_2116 = tpu.memref_slice %arg9[%dma_start3A_2109, %dma_start3A_2115] : memref<2x96xi32, #tpu.memory_space<vmem>> -> memref<1x96xi32, #tpu.memory_space<vmem>>
      %dma_start3A_2117 = tpu.memref_squeeze %dma_start3A_2116 : memref<1x96xi32, #tpu.memory_space<vmem>> -> memref<96xi32, #tpu.memory_space<vmem>>
      %dma_start3A_2118 = tpu.memref_slice %arg3[%dma_start3A_2108, %add3A_2107] : memref<2x331776xi32, #tpu.memory_space<hbm>> -> memref<1x96xi32, #tpu.memory_space<hbm>>
      %dma_start3A_2119 = tpu.memref_squeeze %dma_start3A_2118 : memref<1x96xi32, #tpu.memory_space<hbm>> -> memref<96xi32, #tpu.memory_space<hbm>>
      tpu.enqueue_dma source(%dma_start3A_2119 : memref<96xi32, #tpu.memory_space<hbm>>) target(%dma_start3A_2117 : memref<96xi32, #tpu.memory_space<vmem>>) target_semaphore(%arg22 : memref<!tpu.dma_semaphore, #tpu.memory_space<semaphore_mem>>)
      %dma_start3A_2120 = arith.constant 0 : i32
      %dma_start3A_2121 = arith.constant 0 : i32
      %dma_start3A_2122 = tpu.memref_slice %arg18[%dma_start3A_2120, %dma_start3A_2121] : memref<10008x128xf32, #tpu.memory_space<vmem_shared>> -> memref<10008x128xf32, #tpu.memory_space<vmem_shared>>
      tpu.enqueue_indirect_dma source(%arg15 : memref<96x128xf32, #tpu.memory_space<vmem>>) target(%dma_start3A_2122 : memref<10008x128xf32, #tpu.memory_space<vmem_shared>>) offsets(%arg12 : memref<96xi32, #tpu.memory_space<vmem>>) semaphore(%arg28 : memref<!tpu.dma_semaphore, #tpu.memory_space<semaphore_mem>>) {add = true}
      %dma_start3A_2123 = arith.constant 0 : i32
      %dma_start3A_2124 = arith.constant 0 : i32
      %dma_start3A_2125 = tpu.memref_slice %arg19[%dma_start3A_2123, %dma_start3A_2124] : memref<10008x16xf32, #tpu.memory_space<vmem_shared>> -> memref<10008x16xf32, #tpu.memory_space<vmem_shared>>
      tpu.enqueue_indirect_dma source(%arg16 : memref<96x16xf32, #tpu.memory_space<vmem>>) target(%dma_start3A_2125 : memref<10008x16xf32, #tpu.memory_space<vmem_shared>>) offsets(%arg12 : memref<96xi32, #tpu.memory_space<vmem>>) semaphore(%arg31 : memref<!tpu.dma_semaphore, #tpu.memory_space<semaphore_mem>>) {add = true}
      %dma_wait3A_2126 = arith.constant 0 : i32
      %dma_wait3A_2127 = arith.constant 0 : i32
      %dma_wait3A_2128 = tpu.memref_slice %arg18[%dma_wait3A_2126, %dma_wait3A_2127] : memref<10008x128xf32, #tpu.memory_space<vmem_shared>> -> memref<10008x128xf32, #tpu.memory_space<vmem_shared>>
      tpu.wait_indirect_dma semaphore(%arg27 : memref<!tpu.dma_semaphore, #tpu.memory_space<semaphore_mem>>) src(%arg14 : memref<96x128xf32, #tpu.memory_space<vmem>>) dst(%dma_wait3A_2128 : memref<10008x128xf32, #tpu.memory_space<vmem_shared>>)
      %dma_wait3A_2129 = arith.constant 0 : i32
      %dma_wait3A_2130 = arith.constant 0 : i32
      %dma_wait3A_2131 = tpu.memref_slice %arg19[%dma_wait3A_2129, %dma_wait3A_2130] : memref<10008x16xf32, #tpu.memory_space<vmem_shared>> -> memref<10008x16xf32, #tpu.memory_space<vmem_shared>>
      tpu.wait_indirect_dma semaphore(%arg30 : memref<!tpu.dma_semaphore, #tpu.memory_space<semaphore_mem>>) src(%arg16 : memref<96x16xf32, #tpu.memory_space<vmem>>) dst(%dma_wait3A_2131 : memref<10008x16xf32, #tpu.memory_space<vmem_shared>>)
      %dma_wait3A_2132 = arith.constant 0 : i32
      %dma_wait3A_2133 = arith.constant 0 : i32
      %dma_wait3A_2134 = arith.constant 0 : i32
      %dma_wait3A_2135 = tpu.memref_slice %arg8[%dma_wait3A_2133, %dma_wait3A_2134] : memref<2x96xi32, #tpu.memory_space<vmem>> -> memref<1x96xi32, #tpu.memory_space<vmem>>
      %dma_wait3A_2136 = tpu.memref_squeeze %dma_wait3A_2135 : memref<1x96xi32, #tpu.memory_space<vmem>> -> memref<96xi32, #tpu.memory_space<vmem>>
      %dma_wait3A_2137 = arith.constant 0 : i32
      %dma_wait3A_2138 = tpu.memref_slice %arg3[%dma_wait3A_2132, %dma_wait3A_2137] : memref<2x331776xi32, #tpu.memory_space<hbm>> -> memref<1x96xi32, #tpu.memory_space<hbm>>
      %dma_wait3A_2139 = tpu.memref_squeeze %dma_wait3A_2138 : memref<1x96xi32, #tpu.memory_space<hbm>> -> memref<96xi32, #tpu.memory_space<hbm>>
      %dma_wait3A_2140 = arith.constant 0 : i32
      %dma_wait3A_2141 = tpu.memref_slice %arg8[%dma_wait3A_2133, %dma_wait3A_2140] : memref<2x96xi32, #tpu.memory_space<vmem>> -> memref<1x96xi32, #tpu.memory_space<vmem>>
      %dma_wait3A_2142 = tpu.memref_squeeze %dma_wait3A_2141 : memref<1x96xi32, #tpu.memory_space<vmem>> -> memref<96xi32, #tpu.memory_space<vmem>>
      %dma_wait3A_2143 = arith.constant 0 : i32
      %dma_wait3A_2144 = tpu.memref_slice %arg3[%dma_wait3A_2132, %dma_wait3A_2143] : memref<2x331776xi32, #tpu.memory_space<hbm>> -> memref<1x96xi32, #tpu.memory_space<hbm>>
      %dma_wait3A_2145 = tpu.memref_squeeze %dma_wait3A_2144 : memref<1x96xi32, #tpu.memory_space<hbm>> -> memref<96xi32, #tpu.memory_space<hbm>>
      tpu.wait_dma2 semaphore(%arg21 : memref<!tpu.dma_semaphore, #tpu.memory_space<semaphore_mem>>) src(%dma_wait3A_2145 : memref<96xi32, #tpu.memory_space<hbm>>) dst(%dma_wait3A_2142 : memref<96xi32, #tpu.memory_space<vmem>>)
      %dma_wait3A_2146 = arith.constant 1 : i32
      %dma_wait3A_2147 = arith.constant 1 : i32
      %dma_wait3A_2148 = arith.constant 0 : i32
      %dma_wait3A_2149 = tpu.memref_slice %arg8[%dma_wait3A_2147, %dma_wait3A_2148] : memref<2x96xi32, #tpu.memory_space<vmem>> -> memref<1x96xi32, #tpu.memory_space<vmem>>
      %dma_wait3A_2150 = tpu.memref_squeeze %dma_wait3A_2149 : memref<1x96xi32, #tpu.memory_space<vmem>> -> memref<96xi32, #tpu.memory_space<vmem>>
      %dma_wait3A_2151 = arith.constant 0 : i32
      %dma_wait3A_2152 = tpu.memref_slice %arg3[%dma_wait3A_2146, %dma_wait3A_2151] : memref<2x331776xi32, #tpu.memory_space<hbm>> -> memref<1x96xi32, #tpu.memory_space<hbm>>
      %dma_wait3A_2153 = tpu.memref_squeeze %dma_wait3A_2152 : memref<1x96xi32, #tpu.memory_space<hbm>> -> memref<96xi32, #tpu.memory_space<hbm>>
      %dma_wait3A_2154 = arith.constant 0 : i32
      %dma_wait3A_2155 = tpu.memref_slice %arg8[%dma_wait3A_2147, %dma_wait3A_2154] : memref<2x96xi32, #tpu.memory_space<vmem>> -> memref<1x96xi32, #tpu.memory_space<vmem>>
      %dma_wait3A_2156 = tpu.memref_squeeze %dma_wait3A_2155 : memref<1x96xi32, #tpu.memory_space<vmem>> -> memref<96xi32, #tpu.memory_space<vmem>>
      %dma_wait3A_2157 = arith.constant 0 : i32
      %dma_wait3A_2158 = tpu.memref_slice %arg3[%dma_wait3A_2146, %dma_wait3A_2157] : memref<2x331776xi32, #tpu.memory_space<hbm>> -> memref<1x96xi32, #tpu.memory_space<hbm>>
      %dma_wait3A_2159 = tpu.memref_squeeze %dma_wait3A_2158 : memref<1x96xi32, #tpu.memory_space<hbm>> -> memref<96xi32, #tpu.memory_space<hbm>>
      tpu.wait_dma2 semaphore(%arg21 : memref<!tpu.dma_semaphore, #tpu.memory_space<semaphore_mem>>) src(%dma_wait3A_2159 : memref<96xi32, #tpu.memory_space<hbm>>) dst(%dma_wait3A_2156 : memref<96xi32, #tpu.memory_space<vmem>>)
      %dma_start3A_2160 = arith.constant 0 : i32
      %dma_start3A_2161 = arith.constant 0 : i32
      %dma_start3A_2162 = tpu.memref_slice %arg8[%dma_start3A_2160, %dma_start3A_2161] : memref<2x96xi32, #tpu.memory_space<vmem>> -> memref<1x96xi32, #tpu.memory_space<vmem>>
      %dma_start3A_2163 = tpu.memref_squeeze %dma_start3A_2162 : memref<1x96xi32, #tpu.memory_space<vmem>> -> memref<96xi32, #tpu.memory_space<vmem>>
      %dma_start3A_2164 = arith.constant 0 : i32
      %dma_start3A_2165 = arith.constant 0 : i32
      %dma_start3A_2166 = tpu.memref_slice %arg2[%dma_start3A_2164, %dma_start3A_2165] : memref<10000x128xf32, #tpu.memory_space<hbm>> -> memref<10000x128xf32, #tpu.memory_space<hbm>>
      tpu.enqueue_indirect_dma source(%dma_start3A_2166 : memref<10000x128xf32, #tpu.memory_space<hbm>>) target(%arg14 : memref<96x128xf32, #tpu.memory_space<vmem>>) offsets(%dma_start3A_2163 : memref<96xi32, #tpu.memory_space<vmem>>) semaphore(%arg24 : memref<!tpu.dma_semaphore, #tpu.memory_space<semaphore_mem>>)
      %dma_wait3A_2167 = arith.constant 0 : i32
      %dma_wait3A_2168 = arith.constant 0 : i32
      %dma_wait3A_2169 = tpu.memref_slice %arg18[%dma_wait3A_2167, %dma_wait3A_2168] : memref<10008x128xf32, #tpu.memory_space<vmem_shared>> -> memref<10008x128xf32, #tpu.memory_space<vmem_shared>>
      tpu.wait_indirect_dma semaphore(%arg28 : memref<!tpu.dma_semaphore, #tpu.memory_space<semaphore_mem>>) src(%arg15 : memref<96x128xf32, #tpu.memory_space<vmem>>) dst(%dma_wait3A_2169 : memref<10008x128xf32, #tpu.memory_space<vmem_shared>>)
      %dma_wait3A_2170 = arith.constant 0 : i32
      %dma_wait3A_2171 = arith.constant 0 : i32
      %dma_wait3A_2172 = tpu.memref_slice %arg19[%dma_wait3A_2170, %dma_wait3A_2171] : memref<10008x16xf32, #tpu.memory_space<vmem_shared>> -> memref<10008x16xf32, #tpu.memory_space<vmem_shared>>
      tpu.wait_indirect_dma semaphore(%arg31 : memref<!tpu.dma_semaphore, #tpu.memory_space<semaphore_mem>>) src(%arg16 : memref<96x16xf32, #tpu.memory_space<vmem>>) dst(%dma_wait3A_2172 : memref<10008x16xf32, #tpu.memory_space<vmem_shared>>)
      %dma_wait3A_2173 = arith.constant 0 : i32
      %dma_wait3A_2174 = arith.constant 0 : i32
      %dma_wait3A_2175 = arith.constant 0 : i32
      %dma_wait3A_2176 = tpu.memref_slice %arg9[%dma_wait3A_2174, %dma_wait3A_2175] : memref<2x96xi32, #tpu.memory_space<vmem>> -> memref<1x96xi32, #tpu.memory_space<vmem>>
      %dma_wait3A_2177 = tpu.memref_squeeze %dma_wait3A_2176 : memref<1x96xi32, #tpu.memory_space<vmem>> -> memref<96xi32, #tpu.memory_space<vmem>>
      %dma_wait3A_2178 = arith.constant 0 : i32
      %dma_wait3A_2179 = tpu.memref_slice %arg3[%dma_wait3A_2173, %dma_wait3A_2178] : memref<2x331776xi32, #tpu.memory_space<hbm>> -> memref<1x96xi32, #tpu.memory_space<hbm>>
      %dma_wait3A_2180 = tpu.memref_squeeze %dma_wait3A_2179 : memref<1x96xi32, #tpu.memory_space<hbm>> -> memref<96xi32, #tpu.memory_space<hbm>>
      %dma_wait3A_2181 = arith.constant 0 : i32
      %dma_wait3A_2182 = tpu.memref_slice %arg9[%dma_wait3A_2174, %dma_wait3A_2181] : memref<2x96xi32, #tpu.memory_space<vmem>> -> memref<1x96xi32, #tpu.memory_space<vmem>>
      %dma_wait3A_2183 = tpu.memref_squeeze %dma_wait3A_2182 : memref<1x96xi32, #tpu.memory_space<vmem>> -> memref<96xi32, #tpu.memory_space<vmem>>
      %dma_wait3A_2184 = arith.constant 0 : i32
      %dma_wait3A_2185 = tpu.memref_slice %arg3[%dma_wait3A_2173, %dma_wait3A_2184] : memref<2x331776xi32, #tpu.memory_space<hbm>> -> memref<1x96xi32, #tpu.memory_space<hbm>>
      %dma_wait3A_2186 = tpu.memref_squeeze %dma_wait3A_2185 : memref<1x96xi32, #tpu.memory_space<hbm>> -> memref<96xi32, #tpu.memory_space<hbm>>
      tpu.wait_dma2 semaphore(%arg22 : memref<!tpu.dma_semaphore, #tpu.memory_space<semaphore_mem>>) src(%dma_wait3A_2186 : memref<96xi32, #tpu.memory_space<hbm>>) dst(%dma_wait3A_2183 : memref<96xi32, #tpu.memory_space<vmem>>)
      %dma_wait3A_2187 = arith.constant 1 : i32
      %dma_wait3A_2188 = arith.constant 1 : i32
      %dma_wait3A_2189 = arith.constant 0 : i32
      %dma_wait3A_2190 = tpu.memref_slice %arg9[%dma_wait3A_2188, %dma_wait3A_2189] : memref<2x96xi32, #tpu.memory_space<vmem>> -> memref<1x96xi32, #tpu.memory_space<vmem>>
      %dma_wait3A_2191 = tpu.memref_squeeze %dma_wait3A_2190 : memref<1x96xi32, #tpu.memory_space<vmem>> -> memref<96xi32, #tpu.memory_space<vmem>>
      %dma_wait3A_2192 = arith.constant 0 : i32
      %dma_wait3A_2193 = tpu.memref_slice %arg3[%dma_wait3A_2187, %dma_wait3A_2192] : memref<2x331776xi32, #tpu.memory_space<hbm>> -> memref<1x96xi32, #tpu.memory_space<hbm>>
      %dma_wait3A_2194 = tpu.memref_squeeze %dma_wait3A_2193 : memref<1x96xi32, #tpu.memory_space<hbm>> -> memref<96xi32, #tpu.memory_space<hbm>>
      %dma_wait3A_2195 = arith.constant 0 : i32
      %dma_wait3A_2196 = tpu.memref_slice %arg9[%dma_wait3A_2188, %dma_wait3A_2195] : memref<2x96xi32, #tpu.memory_space<vmem>> -> memref<1x96xi32, #tpu.memory_space<vmem>>
      %dma_wait3A_2197 = tpu.memref_squeeze %dma_wait3A_2196 : memref<1x96xi32, #tpu.memory_space<vmem>> -> memref<96xi32, #tpu.memory_space<vmem>>
      %dma_wait3A_2198 = arith.constant 0 : i32
      %dma_wait3A_2199 = tpu.memref_slice %arg3[%dma_wait3A_2187, %dma_wait3A_2198] : memref<2x331776xi32, #tpu.memory_space<hbm>> -> memref<1x96xi32, #tpu.memory_space<hbm>>
      %dma_wait3A_2200 = tpu.memref_squeeze %dma_wait3A_2199 : memref<1x96xi32, #tpu.memory_space<hbm>> -> memref<96xi32, #tpu.memory_space<hbm>>
      tpu.wait_dma2 semaphore(%arg22 : memref<!tpu.dma_semaphore, #tpu.memory_space<semaphore_mem>>) src(%dma_wait3A_2200 : memref<96xi32, #tpu.memory_space<hbm>>) dst(%dma_wait3A_2197 : memref<96xi32, #tpu.memory_space<vmem>>)
      %dma_start3A_2201 = arith.constant 0 : i32
      %dma_start3A_2202 = arith.constant 0 : i32
      %dma_start3A_2203 = tpu.memref_slice %arg9[%dma_start3A_2201, %dma_start3A_2202] : memref<2x96xi32, #tpu.memory_space<vmem>> -> memref<1x96xi32, #tpu.memory_space<vmem>>
      %dma_start3A_2204 = tpu.memref_squeeze %dma_start3A_2203 : memref<1x96xi32, #tpu.memory_space<vmem>> -> memref<96xi32, #tpu.memory_space<vmem>>
      %dma_start3A_2205 = arith.constant 0 : i32
      %dma_start3A_2206 = arith.constant 0 : i32
      %dma_start3A_2207 = tpu.memref_slice %arg2[%dma_start3A_2205, %dma_start3A_2206] : memref<10000x128xf32, #tpu.memory_space<hbm>> -> memref<10000x128xf32, #tpu.memory_space<hbm>>
      tpu.enqueue_indirect_dma source(%dma_start3A_2207 : memref<10000x128xf32, #tpu.memory_space<hbm>>) target(%arg15 : memref<96x128xf32, #tpu.memory_space<vmem>>) offsets(%dma_start3A_2204 : memref<96xi32, #tpu.memory_space<vmem>>) semaphore(%arg25 : memref<!tpu.dma_semaphore, #tpu.memory_space<semaphore_mem>>)
    }
    %scan3A_1758 = arith.constant 36 : i32
    %dma_wait3A_1759 = arith.constant 0 : i32
    %dma_wait3A_1760 = arith.constant 0 : i32
    %dma_wait3A_1761 = tpu.memref_slice %arg7[%dma_wait3A_1759, %dma_wait3A_1760] : memref<2x96xi32, #tpu.memory_space<vmem>> -> memref<1x96xi32, #tpu.memory_space<vmem>>
    %dma_wait3A_1762 = tpu.memref_squeeze %dma_wait3A_1761 : memref<1x96xi32, #tpu.memory_space<vmem>> -> memref<96xi32, #tpu.memory_space<vmem>>
    %dma_wait3A_1763 = arith.constant 0 : i32
    %dma_wait3A_1764 = arith.constant 0 : i32
    %dma_wait3A_1765 = tpu.memref_slice %arg2[%dma_wait3A_1763, %dma_wait3A_1764] : memref<10000x128xf32, #tpu.memory_space<hbm>> -> memref<10000x128xf32, #tpu.memory_space<hbm>>
    tpu.wait_indirect_dma semaphore(%arg23 : memref<!tpu.dma_semaphore, #tpu.memory_space<semaphore_mem>>) src(%dma_wait3A_1765 : memref<10000x128xf32, #tpu.memory_space<hbm>>) dst(%arg13 : memref<96x128xf32, #tpu.memory_space<vmem>>)
    %dma_wait3A_1766 = arith.constant 0 : i32
    %dma_wait3A_1767 = arith.constant 0 : i32
    %dma_wait3A_1768 = tpu.memref_slice %arg8[%dma_wait3A_1766, %dma_wait3A_1767] : memref<2x96xi32, #tpu.memory_space<vmem>> -> memref<1x96xi32, #tpu.memory_space<vmem>>
    %dma_wait3A_1769 = tpu.memref_squeeze %dma_wait3A_1768 : memref<1x96xi32, #tpu.memory_space<vmem>> -> memref<96xi32, #tpu.memory_space<vmem>>
    %dma_wait3A_1770 = arith.constant 0 : i32
    %dma_wait3A_1771 = arith.constant 0 : i32
    %dma_wait3A_1772 = tpu.memref_slice %arg2[%dma_wait3A_1770, %dma_wait3A_1771] : memref<10000x128xf32, #tpu.memory_space<hbm>> -> memref<10000x128xf32, #tpu.memory_space<hbm>>
    tpu.wait_indirect_dma semaphore(%arg24 : memref<!tpu.dma_semaphore, #tpu.memory_space<semaphore_mem>>) src(%dma_wait3A_1772 : memref<10000x128xf32, #tpu.memory_space<hbm>>) dst(%arg14 : memref<96x128xf32, #tpu.memory_space<vmem>>)
    %dma_wait3A_1773 = arith.constant 0 : i32
    %dma_wait3A_1774 = arith.constant 0 : i32
    %dma_wait3A_1775 = tpu.memref_slice %arg9[%dma_wait3A_1773, %dma_wait3A_1774] : memref<2x96xi32, #tpu.memory_space<vmem>> -> memref<1x96xi32, #tpu.memory_space<vmem>>
    %dma_wait3A_1776 = tpu.memref_squeeze %dma_wait3A_1775 : memref<1x96xi32, #tpu.memory_space<vmem>> -> memref<96xi32, #tpu.memory_space<vmem>>
    %dma_wait3A_1777 = arith.constant 0 : i32
    %dma_wait3A_1778 = arith.constant 0 : i32
    %dma_wait3A_1779 = tpu.memref_slice %arg2[%dma_wait3A_1777, %dma_wait3A_1778] : memref<10000x128xf32, #tpu.memory_space<hbm>> -> memref<10000x128xf32, #tpu.memory_space<hbm>>
    tpu.wait_indirect_dma semaphore(%arg25 : memref<!tpu.dma_semaphore, #tpu.memory_space<semaphore_mem>>) src(%dma_wait3A_1779 : memref<10000x128xf32, #tpu.memory_space<hbm>>) dst(%arg15 : memref<96x128xf32, #tpu.memory_space<vmem>>)
    %barrier3A_1780 = arith.constant 0 : index
    tpu.barrier barrier_id(%barrier3A_1780)
    "tpu.region"() ({
      %run_scoped3A = tpu.sem_alloc : memref<!tpu.dma_semaphore, #tpu.memory_space<semaphore_mem>>
      %dma_start3A_1781 = arith.constant 0 : i32
      %dma_start3A_1782 = tpu.memref_slice %arg5[%arg0, %mul3A_1621, %dma_start3A_1781] : memref<2x10000x128xf32, #tpu.memory_space<hbm>> -> memref<1x625x128xf32, #tpu.memory_space<hbm>>
      %dma_start3A_1783 = tpu.memref_squeeze %dma_start3A_1782 : memref<1x625x128xf32, #tpu.memory_space<hbm>> -> memref<625x128xf32, #tpu.memory_space<hbm>>
      %dma_start3A_1784 = arith.constant 0 : i32
      %dma_start3A_1785 = tpu.memref_slice %arg18[%mul3A_1621, %dma_start3A_1784] : memref<10008x128xf32, #tpu.memory_space<vmem_shared>> -> memref<625x128xf32, #tpu.memory_space<vmem_shared>>
      tpu.enqueue_dma source(%dma_start3A_1785 : memref<625x128xf32, #tpu.memory_space<vmem_shared>>) target(%dma_start3A_1783 : memref<625x128xf32, #tpu.memory_space<hbm>>) target_semaphore(%run_scoped3A : memref<!tpu.dma_semaphore, #tpu.memory_space<semaphore_mem>>)
      %dma_wait3A_1786 = arith.constant 0 : i32
      %dma_wait3A_1787 = tpu.memref_slice %arg5[%arg0, %mul3A_1621, %dma_wait3A_1786] : memref<2x10000x128xf32, #tpu.memory_space<hbm>> -> memref<1x625x128xf32, #tpu.memory_space<hbm>>
      %dma_wait3A_1788 = tpu.memref_squeeze %dma_wait3A_1787 : memref<1x625x128xf32, #tpu.memory_space<hbm>> -> memref<625x128xf32, #tpu.memory_space<hbm>>
      %dma_wait3A_1789 = arith.constant 0 : i32
      %dma_wait3A_1790 = tpu.memref_slice %arg18[%mul3A_1621, %dma_wait3A_1789] : memref<10008x128xf32, #tpu.memory_space<vmem_shared>> -> memref<625x128xf32, #tpu.memory_space<vmem_shared>>
      tpu.wait_dma2 semaphore(%run_scoped3A : memref<!tpu.dma_semaphore, #tpu.memory_space<semaphore_mem>>) src(%dma_wait3A_1790 : memref<625x128xf32, #tpu.memory_space<vmem_shared>>) dst(%dma_wait3A_1788 : memref<625x128xf32, #tpu.memory_space<hbm>>)
      tpu.yield
    }) : () -> ()
    "tpu.region"() ({
      %run_scoped3A = tpu.sem_alloc : memref<!tpu.dma_semaphore, #tpu.memory_space<semaphore_mem>>
      %dma_start3A_1781 = arith.constant 0 : i32
      %dma_start3A_1782 = tpu.memref_slice %arg6[%arg0, %mul3A_1621, %dma_start3A_1781] : memref<2x10240x16xf32, #tpu.memory_space<hbm>> -> memref<1x625x16xf32, #tpu.memory_space<hbm>>
      %dma_start3A_1783 = tpu.memref_squeeze %dma_start3A_1782 : memref<1x625x16xf32, #tpu.memory_space<hbm>> -> memref<625x16xf32, #tpu.memory_space<hbm>>
      %dma_start3A_1784 = arith.constant 0 : i32
      %dma_start3A_1785 = tpu.memref_slice %arg19[%mul3A_1621, %dma_start3A_1784] : memref<10008x16xf32, #tpu.memory_space<vmem_shared>> -> memref<625x16xf32, #tpu.memory_space<vmem_shared>>
      tpu.enqueue_dma source(%dma_start3A_1785 : memref<625x16xf32, #tpu.memory_space<vmem_shared>>) target(%dma_start3A_1783 : memref<625x16xf32, #tpu.memory_space<hbm>>) target_semaphore(%run_scoped3A : memref<!tpu.dma_semaphore, #tpu.memory_space<semaphore_mem>>)
      %dma_wait3A_1786 = arith.constant 0 : i32
      %dma_wait3A_1787 = tpu.memref_slice %arg6[%arg0, %mul3A_1621, %dma_wait3A_1786] : memref<2x10240x16xf32, #tpu.memory_space<hbm>> -> memref<1x625x16xf32, #tpu.memory_space<hbm>>
      %dma_wait3A_1788 = tpu.memref_squeeze %dma_wait3A_1787 : memref<1x625x16xf32, #tpu.memory_space<hbm>> -> memref<625x16xf32, #tpu.memory_space<hbm>>
      %dma_wait3A_1789 = arith.constant 0 : i32
      %dma_wait3A_1790 = tpu.memref_slice %arg19[%mul3A_1621, %dma_wait3A_1789] : memref<10008x16xf32, #tpu.memory_space<vmem_shared>> -> memref<625x16xf32, #tpu.memory_space<vmem_shared>>
      tpu.wait_dma2 semaphore(%run_scoped3A : memref<!tpu.dma_semaphore, #tpu.memory_space<semaphore_mem>>) src(%dma_wait3A_1790 : memref<625x16xf32, #tpu.memory_space<vmem_shared>>) dst(%dma_wait3A_1788 : memref<625x16xf32, #tpu.memory_space<hbm>>)
      tpu.yield
    }) : () -> ()
    return
  }
}

module attributes {stable_mosaic.version = 14 : i64} {
  func.func @_tc_body(%arg0: i32, %arg1: memref<2x10000x128xf32, #tpu.memory_space<vmem>>, %arg2: memref<2x1280x128xf32, #tpu.memory_space<vmem>>, %arg3: memref<10000x128xf32, #tpu.memory_space<vmem>>, %arg4: memref<128x128xf32, #tpu.memory_space<vmem>>, %arg5: memref<128x128xf32, #tpu.memory_space<vmem>>, %arg6: memref<1x128xf32, #tpu.memory_space<vmem>>, %arg7: memref<10000x128xf32, #tpu.memory_space<vmem>>) attributes {dimension_semantics = [#tpu.dimension_semantics<arbitrary>], iteration_bounds = array<i64: 1>, scalar_prefetch = 0 : i64, scratch_operands = 0 : i64, tpu.core_type = #tpu.core_type<tc>, window_params = [{pipeline_mode = #tpu.pipeline_mode<synchronous>, transform_indices = @transform_0, window_bounds = array<i64: 2, 10000, 128>}, {pipeline_mode = #tpu.pipeline_mode<synchronous>, transform_indices = @transform_1, window_bounds = array<i64: 2, 1280, 128>}, {pipeline_mode = #tpu.pipeline_mode<synchronous>, transform_indices = @transform_2, window_bounds = array<i64: 10000, 128>}, {pipeline_mode = #tpu.pipeline_mode<synchronous>, transform_indices = @transform_3, window_bounds = array<i64: 128, 128>}, {pipeline_mode = #tpu.pipeline_mode<synchronous>, transform_indices = @transform_4, window_bounds = array<i64: 128, 128>}, {pipeline_mode = #tpu.pipeline_mode<synchronous>, transform_indices = @transform_5, window_bounds = array<i64: 1, 128>}, {pipeline_mode = #tpu.pipeline_mode<synchronous>, transform_indices = @transform_6, window_bounds = array<i64: 10000, 128>}]} {
    %iota3A = tpu.iota {dimensions = array<i32: 0>} : vector<128x8xi32>
    %iota3A_0 = tpu.iota {dimensions = array<i32: 1>} : vector<128x8xi32>
    %mul3A = arith.constant 16 : i32
    %mul3A_1 = vector.broadcast %mul3A : i32 to vector<128x8xi32>
    %mul3A_2 = arith.muli %iota3A_0, %mul3A_1 : vector<128x8xi32>
    %eq3A = arith.cmpi eq, %iota3A, %mul3A_2 : vector<128x8xi32>
    %convert_element_type3A = arith.extui %eq3A : vector<128x8xi1> to vector<128x8xi32>
    %convert_element_type3A_3 = arith.sitofp %convert_element_type3A : vector<128x8xi32> to vector<128x8xf32>
    %get3A = arith.constant 0 : index
    %get3A_4 = arith.constant 0 : index
    %get3A_5 = arith.constant 0 : index
    %get3A_6 = vector.load %arg2[%get3A, %get3A_4, %get3A_5] : memref<2x1280x128xf32, #tpu.memory_space<vmem>>, vector<1x1280x128xf32>
    %get3A_7 = vector.shape_cast %get3A_6 : vector<1x1280x128xf32> to vector<1280x128xf32>
    %get3A_8 = arith.constant 1 : index
    %get3A_9 = arith.constant 0 : index
    %get3A_10 = arith.constant 0 : index
    %get3A_11 = vector.load %arg2[%get3A_8, %get3A_9, %get3A_10] : memref<2x1280x128xf32, #tpu.memory_space<vmem>>, vector<1x1280x128xf32>
    %get3A_12 = vector.shape_cast %get3A_11 : vector<1x1280x128xf32> to vector<1280x128xf32>
    %add3A = arith.addf %get3A_7, %get3A_12 : vector<1280x128xf32>
    %dot_general3A = arith.constant dense<0.000000e+00> : vector<1280x8xf32>
    %dot_general3A_13 = tpu.matmul %add3A, %convert_element_type3A_3, %dot_general3A {dimension_numbers = #tpu.dot_dimension_numbers<[1], [0], [0], [1], [0, 0, 1, 1], [], []>, transpose_lhs_hint = false} : vector<1280x128xf32>, vector<128x8xf32>, vector<1280x8xf32> -> vector<1280x8xf32>
    %max3A = arith.constant 1.000000e+00 : f32
    %max3A_14 = vector.broadcast %max3A : f32 to vector<1280x8xf32>
    %max3A_15 = arith.maximumf %dot_general3A_13, %max3A_14 : vector<1280x8xf32>
    %div3A = arith.constant 1.000000e+00 : f32
    %div3A_16 = vector.broadcast %div3A : f32 to vector<1280x8xf32>
    %div3A_17 = arith.divf %div3A_16, %max3A_15 : vector<1280x8xf32>
    %broadcast_in_dim3A = vector.shape_cast %div3A_17 : vector<1280x8xf32> to vector<1280x8x1xf32>
    %broadcast_in_dim3A_18 = vector.shape_cast %broadcast_in_dim3A : vector<1280x8x1xf32> to vector<1280x8x1xf32>
    %broadcast_in_dim3A_19 = vector.broadcast %broadcast_in_dim3A_18 : vector<1280x8x1xf32> to vector<1280x8x128xf32>
    %reshape3A = vector.shape_cast %broadcast_in_dim3A_19 : vector<1280x8x128xf32> to vector<10240x128xf32>
    %slice3A = vector.extract_strided_slice %reshape3A {offsets = [0, 0], sizes = [10000, 128], strides = [1, 1]} : vector<10240x128xf32> to vector<10000x128xf32>
    %get3A_20 = arith.constant 0 : index
    %get3A_21 = arith.constant 0 : index
    %get3A_22 = arith.constant 0 : index
    %get3A_23 = vector.load %arg1[%get3A_20, %get3A_21, %get3A_22] : memref<2x10000x128xf32, #tpu.memory_space<vmem>>, vector<1x10000x128xf32>
    %get3A_24 = vector.shape_cast %get3A_23 : vector<1x10000x128xf32> to vector<10000x128xf32>
    %get3A_25 = arith.constant 1 : index
    %get3A_26 = arith.constant 0 : index
    %get3A_27 = arith.constant 0 : index
    %get3A_28 = vector.load %arg1[%get3A_25, %get3A_26, %get3A_27] : memref<2x10000x128xf32, #tpu.memory_space<vmem>>, vector<1x10000x128xf32>
    %get3A_29 = vector.shape_cast %get3A_28 : vector<1x10000x128xf32> to vector<10000x128xf32>
    %add3A_30 = arith.addf %get3A_24, %get3A_29 : vector<10000x128xf32>
    %mul3A_31 = arith.mulf %add3A_30, %slice3A : vector<10000x128xf32>
    %get3A_32 = arith.constant 0 : index
    %get3A_33 = arith.constant 0 : index
    %get3A_34 = vector.load %arg4[%get3A_32, %get3A_33] : memref<128x128xf32, #tpu.memory_space<vmem>>, vector<128x128xf32>
    %dot_general3A_35 = arith.constant dense<0.000000e+00> : vector<10000x128xf32>
    %dot_general3A_36 = tpu.matmul %mul3A_31, %get3A_34, %dot_general3A_35 {dimension_numbers = #tpu.dot_dimension_numbers<[1], [0], [0], [1], [0, 0, 1, 1], [], []>, transpose_lhs_hint = false} : vector<10000x128xf32>, vector<128x128xf32>, vector<10000x128xf32> -> vector<10000x128xf32>
    %get3A_37 = arith.constant 0 : index
    %get3A_38 = arith.constant 0 : index
    %get3A_39 = vector.load %arg3[%get3A_37, %get3A_38] : memref<10000x128xf32, #tpu.memory_space<vmem>>, vector<10000x128xf32>
    %get3A_40 = arith.constant 0 : index
    %get3A_41 = arith.constant 0 : index
    %get3A_42 = vector.load %arg5[%get3A_40, %get3A_41] : memref<128x128xf32, #tpu.memory_space<vmem>>, vector<128x128xf32>
    %dot_general3A_43 = arith.constant dense<0.000000e+00> : vector<10000x128xf32>
    %dot_general3A_44 = tpu.matmul %get3A_39, %get3A_42, %dot_general3A_43 {dimension_numbers = #tpu.dot_dimension_numbers<[1], [0], [0], [1], [0, 0, 1, 1], [], []>, transpose_lhs_hint = false} : vector<10000x128xf32>, vector<128x128xf32>, vector<10000x128xf32> -> vector<10000x128xf32>
    %add3A_45 = arith.addf %dot_general3A_36, %dot_general3A_44 : vector<10000x128xf32>
    %get3A_46 = arith.constant 0 : index
    %get3A_47 = arith.constant 0 : index
    %get3A_48 = vector.load %arg6[%get3A_46, %get3A_47] : memref<1x128xf32, #tpu.memory_space<vmem>>, vector<1x128xf32>
    %add3A_49 = vector.broadcast %get3A_48 : vector<1x128xf32> to vector<10000x128xf32>
    %add3A_50 = arith.addf %add3A_45, %add3A_49 : vector<10000x128xf32>
    %max3A_51 = arith.constant 0.000000e+00 : f32
    %max3A_52 = vector.broadcast %max3A_51 : f32 to vector<10000x128xf32>
    %max3A_53 = arith.maximumf %add3A_50, %max3A_52 : vector<10000x128xf32>
    %swap3A = arith.constant 0 : index
    %swap3A_54 = arith.constant 0 : index
    %swap3A_55 = vector.load %arg7[%swap3A, %swap3A_54] : memref<10000x128xf32, #tpu.memory_space<vmem>>, vector<10000x128xf32>
    tpu.vector_store %arg7[%swap3A, %swap3A_54], %max3A_53 {strides = array<i32>} : memref<10000x128xf32, #tpu.memory_space<vmem>>, vector<10000x128xf32>,
    return
  }
  func.func @transform_0(%arg0: i32) -> (i32, i32, i32) {
    %c0_i32 = arith.constant 0 : i32
    %c0_i32_0 = arith.constant 0 : i32
    %c0_i32_1 = arith.constant 0 : i32
    %c0_i32_2 = arith.constant 0 : i32
    return %c0_i32, %c0_i32_0, %c0_i32_1 : i32, i32, i32
  }
  func.func @transform_1(%arg0: i32) -> (i32, i32, i32) {
    %c0_i32 = arith.constant 0 : i32
    %c0_i32_0 = arith.constant 0 : i32
    %c0_i32_1 = arith.constant 0 : i32
    %c0_i32_2 = arith.constant 0 : i32
    return %c0_i32, %c0_i32_0, %c0_i32_1 : i32, i32, i32
  }
  func.func @transform_2(%arg0: i32) -> (i32, i32) {
    %c0_i32 = arith.constant 0 : i32
    %c0_i32_0 = arith.constant 0 : i32
    %c0_i32_1 = arith.constant 0 : i32
    return %c0_i32, %c0_i32_0 : i32, i32
  }
  func.func @transform_3(%arg0: i32) -> (i32, i32) {
    %c0_i32 = arith.constant 0 : i32
    %c0_i32_0 = arith.constant 0 : i32
    %c0_i32_1 = arith.constant 0 : i32
    return %c0_i32, %c0_i32_0 : i32, i32
  }
  func.func @transform_4(%arg0: i32) -> (i32, i32) {
    %c0_i32 = arith.constant 0 : i32
    %c0_i32_0 = arith.constant 0 : i32
    %c0_i32_1 = arith.constant 0 : i32
    return %c0_i32, %c0_i32_0 : i32, i32
  }
  func.func @transform_5(%arg0: i32) -> (i32, i32) {
    %c0_i32 = arith.constant 0 : i32
    %c0_i32_0 = arith.constant 0 : i32
    %c0_i32_1 = arith.constant 0 : i32
    return %c0_i32, %c0_i32_0 : i32, i32
  }
  func.func @transform_6(%arg0: i32) -> (i32, i32) {
    %c0_i32 = arith.constant 0 : i32
    %c0_i32_0 = arith.constant 0 : i32
    %c0_i32_1 = arith.constant 0 : i32
    return %c0_i32, %c0_i32_0 : i32, i32
  }
}

</mosaic_0001>

<sc_bundles>
// kernel: kernel.4.cloned.1.call-start
scs
__scs_entry_jumppad:
0x0: {  	(pc) =	sbr.rel $0x88, $3  }
0x1: {  	(tag) =	ssettag $0x0;
	lr =	simm.s32 $0x1  }
0x2: {  	[smem:$0x3F9C] =	sst lr;
	_ =	strace $0xD0000000  }
0x3: {  	_ = 	snop  }
0x4: {  	_ = 	snop  }
0x5: {  	_ = 	snop  }
0x6: {  	_ = 	snop  }
0x7: {  	_ = 	snop  }
__scs_overlays_trampoline_lowered:
0x8: {  	[smem:$0x3FAB] =	sst s0  }
0x9: {  	[smem:$0x3FAC] =	sst s1  }
0xa: {  	[smem:$0x3FAD] =	sst s2  }
0xb: {  	[smem:$0x3FAE] =	sst s3  }
0xc: {  	[smem:$0x3FAF] =	sst s4  }
0xd: {  	[smem:$0x3FB0] =	sst s5  }
0xe: {  	[smem:$0x3FB1] =	sst s6  }
0xf: {  	[smem:$0x3FB2] =	sst s7  }
0x10: {  	[smem:$0x3FB3] =	sst s8  }
0x11: {  	[smem:$0x3FB4] =	sst s9;
	s0 =	simm.s32 @!p0 $0x0  }
0x12: {  	s1 =	sld [smem:$0x3F9A];
	s0 =	simm.s32 @p0 $0x1  }
0x13: {  	[smem:$0x3FB5] =	sst s0;
	s0 =	simm.s32 @!p1 $0x0  }
0x14: {  	s2 =	sld [smem:$0x3F99];
	s0 =	simm.s32 @p1 $0x1  }
0x15: {  	[smem:$0x3FB6] =	sst s0;
	s0 =	simm.s32 @!p2 $0x0  }
0x16: {  	s3 =	sld [smem:$0x3FDB];
	s0 =	simm.s32 @p2 $0x1  }
0x17: {  	s4 =	simm.s32 $0x1BF5;
	[smem:$0x3FB8] =	sst s0  }
0x18: {  	s0 =	sld [smem:$0x3F9B];
	_ =	swait.ge [sflag:s4], $0x0  }
0x19: {  	s7 =	sld [smem:$0x3F9C]  }
0x1a: {  	s8 =	sadd.s32 $0xFFFFE003, lr  }
0x1b: {  	s9 =	sadd.s32 $0xFFFFFEF7, lr;
	s5 =	simm.s32 $0xFFFFFFFF;
	p2 =	slt.u32 s8, $0xFFFFF086  }
0x1c: {  	p1 =	slt.u32 s9, $0xF7A;
	s5 =	simm.s32 @!p2 $0x0  }
0x1d: {  	s5 =	simm.s32 @p1 $0x1;
	p0 =	seq.s32 s7, s2  }
0x1e: {  	s7 =	smul.u32 @!p0 $0xF7A, s2;
	p2 =	seq.s32 @!p0 s5, $0x0  }
0x1f: {  	s9 =	smul.u32 $0xF7A, s1;
	s8 =	simm.s32 @!p0 $0x1BF5;
	p2 =	por !p2, p0  }
0x20: {  	[sflag:s8] =	ssyncset.s32 @!p0 $0xFFFFF086;
	s6 =	sadd.s32 @!p0 s3, s7;
	s7 =	simm.s32 @!p0 $0x108  }
0x21: {  	s3 =	sadd.s32 s3, s9;
	s6 =	sadd.s32 @!p0 $0x88, s6;
	s7 =	simm.s32 @p2 $0x1082  }
0x22: {  	[simem:s7], [sflag:s8] =	dma.local @!p0 [hbm:s6], $0xF7A  }
0x23: {  	s9 =	sor.u32 $0xD0000000, s2;
	s6 =	simm.s32 $0x108;
	_ =	swait.ge @!p0 [sflag:s8], $0x0  }
0x24: {  	s3 =	sadd.s32 $0x88, s3;
	s6 =	simm.s32 @!p1 $0x1082;
	[sflag:s4] =	ssyncset.s32 $0xFFFFF086  }
0x25: {  	[simem:s6], [sflag:s4] =	dma.local [hbm:s3], $0xF7A  }
0x26: {  	[smem:$0x3F9C] =	sst s1;
	(tag) =	ssettag s2;
	_ =	strace s9  }
0x27: {  	s1 =	sld [smem:$0x3FAC]  }
0x28: {  	s2 =	sld [smem:$0x3FAD]  }
0x29: {  	s4 =	sld [smem:$0x3FAF]  }
0x2a: {  	p0 =	seq.s32 s5, $0x0;
	s5 =	sld [smem:$0x3FB0]  }
0x2b: {  	s6 =	sld [smem:$0x3FB1]  }
0x2c: {  	s7 =	sld [smem:$0x3FB2]  }
0x2d: {  	s3 =	simm.s32 $0x108;
	s8 =	sld [smem:$0x3FB3]  }
0x2e: {  	s3 =	simm.s32 @!p0 $0x1082;
	s9 =	sld [smem:$0x3FB4]  }
0x2f: {  	lr =	sadd.s32 s0, s3;
	s0 =	sld [smem:$0x3FAB]  }
0x30: {  	s3 =	sld [smem:$0x3FAE]  }
0x31: {  	[smem:$0x3FB7] =	sst s10  }
0x32: {  	s10 =	sld [smem:$0x3FB5];
	_ =	sdelay $0x3  }
0x33: {  	p0 =	seq.s32 s10, $0x1;
	s10 =	sld [smem:$0x3FB7];
	_ =	sdelay $0x3  }
0x34: {  	[smem:$0x3FB7] =	sst s10  }
0x35: {  	s10 =	sld [smem:$0x3FB6];
	_ =	sdelay $0x3  }
0x36: {  	p1 =	seq.s32 s10, $0x1;
	s10 =	sld [smem:$0x3FB7];
	_ =	sdelay $0x3  }
0x37: {  	[smem:$0x3FB7] =	sst s10  }
0x38: {  	s10 =	sld [smem:$0x3FB8]  }
0x39: {  	_ = 	snop;
	(pc) =	sbr.ind lr, $3  }
0x3a: {  	_ = 	snop  }
0x3b: {  	_ = 	snop  }
0x3c: {  	p2 =	seq.s32 s10, $0x1;
	s10 =	sld [smem:$0x3FB7]  }
0x3d: {  	_ =	shalt  }
0x3e: {  	_ =	shalt  }
0x3f: {  	_ =	shalt  }
0x40: {  	_ =	shalt  }
0x41: {  	_ =	shalt  }
0x42: {  	_ =	shalt  }
0x43: {  	_ =	shalt  }
0x44: {  	_ =	shalt  }
0x45: {  	_ =	shalt  }
0x46: {  	_ =	shalt  }
0x47: {  	_ =	shalt  }
0x48: {  	_ =	shalt  }
0x49: {  	_ =	shalt  }
0x4a: {  	_ =	shalt  }
0x4b: {  	_ =	shalt  }
0x4c: {  	_ =	shalt  }
0x4d: {  	_ =	shalt  }
0x4e: {  	_ =	shalt  }
0x4f: {  	_ =	shalt  }
0x50: {  	_ =	shalt  }
0x51: {  	_ =	shalt  }
0x52: {  	_ =	shalt  }
0x53: {  	_ =	shalt  }
0x54: {  	_ =	shalt  }
0x55: {  	_ =	shalt  }
0x56: {  	_ =	shalt  }
0x57: {  	_ =	shalt  }
0x58: {  	_ =	shalt  }
0x59: {  	_ =	shalt  }
0x5a: {  	_ =	shalt  }
0x5b: {  	_ =	shalt  }
0x5c: {  	_ =	shalt  }
0x5d: {  	_ =	shalt  }
0x5e: {  	_ =	shalt  }
0x5f: {  	_ =	shalt  }
0x60: {  	_ =	shalt  }
0x61: {  	_ =	shalt  }
0x62: {  	_ =	shalt  }
0x63: {  	_ =	shalt  }
0x64: {  	_ =	shalt  }
0x65: {  	_ =	shalt  }
0x66: {  	_ =	shalt  }
0x67: {  	_ =	shalt  }
0x68: {  	_ =	shalt  }
0x69: {  	_ =	shalt  }
0x6a: {  	_ =	shalt  }
0x6b: {  	_ =	shalt  }
0x6c: {  	_ =	shalt  }
0x6d: {  	_ =	shalt  }
0x6e: {  	_ =	shalt  }
0x6f: {  	_ =	shalt  }
0x70: {  	_ =	shalt  }
0x71: {  	_ =	shalt  }
0x72: {  	_ =	shalt  }
0x73: {  	_ =	shalt  }
0x74: {  	_ =	shalt  }
0x75: {  	_ =	shalt  }
0x76: {  	_ =	shalt  }
0x77: {  	_ =	shalt  }
0x78: {  	_ =	shalt  }
0x79: {  	_ =	shalt  }
0x7a: {  	_ =	shalt  }
0x7b: {  	_ =	shalt  }
0x7c: {  	_ =	shalt  }
0x7d: {  	_ =	shalt  }
0x7e: {  	_ =	shalt  }
0x7f: {  	_ =	shalt  }
0x80: {  	_ =	shalt  }
0x81: {  	_ =	shalt  }
0x82: {  	_ =	shalt  }
0x83: {  	_ =	shalt  }
0x84: {  	_ =	shalt  }
0x85: {  	_ =	shalt  }
0x86: {  	_ =	shalt  }
0x87: {  	_ =	shalt  }
.Lfunc_end0:
.L_simem_size_0:
called_computation_lowered:
.L_overlay_start_0:
0x88: {  	s2 =	sld [smem:$0x3FD9]  }
0x89: {  	s3 =	sld [smem:$0x3FFE];
	_ =	sdelay $0x1  }
0x8a: {  	s1 =	srdreg.scid  }
0x8b: {  	s0 =	sand.u32 $0x1, s1  }
0x8c: {  	s17 =	sshll.u32 s0, $0xA;
	s2 =	sadd.s32 s3, s2  }
0x8d: {  	s2 =	sadd.s32 s2, s17  }
0x8e: {  	[smem:$0x3FC3] =	sst s2  }
0x8f: {  	_ = 	snop  }
0x90: {  	s2 =	sld [smem:$0x3FC9]  }
0x91: {  	s18 =	sld [smem:$0x3FD0];
	(tm) =	ssettm $0x1  }
0x92: {  	s4 =	sld [smem:$0x3FFB];
	_ =	sdelay $0x3  }
0x93: {  	_ =	strace s4  }
0x94: {  	s4 =	sld [smem:$0x3FFC];
	_ =	sdelay $0x3  }
0x95: {  	_ =	strace s4  }
0x96: {  	s4 =	sld [smem:$0x3FFD];
	_ =	sdelay $0x3  }
0x97: {  	_ =	strace s4  }
0x98: {  	_ =	strace $0x8FFFFFFF  }
0x99: {  	s19 =	sld [smem:$0x3FDB];
	_ =	sdelay $0x1  }
0x9a: {  	s5 =	simm.s32 $_scs_section_size  }
0x9b: {  	s6 =	simm.s32 $_size__tile_overlayer_lowered;
	s7 =	simm.s32 $_tile_overlayer_lowered  }
0x9c: {  	s22 =	simm.s32 $0x1BFF;
	s21 =	sshll.u32 s7, $0x1;
	s4 =	sadd.s32 s5, s19  }
0x9d: {  	s8 =	simm.s32 $0x0;
	s20 =	sshll.u32 s6, $0x1;
	s6 =	sadd.s32 s21, s4  }
0x9e: {  	[timem:s8], [sflag:s22] =	dma.local [hbm:s6], s20  }
0x9f: {  	_ =	swait.ge [sflag:s22], s20  }
0xa0: {  	s5 =	ssub.s32 $0x0, s20;
	[sflag:s22] =	ssyncset.done $0x0  }
0xa1: {  	[sflag:s22] =	ssyncadd.s32 s5;
	_ =	sdelay $0x1  }
0xa2: {  	s23 =	simm.s32 $0x1B8B  }
0xa3: {  	_ =	swait.ge [sflag:s23], $0x1  }
0xa4: {  	[sflag:s23] =	ssyncset.done $0x0  }
0xa5: {  	s25 =	simm.s32 $0x1B8E;
	s24 =	sld [smem:$0x3FFE];
	[sflag:s23] =	ssyncadd.s32 $0xFFFFFFFF  }
0xa6: {  	s26 =	simm.s32 $execute0_lowered;
	[smem:$0x3FD2] =	sst s25  }
0xa7: {  	s6 =	sshll.u32 s26, $0x1;
	_ =	strace $0x80000046;
	[dreg:$0x1] =	wrdreg $0xFFFFFFFF  }
0xa8: {  	s28 =	simm.s32 $_size_execute0_lowered;
	s4 =	sadd.s32 s4, s6;
	[dreg:$0x0] =	wrdreg $0x0  }
0xa9: {  	s6 =	sshll.u32 s28, $0x1;
	[dreg:$0x2] =	wrdreg s4  }
0xaa: {  	[dreg:$0x3] =	wrdreg s6  }
0xab: {  	[dreg:$0x4] =	wrdreg $0xC0  }
0xac: {  	_ =	task [dreg:s8], $0x5FFFF  }
0xad: {  	[dreg:$0x1] =	wrdreg $0xFFFFFFFF  }
0xae: {  	[dreg:$0x0] =	wrdreg $0x60  }
0xaf: {  	[dreg:$0x2] =	wrdreg s2  }
0xb0: {  	[dreg:$0x3] =	wrdreg s18  }
0xb1: {  	[dreg:$0x4] =	wrdreg s24  }
0xb2: {  	[dreg:$0x5] =	wrdreg $0x9F600  }
0xb3: {  	[dreg:$0x6] =	wrdreg $0x1D8200  }
0xb4: {  	[dreg:$0x7] =	wrdreg $0x9  }
0xb5: {  	_ =	task.clear_ibuf [dreg:s8], $0x8FFFF;
	_ =	strace $0x90000046  }
0xb6: {  	s29 =	simm.s32 $0x9;
	_ =	strace $0x80000048  }
0xb7: {  	_ =	swait.ge [sflag:s29], $0x1  }
0xb8: {  	[sflag:s29] =	ssyncadd.s32 $0xFFFFFFFF  }
0xb9: {  	_ =	strace $0x90000048  }
0xba: {  	_ =	sfence  }
0xbb: {  	s30 =	sld [smem:$0x0];
	_ =	sdelay $0x2  }
0xbc: {  	s31 =	sshll.u32 s1, $0xD;
	s1 =	sshrl.u32 s1, $0x2  }
0xbd: {  	s3 =	sand.u32 $0x4000, s31;
	s1 =	sadd.s32 s1, s30  }
0xbe: {  	s0 =	sor.u32 s3, s0;
	s1 =	sshll.u32 s1, $0x11  }
0xbf: {  	s0 =	sor.u32 s1, s0  }
0xc0: {  	s0 =	sadd.s32 $0x8F2B, s0  }
0xc1: {  	[sflag:s0] =	ssyncadd.remote.s32 $0x1  }
0xc2: {  	_ =	sfence.sel $0xFFFF  }
0xc3: {  	[dreg:$0x0] =	wrdreg $0xFFFFFFFF;
	(pc) =	sbr.abs _section_cstart, $3  }
0xc4: {  	[dreg:$0x1] =	wrdreg $0xFFFFFFFF  }
0xc5: {  	_ =	task.clear_ibuf [dreg:s8], $0x2FFFF;
	_ =	strace $0x9FFFFFFF  }
0xc6: {  	(tm) =	ssettm $0x7FFFFFFF  }
0xc7: {  	_ =	shalt  }
tec
execute0_lowered:
.L_overlay_start_1:
0x0: {  	(tag) =	ssettag $0x1  }
0x1: {  	s1 =	rddreg [dreg:$0x0]  }
0x2: {  	s2 =	rddreg [dreg:$0x1]  }
0x3: {  	s0 =	rddreg [dreg:$0x2]  }
0x4: {  	s4 =	rddreg [dreg:$0x3]  }
0x5: {  	s5 =	rddreg [dreg:$0x4]  }
0x6: {  	s3 =	srdreg.scid;
	s12 =	stileid.u32;
	s6 =	simm.s32 $0x0  }
0x7: {  	s28 =	simm.s32 $0xA;
	s29 =	simm.s32 $0x6;
	s7 =	smul.u32 $0x13880, s12  }
0x8: {  	s31 =	simm.s32 $0x8;
	s3 =	sand.u32 $0x1, s3;
	s9 =	smul.u32 $0x2710, s12  }
0x9: {  	[smem:$0x7FF] =	sst s6;
	s13 =	sadd.s32 $0x1C00, s0;
	s8 =	smul.u32 $0x138800, s3  }
0xa: {  	_ =	strace $0x80000047;
	s10 =	smul.u32 $0x28000, s3;
	s11 =	sshll.u32 s3, $0x4  }
0xb: {  	[dreg:$0x9] =	wrdreg s13;
	s3 =	ssub.s32 $0x2, s3;
	s11 =	sor.u32 s12, s11  }
0xc: {  	s12 =	smul.u32 $0x271, s12;
	s24 =	sshrl.u32 s3, $0x1;
	s30 =	sadd.s32 s7, s4  }
0xd: {  	s15 =	sadd.s32 s9, s5;
	s8 =	sadd.s32 s7, s8;
	s10 =	sadd.s32 s9, s10  }
0xe: {  	s11 =	smul.u32 $0x2880, s11;
	s3 =	ssub.s32 s3, s24;
	[dreg:$0xb] =	wrdreg s30  }
0xf: {  	[dreg:$0xc] =	wrdreg s15;
	s8 =	sshrl.u32 s8, $0x3;
	s10 =	sshrl.u32 s10, $0x3  }
0x10: {  	s26 =	sadd.s32 $0x60, s12;
	s17 =	sadd.s32 $0xC0, s12;
	s20 =	sadd.s32 $0x120, s12  }
0x11: {  	s22 =	sadd.s32 $0x180, s12;
	s8 =	sadd.s32 s8, s0;
	s0 =	sadd.s32 s10, s0  }
0x12: {  	s25 =	sshrl.u32 s11, $0x3;
	s14 =	sshll.u32 s26, $0x7;
	s16 =	sshll.u32 s26, $0x4  }
0x13: {  	s18 =	sshll.u32 s17, $0x7;
	s9 =	sshll.u32 s17, $0x4;
	s21 =	sshll.u32 s20, $0x7  }
0x14: {  	s23 =	sshll.u32 s22, $0x7;
	s24 =	sshll.u32 s22, $0x4;
	s7 =	sadd.s32 s14, s4  }
0x15: {  	s26 =	sadd.s32 $0x1E0, s12;
	s19 =	sadd.s32 s9, s5;
	[dreg:$0xd] =	wrdreg s7  }
0x16: {  	s17 =	sadd.s32 $0x240, s12;
	s9 =	sadd.s32 s21, s4;
	[dreg:$0x10] =	wrdreg s19  }
0x17: {  	s13 =	sadd.s32 s2, s25;
	s25 =	sadd.s32 $0x120, s11;
	[dreg:$0x11] =	wrdreg s9  }
0x18: {  	s12 =	simm.s32 $0x120;
	s14 =	sadd.s32 $0x180, s11;
	[dreg:$0x6] =	wrdreg s25  }
0x19: {  	s10 =	sshll.u32 s26, $0x4;
	s0 =	sadd.s32 $0x50400, s0;
	[dreg:$0x7] =	wrdreg s14  }
0x1a: {  	s21 =	smax.u32 s3, $0x1;
	s3 =	simm.s32 $0x0;
	[dreg:$0x1a] =	wrdreg s0  }
0x1b: {  	s7 =	sadd.s32 s16, s5;
	s16 =	sshll.u32 s26, $0x7;
	[dreg:$0x1b] =	wrdreg s21  }
0x1c: {  	s19 =	sshll.u32 s17, $0x7;
	s10 =	sadd.s32 s10, s5;
	[dreg:$0xa] =	wrdreg s13  }
0x1d: {  	s22 =	sadd.s32 $0xA200, s13;
	s25 =	sadd.s32 $0x18, s13;
	[dreg:$0xe] =	wrdreg s7  }
0x1e: {  	s26 =	sadd.s32 $0xA218, s13;
	s0 =	simm.s32 $0x60;
	[dreg:$0x16] =	wrdreg s10  }
0x1f: {  	s14 =	simm.s32 $0x360;
	s21 =	simm.s32 $0x4;
	[dreg:$0x1c] =	wrdreg s22  }
0x20: {  	s7 =	sadd.s32 s18, s4;
	s18 =	sadd.s32 $0x1E0, s11;
	[dreg:$0x1f] =	wrdreg s25  }
0x21: {  	s9 =	sadd.s32 s19, s4;
	[smem:$0x7FD] =	sst s26;
	s19 =	simm.s32 $0x3  }
0x22: {  	s22 =	simm.s32 $0x240;
	s25 =	simm.s32 $0x2A0;
	[dreg:$0xf] =	wrdreg s7  }
0x23: {  	s26 =	simm.s32 $0x7;
	s10 =	simm.s32 $0xC;
	[dreg:$0x8] =	wrdreg s18  }
0x24: {  	s7 =	sshll.u32 s20, $0x4;
	[dreg:$0x17] =	wrdreg s9;
	s20 =	sadd.s32 $0x2200, s8  }
0x25: {  	s18 =	simm.s32 $0xD;
	s7 =	sadd.s32 s7, s5;
	[dreg:$0x19] =	wrdreg s20  }
0x26: {  	s8 =	simm.s32 $0xB;
	[dreg:$0x12] =	wrdreg s7;
	s7 =	sadd.s32 s23, s4  }
0x27: {  	s9 =	simm.s32 $0x9;
	s23 =	sadd.s32 $0xC, s13;
	[dreg:$0x13] =	wrdreg s7  }
0x28: {  	s20 =	simm.s32 $0x6360;
	s7 =	sadd.s32 s24, s5;
	[dreg:$0x1d] =	wrdreg s23  }
0x29: {  	s24 =	sadd.s32 $0xA20C, s13;
	[dreg:$0x14] =	wrdreg s7;
	s7 =	sadd.s32 s16, s4  }
0x2a: {  	s23 =	simm.s32 $0x9360;
	[dreg:$0x15] =	wrdreg s7;
	s7 =	sshll.u32 s17, $0x4  }
0x2b: {  	[dreg:$0x1e] =	wrdreg s24;
	s16 =	simm.s32 $0x1;
	s7 =	sadd.s32 s7, s5  }
0x2c: {  	v0 =	vimm.f32 $1.000000000e+00;
	v1 =	vimm.f32 $0.0e+00;
	s24 =	simm.s32 $0x5;
	s17 =	simm.s32 $0x2;
	[dreg:$0x18] =	wrdreg s7  }
.LBB2_1:
0x2d: {  	[smem:$0x7FC] =	sst s3  }
0x2e: {  	s7 =	rddreg [dreg:$0xa]  }
0x2f: {  	s11 =	rddreg [dreg:$0x1c]  }
0x30: {  	[tilespmem:s6], [sflag:$0x1] =	stream.linear.gather [hbm4b:s7+s6], $0x60, $0x38;
	[tilespmem:$0x1FF38] =	vst v63  }
0x31: {  	s13 =	rddreg [dreg:$0x1d]  }
0x32: {  	[tilespmem:s0], [sflag:$0x1] =	stream.linear.gather [hbm4b:s11+s6], $0x60, $0x38;
	[tilespmem:$0x1FF38] =	vst v63  }
0x33: {  	s3 =	simm.s32 $0xC0;
	s7 =	sld [smem:$0x7FD]  }
0x34: {  	[tilespmem:s3], [sflag:$0x2] =	stream.linear.gather [hbm4b:s13+s6], $0x60, $0x38;
	[tilespmem:$0x1FF38] =	vst v63  }
0x35: {  	s11 =	rddreg [dreg:$0x1e]  }
0x36: {  	[tilespmem:s12], [sflag:$0x2] =	stream.linear.gather [hbm4b:s11+s6], $0x60, $0x38;
	[tilespmem:$0x1FF38] =	vst v63  }
0x37: {  	s13 =	rddreg [dreg:$0x1f];
	s11 =	simm.s32 $0x180  }
0x38: {  	[tilespmem:s11], [sflag:$0x3] =	stream.linear.gather [hbm4b:s13+s6], $0x60, $0x38;
	[tilespmem:$0x1FF38] =	vst v63  }
0x39: {  	s13 =	simm.s32 $0x1E0  }
0x3a: {  	[tilespmem:s13], [sflag:$0x3] =	stream.linear.gather [hbm4b:s7+s6], $0x60, $0x38;
	[tilespmem:$0x1FF38] =	vst v63  }
0x3b: {  	[tilespmem:$0x9360] =	vst v0  }
0x3c: {  	[tilespmem:$0x9960] =	vst v1  }
0x3d: {  	[tilespmem:$0x9370] =	vst v0  }
0x3e: {  	[tilespmem:$0x9970] =	vst v1  }
0x3f: {  	[tilespmem:$0x9380] =	vst v0  }
0x40: {  	[tilespmem:$0x9980] =	vst v1  }
0x41: {  	[tilespmem:$0x9390] =	vst v0  }
0x42: {  	[tilespmem:$0x9990] =	vst v1  }
0x43: {  	[tilespmem:$0x93A0] =	vst v0  }
0x44: {  	[tilespmem:$0x99A0] =	vst v1  }
0x45: {  	[tilespmem:$0x93B0] =	vst v0  }
0x46: {  	[tilespmem:$0x99B0] =	vst v1  }
0x47: {  	[tilespmem:$0x93C0] =	vst v0  }
0x48: {  	[tilespmem:$0x99C0] =	vst v1  }
0x49: {  	[tilespmem:$0x93D0] =	vst v0  }
0x4a: {  	[tilespmem:$0x99D0] =	vst v1  }
0x4b: {  	[tilespmem:$0x93E0] =	vst v0  }
0x4c: {  	[tilespmem:$0x99E0] =	vst v1  }
0x4d: {  	[tilespmem:$0x93F0] =	vst v0  }
0x4e: {  	[tilespmem:$0x99F0] =	vst v1  }
0x4f: {  	[tilespmem:$0x9400] =	vst v0  }
0x50: {  	[tilespmem:$0x9A00] =	vst v1  }
0x51: {  	[tilespmem:$0x9410] =	vst v0  }
0x52: {  	[tilespmem:$0x9A10] =	vst v1  }
0x53: {  	[tilespmem:$0x9420] =	vst v0  }
0x54: {  	[tilespmem:$0x9A20] =	vst v1  }
0x55: {  	[tilespmem:$0x9430] =	vst v0  }
0x56: {  	[tilespmem:$0x9A30] =	vst v1  }
0x57: {  	[tilespmem:$0x9440] =	vst v0  }
0x58: {  	[tilespmem:$0x9A40] =	vst v1  }
0x59: {  	[tilespmem:$0x9450] =	vst v0  }
0x5a: {  	[tilespmem:$0x9A50] =	vst v1  }
0x5b: {  	[tilespmem:$0x9460] =	vst v0  }
0x5c: {  	[tilespmem:$0x9A60] =	vst v1  }
0x5d: {  	[tilespmem:$0x9470] =	vst v0  }
0x5e: {  	[tilespmem:$0x9A70] =	vst v1  }
0x5f: {  	[tilespmem:$0x9480] =	vst v0  }
0x60: {  	[tilespmem:$0x9A80] =	vst v1  }
0x61: {  	[tilespmem:$0x9490] =	vst v0  }
0x62: {  	[tilespmem:$0x9A90] =	vst v1  }
0x63: {  	[tilespmem:$0x94A0] =	vst v0  }
0x64: {  	[tilespmem:$0x9AA0] =	vst v1  }
0x65: {  	[tilespmem:$0x94B0] =	vst v0  }
0x66: {  	[tilespmem:$0x9AB0] =	vst v1  }
0x67: {  	[tilespmem:$0x94C0] =	vst v0  }
0x68: {  	[tilespmem:$0x9AC0] =	vst v1  }
0x69: {  	[tilespmem:$0x94D0] =	vst v0  }
0x6a: {  	[tilespmem:$0x9AD0] =	vst v1  }
0x6b: {  	[tilespmem:$0x94E0] =	vst v0  }
0x6c: {  	[tilespmem:$0x9AE0] =	vst v1  }
0x6d: {  	[tilespmem:$0x94F0] =	vst v0  }
0x6e: {  	[tilespmem:$0x9AF0] =	vst v1  }
0x6f: {  	[tilespmem:$0x9500] =	vst v0  }
0x70: {  	[tilespmem:$0x9B00] =	vst v1  }
0x71: {  	[tilespmem:$0x9510] =	vst v0  }
0x72: {  	[tilespmem:$0x9B10] =	vst v1  }
0x73: {  	[tilespmem:$0x9520] =	vst v0  }
0x74: {  	[tilespmem:$0x9B20] =	vst v1  }
0x75: {  	[tilespmem:$0x9530] =	vst v0  }
0x76: {  	[tilespmem:$0x9B30] =	vst v1  }
0x77: {  	[tilespmem:$0x9540] =	vst v0  }
0x78: {  	[tilespmem:$0x9B40] =	vst v1  }
0x79: {  	[tilespmem:$0x9550] =	vst v0  }
0x7a: {  	[tilespmem:$0x9B50] =	vst v1  }
0x7b: {  	[tilespmem:$0x9560] =	vst v0  }
0x7c: {  	[tilespmem:$0x9B60] =	vst v1  }
0x7d: {  	[tilespmem:$0x9570] =	vst v0  }
0x7e: {  	[tilespmem:$0x9B70] =	vst v1  }
0x7f: {  	[tilespmem:$0x9580] =	vst v0  }
0x80: {  	[tilespmem:$0x9B80] =	vst v1  }
0x81: {  	[tilespmem:$0x9590] =	vst v0  }
0x82: {  	[tilespmem:$0x9B90] =	vst v1  }
0x83: {  	[tilespmem:$0x95A0] =	vst v0  }
0x84: {  	[tilespmem:$0x9BA0] =	vst v1  }
0x85: {  	[tilespmem:$0x95B0] =	vst v0  }
0x86: {  	[tilespmem:$0x9BB0] =	vst v1  }
0x87: {  	[tilespmem:$0x95C0] =	vst v0  }
0x88: {  	[tilespmem:$0x9BC0] =	vst v1  }
0x89: {  	[tilespmem:$0x95D0] =	vst v0  }
0x8a: {  	[tilespmem:$0x9BD0] =	vst v1  }
0x8b: {  	[tilespmem:$0x95E0] =	vst v0  }
0x8c: {  	[tilespmem:$0x9BE0] =	vst v1  }
0x8d: {  	[tilespmem:$0x95F0] =	vst v0  }
0x8e: {  	[tilespmem:$0x9BF0] =	vst v1  }
0x8f: {  	[tilespmem:$0x9600] =	vst v0  }
0x90: {  	[tilespmem:$0x9C00] =	vst v1  }
0x91: {  	[tilespmem:$0x9610] =	vst v0  }
0x92: {  	[tilespmem:$0x9C10] =	vst v1  }
0x93: {  	[tilespmem:$0x9620] =	vst v0  }
0x94: {  	[tilespmem:$0x9C20] =	vst v1  }
0x95: {  	[tilespmem:$0x9630] =	vst v0  }
0x96: {  	[tilespmem:$0x9C30] =	vst v1  }
0x97: {  	[tilespmem:$0x9640] =	vst v0  }
0x98: {  	[tilespmem:$0x9C40] =	vst v1  }
0x99: {  	[tilespmem:$0x9650] =	vst v0  }
0x9a: {  	[tilespmem:$0x9C50] =	vst v1  }
0x9b: {  	[tilespmem:$0x9660] =	vst v0  }
0x9c: {  	[tilespmem:$0x9C60] =	vst v1  }
0x9d: {  	[tilespmem:$0x9670] =	vst v0  }
0x9e: {  	[tilespmem:$0x9C70] =	vst v1  }
0x9f: {  	[tilespmem:$0x9680] =	vst v0  }
0xa0: {  	[tilespmem:$0x9C80] =	vst v1  }
0xa1: {  	[tilespmem:$0x9690] =	vst v0  }
0xa2: {  	[tilespmem:$0x9C90] =	vst v1  }
0xa3: {  	[tilespmem:$0x96A0] =	vst v0  }
0xa4: {  	[tilespmem:$0x9CA0] =	vst v1  }
0xa5: {  	[tilespmem:$0x96B0] =	vst v0  }
0xa6: {  	[tilespmem:$0x9CB0] =	vst v1  }
0xa7: {  	[tilespmem:$0x96C0] =	vst v0  }
0xa8: {  	[tilespmem:$0x9CC0] =	vst v1  }
0xa9: {  	[tilespmem:$0x96D0] =	vst v0  }
0xaa: {  	[tilespmem:$0x9CD0] =	vst v1  }
0xab: {  	[tilespmem:$0x96E0] =	vst v0  }
0xac: {  	[tilespmem:$0x9CE0] =	vst v1  }
0xad: {  	[tilespmem:$0x96F0] =	vst v0  }
0xae: {  	[tilespmem:$0x9CF0] =	vst v1  }
0xaf: {  	[tilespmem:$0x9700] =	vst v0  }
0xb0: {  	[tilespmem:$0x9D00] =	vst v1  }
0xb1: {  	[tilespmem:$0x9710] =	vst v0  }
0xb2: {  	[tilespmem:$0x9D10] =	vst v1  }
0xb3: {  	[tilespmem:$0x9720] =	vst v0  }
0xb4: {  	[tilespmem:$0x9D20] =	vst v1  }
0xb5: {  	[tilespmem:$0x9730] =	vst v0  }
0xb6: {  	[tilespmem:$0x9D30] =	vst v1  }
0xb7: {  	[tilespmem:$0x9740] =	vst v0  }
0xb8: {  	[tilespmem:$0x9D40] =	vst v1  }
0xb9: {  	[tilespmem:$0x9750] =	vst v0  }
0xba: {  	[tilespmem:$0x9D50] =	vst v1  }
0xbb: {  	[tilespmem:$0x9760] =	vst v0  }
0xbc: {  	[tilespmem:$0x9D60] =	vst v1  }
0xbd: {  	[tilespmem:$0x9770] =	vst v0  }
0xbe: {  	[tilespmem:$0x9D70] =	vst v1  }
0xbf: {  	[tilespmem:$0x9780] =	vst v0  }
0xc0: {  	[tilespmem:$0x9D80] =	vst v1  }
0xc1: {  	[tilespmem:$0x9790] =	vst v0  }
0xc2: {  	[tilespmem:$0x9D90] =	vst v1  }
0xc3: {  	[tilespmem:$0x97A0] =	vst v0  }
0xc4: {  	[tilespmem:$0x9DA0] =	vst v1  }
0xc5: {  	[tilespmem:$0x97B0] =	vst v0  }
0xc6: {  	[tilespmem:$0x9DB0] =	vst v1  }
0xc7: {  	[tilespmem:$0x97C0] =	vst v0  }
0xc8: {  	[tilespmem:$0x9DC0] =	vst v1  }
0xc9: {  	[tilespmem:$0x97D0] =	vst v0  }
0xca: {  	[tilespmem:$0x9DD0] =	vst v1  }
0xcb: {  	[tilespmem:$0x97E0] =	vst v0  }
0xcc: {  	[tilespmem:$0x9DE0] =	vst v1  }
0xcd: {  	[tilespmem:$0x97F0] =	vst v0  }
0xce: {  	[tilespmem:$0x9DF0] =	vst v1  }
0xcf: {  	[tilespmem:$0x9800] =	vst v0  }
0xd0: {  	[tilespmem:$0x9E00] =	vst v1  }
0xd1: {  	[tilespmem:$0x9810] =	vst v0  }
0xd2: {  	[tilespmem:$0x9E10] =	vst v1  }
0xd3: {  	[tilespmem:$0x9820] =	vst v0  }
0xd4: {  	[tilespmem:$0x9E20] =	vst v1  }
0xd5: {  	[tilespmem:$0x9830] =	vst v0  }
0xd6: {  	[tilespmem:$0x9E30] =	vst v1  }
0xd7: {  	[tilespmem:$0x9840] =	vst v0  }
0xd8: {  	[tilespmem:$0x9E40] =	vst v1  }
0xd9: {  	[tilespmem:$0x9850] =	vst v0  }
0xda: {  	[tilespmem:$0x9E50] =	vst v1  }
0xdb: {  	[tilespmem:$0x9860] =	vst v0  }
0xdc: {  	[tilespmem:$0x9E60] =	vst v1  }
0xdd: {  	[tilespmem:$0x9870] =	vst v0  }
0xde: {  	[tilespmem:$0x9E70] =	vst v1  }
0xdf: {  	[tilespmem:$0x9880] =	vst v0  }
0xe0: {  	[tilespmem:$0x9E80] =	vst v1  }
0xe1: {  	[tilespmem:$0x9890] =	vst v0  }
0xe2: {  	[tilespmem:$0x9E90] =	vst v1  }
0xe3: {  	[tilespmem:$0x98A0] =	vst v0  }
0xe4: {  	[tilespmem:$0x9EA0] =	vst v1  }
0xe5: {  	[tilespmem:$0x98B0] =	vst v0  }
0xe6: {  	[tilespmem:$0x9EB0] =	vst v1  }
0xe7: {  	[tilespmem:$0x98C0] =	vst v0  }
0xe8: {  	[tilespmem:$0x9EC0] =	vst v1  }
0xe9: {  	[tilespmem:$0x98D0] =	vst v0  }
0xea: {  	[tilespmem:$0x9ED0] =	vst v1  }
0xeb: {  	[tilespmem:$0x98E0] =	vst v0  }
0xec: {  	[tilespmem:$0x9EE0] =	vst v1  }
0xed: {  	[tilespmem:$0x98F0] =	vst v0  }
0xee: {  	[tilespmem:$0x9EF0] =	vst v1  }
0xef: {  	[tilespmem:$0x9900] =	vst v0  }
0xf0: {  	[tilespmem:$0x9F00] =	vst v1  }
0xf1: {  	[tilespmem:$0x9910] =	vst v0  }
0xf2: {  	[tilespmem:$0x9F10] =	vst v1  }
0xf3: {  	[tilespmem:$0x9920] =	vst v0  }
0xf4: {  	[tilespmem:$0x9F20] =	vst v1  }
0xf5: {  	[tilespmem:$0x9930] =	vst v0  }
0xf6: {  	[tilespmem:$0x9F30] =	vst v1  }
0xf7: {  	[tilespmem:$0x9940] =	vst v0  }
0xf8: {  	[tilespmem:$0x9F40] =	vst v1  }
0xf9: {  	[tilespmem:$0x9950] =	vst v0  }
0xfa: {  	s13 =	rddreg [dreg:$0x9];
	[tilespmem:$0x9F50] =	vst v1  }
0xfb: {  	[tilespmem:s14], [sflag:$0xD] =	stream.linear.gather [hbm4b:s13+s6], $0x3000, $0x38;
	[tilespmem:$0x1FF38] =	vst v63  }
0xfc: {  	_ =	swait.ge [sflag:s18], $0x3000  }
0xfd: {  	[sflag:s18] =	ssyncset.done $0x0  }
0xfe: {  	[sflag:s18] =	ssyncadd.s32 $0xFFFFD000  }
0xff: {  	[spmem:s30] =	stream.linear.scatter [tilespmem:s14], [sflag:$0xD], $0x3000, $0x38;
	[tilespmem:$0x1FF38] =	vst v63  }
0x100: {  	_ =	swait.ge [sflag:s18], $0x3000  }
0x101: {  	[sflag:s18] =	ssyncset.done $0x0  }
0x102: {  	s13 =	simm.s32 $0x9960;
	[sflag:s18] =	ssyncadd.s32 $0xFFFFD000  }
0x103: {  	[spmem:s15] =	stream.linear.scatter [tilespmem:s13], [sflag:$0xD], $0x600, $0x38;
	[tilespmem:$0x1FF38] =	vst v63  }
0x104: {  	_ =	swait.ge [sflag:s18], $0x600  }
0x105: {  	[sflag:s18] =	ssyncset.done $0x0  }
0x106: {  	s15 =	rddreg [dreg:$0xd];
	[sflag:s18] =	ssyncadd.s32 $0xFFFFFA00  }
0x107: {  	[spmem:s15] =	stream.linear.scatter [tilespmem:s14], [sflag:$0xD], $0x3000, $0x38;
	[tilespmem:$0x1FF38] =	vst v63  }
0x108: {  	_ =	swait.ge [sflag:s18], $0x3000  }
0x109: {  	[sflag:s18] =	ssyncset.done $0x0  }
0x10a: {  	s15 =	rddreg [dreg:$0xe];
	[sflag:s18] =	ssyncadd.s32 $0xFFFFD000  }
0x10b: {  	[spmem:s15] =	stream.linear.scatter [tilespmem:s13], [sflag:$0xD], $0x600, $0x38;
	[tilespmem:$0x1FF38] =	vst v63  }
0x10c: {  	_ =	swait.ge [sflag:s18], $0x600  }
0x10d: {  	[sflag:s18] =	ssyncset.done $0x0  }
0x10e: {  	s15 =	rddreg [dreg:$0xf];
	[sflag:s18] =	ssyncadd.s32 $0xFFFFFA00  }
0x10f: {  	[spmem:s15] =	stream.linear.scatter [tilespmem:s14], [sflag:$0xD], $0x3000, $0x38;
	[tilespmem:$0x1FF38] =	vst v63  }
0x110: {  	_ =	swait.ge [sflag:s18], $0x3000  }
0x111: {  	[sflag:s18] =	ssyncset.done $0x0  }
0x112: {  	s15 =	rddreg [dreg:$0x10];
	[sflag:s18] =	ssyncadd.s32 $0xFFFFD000  }
0x113: {  	[spmem:s15] =	stream.linear.scatter [tilespmem:s13], [sflag:$0xD], $0x600, $0x38;
	[tilespmem:$0x1FF38] =	vst v63  }
0x114: {  	_ =	swait.ge [sflag:s18], $0x600  }
0x115: {  	[sflag:s18] =	ssyncset.done $0x0  }
0x116: {  	s15 =	rddreg [dreg:$0x11];
	[sflag:s18] =	ssyncadd.s32 $0xFFFFFA00  }
0x117: {  	[spmem:s15] =	stream.linear.scatter [tilespmem:s14], [sflag:$0xD], $0x3000, $0x38;
	[tilespmem:$0x1FF38] =	vst v63  }
0x118: {  	_ =	swait.ge [sflag:s18], $0x3000  }
0x119: {  	[sflag:s18] =	ssyncset.done $0x0  }
0x11a: {  	s15 =	rddreg [dreg:$0x12];
	[sflag:s18] =	ssyncadd.s32 $0xFFFFD000  }
0x11b: {  	[spmem:s15] =	stream.linear.scatter [tilespmem:s13], [sflag:$0xD], $0x600, $0x38;
	[tilespmem:$0x1FF38] =	vst v63  }
0x11c: {  	_ =	swait.ge [sflag:s18], $0x600  }
0x11d: {  	[sflag:s18] =	ssyncset.done $0x0  }
0x11e: {  	s15 =	rddreg [dreg:$0x13];
	[sflag:s18] =	ssyncadd.s32 $0xFFFFFA00  }
0x11f: {  	[spmem:s15] =	stream.linear.scatter [tilespmem:s14], [sflag:$0xD], $0x3000, $0x38;
	[tilespmem:$0x1FF38] =	vst v63  }
0x120: {  	_ =	swait.ge [sflag:s18], $0x3000  }
0x121: {  	[sflag:s18] =	ssyncset.done $0x0  }
0x122: {  	s15 =	rddreg [dreg:$0x14];
	[sflag:s18] =	ssyncadd.s32 $0xFFFFD000  }
0x123: {  	[spmem:s15] =	stream.linear.scatter [tilespmem:s13], [sflag:$0xD], $0x600, $0x38;
	[tilespmem:$0x1FF38] =	vst v63  }
0x124: {  	_ =	swait.ge [sflag:s18], $0x600  }
0x125: {  	[sflag:s18] =	ssyncset.done $0x0  }
0x126: {  	s15 =	rddreg [dreg:$0x15];
	[sflag:s18] =	ssyncadd.s32 $0xFFFFFA00  }
0x127: {  	[spmem:s15] =	stream.linear.scatter [tilespmem:s14], [sflag:$0xD], $0x3000, $0x38;
	[tilespmem:$0x1FF38] =	vst v63  }
0x128: {  	_ =	swait.ge [sflag:s18], $0x3000  }
0x129: {  	[sflag:s18] =	ssyncset.done $0x0  }
0x12a: {  	s15 =	rddreg [dreg:$0x16];
	[sflag:s18] =	ssyncadd.s32 $0xFFFFD000  }
0x12b: {  	[spmem:s15] =	stream.linear.scatter [tilespmem:s13], [sflag:$0xD], $0x600, $0x38;
	[tilespmem:$0x1FF38] =	vst v63  }
0x12c: {  	_ =	swait.ge [sflag:s18], $0x600  }
0x12d: {  	[sflag:s18] =	ssyncset.done $0x0  }
0x12e: {  	s15 =	rddreg [dreg:$0x17];
	[sflag:s18] =	ssyncadd.s32 $0xFFFFFA00  }
0x12f: {  	[spmem:s15] =	stream.linear.scatter [tilespmem:s14], [sflag:$0xD], $0x1880, $0x38;
	[tilespmem:$0x1FF38] =	vst v63  }
0x130: {  	_ =	swait.ge [sflag:s18], $0x1880  }
0x131: {  	[sflag:s18] =	ssyncset.done $0x0  }
0x132: {  	s15 =	rddreg [dreg:$0x18];
	[sflag:s18] =	ssyncadd.s32 $0xFFFFE780  }
0x133: {  	[spmem:s15] =	stream.linear.scatter [tilespmem:s13], [sflag:$0xD], $0x310, $0x38;
	[tilespmem:$0x1FF38] =	vst v63  }
0x134: {  	_ =	swait.ge [sflag:s18], $0x310  }
0x135: {  	[sflag:s18] =	ssyncset.done $0x0  }
0x136: {  	[sflag:s18] =	ssyncadd.s32 $0xFFFFFCF0  }
0x137: {  	[bflag:$0x0] =	sbarrier.arrive $0xFFFF  }
0x138: {  	_ =	swait.ge [sflag:s16], $0x60  }
0x139: {  	[sflag:s16] =	ssyncset.done $0x0  }
0x13a: {  	[sflag:s16] =	ssyncadd.s32 $0xFFFFFFA0  }
0x13b: {  	_ =	swait.ge [sflag:s16], $0x60  }
0x13c: {  	[sflag:s16] =	ssyncset.done $0x0  }
0x13d: {  	[sflag:s16] =	ssyncadd.s32 $0xFFFFFFA0  }
0x13e: {  	[tilespmem:s14], [sflag:$0x4] =	stream.indirect.gather [hbm4b:s1+s0], $0x80, s6, s0, $0xb8;
	[tilespmem:$0x1FF38] =	vst v63  }
0x13f: {  	_ =	swait.ge [sflag:s17], $0x60  }
0x140: {  	[sflag:s17] =	ssyncset.done $0x0  }
0x141: {  	[sflag:s17] =	ssyncadd.s32 $0xFFFFFFA0  }
0x142: {  	_ =	swait.ge [sflag:s17], $0x60  }
0x143: {  	[sflag:s17] =	ssyncset.done $0x0  }
0x144: {  	s7 =	simm.s32 $0x3360;
	[sflag:s17] =	ssyncadd.s32 $0xFFFFFFA0  }
0x145: {  	[tilespmem:s7], [sflag:$0x5] =	stream.indirect.gather [hbm4b:s1+s0], $0x80, s3, s0, $0xb8;
	[tilespmem:$0x1FF38] =	vst v63  }
0x146: {  	_ =	swait.ge [sflag:s19], $0x60  }
0x147: {  	[sflag:s19] =	ssyncset.done $0x0  }
0x148: {  	[sflag:s19] =	ssyncadd.s32 $0xFFFFFFA0  }
0x149: {  	_ =	swait.ge [sflag:s19], $0x60  }
0x14a: {  	[sflag:s19] =	ssyncset.done $0x0  }
0x14b: {  	[sflag:s19] =	ssyncadd.s32 $0xFFFFFFA0  }
0x14c: {  	[tilespmem:s20], [sflag:$0x6] =	stream.indirect.gather [hbm4b:s1+s0], $0x80, s11, s0, $0xb8;
	[tilespmem:$0x1FF38] =	vst v63  }
0x14d: {  	_ =	swait.ge [sflag:s21], $0x3000  }
0x14e: {  	[sflag:s21] =	ssyncset.done $0x0  }
0x14f: {  	[sflag:s21] =	ssyncadd.s32 $0xFFFFD000  }
0x150: {  	v2 =	vld [tilespmem:$0xB0]  }
0x151: {  	v3 =	vld [tilespmem:$0x90]  }
0x152: {  	v4 =	vld [tilespmem:$0xA0]  }
0x153: {  	v5 =	vld [tilespmem:$0x60]  }
0x154: {  	v6 =	vld [tilespmem:$0x70]  }
0x155: {  	s11 =	smin.u32 s6, $0x68;
	v7 =	vld [tilespmem:$0x80];
	[tilespmem:$0x290] =	vst v2  }
0x156: {  	s14 =	smul.u32 $0x60, s11;
	[tilespmem:$0x270] =	vst v3  }
0x157: {  	s13 =	rddreg [dreg:$0x6];
	[tilespmem:$0x280] =	vst v4  }
0x158: {  	s14 =	sadd.s32 s14, s13;
	[tilespmem:$0x240] =	vst v5  }
0x159: {  	s14 =	sshrl.u32 s14, $0x3;
	[tilespmem:$0x250] =	vst v6  }
0x15a: {  	s14 =	sadd.s32 s2, s14;
	[tilespmem:$0x260] =	vst v7  }
0x15b: {  	[tilespmem:s6], [sflag:$0x1] =	stream.linear.gather [hbm4b:s14+s6], $0x60, $0x38;
	[tilespmem:$0x1FF38] =	vst v63  }
0x15c: {  	s14 =	sadd.s32 $0xA200, s14  }
0x15d: {  	[tilespmem:s0], [sflag:$0x1] =	stream.linear.gather [hbm4b:s14+s6], $0x60, $0x38;
	[tilespmem:$0x1FF38] =	vst v63  }
0x15e: {  	s18 =	simm.s32 $0x360  }
0x15f: {  	[spmem:s4] =	stream.indirect.scatter.add.f32 [tilespmem:s18], [sflag:$0x7], $0x80, s22, s0, $0xb8;
	[tilespmem:$0x1FF38] =	vst v63  }
0x160: {  	_ = 	snop  }
0x161: {  	[spmem:s5] =	stream.indirect.scatter.add.f32 [tilespmem:s23], [sflag:$0xA], $0x10, s22, s0, $0xb8;
	[tilespmem:$0x1FF38] =	vst v63  }
0x162: {  	_ =	swait.ge [sflag:s24], $0x3000  }
0x163: {  	[sflag:s24] =	ssyncset.done $0x0  }
0x164: {  	[sflag:s24] =	ssyncadd.s32 $0xFFFFD000  }
0x165: {  	v2 =	vld [tilespmem:$0x120]  }
0x166: {  	v3 =	vld [tilespmem:$0x140]  }
0x167: {  	v58 =	vld [tilespmem:$0x170]  }
0x168: {  	v59 =	vld [tilespmem:$0x130]  }
0x169: {  	v60 =	vld [tilespmem:$0x160]  }
0x16a: {  	s15 =	smin.u32 s6, $0x67;
	[tilespmem:$0x2A0] =	vst v2;
	v2 =	vld [tilespmem:$0x150]  }
0x16b: {  	s14 =	smul.u32 $0x60, s15;
	[tilespmem:$0x2C0] =	vst v3  }
0x16c: {  	s20 =	rddreg [dreg:$0x7];
	[tilespmem:$0x2F0] =	vst v58  }
0x16d: {  	s14 =	sadd.s32 s14, s20;
	[tilespmem:$0x2B0] =	vst v59  }
0x16e: {  	s14 =	sshrl.u32 s14, $0x3;
	[tilespmem:$0x2E0] =	vst v60  }
0x16f: {  	s14 =	sadd.s32 s2, s14;
	[tilespmem:$0x2D0] =	vst v2  }
0x170: {  	[tilespmem:s3], [sflag:$0x2] =	stream.linear.gather [hbm4b:s14+s6], $0x60, $0x38;
	[tilespmem:$0x1FF38] =	vst v63  }
0x171: {  	s14 =	sadd.s32 $0xA200, s14  }
0x172: {  	[tilespmem:s12], [sflag:$0x2] =	stream.linear.gather [hbm4b:s14+s6], $0x60, $0x38;
	[tilespmem:$0x1FF38] =	vst v63  }
0x173: {  	_ = 	snop  }
0x174: {  	[spmem:s4] =	stream.indirect.scatter.add.f32 [tilespmem:s7], [sflag:$0x8], $0x80, s25, s0, $0xb8;
	[tilespmem:$0x1FF38] =	vst v63  }
0x175: {  	_ = 	snop  }
0x176: {  	[spmem:s5] =	stream.indirect.scatter.add.f32 [tilespmem:s23], [sflag:$0xB], $0x10, s25, s0, $0xb8;
	[tilespmem:$0x1FF38] =	vst v63  }
0x177: {  	_ =	swait.ge [sflag:s26], $0x3000  }
0x178: {  	[sflag:s26] =	ssyncset.done $0x0  }
0x179: {  	[sflag:s26] =	ssyncadd.s32 $0xFFFFD000  }
0x17a: {  	_ =	swait.ge [sflag:s28], $0x600  }
0x17b: {  	[sflag:s28] =	ssyncset.done $0x0  }
0x17c: {  	[sflag:s28] =	ssyncadd.s32 $0xFFFFFA00  }
0x17d: {  	_ =	swait.ge [sflag:s16], $0x60  }
0x17e: {  	[sflag:s16] =	ssyncset.done $0x0  }
0x17f: {  	[sflag:s16] =	ssyncadd.s32 $0xFFFFFFA0  }
0x180: {  	_ =	swait.ge [sflag:s16], $0x60  }
0x181: {  	[sflag:s16] =	ssyncset.done $0x0  }
0x182: {  	[sflag:s16] =	ssyncadd.s32 $0xFFFFFFA0  }
0x183: {  	[tilespmem:s18], [sflag:$0x4] =	stream.indirect.gather [hbm4b:s1+s0], $0x80, s6, s0, $0xb8;
	[tilespmem:$0x1FF38] =	vst v63  }
0x184: {  	_ =	swait.ge [sflag:s29], $0x3000  }
0x185: {  	[sflag:s29] =	ssyncset.done $0x0  }
0x186: {  	[sflag:s29] =	ssyncadd.s32 $0xFFFFD000  }
0x187: {  	v2 =	vld [tilespmem:$0x1E0]  }
0x188: {  	v3 =	vld [tilespmem:$0x1F0]  }
0x189: {  	v61 =	vld [tilespmem:$0x230]  }
0x18a: {  	v62 =	vld [tilespmem:$0x220]  }
0x18b: {  	v63 =	vld [tilespmem:$0x200]  }
0x18c: {  	s22 =	smin.u32 s6, $0x66;
	[tilespmem:$0x300] =	vst v2  }
0x18d: {  	s14 =	smul.u32 $0x60, s22;
	[tilespmem:$0x310] =	vst v3  }
0x18e: {  	s25 =	rddreg [dreg:$0x8];
	[tilespmem:$0x350] =	vst v61  }
0x18f: {  	s30 =	simm.s32 $0x2A0;
	s15 =	simm.s32 $0x3;
	s14 =	sadd.s32 s14, s25;
	[tilespmem:$0x340] =	vst v62  }
0x190: {  	s3 =	simm.s32 $0x120;
	s25 =	simm.s32 $0x240;
	s14 =	sshrl.u32 s14, $0x3;
	v2 =	vld [tilespmem:$0x210];
	[tilespmem:$0x320] =	vst v63  }
.LBB2_2:
0x191: {  	_ =	sdelay $0x3  }
0x192: {  	s7 =	sadd.s32 s2, s14;
	s12 =	simm.s32 $0x180;
	[tilespmem:$0x330] =	vst v2  }
0x193: {  	[tilespmem:s12], [sflag:$0x3] =	stream.linear.gather [hbm4b:s7+s6], $0x60, $0x38;
	[tilespmem:$0x1FF38] =	vst v63  }
0x194: {  	s11 =	simm.s32 $0x1E0;
	s7 =	sadd.s32 $0xA200, s7  }
0x195: {  	[tilespmem:s11], [sflag:$0x3] =	stream.linear.gather [hbm4b:s7+s6], $0x60, $0x38;
	[tilespmem:$0x1FF38] =	vst v63  }
0x196: {  	s13 =	simm.s32 $0x6360;
	s22 =	simm.s32 $0x300  }
0x197: {  	[spmem:s4] =	stream.indirect.scatter.add.f32 [tilespmem:s13], [sflag:$0x9], $0x80, s22, s0, $0xb8;
	[tilespmem:$0x1FF38] =	vst v63  }
0x198: {  	_ = 	snop  }
0x199: {  	[spmem:s5] =	stream.indirect.scatter.add.f32 [tilespmem:s23], [sflag:$0xC], $0x10, s22, s0, $0xb8;
	[tilespmem:$0x1FF38] =	vst v63  }
0x19a: {  	_ =	swait.ge [sflag:s31], $0x3000  }
0x19b: {  	[sflag:s31] =	ssyncset.done $0x0  }
0x19c: {  	[sflag:s31] =	ssyncadd.s32 $0xFFFFD000  }
0x19d: {  	_ =	swait.ge [sflag:s8], $0x600  }
0x19e: {  	[sflag:s8] =	ssyncset.done $0x0  }
0x19f: {  	[sflag:s8] =	ssyncadd.s32 $0xFFFFFA00  }
0x1a0: {  	_ =	swait.ge [sflag:s17], $0x60  }
0x1a1: {  	[sflag:s17] =	ssyncset.done $0x0  }
0x1a2: {  	[sflag:s17] =	ssyncadd.s32 $0xFFFFFFA0  }
0x1a3: {  	_ =	swait.ge [sflag:s17], $0x60  }
0x1a4: {  	[sflag:s17] =	ssyncset.done $0x0  }
0x1a5: {  	s20 =	simm.s32 $0x3360;
	s11 =	simm.s32 $0xC0;
	[sflag:s17] =	ssyncadd.s32 $0xFFFFFFA0  }
0x1a6: {  	[tilespmem:s20], [sflag:$0x5] =	stream.indirect.gather [hbm4b:s1+s0], $0x80, s11, s0, $0xb8;
	[tilespmem:$0x1FF38] =	vst v63  }
0x1a7: {  	_ =	swait.ge [sflag:s9], $0x3000  }
0x1a8: {  	[sflag:s9] =	ssyncset.done $0x0  }
0x1a9: {  	[sflag:s9] =	ssyncadd.s32 $0xFFFFD000  }
0x1aa: {  	_ =	swait.ge [sflag:s10], $0x600  }
0x1ab: {  	[sflag:s10] =	ssyncset.done $0x0  }
0x1ac: {  	[sflag:s10] =	ssyncadd.s32 $0xFFFFFA00  }
0x1ad: {  	_ =	swait.ge [sflag:s19], $0x60  }
0x1ae: {  	[sflag:s19] =	ssyncset.done $0x0  }
0x1af: {  	[sflag:s19] =	ssyncadd.s32 $0xFFFFFFA0  }
0x1b0: {  	_ =	swait.ge [sflag:s19], $0x60  }
0x1b1: {  	[sflag:s19] =	ssyncset.done $0x0  }
0x1b2: {  	[sflag:s19] =	ssyncadd.s32 $0xFFFFFFA0  }
0x1b3: {  	[tilespmem:s13], [sflag:$0x6] =	stream.indirect.gather [hbm4b:s1+s0], $0x80, s12, s0, $0xb8;
	[tilespmem:$0x1FF38] =	vst v63  }
0x1b4: {  	_ =	swait.ge [sflag:s21], $0x3000  }
0x1b5: {  	[sflag:s21] =	ssyncset.done $0x0  }
0x1b6: {  	[sflag:s21] =	ssyncadd.s32 $0xFFFFD000  }
0x1b7: {  	v2 =	vld [tilespmem:$0xB0]  }
0x1b8: {  	v3 =	vld [tilespmem:$0x90]  }
0x1b9: {  	v4 =	vld [tilespmem:$0xA0]  }
0x1ba: {  	v5 =	vld [tilespmem:$0x60]  }
0x1bb: {  	s14 =	smov.u32 s15;
	v6 =	vld [tilespmem:$0x70]  }
0x1bc: {  	s12 =	smin.u32 s14, $0x68;
	v7 =	vld [tilespmem:$0x80];
	[tilespmem:$0x290] =	vst v2  }
0x1bd: {  	s7 =	smul.u32 $0x60, s12;
	[tilespmem:$0x270] =	vst v3  }
0x1be: {  	s13 =	rddreg [dreg:$0x6];
	[tilespmem:$0x280] =	vst v4  }
0x1bf: {  	s7 =	sadd.s32 s7, s13;
	[tilespmem:$0x240] =	vst v5  }
0x1c0: {  	s7 =	sshrl.u32 s7, $0x3;
	[tilespmem:$0x250] =	vst v6  }
0x1c1: {  	s7 =	sadd.s32 s2, s7;
	[tilespmem:$0x260] =	vst v7  }
0x1c2: {  	[tilespmem:s6], [sflag:$0x1] =	stream.linear.gather [hbm4b:s7+s6], $0x60, $0x38;
	[tilespmem:$0x1FF38] =	vst v63  }
0x1c3: {  	s22 =	sadd.s32 $0xA200, s7  }
0x1c4: {  	[tilespmem:s0], [sflag:$0x1] =	stream.linear.gather [hbm4b:s22+s6], $0x60, $0x38;
	[tilespmem:$0x1FF38] =	vst v63  }
0x1c5: {  	_ = 	snop  }
0x1c6: {  	[spmem:s4] =	stream.indirect.scatter.add.f32 [tilespmem:s18], [sflag:$0x7], $0x80, s25, s0, $0xb8;
	[tilespmem:$0x1FF38] =	vst v63  }
0x1c7: {  	_ = 	snop  }
0x1c8: {  	[spmem:s5] =	stream.indirect.scatter.add.f32 [tilespmem:s23], [sflag:$0xA], $0x10, s25, s0, $0xb8;
	[tilespmem:$0x1FF38] =	vst v63  }
0x1c9: {  	_ =	swait.ge [sflag:s24], $0x3000  }
0x1ca: {  	[sflag:s24] =	ssyncset.done $0x0  }
0x1cb: {  	[sflag:s24] =	ssyncadd.s32 $0xFFFFD000  }
0x1cc: {  	v2 =	vld [tilespmem:$0x120]  }
0x1cd: {  	v3 =	vld [tilespmem:$0x140]  }
0x1ce: {  	v58 =	vld [tilespmem:$0x170]  }
0x1cf: {  	v59 =	vld [tilespmem:$0x130]  }
0x1d0: {  	v60 =	vld [tilespmem:$0x160]  }
0x1d1: {  	s12 =	smin.u32 s14, $0x67;
	[tilespmem:$0x2A0] =	vst v2;
	v2 =	vld [tilespmem:$0x150]  }
0x1d2: {  	s7 =	smul.u32 $0x60, s12;
	[tilespmem:$0x2C0] =	vst v3  }
0x1d3: {  	s13 =	rddreg [dreg:$0x7];
	[tilespmem:$0x2F0] =	vst v58  }
0x1d4: {  	s7 =	sadd.s32 s7, s13;
	[tilespmem:$0x2B0] =	vst v59  }
0x1d5: {  	s7 =	sshrl.u32 s7, $0x3;
	[tilespmem:$0x2E0] =	vst v60  }
0x1d6: {  	s7 =	sadd.s32 s2, s7;
	[tilespmem:$0x2D0] =	vst v2  }
0x1d7: {  	[tilespmem:s11], [sflag:$0x2] =	stream.linear.gather [hbm4b:s7+s6], $0x60, $0x38;
	[tilespmem:$0x1FF38] =	vst v63  }
0x1d8: {  	s7 =	sadd.s32 $0xA200, s7  }
0x1d9: {  	[tilespmem:s3], [sflag:$0x2] =	stream.linear.gather [hbm4b:s7+s6], $0x60, $0x38;
	[tilespmem:$0x1FF38] =	vst v63  }
0x1da: {  	_ = 	snop  }
0x1db: {  	[spmem:s4] =	stream.indirect.scatter.add.f32 [tilespmem:s20], [sflag:$0x8], $0x80, s30, s0, $0xb8;
	[tilespmem:$0x1FF38] =	vst v63  }
0x1dc: {  	_ = 	snop  }
0x1dd: {  	[spmem:s5] =	stream.indirect.scatter.add.f32 [tilespmem:s23], [sflag:$0xB], $0x10, s30, s0, $0xb8;
	[tilespmem:$0x1FF38] =	vst v63  }
0x1de: {  	_ =	swait.ge [sflag:s26], $0x3000  }
0x1df: {  	[sflag:s26] =	ssyncset.done $0x0  }
0x1e0: {  	[sflag:s26] =	ssyncadd.s32 $0xFFFFD000  }
0x1e1: {  	_ =	swait.ge [sflag:s28], $0x600  }
0x1e2: {  	[sflag:s28] =	ssyncset.done $0x0  }
0x1e3: {  	[sflag:s28] =	ssyncadd.s32 $0xFFFFFA00  }
0x1e4: {  	_ =	swait.ge [sflag:s16], $0x60  }
0x1e5: {  	[sflag:s16] =	ssyncset.done $0x0  }
0x1e6: {  	[sflag:s16] =	ssyncadd.s32 $0xFFFFFFA0  }
0x1e7: {  	_ =	swait.ge [sflag:s16], $0x60  }
0x1e8: {  	[sflag:s16] =	ssyncset.done $0x0  }
0x1e9: {  	[sflag:s16] =	ssyncadd.s32 $0xFFFFFFA0  }
0x1ea: {  	[tilespmem:s18], [sflag:$0x4] =	stream.indirect.gather [hbm4b:s1+s0], $0x80, s6, s0, $0xb8;
	[tilespmem:$0x1FF38] =	vst v63  }
0x1eb: {  	_ =	swait.ge [sflag:s29], $0x3000  }
0x1ec: {  	[sflag:s29] =	ssyncset.done $0x0  }
0x1ed: {  	[sflag:s29] =	ssyncadd.s32 $0xFFFFD000  }
0x1ee: {  	v2 =	vld [tilespmem:$0x1E0]  }
0x1ef: {  	v3 =	vld [tilespmem:$0x1F0]  }
0x1f0: {  	v61 =	vld [tilespmem:$0x230]  }
0x1f1: {  	v62 =	vld [tilespmem:$0x220]  }
0x1f2: {  	p0 =	sne.s32 s15, $0x69;
	v63 =	vld [tilespmem:$0x200]  }
.Ltmp0:
0x1f3: {  	s14 =	smin.u32 s14, $0x66;
	[tilespmem:$0x300] =	vst v2;
	(pc) =	sbr.rel @p0 .LBB2_2-.Ltmp0, $4  }
0x1f4: {  	s7 =	smul.u32 $0x60, s14;
	[tilespmem:$0x310] =	vst v3  }
0x1f5: {  	s20 =	rddreg [dreg:$0x8];
	[tilespmem:$0x350] =	vst v61  }
0x1f6: {  	s15 =	sadd.s32 $0x3, s15;
	s7 =	sadd.s32 s7, s20;
	[tilespmem:$0x340] =	vst v62  }
0x1f7: {  	s22 =	simm.s32 $0x3360;
	s13 =	simm.s32 $0xC0;
	s14 =	sshrl.u32 s7, $0x3;
	v2 =	vld [tilespmem:$0x210];
	[tilespmem:$0x320] =	vst v63  }
0x1f8: {  	_ =	sdelay $0x3  }
0x1f9: {  	s7 =	sadd.s32 s2, s14;
	s3 =	simm.s32 $0x180;
	[tilespmem:$0x330] =	vst v2  }
0x1fa: {  	[tilespmem:s3], [sflag:$0x3] =	stream.linear.gather [hbm4b:s7+s6], $0x60, $0x38;
	[tilespmem:$0x1FF38] =	vst v63  }
0x1fb: {  	s11 =	simm.s32 $0x1E0;
	s7 =	sadd.s32 $0xA200, s7  }
0x1fc: {  	[tilespmem:s11], [sflag:$0x3] =	stream.linear.gather [hbm4b:s7+s6], $0x60, $0x38;
	[tilespmem:$0x1FF38] =	vst v63  }
0x1fd: {  	s18 =	simm.s32 $0x6360;
	s25 =	simm.s32 $0x300  }
0x1fe: {  	[spmem:s4] =	stream.indirect.scatter.add.f32 [tilespmem:s18], [sflag:$0x9], $0x80, s25, s0, $0xb8;
	[tilespmem:$0x1FF38] =	vst v63  }
0x1ff: {  	_ = 	snop  }
0x200: {  	[spmem:s5] =	stream.indirect.scatter.add.f32 [tilespmem:s23], [sflag:$0xC], $0x10, s25, s0, $0xb8;
	[tilespmem:$0x1FF38] =	vst v63  }
0x201: {  	_ =	swait.ge [sflag:s31], $0x3000  }
0x202: {  	[sflag:s31] =	ssyncset.done $0x0  }
0x203: {  	[sflag:s31] =	ssyncadd.s32 $0xFFFFD000  }
0x204: {  	_ =	swait.ge [sflag:s8], $0x600  }
0x205: {  	[sflag:s8] =	ssyncset.done $0x0  }
0x206: {  	[sflag:s8] =	ssyncadd.s32 $0xFFFFFA00  }
0x207: {  	_ =	swait.ge [sflag:s17], $0x60  }
0x208: {  	[sflag:s17] =	ssyncset.done $0x0  }
0x209: {  	[sflag:s17] =	ssyncadd.s32 $0xFFFFFFA0  }
0x20a: {  	_ =	swait.ge [sflag:s17], $0x60  }
0x20b: {  	[sflag:s17] =	ssyncset.done $0x0  }
0x20c: {  	[sflag:s17] =	ssyncadd.s32 $0xFFFFFFA0  }
0x20d: {  	[tilespmem:s22], [sflag:$0x5] =	stream.indirect.gather [hbm4b:s1+s0], $0x80, s13, s0, $0xb8;
	[tilespmem:$0x1FF38] =	vst v63  }
0x20e: {  	_ =	swait.ge [sflag:s9], $0x3000  }
0x20f: {  	[sflag:s9] =	ssyncset.done $0x0  }
0x210: {  	[sflag:s9] =	ssyncadd.s32 $0xFFFFD000  }
0x211: {  	_ =	swait.ge [sflag:s10], $0x600  }
0x212: {  	[sflag:s10] =	ssyncset.done $0x0  }
0x213: {  	[sflag:s10] =	ssyncadd.s32 $0xFFFFFA00  }
0x214: {  	_ =	swait.ge [sflag:s19], $0x60  }
0x215: {  	[sflag:s19] =	ssyncset.done $0x0  }
0x216: {  	[sflag:s19] =	ssyncadd.s32 $0xFFFFFFA0  }
0x217: {  	_ =	swait.ge [sflag:s19], $0x60  }
0x218: {  	[sflag:s19] =	ssyncset.done $0x0  }
0x219: {  	[sflag:s19] =	ssyncadd.s32 $0xFFFFFFA0  }
0x21a: {  	[tilespmem:s18], [sflag:$0x6] =	stream.indirect.gather [hbm4b:s1+s0], $0x80, s3, s0, $0xb8;
	[tilespmem:$0x1FF38] =	vst v63  }
0x21b: {  	_ =	swait.ge [sflag:s21], $0x3000  }
0x21c: {  	[sflag:s21] =	ssyncset.done $0x0  }
0x21d: {  	[sflag:s21] =	ssyncadd.s32 $0xFFFFD000  }
0x21e: {  	_ =	swait.ge [sflag:s24], $0x3000  }
0x21f: {  	[sflag:s24] =	ssyncset.done $0x0  }
0x220: {  	[sflag:s24] =	ssyncadd.s32 $0xFFFFD000  }
0x221: {  	_ =	swait.ge [sflag:s29], $0x3000  }
0x222: {  	[sflag:s29] =	ssyncset.done $0x0  }
0x223: {  	[sflag:s29] =	ssyncadd.s32 $0xFFFFD000  }
0x224: {  	s3 =	stileid.u32;
	[bflag:$0x0] =	sbarrier.arrive $0xFFFF  }
0x225: {  	s18 =	simm.s32 $0xD;
	s7 =	sshll.u32 s3, $0x6;
	s30 =	rddreg [dreg:$0xb]  }
0x226: {  	s7 =	sor.u32 $0x1C0D, s7;
	s15 =	rddreg [dreg:$0x19];
	s12 =	sshrl.u32 s30, $0x3  }
0x227: {  	[hbm:s15], [sflag:s7] =	dma.local [spmem:s12], $0x2710  }
0x228: {  	_ =	swait.ge [sflag:s18], $0x2710  }
0x229: {  	[sflag:s18] =	ssyncset.done $0x0;
	s15 =	rddreg [dreg:$0xc]  }
0x22a: {  	s13 =	rddreg [dreg:$0x1a];
	[sflag:s18] =	ssyncadd.s32 $0xFFFFD8F0;
	s11 =	sshrl.u32 s15, $0x3  }
0x22b: {  	[hbm:s13], [sflag:s7] =	dma.local [spmem:s11], $0x4E2  }
0x22c: {  	_ =	swait.ge [sflag:s18], $0x4E2  }
0x22d: {  	s22 =	sld [smem:$0x7FC];
	_ =	sdelay $0x2  }
0x22e: {  	s25 =	rddreg [dreg:$0x1b];
	s3 =	sadd.s32 $0x1, s22  }
0x22f: {  	p0 =	sne.s32 s3, s25  }
.Ltmp1:
0x230: {  	_ = 	snop;
	(pc) =	sbr.rel @p0 .LBB2_1-.Ltmp1, $4  }
0x231: {  	_ = 	snop  }
0x232: {  	s20 =	simm.s32 $0x6360  }
0x233: {  	s14 =	simm.s32 $0x360;
	s12 =	simm.s32 $0x120;
	[sflag:s18] =	ssyncset.done $0x0  }
0x234: {  	[sflag:s18] =	ssyncadd.s32 $0xFFFFFB1E;
	s22 =	simm.s32 $0x240;
	s25 =	simm.s32 $0x2A0  }
0x235: {  	_ =	sfence.sel $0x180000  }
0x236: {  	[bflag:$0x0] =	sbarrier.arrive $0xFFFF  }
0x237: {  	_ =	strace $0x90000047  }
0x238: {  	s0 =	stileid.u32;
	[bflag:$0x2] =	sbarrier.arrive $0xFFFF  }
0x239: {  	p0 =	sne.s32 s0, $0x0;
	s0 =	rddreg [dreg:$0x5]  }
0x23a: {  	s0 =	sadd.s32 @!p0 $0x100000, s0  }
0x23b: {  	[sflag:s0] =	ssyncadd.tile.s32 @!p0 $0x1;
	_ =	shalt  }
.Lfunc_end2:
_tile_overlayer_lowered:
.L_overlay_start_2:
0x23c: {  	(tag) =	ssettag $0x2  }
0x23d: {  	s0 =	rddreg [dreg:$0x0];
	s2 =	stileid.u32  }
0x23e: {  	s1 =	rddreg [dreg:$0x1];
	p0 =	sne.s32 s2, $0x0  }
0x23f: {  	s3 =	rddreg [dreg:$0x2];
	[bflag:$0x3] =	sbarrier.arrive $0xFFFF;
	s2 =	simm.s32 @!p0 $0x1C0D  }
0x240: {  	[timem:s3], [sflag:s2] =	dma.local @!p0 [hbm:s0], s1  }
0x241: {  	s0 =	simm.s32 @!p0 $0xD  }
0x242: {  	_ =	swait.ge @!p0 [sflag:s0], s1  }
0x243: {  	s1 =	ssub.s32 @!p0 $0x0, s1;
	[sflag:s0] =	ssyncset.done @!p0 $0x0  }
0x244: {  	[sflag:s0] =	ssyncadd.s32 @!p0 s1  }
0x245: {  	[bflag:$0x3] =	sbarrier.arrive $0xFFFF  }
0x246: {  	_ =	shalt  }

</sc_bundles>
